<compile_context>
chip_gen: v7x
topology: tpu7x:2x2x1
jax: 0.10.2.dev20260603
libtpu: 0.0.44.dev20260713+nightly
codegen_flags: <defaults>
</compile_context>

<pallas_src>
import functools

import jax
import jax.numpy as jnp
from jax import lax
from jax.experimental import pallas as pl
from jax.experimental.pallas import tpu as pltpu
from jax.experimental.pallas import tpu_sc as plsc

T = 1728
B = 32
C = 768
NMASK = 432
KEPT = T - NMASK
NROWS = KEPT * B
NW = 32
RPW = NROWS // NW
CH = 72
NCHUNK = RPW // CH
NB = 2
L = 16
NGRP = RPW // L

_mesh = plsc.VectorSubcoreMesh(core_axis_name="c", subcore_axis_name="s")


@functools.partial(
    pl.kernel,
    mesh=_mesh,
    out_type=jax.ShapeDtypeStruct((NROWS, C), jnp.float32),
    scratch_types=[
        pltpu.VMEM((RPW,), jnp.int32),
        pltpu.VMEM((NB, CH, C), jnp.float32),
        pltpu.SemaphoreType.DMA,
        pltpu.SemaphoreType.DMA,
        pltpu.SemaphoreType.DMA,
        pltpu.SemaphoreType.DMA,
    ],
)
def _gather_rows(patches_hbm, fwd_hbm, out_hbm, idx_v, rows_v,
                 gsem0, gsem1, wsem0, wsem1):
    wid = lax.axis_index("s") * 2 + lax.axis_index("c")
    base = wid * RPW
    gsems = (gsem0, gsem1)
    wsems = (wsem0, wsem1)

    pltpu.sync_copy(fwd_hbm.at[pl.ds(base, RPW)], idx_v)

    def compute_idx(g_lo, g_hi):
        for k in range(g_lo, g_hi):
            lane_j = base + k * L + lax.iota(jnp.int32, L)
            idx_v[pl.ds(k * L, L)] = (
                idx_v[pl.ds(k * L, L)] * B + lax.rem(lane_j, B))

    head_groups = -(-(NB * CH) // L)
    compute_idx(0, head_groups)

    gathers = [None] * NCHUNK
    writes = [None] * NCHUNK
    for c in range(NB):
        gathers[c] = pltpu.async_copy(
            patches_hbm.at[idx_v.at[pl.ds(c * CH, CH)]], rows_v.at[c % NB],
            gsems[c % NB])

    compute_idx(head_groups, NGRP)

    for c in range(NCHUNK):
        b = c % NB
        if c >= NB:
            writes[c - NB].wait()
            gathers[c] = pltpu.async_copy(
                patches_hbm.at[idx_v.at[pl.ds(c * CH, CH)]], rows_v.at[b],
                gsems[b])
        if c >= 1:
            p = c - 1
            gathers[p].wait()
            writes[p] = pltpu.async_copy(
                rows_v.at[p % NB], out_hbm.at[pl.ds(base + p * CH, CH)],
                wsems[p % NB])
    last = NCHUNK - 1
    gathers[last].wait()
    writes[last] = pltpu.async_copy(
        rows_v.at[last % NB], out_hbm.at[pl.ds(base + last * CH, CH)],
        wsems[last % NB])
    for p in range(NCHUNK - NB, NCHUNK):
        writes[p].wait()


def kernel(patches, forward_indexes, backward_indexes):
    patches_2d = patches.reshape(T * B, C)
    fwd_flat = forward_indexes.astype(jnp.int32).reshape(T * B)
    out_2d = _gather_rows(patches_2d, fwd_flat)
    kept = out_2d.reshape(KEPT, B, C)
    return (kept, forward_indexes, backward_indexes)

# --- scband reference (transcript-rebuilt; emitter-appended) ---
"""Pipeline reference for scband-patch-shuffle-24773371363703 (READ-ONLY COPY).

The authoritative reference and input builder live on the scoring server;
editing this copy changes nothing except your own understanding.
"""

import jax, jax.numpy as jnp
import numpy as np

T = 1728          # num_tokens = num_patches * num_channels = 576 * 3
B = 32
C = 768
NMASK = 432       # int(576 / 100 * 75)
KEPT = T - NMASK  # 1296


def _random_indices(key):
    # mirrors PatchShuffle.random_indices: pick NMASK random token positions,
    # forward = [remaining tokens in ascending order, masked token positions],
    # backward = argsort(forward)
    perm = jax.random.permutation(key, T)
    token_pos = perm[:NMASK]
    is_masked = jnp.zeros((T,), dtype=jnp.int32).at[token_pos].set(1)
    order = jnp.argsort(is_masked)          # stable: unmasked (ascending) first
    rest = order[:KEPT]
    fwd = jnp.concatenate([rest, token_pos])
    bwd = jnp.argsort(fwd)
    return fwd, bwd


def setup_inputs(seed: int = 0) -> dict:
    key = jax.random.key(seed)
    kp, ki = jax.random.split(key)
    patches = jax.random.normal(kp, (T, B, C), dtype=jnp.float32)
    keys = jax.random.split(ki, B)
    fwds, bwds = jax.vmap(_random_indices)(keys)   # [B, T] each
    forward_indexes = jnp.transpose(fwds).astype(jnp.int64)   # [T, B]
    backward_indexes = jnp.transpose(bwds).astype(jnp.int64)  # [T, B]
    return {"patches": patches, "forward_indexes": forward_indexes, "backward_indexes": backward_indexes}


def reference(patches, forward_indexes, backward_indexes):
    # take_indexes: gather along token dim with per-batch index columns
    shuffled = jnp.take_along_axis(patches, forward_indexes[:, :, None], axis=0)
    kept = shuffled[:KEPT]
    return (kept, forward_indexes, backward_indexes)

if __name__ == "__main__":
    import jax
    _d = setup_inputs()
    print(jax.jit(kernel)(*tuple(_d.values())))

</pallas_src>

<mosaic_0001>
#map = affine_map<(d0, d1) -> (0, 0)>
#map1 = affine_map<(d0, d1) -> (0)>
module attributes {stable_mosaic.version = 14 : i64} {
  func.func @_gather_rows(%arg0: i32, %arg1: i32, %arg2: memref<55296x768xf32, #tpu.memory_space<hbm>>, %arg3: memref<55296xi32, #tpu.memory_space<hbm>>, %arg4: memref<41472x768xf32, #tpu.memory_space<hbm>>, %arg5: memref<1296xi32, #tpu.memory_space<vmem>>, %arg6: memref<2x72x768xf32, #tpu.memory_space<vmem>>, %arg7: memref<!tpu.dma_semaphore, #tpu.memory_space<semaphore_mem>>, %arg8: memref<!tpu.dma_semaphore, #tpu.memory_space<semaphore_mem>>, %arg9: memref<!tpu.dma_semaphore, #tpu.memory_space<semaphore_mem>>, %arg10: memref<!tpu.dma_semaphore, #tpu.memory_space<semaphore_mem>>) attributes {dimension_semantics = [#tpu.dimension_semantics<core_parallel>, #tpu.dimension_semantics<subcore_parallel>], iteration_bounds = array<i64: 2, 16>, scalar_prefetch = 0 : i64, scratch_operands = 6 : i64, tpu.core_type = #tpu.core_type<sc_vector_subcore>, window_params = [{transform_indices = #map}, {transform_indices = #map1}, {transform_indices = #map}]} {
    %mul3A = arith.constant 2 : i32
    %mul3A_0 = arith.muli %arg1, %mul3A : i32
    %add3A = arith.addi %mul3A_0, %arg0 : i32
    %mul3A_1 = arith.constant 1296 : i32
    %mul3A_2 = arith.muli %add3A, %mul3A_1 : i32
    "tpu.region"() ({
      %run_scoped3A = tpu.sem_alloc : memref<!tpu.dma_semaphore, #tpu.memory_space<semaphore_mem>>
      %dma_start3A_2400 = tpu.memref_slice %arg3[%mul3A_2] : memref<55296xi32, #tpu.memory_space<hbm>> -> memref<1296xi32, #tpu.memory_space<hbm>>
      %dma_start3A_2401 = tpu.memref_slice %arg3[%mul3A_2] : memref<55296xi32, #tpu.memory_space<hbm>> -> memref<1296xi32, #tpu.memory_space<hbm>>
      tpu.enqueue_dma source(%dma_start3A_2401 : memref<1296xi32, #tpu.memory_space<hbm>>) target(%arg5 : memref<1296xi32, #tpu.memory_space<vmem>>) target_semaphore(%run_scoped3A : memref<!tpu.dma_semaphore, #tpu.memory_space<semaphore_mem>>)
      %dma_wait3A_2402 = tpu.memref_slice %arg3[%mul3A_2] : memref<55296xi32, #tpu.memory_space<hbm>> -> memref<1296xi32, #tpu.memory_space<hbm>>
      %dma_wait3A_2403 = tpu.memref_slice %arg3[%mul3A_2] : memref<55296xi32, #tpu.memory_space<hbm>> -> memref<1296xi32, #tpu.memory_space<hbm>>
      tpu.wait_dma2 semaphore(%run_scoped3A : memref<!tpu.dma_semaphore, #tpu.memory_space<semaphore_mem>>) src(%dma_wait3A_2403 : memref<1296xi32, #tpu.memory_space<hbm>>) dst(%arg5 : memref<1296xi32, #tpu.memory_space<vmem>>)
      tpu.yield
    }) : () -> ()
    %add3A_3 = arith.constant 0 : i32
    %add3A_4 = arith.addi %mul3A_2, %add3A_3 : i32
    %iota3A = tpu.iota {dimensions = array<i32: 0>} : vector<16xi32>
    %add3A_5 = vector.broadcast %add3A_4 : i32 to vector<16xi32>
    %add3A_6 = arith.addi %add3A_5, %iota3A : vector<16xi32>
    %get3A = arith.constant 0 : index
    %get3A_7 = tpu.vector_load %arg5[%get3A] {strides = array<i32>} : memref<1296xi32, #tpu.memory_space<vmem>>, vector<16xi32>,
    %get3A_8 = vector.shape_cast %get3A_7 : vector<16xi32> to vector<16xi32>
    %mul3A_9 = arith.constant 32 : i32
    %mul3A_10 = vector.broadcast %mul3A_9 : i32 to vector<16xi32>
    %mul3A_11 = arith.muli %get3A_8, %mul3A_10 : vector<16xi32>
    %rem3A = arith.constant 32 : i32
    %rem3A_12 = vector.broadcast %rem3A : i32 to vector<16xi32>
    %rem3A_13 = arith.remsi %add3A_6, %rem3A_12 : vector<16xi32>
    %add3A_14 = arith.addi %mul3A_11, %rem3A_13 : vector<16xi32>
    %swap3A = arith.constant 0 : index
    %swap3A_15 = tpu.vector_load %arg5[%swap3A] {strides = array<i32>} : memref<1296xi32, #tpu.memory_space<vmem>>, vector<16xi32>,
    %swap3A_16 = vector.shape_cast %swap3A_15 : vector<16xi32> to vector<16xi32>
    %swap3A_17 = vector.shape_cast %add3A_14 : vector<16xi32> to vector<16xi32>
    tpu.vector_store %arg5[%swap3A], %swap3A_17 {strides = array<i32>} : memref<1296xi32, #tpu.memory_space<vmem>>, vector<16xi32>,
    %add3A_18 = arith.constant 16 : i32
    %add3A_19 = arith.addi %mul3A_2, %add3A_18 : i32
    %iota3A_20 = tpu.iota {dimensions = array<i32: 0>} : vector<16xi32>
    %add3A_21 = vector.broadcast %add3A_19 : i32 to vector<16xi32>
    %add3A_22 = arith.addi %add3A_21, %iota3A_20 : vector<16xi32>
    %get3A_23 = arith.constant 16 : index
    %get3A_24 = tpu.vector_load %arg5[%get3A_23] {strides = array<i32>} : memref<1296xi32, #tpu.memory_space<vmem>>, vector<16xi32>,
    %get3A_25 = vector.shape_cast %get3A_24 : vector<16xi32> to vector<16xi32>
    %mul3A_26 = arith.constant 32 : i32
    %mul3A_27 = vector.broadcast %mul3A_26 : i32 to vector<16xi32>
    %mul3A_28 = arith.muli %get3A_25, %mul3A_27 : vector<16xi32>
    %rem3A_29 = arith.constant 32 : i32
    %rem3A_30 = vector.broadcast %rem3A_29 : i32 to vector<16xi32>
    %rem3A_31 = arith.remsi %add3A_22, %rem3A_30 : vector<16xi32>
    %add3A_32 = arith.addi %mul3A_28, %rem3A_31 : vector<16xi32>
    %swap3A_33 = arith.constant 16 : index
    %swap3A_34 = tpu.vector_load %arg5[%swap3A_33] {strides = array<i32>} : memref<1296xi32, #tpu.memory_space<vmem>>, vector<16xi32>,
    %swap3A_35 = vector.shape_cast %swap3A_34 : vector<16xi32> to vector<16xi32>
    %swap3A_36 = vector.shape_cast %add3A_32 : vector<16xi32> to vector<16xi32>
    tpu.vector_store %arg5[%swap3A_33], %swap3A_36 {strides = array<i32>} : memref<1296xi32, #tpu.memory_space<vmem>>, vector<16xi32>,
    %add3A_37 = arith.constant 32 : i32
    %add3A_38 = arith.addi %mul3A_2, %add3A_37 : i32
    %iota3A_39 = tpu.iota {dimensions = array<i32: 0>} : vector<16xi32>
    %add3A_40 = vector.broadcast %add3A_38 : i32 to vector<16xi32>
    %add3A_41 = arith.addi %add3A_40, %iota3A_39 : vector<16xi32>
    %get3A_42 = arith.constant 32 : index
    %get3A_43 = tpu.vector_load %arg5[%get3A_42] {strides = array<i32>} : memref<1296xi32, #tpu.memory_space<vmem>>, vector<16xi32>,
    %get3A_44 = vector.shape_cast %get3A_43 : vector<16xi32> to vector<16xi32>
    %mul3A_45 = arith.constant 32 : i32
    %mul3A_46 = vector.broadcast %mul3A_45 : i32 to vector<16xi32>
    %mul3A_47 = arith.muli %get3A_44, %mul3A_46 : vector<16xi32>
    %rem3A_48 = arith.constant 32 : i32
    %rem3A_49 = vector.broadcast %rem3A_48 : i32 to vector<16xi32>
    %rem3A_50 = arith.remsi %add3A_41, %rem3A_49 : vector<16xi32>
    %add3A_51 = arith.addi %mul3A_47, %rem3A_50 : vector<16xi32>
    %swap3A_52 = arith.constant 32 : index
    %swap3A_53 = tpu.vector_load %arg5[%swap3A_52] {strides = array<i32>} : memref<1296xi32, #tpu.memory_space<vmem>>, vector<16xi32>,
    %swap3A_54 = vector.shape_cast %swap3A_53 : vector<16xi32> to vector<16xi32>
    %swap3A_55 = vector.shape_cast %add3A_51 : vector<16xi32> to vector<16xi32>
    tpu.vector_store %arg5[%swap3A_52], %swap3A_55 {strides = array<i32>} : memref<1296xi32, #tpu.memory_space<vmem>>, vector<16xi32>,
    %add3A_56 = arith.constant 48 : i32
    %add3A_57 = arith.addi %mul3A_2, %add3A_56 : i32
    %iota3A_58 = tpu.iota {dimensions = array<i32: 0>} : vector<16xi32>
    %add3A_59 = vector.broadcast %add3A_57 : i32 to vector<16xi32>
    %add3A_60 = arith.addi %add3A_59, %iota3A_58 : vector<16xi32>
    %get3A_61 = arith.constant 48 : index
    %get3A_62 = tpu.vector_load %arg5[%get3A_61] {strides = array<i32>} : memref<1296xi32, #tpu.memory_space<vmem>>, vector<16xi32>,
    %get3A_63 = vector.shape_cast %get3A_62 : vector<16xi32> to vector<16xi32>
    %mul3A_64 = arith.constant 32 : i32
    %mul3A_65 = vector.broadcast %mul3A_64 : i32 to vector<16xi32>
    %mul3A_66 = arith.muli %get3A_63, %mul3A_65 : vector<16xi32>
    %rem3A_67 = arith.constant 32 : i32
    %rem3A_68 = vector.broadcast %rem3A_67 : i32 to vector<16xi32>
    %rem3A_69 = arith.remsi %add3A_60, %rem3A_68 : vector<16xi32>
    %add3A_70 = arith.addi %mul3A_66, %rem3A_69 : vector<16xi32>
    %swap3A_71 = arith.constant 48 : index
    %swap3A_72 = tpu.vector_load %arg5[%swap3A_71] {strides = array<i32>} : memref<1296xi32, #tpu.memory_space<vmem>>, vector<16xi32>,
    %swap3A_73 = vector.shape_cast %swap3A_72 : vector<16xi32> to vector<16xi32>
    %swap3A_74 = vector.shape_cast %add3A_70 : vector<16xi32> to vector<16xi32>
    tpu.vector_store %arg5[%swap3A_71], %swap3A_74 {strides = array<i32>} : memref<1296xi32, #tpu.memory_space<vmem>>, vector<16xi32>,
    %add3A_75 = arith.constant 64 : i32
    %add3A_76 = arith.addi %mul3A_2, %add3A_75 : i32
    %iota3A_77 = tpu.iota {dimensions = array<i32: 0>} : vector<16xi32>
    %add3A_78 = vector.broadcast %add3A_76 : i32 to vector<16xi32>
    %add3A_79 = arith.addi %add3A_78, %iota3A_77 : vector<16xi32>
    %get3A_80 = arith.constant 64 : index
    %get3A_81 = tpu.vector_load %arg5[%get3A_80] {strides = array<i32>} : memref<1296xi32, #tpu.memory_space<vmem>>, vector<16xi32>,
    %get3A_82 = vector.shape_cast %get3A_81 : vector<16xi32> to vector<16xi32>
    %mul3A_83 = arith.constant 32 : i32
    %mul3A_84 = vector.broadcast %mul3A_83 : i32 to vector<16xi32>
    %mul3A_85 = arith.muli %get3A_82, %mul3A_84 : vector<16xi32>
    %rem3A_86 = arith.constant 32 : i32
    %rem3A_87 = vector.broadcast %rem3A_86 : i32 to vector<16xi32>
    %rem3A_88 = arith.remsi %add3A_79, %rem3A_87 : vector<16xi32>
    %add3A_89 = arith.addi %mul3A_85, %rem3A_88 : vector<16xi32>
    %swap3A_90 = arith.constant 64 : index
    %swap3A_91 = tpu.vector_load %arg5[%swap3A_90] {strides = array<i32>} : memref<1296xi32, #tpu.memory_space<vmem>>, vector<16xi32>,
    %swap3A_92 = vector.shape_cast %swap3A_91 : vector<16xi32> to vector<16xi32>
    %swap3A_93 = vector.shape_cast %add3A_89 : vector<16xi32> to vector<16xi32>
    tpu.vector_store %arg5[%swap3A_90], %swap3A_93 {strides = array<i32>} : memref<1296xi32, #tpu.memory_space<vmem>>, vector<16xi32>,
    %add3A_94 = arith.constant 80 : i32
    %add3A_95 = arith.addi %mul3A_2, %add3A_94 : i32
    %iota3A_96 = tpu.iota {dimensions = array<i32: 0>} : vector<16xi32>
    %add3A_97 = vector.broadcast %add3A_95 : i32 to vector<16xi32>
    %add3A_98 = arith.addi %add3A_97, %iota3A_96 : vector<16xi32>
    %get3A_99 = arith.constant 80 : index
    %get3A_100 = tpu.vector_load %arg5[%get3A_99] {strides = array<i32>} : memref<1296xi32, #tpu.memory_space<vmem>>, vector<16xi32>,
    %get3A_101 = vector.shape_cast %get3A_100 : vector<16xi32> to vector<16xi32>
    %mul3A_102 = arith.constant 32 : i32
    %mul3A_103 = vector.broadcast %mul3A_102 : i32 to vector<16xi32>
    %mul3A_104 = arith.muli %get3A_101, %mul3A_103 : vector<16xi32>
    %rem3A_105 = arith.constant 32 : i32
    %rem3A_106 = vector.broadcast %rem3A_105 : i32 to vector<16xi32>
    %rem3A_107 = arith.remsi %add3A_98, %rem3A_106 : vector<16xi32>
    %add3A_108 = arith.addi %mul3A_104, %rem3A_107 : vector<16xi32>
    %swap3A_109 = arith.constant 80 : index
    %swap3A_110 = tpu.vector_load %arg5[%swap3A_109] {strides = array<i32>} : memref<1296xi32, #tpu.memory_space<vmem>>, vector<16xi32>,
    %swap3A_111 = vector.shape_cast %swap3A_110 : vector<16xi32> to vector<16xi32>
    %swap3A_112 = vector.shape_cast %add3A_108 : vector<16xi32> to vector<16xi32>
    tpu.vector_store %arg5[%swap3A_109], %swap3A_112 {strides = array<i32>} : memref<1296xi32, #tpu.memory_space<vmem>>, vector<16xi32>,
    %add3A_113 = arith.constant 96 : i32
    %add3A_114 = arith.addi %mul3A_2, %add3A_113 : i32
    %iota3A_115 = tpu.iota {dimensions = array<i32: 0>} : vector<16xi32>
    %add3A_116 = vector.broadcast %add3A_114 : i32 to vector<16xi32>
    %add3A_117 = arith.addi %add3A_116, %iota3A_115 : vector<16xi32>
    %get3A_118 = arith.constant 96 : index
    %get3A_119 = tpu.vector_load %arg5[%get3A_118] {strides = array<i32>} : memref<1296xi32, #tpu.memory_space<vmem>>, vector<16xi32>,
    %get3A_120 = vector.shape_cast %get3A_119 : vector<16xi32> to vector<16xi32>
    %mul3A_121 = arith.constant 32 : i32
    %mul3A_122 = vector.broadcast %mul3A_121 : i32 to vector<16xi32>
    %mul3A_123 = arith.muli %get3A_120, %mul3A_122 : vector<16xi32>
    %rem3A_124 = arith.constant 32 : i32
    %rem3A_125 = vector.broadcast %rem3A_124 : i32 to vector<16xi32>
    %rem3A_126 = arith.remsi %add3A_117, %rem3A_125 : vector<16xi32>
    %add3A_127 = arith.addi %mul3A_123, %rem3A_126 : vector<16xi32>
    %swap3A_128 = arith.constant 96 : index
    %swap3A_129 = tpu.vector_load %arg5[%swap3A_128] {strides = array<i32>} : memref<1296xi32, #tpu.memory_space<vmem>>, vector<16xi32>,
    %swap3A_130 = vector.shape_cast %swap3A_129 : vector<16xi32> to vector<16xi32>
    %swap3A_131 = vector.shape_cast %add3A_127 : vector<16xi32> to vector<16xi32>
    tpu.vector_store %arg5[%swap3A_128], %swap3A_131 {strides = array<i32>} : memref<1296xi32, #tpu.memory_space<vmem>>, vector<16xi32>,
    %add3A_132 = arith.constant 112 : i32
    %add3A_133 = arith.addi %mul3A_2, %add3A_132 : i32
    %iota3A_134 = tpu.iota {dimensions = array<i32: 0>} : vector<16xi32>
    %add3A_135 = vector.broadcast %add3A_133 : i32 to vector<16xi32>
    %add3A_136 = arith.addi %add3A_135, %iota3A_134 : vector<16xi32>
    %get3A_137 = arith.constant 112 : index
    %get3A_138 = tpu.vector_load %arg5[%get3A_137] {strides = array<i32>} : memref<1296xi32, #tpu.memory_space<vmem>>, vector<16xi32>,
    %get3A_139 = vector.shape_cast %get3A_138 : vector<16xi32> to vector<16xi32>
    %mul3A_140 = arith.constant 32 : i32
    %mul3A_141 = vector.broadcast %mul3A_140 : i32 to vector<16xi32>
    %mul3A_142 = arith.muli %get3A_139, %mul3A_141 : vector<16xi32>
    %rem3A_143 = arith.constant 32 : i32
    %rem3A_144 = vector.broadcast %rem3A_143 : i32 to vector<16xi32>
    %rem3A_145 = arith.remsi %add3A_136, %rem3A_144 : vector<16xi32>
    %add3A_146 = arith.addi %mul3A_142, %rem3A_145 : vector<16xi32>
    %swap3A_147 = arith.constant 112 : index
    %swap3A_148 = tpu.vector_load %arg5[%swap3A_147] {strides = array<i32>} : memref<1296xi32, #tpu.memory_space<vmem>>, vector<16xi32>,
    %swap3A_149 = vector.shape_cast %swap3A_148 : vector<16xi32> to vector<16xi32>
    %swap3A_150 = vector.shape_cast %add3A_146 : vector<16xi32> to vector<16xi32>
    tpu.vector_store %arg5[%swap3A_147], %swap3A_150 {strides = array<i32>} : memref<1296xi32, #tpu.memory_space<vmem>>, vector<16xi32>,
    %add3A_151 = arith.constant 128 : i32
    %add3A_152 = arith.addi %mul3A_2, %add3A_151 : i32
    %iota3A_153 = tpu.iota {dimensions = array<i32: 0>} : vector<16xi32>
    %add3A_154 = vector.broadcast %add3A_152 : i32 to vector<16xi32>
    %add3A_155 = arith.addi %add3A_154, %iota3A_153 : vector<16xi32>
    %get3A_156 = arith.constant 128 : index
    %get3A_157 = tpu.vector_load %arg5[%get3A_156] {strides = array<i32>} : memref<1296xi32, #tpu.memory_space<vmem>>, vector<16xi32>,
    %get3A_158 = vector.shape_cast %get3A_157 : vector<16xi32> to vector<16xi32>
    %mul3A_159 = arith.constant 32 : i32
    %mul3A_160 = vector.broadcast %mul3A_159 : i32 to vector<16xi32>
    %mul3A_161 = arith.muli %get3A_158, %mul3A_160 : vector<16xi32>
    %rem3A_162 = arith.constant 32 : i32
    %rem3A_163 = vector.broadcast %rem3A_162 : i32 to vector<16xi32>
    %rem3A_164 = arith.remsi %add3A_155, %rem3A_163 : vector<16xi32>
    %add3A_165 = arith.addi %mul3A_161, %rem3A_164 : vector<16xi32>
    %swap3A_166 = arith.constant 128 : index
    %swap3A_167 = tpu.vector_load %arg5[%swap3A_166] {strides = array<i32>} : memref<1296xi32, #tpu.memory_space<vmem>>, vector<16xi32>,
    %swap3A_168 = vector.shape_cast %swap3A_167 : vector<16xi32> to vector<16xi32>
    %swap3A_169 = vector.shape_cast %add3A_165 : vector<16xi32> to vector<16xi32>
    tpu.vector_store %arg5[%swap3A_166], %swap3A_169 {strides = array<i32>} : memref<1296xi32, #tpu.memory_space<vmem>>, vector<16xi32>,
    %dma_start3A = arith.constant 0 : i32
    %dma_start3A_170 = arith.constant 0 : i32
    %dma_start3A_171 = arith.constant 0 : i32
    %dma_start3A_172 = tpu.memref_slice %arg6[%dma_start3A, %dma_start3A_170, %dma_start3A_171] : memref<2x72x768xf32, #tpu.memory_space<vmem>> -> memref<1x72x768xf32, #tpu.memory_space<vmem>>
    %dma_start3A_173 = tpu.memref_squeeze %dma_start3A_172 : memref<1x72x768xf32, #tpu.memory_space<vmem>> -> memref<72x768xf32, #tpu.memory_space<vmem>>
    %dma_start3A_174 = arith.constant 0 : i32
    %dma_start3A_175 = tpu.memref_slice %arg5[%dma_start3A_174] : memref<1296xi32, #tpu.memory_space<vmem>> -> memref<72xi32, #tpu.memory_space<vmem>>
    %dma_start3A_176 = arith.constant 0 : i32
    %dma_start3A_177 = arith.constant 0 : i32
    %dma_start3A_178 = tpu.memref_slice %arg2[%dma_start3A_176, %dma_start3A_177] : memref<55296x768xf32, #tpu.memory_space<hbm>> -> memref<55296x768xf32, #tpu.memory_space<hbm>>
    tpu.enqueue_indirect_dma source(%dma_start3A_178 : memref<55296x768xf32, #tpu.memory_space<hbm>>) target(%dma_start3A_173 : memref<72x768xf32, #tpu.memory_space<vmem>>) offsets(%dma_start3A_175 : memref<72xi32, #tpu.memory_space<vmem>>) semaphore(%arg7 : memref<!tpu.dma_semaphore, #tpu.memory_space<semaphore_mem>>)
    %dma_start3A_179 = arith.constant 1 : i32
    %dma_start3A_180 = arith.constant 0 : i32
    %dma_start3A_181 = arith.constant 0 : i32
    %dma_start3A_182 = tpu.memref_slice %arg6[%dma_start3A_179, %dma_start3A_180, %dma_start3A_181] : memref<2x72x768xf32, #tpu.memory_space<vmem>> -> memref<1x72x768xf32, #tpu.memory_space<vmem>>
    %dma_start3A_183 = tpu.memref_squeeze %dma_start3A_182 : memref<1x72x768xf32, #tpu.memory_space<vmem>> -> memref<72x768xf32, #tpu.memory_space<vmem>>
    %dma_start3A_184 = arith.constant 72 : i32
    %dma_start3A_185 = tpu.memref_slice %arg5[%dma_start3A_184] : memref<1296xi32, #tpu.memory_space<vmem>> -> memref<72xi32, #tpu.memory_space<vmem>>
    %dma_start3A_186 = arith.constant 0 : i32
    %dma_start3A_187 = arith.constant 0 : i32
    %dma_start3A_188 = tpu.memref_slice %arg2[%dma_start3A_186, %dma_start3A_187] : memref<55296x768xf32, #tpu.memory_space<hbm>> -> memref<55296x768xf32, #tpu.memory_space<hbm>>
    tpu.enqueue_indirect_dma source(%dma_start3A_188 : memref<55296x768xf32, #tpu.memory_space<hbm>>) target(%dma_start3A_183 : memref<72x768xf32, #tpu.memory_space<vmem>>) offsets(%dma_start3A_185 : memref<72xi32, #tpu.memory_space<vmem>>) semaphore(%arg8 : memref<!tpu.dma_semaphore, #tpu.memory_space<semaphore_mem>>)
    %add3A_189 = arith.constant 144 : i32
    %add3A_190 = arith.addi %mul3A_2, %add3A_189 : i32
    %iota3A_191 = tpu.iota {dimensions = array<i32: 0>} : vector<16xi32>
    %add3A_192 = vector.broadcast %add3A_190 : i32 to vector<16xi32>
    %add3A_193 = arith.addi %add3A_192, %iota3A_191 : vector<16xi32>
    %get3A_194 = arith.constant 144 : index
    %get3A_195 = tpu.vector_load %arg5[%get3A_194] {strides = array<i32>} : memref<1296xi32, #tpu.memory_space<vmem>>, vector<16xi32>,
    %get3A_196 = vector.shape_cast %get3A_195 : vector<16xi32> to vector<16xi32>
    %mul3A_197 = arith.constant 32 : i32
    %mul3A_198 = vector.broadcast %mul3A_197 : i32 to vector<16xi32>
    %mul3A_199 = arith.muli %get3A_196, %mul3A_198 : vector<16xi32>
    %rem3A_200 = arith.constant 32 : i32
    %rem3A_201 = vector.broadcast %rem3A_200 : i32 to vector<16xi32>
    %rem3A_202 = arith.remsi %add3A_193, %rem3A_201 : vector<16xi32>
    %add3A_203 = arith.addi %mul3A_199, %rem3A_202 : vector<16xi32>
    %swap3A_204 = arith.constant 144 : index
    %swap3A_205 = tpu.vector_load %arg5[%swap3A_204] {strides = array<i32>} : memref<1296xi32, #tpu.memory_space<vmem>>, vector<16xi32>,
    %swap3A_206 = vector.shape_cast %swap3A_205 : vector<16xi32> to vector<16xi32>
    %swap3A_207 = vector.shape_cast %add3A_203 : vector<16xi32> to vector<16xi32>
    tpu.vector_store %arg5[%swap3A_204], %swap3A_207 {strides = array<i32>} : memref<1296xi32, #tpu.memory_space<vmem>>, vector<16xi32>,
    %add3A_208 = arith.constant 160 : i32
    %add3A_209 = arith.addi %mul3A_2, %add3A_208 : i32
    %iota3A_210 = tpu.iota {dimensions = array<i32: 0>} : vector<16xi32>
    %add3A_211 = vector.broadcast %add3A_209 : i32 to vector<16xi32>
    %add3A_212 = arith.addi %add3A_211, %iota3A_210 : vector<16xi32>
    %get3A_213 = arith.constant 160 : index
    %get3A_214 = tpu.vector_load %arg5[%get3A_213] {strides = array<i32>} : memref<1296xi32, #tpu.memory_space<vmem>>, vector<16xi32>,
    %get3A_215 = vector.shape_cast %get3A_214 : vector<16xi32> to vector<16xi32>
    %mul3A_216 = arith.constant 32 : i32
    %mul3A_217 = vector.broadcast %mul3A_216 : i32 to vector<16xi32>
    %mul3A_218 = arith.muli %get3A_215, %mul3A_217 : vector<16xi32>
    %rem3A_219 = arith.constant 32 : i32
    %rem3A_220 = vector.broadcast %rem3A_219 : i32 to vector<16xi32>
    %rem3A_221 = arith.remsi %add3A_212, %rem3A_220 : vector<16xi32>
    %add3A_222 = arith.addi %mul3A_218, %rem3A_221 : vector<16xi32>
    %swap3A_223 = arith.constant 160 : index
    %swap3A_224 = tpu.vector_load %arg5[%swap3A_223] {strides = array<i32>} : memref<1296xi32, #tpu.memory_space<vmem>>, vector<16xi32>,
    %swap3A_225 = vector.shape_cast %swap3A_224 : vector<16xi32> to vector<16xi32>
    %swap3A_226 = vector.shape_cast %add3A_222 : vector<16xi32> to vector<16xi32>
    tpu.vector_store %arg5[%swap3A_223], %swap3A_226 {strides = array<i32>} : memref<1296xi32, #tpu.memory_space<vmem>>, vector<16xi32>,
    %add3A_227 = arith.constant 176 : i32
    %add3A_228 = arith.addi %mul3A_2, %add3A_227 : i32
    %iota3A_229 = tpu.iota {dimensions = array<i32: 0>} : vector<16xi32>
    %add3A_230 = vector.broadcast %add3A_228 : i32 to vector<16xi32>
    %add3A_231 = arith.addi %add3A_230, %iota3A_229 : vector<16xi32>
    %get3A_232 = arith.constant 176 : index
    %get3A_233 = tpu.vector_load %arg5[%get3A_232] {strides = array<i32>} : memref<1296xi32, #tpu.memory_space<vmem>>, vector<16xi32>,
    %get3A_234 = vector.shape_cast %get3A_233 : vector<16xi32> to vector<16xi32>
    %mul3A_235 = arith.constant 32 : i32
    %mul3A_236 = vector.broadcast %mul3A_235 : i32 to vector<16xi32>
    %mul3A_237 = arith.muli %get3A_234, %mul3A_236 : vector<16xi32>
    %rem3A_238 = arith.constant 32 : i32
    %rem3A_239 = vector.broadcast %rem3A_238 : i32 to vector<16xi32>
    %rem3A_240 = arith.remsi %add3A_231, %rem3A_239 : vector<16xi32>
    %add3A_241 = arith.addi %mul3A_237, %rem3A_240 : vector<16xi32>
    %swap3A_242 = arith.constant 176 : index
    %swap3A_243 = tpu.vector_load %arg5[%swap3A_242] {strides = array<i32>} : memref<1296xi32, #tpu.memory_space<vmem>>, vector<16xi32>,
    %swap3A_244 = vector.shape_cast %swap3A_243 : vector<16xi32> to vector<16xi32>
    %swap3A_245 = vector.shape_cast %add3A_241 : vector<16xi32> to vector<16xi32>
    tpu.vector_store %arg5[%swap3A_242], %swap3A_245 {strides = array<i32>} : memref<1296xi32, #tpu.memory_space<vmem>>, vector<16xi32>,
    %add3A_246 = arith.constant 192 : i32
    %add3A_247 = arith.addi %mul3A_2, %add3A_246 : i32
    %iota3A_248 = tpu.iota {dimensions = array<i32: 0>} : vector<16xi32>
    %add3A_249 = vector.broadcast %add3A_247 : i32 to vector<16xi32>
    %add3A_250 = arith.addi %add3A_249, %iota3A_248 : vector<16xi32>
    %get3A_251 = arith.constant 192 : index
    %get3A_252 = tpu.vector_load %arg5[%get3A_251] {strides = array<i32>} : memref<1296xi32, #tpu.memory_space<vmem>>, vector<16xi32>,
    %get3A_253 = vector.shape_cast %get3A_252 : vector<16xi32> to vector<16xi32>
    %mul3A_254 = arith.constant 32 : i32
    %mul3A_255 = vector.broadcast %mul3A_254 : i32 to vector<16xi32>
    %mul3A_256 = arith.muli %get3A_253, %mul3A_255 : vector<16xi32>
    %rem3A_257 = arith.constant 32 : i32
    %rem3A_258 = vector.broadcast %rem3A_257 : i32 to vector<16xi32>
    %rem3A_259 = arith.remsi %add3A_250, %rem3A_258 : vector<16xi32>
    %add3A_260 = arith.addi %mul3A_256, %rem3A_259 : vector<16xi32>
    %swap3A_261 = arith.constant 192 : index
    %swap3A_262 = tpu.vector_load %arg5[%swap3A_261] {strides = array<i32>} : memref<1296xi32, #tpu.memory_space<vmem>>, vector<16xi32>,
    %swap3A_263 = vector.shape_cast %swap3A_262 : vector<16xi32> to vector<16xi32>
    %swap3A_264 = vector.shape_cast %add3A_260 : vector<16xi32> to vector<16xi32>
    tpu.vector_store %arg5[%swap3A_261], %swap3A_264 {strides = array<i32>} : memref<1296xi32, #tpu.memory_space<vmem>>, vector<16xi32>,
    %add3A_265 = arith.constant 208 : i32
    %add3A_266 = arith.addi %mul3A_2, %add3A_265 : i32
    %iota3A_267 = tpu.iota {dimensions = array<i32: 0>} : vector<16xi32>
    %add3A_268 = vector.broadcast %add3A_266 : i32 to vector<16xi32>
    %add3A_269 = arith.addi %add3A_268, %iota3A_267 : vector<16xi32>
    %get3A_270 = arith.constant 208 : index
    %get3A_271 = tpu.vector_load %arg5[%get3A_270] {strides = array<i32>} : memref<1296xi32, #tpu.memory_space<vmem>>, vector<16xi32>,
    %get3A_272 = vector.shape_cast %get3A_271 : vector<16xi32> to vector<16xi32>
    %mul3A_273 = arith.constant 32 : i32
    %mul3A_274 = vector.broadcast %mul3A_273 : i32 to vector<16xi32>
    %mul3A_275 = arith.muli %get3A_272, %mul3A_274 : vector<16xi32>
    %rem3A_276 = arith.constant 32 : i32
    %rem3A_277 = vector.broadcast %rem3A_276 : i32 to vector<16xi32>
    %rem3A_278 = arith.remsi %add3A_269, %rem3A_277 : vector<16xi32>
    %add3A_279 = arith.addi %mul3A_275, %rem3A_278 : vector<16xi32>
    %swap3A_280 = arith.constant 208 : index
    %swap3A_281 = tpu.vector_load %arg5[%swap3A_280] {strides = array<i32>} : memref<1296xi32, #tpu.memory_space<vmem>>, vector<16xi32>,
    %swap3A_282 = vector.shape_cast %swap3A_281 : vector<16xi32> to vector<16xi32>
    %swap3A_283 = vector.shape_cast %add3A_279 : vector<16xi32> to vector<16xi32>
    tpu.vector_store %arg5[%swap3A_280], %swap3A_283 {strides = array<i32>} : memref<1296xi32, #tpu.memory_space<vmem>>, vector<16xi32>,
    %add3A_284 = arith.constant 224 : i32
    %add3A_285 = arith.addi %mul3A_2, %add3A_284 : i32
    %iota3A_286 = tpu.iota {dimensions = array<i32: 0>} : vector<16xi32>
    %add3A_287 = vector.broadcast %add3A_285 : i32 to vector<16xi32>
    %add3A_288 = arith.addi %add3A_287, %iota3A_286 : vector<16xi32>
    %get3A_289 = arith.constant 224 : index
    %get3A_290 = tpu.vector_load %arg5[%get3A_289] {strides = array<i32>} : memref<1296xi32, #tpu.memory_space<vmem>>, vector<16xi32>,
    %get3A_291 = vector.shape_cast %get3A_290 : vector<16xi32> to vector<16xi32>
    %mul3A_292 = arith.constant 32 : i32
    %mul3A_293 = vector.broadcast %mul3A_292 : i32 to vector<16xi32>
    %mul3A_294 = arith.muli %get3A_291, %mul3A_293 : vector<16xi32>
    %rem3A_295 = arith.constant 32 : i32
    %rem3A_296 = vector.broadcast %rem3A_295 : i32 to vector<16xi32>
    %rem3A_297 = arith.remsi %add3A_288, %rem3A_296 : vector<16xi32>
    %add3A_298 = arith.addi %mul3A_294, %rem3A_297 : vector<16xi32>
    %swap3A_299 = arith.constant 224 : index
    %swap3A_300 = tpu.vector_load %arg5[%swap3A_299] {strides = array<i32>} : memref<1296xi32, #tpu.memory_space<vmem>>, vector<16xi32>,
    %swap3A_301 = vector.shape_cast %swap3A_300 : vector<16xi32> to vector<16xi32>
    %swap3A_302 = vector.shape_cast %add3A_298 : vector<16xi32> to vector<16xi32>
    tpu.vector_store %arg5[%swap3A_299], %swap3A_302 {strides = array<i32>} : memref<1296xi32, #tpu.memory_space<vmem>>, vector<16xi32>,
    %add3A_303 = arith.constant 240 : i32
    %add3A_304 = arith.addi %mul3A_2, %add3A_303 : i32
    %iota3A_305 = tpu.iota {dimensions = array<i32: 0>} : vector<16xi32>
    %add3A_306 = vector.broadcast %add3A_304 : i32 to vector<16xi32>
    %add3A_307 = arith.addi %add3A_306, %iota3A_305 : vector<16xi32>
    %get3A_308 = arith.constant 240 : index
    %get3A_309 = tpu.vector_load %arg5[%get3A_308] {strides = array<i32>} : memref<1296xi32, #tpu.memory_space<vmem>>, vector<16xi32>,
    %get3A_310 = vector.shape_cast %get3A_309 : vector<16xi32> to vector<16xi32>
    %mul3A_311 = arith.constant 32 : i32
    %mul3A_312 = vector.broadcast %mul3A_311 : i32 to vector<16xi32>
    %mul3A_313 = arith.muli %get3A_310, %mul3A_312 : vector<16xi32>
    %rem3A_314 = arith.constant 32 : i32
    %rem3A_315 = vector.broadcast %rem3A_314 : i32 to vector<16xi32>
    %rem3A_316 = arith.remsi %add3A_307, %rem3A_315 : vector<16xi32>
    %add3A_317 = arith.addi %mul3A_313, %rem3A_316 : vector<16xi32>
    %swap3A_318 = arith.constant 240 : index
    %swap3A_319 = tpu.vector_load %arg5[%swap3A_318] {strides = array<i32>} : memref<1296xi32, #tpu.memory_space<vmem>>, vector<16xi32>,
    %swap3A_320 = vector.shape_cast %swap3A_319 : vector<16xi32> to vector<16xi32>
    %swap3A_321 = vector.shape_cast %add3A_317 : vector<16xi32> to vector<16xi32>
    tpu.vector_store %arg5[%swap3A_318], %swap3A_321 {strides = array<i32>} : memref<1296xi32, #tpu.memory_space<vmem>>, vector<16xi32>,
    %add3A_322 = arith.constant 256 : i32
    %add3A_323 = arith.addi %mul3A_2, %add3A_322 : i32
    %iota3A_324 = tpu.iota {dimensions = array<i32: 0>} : vector<16xi32>
    %add3A_325 = vector.broadcast %add3A_323 : i32 to vector<16xi32>
    %add3A_326 = arith.addi %add3A_325, %iota3A_324 : vector<16xi32>
    %get3A_327 = arith.constant 256 : index
    %get3A_328 = tpu.vector_load %arg5[%get3A_327] {strides = array<i32>} : memref<1296xi32, #tpu.memory_space<vmem>>, vector<16xi32>,
    %get3A_329 = vector.shape_cast %get3A_328 : vector<16xi32> to vector<16xi32>
    %mul3A_330 = arith.constant 32 : i32
    %mul3A_331 = vector.broadcast %mul3A_330 : i32 to vector<16xi32>
    %mul3A_332 = arith.muli %get3A_329, %mul3A_331 : vector<16xi32>
    %rem3A_333 = arith.constant 32 : i32
    %rem3A_334 = vector.broadcast %rem3A_333 : i32 to vector<16xi32>
    %rem3A_335 = arith.remsi %add3A_326, %rem3A_334 : vector<16xi32>
    %add3A_336 = arith.addi %mul3A_332, %rem3A_335 : vector<16xi32>
    %swap3A_337 = arith.constant 256 : index
    %swap3A_338 = tpu.vector_load %arg5[%swap3A_337] {strides = array<i32>} : memref<1296xi32, #tpu.memory_space<vmem>>, vector<16xi32>,
    %swap3A_339 = vector.shape_cast %swap3A_338 : vector<16xi32> to vector<16xi32>
    %swap3A_340 = vector.shape_cast %add3A_336 : vector<16xi32> to vector<16xi32>
    tpu.vector_store %arg5[%swap3A_337], %swap3A_340 {strides = array<i32>} : memref<1296xi32, #tpu.memory_space<vmem>>, vector<16xi32>,
    %add3A_341 = arith.constant 272 : i32
    %add3A_342 = arith.addi %mul3A_2, %add3A_341 : i32
    %iota3A_343 = tpu.iota {dimensions = array<i32: 0>} : vector<16xi32>
    %add3A_344 = vector.broadcast %add3A_342 : i32 to vector<16xi32>
    %add3A_345 = arith.addi %add3A_344, %iota3A_343 : vector<16xi32>
    %get3A_346 = arith.constant 272 : index
    %get3A_347 = tpu.vector_load %arg5[%get3A_346] {strides = array<i32>} : memref<1296xi32, #tpu.memory_space<vmem>>, vector<16xi32>,
    %get3A_348 = vector.shape_cast %get3A_347 : vector<16xi32> to vector<16xi32>
    %mul3A_349 = arith.constant 32 : i32
    %mul3A_350 = vector.broadcast %mul3A_349 : i32 to vector<16xi32>
    %mul3A_351 = arith.muli %get3A_348, %mul3A_350 : vector<16xi32>
    %rem3A_352 = arith.constant 32 : i32
    %rem3A_353 = vector.broadcast %rem3A_352 : i32 to vector<16xi32>
    %rem3A_354 = arith.remsi %add3A_345, %rem3A_353 : vector<16xi32>
    %add3A_355 = arith.addi %mul3A_351, %rem3A_354 : vector<16xi32>
    %swap3A_356 = arith.constant 272 : index
    %swap3A_357 = tpu.vector_load %arg5[%swap3A_356] {strides = array<i32>} : memref<1296xi32, #tpu.memory_space<vmem>>, vector<16xi32>,
    %swap3A_358 = vector.shape_cast %swap3A_357 : vector<16xi32> to vector<16xi32>
    %swap3A_359 = vector.shape_cast %add3A_355 : vector<16xi32> to vector<16xi32>
    tpu.vector_store %arg5[%swap3A_356], %swap3A_359 {strides = array<i32>} : memref<1296xi32, #tpu.memory_space<vmem>>, vector<16xi32>,
    %add3A_360 = arith.constant 288 : i32
    %add3A_361 = arith.addi %mul3A_2, %add3A_360 : i32
    %iota3A_362 = tpu.iota {dimensions = array<i32: 0>} : vector<16xi32>
    %add3A_363 = vector.broadcast %add3A_361 : i32 to vector<16xi32>
    %add3A_364 = arith.addi %add3A_363, %iota3A_362 : vector<16xi32>
    %get3A_365 = arith.constant 288 : index
    %get3A_366 = tpu.vector_load %arg5[%get3A_365] {strides = array<i32>} : memref<1296xi32, #tpu.memory_space<vmem>>, vector<16xi32>,
    %get3A_367 = vector.shape_cast %get3A_366 : vector<16xi32> to vector<16xi32>
    %mul3A_368 = arith.constant 32 : i32
    %mul3A_369 = vector.broadcast %mul3A_368 : i32 to vector<16xi32>
    %mul3A_370 = arith.muli %get3A_367, %mul3A_369 : vector<16xi32>
    %rem3A_371 = arith.constant 32 : i32
    %rem3A_372 = vector.broadcast %rem3A_371 : i32 to vector<16xi32>
    %rem3A_373 = arith.remsi %add3A_364, %rem3A_372 : vector<16xi32>
    %add3A_374 = arith.addi %mul3A_370, %rem3A_373 : vector<16xi32>
    %swap3A_375 = arith.constant 288 : index
    %swap3A_376 = tpu.vector_load %arg5[%swap3A_375] {strides = array<i32>} : memref<1296xi32, #tpu.memory_space<vmem>>, vector<16xi32>,
    %swap3A_377 = vector.shape_cast %swap3A_376 : vector<16xi32> to vector<16xi32>
    %swap3A_378 = vector.shape_cast %add3A_374 : vector<16xi32> to vector<16xi32>
    tpu.vector_store %arg5[%swap3A_375], %swap3A_378 {strides = array<i32>} : memref<1296xi32, #tpu.memory_space<vmem>>, vector<16xi32>,
    %add3A_379 = arith.constant 304 : i32
    %add3A_380 = arith.addi %mul3A_2, %add3A_379 : i32
    %iota3A_381 = tpu.iota {dimensions = array<i32: 0>} : vector<16xi32>
    %add3A_382 = vector.broadcast %add3A_380 : i32 to vector<16xi32>
    %add3A_383 = arith.addi %add3A_382, %iota3A_381 : vector<16xi32>
    %get3A_384 = arith.constant 304 : index
    %get3A_385 = tpu.vector_load %arg5[%get3A_384] {strides = array<i32>} : memref<1296xi32, #tpu.memory_space<vmem>>, vector<16xi32>,
    %get3A_386 = vector.shape_cast %get3A_385 : vector<16xi32> to vector<16xi32>
    %mul3A_387 = arith.constant 32 : i32
    %mul3A_388 = vector.broadcast %mul3A_387 : i32 to vector<16xi32>
    %mul3A_389 = arith.muli %get3A_386, %mul3A_388 : vector<16xi32>
    %rem3A_390 = arith.constant 32 : i32
    %rem3A_391 = vector.broadcast %rem3A_390 : i32 to vector<16xi32>
    %rem3A_392 = arith.remsi %add3A_383, %rem3A_391 : vector<16xi32>
    %add3A_393 = arith.addi %mul3A_389, %rem3A_392 : vector<16xi32>
    %swap3A_394 = arith.constant 304 : index
    %swap3A_395 = tpu.vector_load %arg5[%swap3A_394] {strides = array<i32>} : memref<1296xi32, #tpu.memory_space<vmem>>, vector<16xi32>,
    %swap3A_396 = vector.shape_cast %swap3A_395 : vector<16xi32> to vector<16xi32>
    %swap3A_397 = vector.shape_cast %add3A_393 : vector<16xi32> to vector<16xi32>
    tpu.vector_store %arg5[%swap3A_394], %swap3A_397 {strides = array<i32>} : memref<1296xi32, #tpu.memory_space<vmem>>, vector<16xi32>,
    %add3A_398 = arith.constant 320 : i32
    %add3A_399 = arith.addi %mul3A_2, %add3A_398 : i32
    %iota3A_400 = tpu.iota {dimensions = array<i32: 0>} : vector<16xi32>
    %add3A_401 = vector.broadcast %add3A_399 : i32 to vector<16xi32>
    %add3A_402 = arith.addi %add3A_401, %iota3A_400 : vector<16xi32>
    %get3A_403 = arith.constant 320 : index
    %get3A_404 = tpu.vector_load %arg5[%get3A_403] {strides = array<i32>} : memref<1296xi32, #tpu.memory_space<vmem>>, vector<16xi32>,
    %get3A_405 = vector.shape_cast %get3A_404 : vector<16xi32> to vector<16xi32>
    %mul3A_406 = arith.constant 32 : i32
    %mul3A_407 = vector.broadcast %mul3A_406 : i32 to vector<16xi32>
    %mul3A_408 = arith.muli %get3A_405, %mul3A_407 : vector<16xi32>
    %rem3A_409 = arith.constant 32 : i32
    %rem3A_410 = vector.broadcast %rem3A_409 : i32 to vector<16xi32>
    %rem3A_411 = arith.remsi %add3A_402, %rem3A_410 : vector<16xi32>
    %add3A_412 = arith.addi %mul3A_408, %rem3A_411 : vector<16xi32>
    %swap3A_413 = arith.constant 320 : index
    %swap3A_414 = tpu.vector_load %arg5[%swap3A_413] {strides = array<i32>} : memref<1296xi32, #tpu.memory_space<vmem>>, vector<16xi32>,
    %swap3A_415 = vector.shape_cast %swap3A_414 : vector<16xi32> to vector<16xi32>
    %swap3A_416 = vector.shape_cast %add3A_412 : vector<16xi32> to vector<16xi32>
    tpu.vector_store %arg5[%swap3A_413], %swap3A_416 {strides = array<i32>} : memref<1296xi32, #tpu.memory_space<vmem>>, vector<16xi32>,
    %add3A_417 = arith.constant 336 : i32
    %add3A_418 = arith.addi %mul3A_2, %add3A_417 : i32
    %iota3A_419 = tpu.iota {dimensions = array<i32: 0>} : vector<16xi32>
    %add3A_420 = vector.broadcast %add3A_418 : i32 to vector<16xi32>
    %add3A_421 = arith.addi %add3A_420, %iota3A_419 : vector<16xi32>
    %get3A_422 = arith.constant 336 : index
    %get3A_423 = tpu.vector_load %arg5[%get3A_422] {strides = array<i32>} : memref<1296xi32, #tpu.memory_space<vmem>>, vector<16xi32>,
    %get3A_424 = vector.shape_cast %get3A_423 : vector<16xi32> to vector<16xi32>
    %mul3A_425 = arith.constant 32 : i32
    %mul3A_426 = vector.broadcast %mul3A_425 : i32 to vector<16xi32>
    %mul3A_427 = arith.muli %get3A_424, %mul3A_426 : vector<16xi32>
    %rem3A_428 = arith.constant 32 : i32
    %rem3A_429 = vector.broadcast %rem3A_428 : i32 to vector<16xi32>
    %rem3A_430 = arith.remsi %add3A_421, %rem3A_429 : vector<16xi32>
    %add3A_431 = arith.addi %mul3A_427, %rem3A_430 : vector<16xi32>
    %swap3A_432 = arith.constant 336 : index
    %swap3A_433 = tpu.vector_load %arg5[%swap3A_432] {strides = array<i32>} : memref<1296xi32, #tpu.memory_space<vmem>>, vector<16xi32>,
    %swap3A_434 = vector.shape_cast %swap3A_433 : vector<16xi32> to vector<16xi32>
    %swap3A_435 = vector.shape_cast %add3A_431 : vector<16xi32> to vector<16xi32>
    tpu.vector_store %arg5[%swap3A_432], %swap3A_435 {strides = array<i32>} : memref<1296xi32, #tpu.memory_space<vmem>>, vector<16xi32>,
    %add3A_436 = arith.constant 352 : i32
    %add3A_437 = arith.addi %mul3A_2, %add3A_436 : i32
    %iota3A_438 = tpu.iota {dimensions = array<i32: 0>} : vector<16xi32>
    %add3A_439 = vector.broadcast %add3A_437 : i32 to vector<16xi32>
    %add3A_440 = arith.addi %add3A_439, %iota3A_438 : vector<16xi32>
    %get3A_441 = arith.constant 352 : index
    %get3A_442 = tpu.vector_load %arg5[%get3A_441] {strides = array<i32>} : memref<1296xi32, #tpu.memory_space<vmem>>, vector<16xi32>,
    %get3A_443 = vector.shape_cast %get3A_442 : vector<16xi32> to vector<16xi32>
    %mul3A_444 = arith.constant 32 : i32
    %mul3A_445 = vector.broadcast %mul3A_444 : i32 to vector<16xi32>
    %mul3A_446 = arith.muli %get3A_443, %mul3A_445 : vector<16xi32>
    %rem3A_447 = arith.constant 32 : i32
    %rem3A_448 = vector.broadcast %rem3A_447 : i32 to vector<16xi32>
    %rem3A_449 = arith.remsi %add3A_440, %rem3A_448 : vector<16xi32>
    %add3A_450 = arith.addi %mul3A_446, %rem3A_449 : vector<16xi32>
    %swap3A_451 = arith.constant 352 : index
    %swap3A_452 = tpu.vector_load %arg5[%swap3A_451] {strides = array<i32>} : memref<1296xi32, #tpu.memory_space<vmem>>, vector<16xi32>,
    %swap3A_453 = vector.shape_cast %swap3A_452 : vector<16xi32> to vector<16xi32>
    %swap3A_454 = vector.shape_cast %add3A_450 : vector<16xi32> to vector<16xi32>
    tpu.vector_store %arg5[%swap3A_451], %swap3A_454 {strides = array<i32>} : memref<1296xi32, #tpu.memory_space<vmem>>, vector<16xi32>,
    %add3A_455 = arith.constant 368 : i32
    %add3A_456 = arith.addi %mul3A_2, %add3A_455 : i32
    %iota3A_457 = tpu.iota {dimensions = array<i32: 0>} : vector<16xi32>
    %add3A_458 = vector.broadcast %add3A_456 : i32 to vector<16xi32>
    %add3A_459 = arith.addi %add3A_458, %iota3A_457 : vector<16xi32>
    %get3A_460 = arith.constant 368 : index
    %get3A_461 = tpu.vector_load %arg5[%get3A_460] {strides = array<i32>} : memref<1296xi32, #tpu.memory_space<vmem>>, vector<16xi32>,
    %get3A_462 = vector.shape_cast %get3A_461 : vector<16xi32> to vector<16xi32>
    %mul3A_463 = arith.constant 32 : i32
    %mul3A_464 = vector.broadcast %mul3A_463 : i32 to vector<16xi32>
    %mul3A_465 = arith.muli %get3A_462, %mul3A_464 : vector<16xi32>
    %rem3A_466 = arith.constant 32 : i32
    %rem3A_467 = vector.broadcast %rem3A_466 : i32 to vector<16xi32>
    %rem3A_468 = arith.remsi %add3A_459, %rem3A_467 : vector<16xi32>
    %add3A_469 = arith.addi %mul3A_465, %rem3A_468 : vector<16xi32>
    %swap3A_470 = arith.constant 368 : index
    %swap3A_471 = tpu.vector_load %arg5[%swap3A_470] {strides = array<i32>} : memref<1296xi32, #tpu.memory_space<vmem>>, vector<16xi32>,
    %swap3A_472 = vector.shape_cast %swap3A_471 : vector<16xi32> to vector<16xi32>
    %swap3A_473 = vector.shape_cast %add3A_469 : vector<16xi32> to vector<16xi32>
    tpu.vector_store %arg5[%swap3A_470], %swap3A_473 {strides = array<i32>} : memref<1296xi32, #tpu.memory_space<vmem>>, vector<16xi32>,
    %add3A_474 = arith.constant 384 : i32
    %add3A_475 = arith.addi %mul3A_2, %add3A_474 : i32
    %iota3A_476 = tpu.iota {dimensions = array<i32: 0>} : vector<16xi32>
    %add3A_477 = vector.broadcast %add3A_475 : i32 to vector<16xi32>
    %add3A_478 = arith.addi %add3A_477, %iota3A_476 : vector<16xi32>
    %get3A_479 = arith.constant 384 : index
    %get3A_480 = tpu.vector_load %arg5[%get3A_479] {strides = array<i32>} : memref<1296xi32, #tpu.memory_space<vmem>>, vector<16xi32>,
    %get3A_481 = vector.shape_cast %get3A_480 : vector<16xi32> to vector<16xi32>
    %mul3A_482 = arith.constant 32 : i32
    %mul3A_483 = vector.broadcast %mul3A_482 : i32 to vector<16xi32>
    %mul3A_484 = arith.muli %get3A_481, %mul3A_483 : vector<16xi32>
    %rem3A_485 = arith.constant 32 : i32
    %rem3A_486 = vector.broadcast %rem3A_485 : i32 to vector<16xi32>
    %rem3A_487 = arith.remsi %add3A_478, %rem3A_486 : vector<16xi32>
    %add3A_488 = arith.addi %mul3A_484, %rem3A_487 : vector<16xi32>
    %swap3A_489 = arith.constant 384 : index
    %swap3A_490 = tpu.vector_load %arg5[%swap3A_489] {strides = array<i32>} : memref<1296xi32, #tpu.memory_space<vmem>>, vector<16xi32>,
    %swap3A_491 = vector.shape_cast %swap3A_490 : vector<16xi32> to vector<16xi32>
    %swap3A_492 = vector.shape_cast %add3A_488 : vector<16xi32> to vector<16xi32>
    tpu.vector_store %arg5[%swap3A_489], %swap3A_492 {strides = array<i32>} : memref<1296xi32, #tpu.memory_space<vmem>>, vector<16xi32>,
    %add3A_493 = arith.constant 400 : i32
    %add3A_494 = arith.addi %mul3A_2, %add3A_493 : i32
    %iota3A_495 = tpu.iota {dimensions = array<i32: 0>} : vector<16xi32>
    %add3A_496 = vector.broadcast %add3A_494 : i32 to vector<16xi32>
    %add3A_497 = arith.addi %add3A_496, %iota3A_495 : vector<16xi32>
    %get3A_498 = arith.constant 400 : index
    %get3A_499 = tpu.vector_load %arg5[%get3A_498] {strides = array<i32>} : memref<1296xi32, #tpu.memory_space<vmem>>, vector<16xi32>,
    %get3A_500 = vector.shape_cast %get3A_499 : vector<16xi32> to vector<16xi32>
    %mul3A_501 = arith.constant 32 : i32
    %mul3A_502 = vector.broadcast %mul3A_501 : i32 to vector<16xi32>
    %mul3A_503 = arith.muli %get3A_500, %mul3A_502 : vector<16xi32>
    %rem3A_504 = arith.constant 32 : i32
    %rem3A_505 = vector.broadcast %rem3A_504 : i32 to vector<16xi32>
    %rem3A_506 = arith.remsi %add3A_497, %rem3A_505 : vector<16xi32>
    %add3A_507 = arith.addi %mul3A_503, %rem3A_506 : vector<16xi32>
    %swap3A_508 = arith.constant 400 : index
    %swap3A_509 = tpu.vector_load %arg5[%swap3A_508] {strides = array<i32>} : memref<1296xi32, #tpu.memory_space<vmem>>, vector<16xi32>,
    %swap3A_510 = vector.shape_cast %swap3A_509 : vector<16xi32> to vector<16xi32>
    %swap3A_511 = vector.shape_cast %add3A_507 : vector<16xi32> to vector<16xi32>
    tpu.vector_store %arg5[%swap3A_508], %swap3A_511 {strides = array<i32>} : memref<1296xi32, #tpu.memory_space<vmem>>, vector<16xi32>,
    %add3A_512 = arith.constant 416 : i32
    %add3A_513 = arith.addi %mul3A_2, %add3A_512 : i32
    %iota3A_514 = tpu.iota {dimensions = array<i32: 0>} : vector<16xi32>
    %add3A_515 = vector.broadcast %add3A_513 : i32 to vector<16xi32>
    %add3A_516 = arith.addi %add3A_515, %iota3A_514 : vector<16xi32>
    %get3A_517 = arith.constant 416 : index
    %get3A_518 = tpu.vector_load %arg5[%get3A_517] {strides = array<i32>} : memref<1296xi32, #tpu.memory_space<vmem>>, vector<16xi32>,
    %get3A_519 = vector.shape_cast %get3A_518 : vector<16xi32> to vector<16xi32>
    %mul3A_520 = arith.constant 32 : i32
    %mul3A_521 = vector.broadcast %mul3A_520 : i32 to vector<16xi32>
    %mul3A_522 = arith.muli %get3A_519, %mul3A_521 : vector<16xi32>
    %rem3A_523 = arith.constant 32 : i32
    %rem3A_524 = vector.broadcast %rem3A_523 : i32 to vector<16xi32>
    %rem3A_525 = arith.remsi %add3A_516, %rem3A_524 : vector<16xi32>
    %add3A_526 = arith.addi %mul3A_522, %rem3A_525 : vector<16xi32>
    %swap3A_527 = arith.constant 416 : index
    %swap3A_528 = tpu.vector_load %arg5[%swap3A_527] {strides = array<i32>} : memref<1296xi32, #tpu.memory_space<vmem>>, vector<16xi32>,
    %swap3A_529 = vector.shape_cast %swap3A_528 : vector<16xi32> to vector<16xi32>
    %swap3A_530 = vector.shape_cast %add3A_526 : vector<16xi32> to vector<16xi32>
    tpu.vector_store %arg5[%swap3A_527], %swap3A_530 {strides = array<i32>} : memref<1296xi32, #tpu.memory_space<vmem>>, vector<16xi32>,
    %add3A_531 = arith.constant 432 : i32
    %add3A_532 = arith.addi %mul3A_2, %add3A_531 : i32
    %iota3A_533 = tpu.iota {dimensions = array<i32: 0>} : vector<16xi32>
    %add3A_534 = vector.broadcast %add3A_532 : i32 to vector<16xi32>
    %add3A_535 = arith.addi %add3A_534, %iota3A_533 : vector<16xi32>
    %get3A_536 = arith.constant 432 : index
    %get3A_537 = tpu.vector_load %arg5[%get3A_536] {strides = array<i32>} : memref<1296xi32, #tpu.memory_space<vmem>>, vector<16xi32>,
    %get3A_538 = vector.shape_cast %get3A_537 : vector<16xi32> to vector<16xi32>
    %mul3A_539 = arith.constant 32 : i32
    %mul3A_540 = vector.broadcast %mul3A_539 : i32 to vector<16xi32>
    %mul3A_541 = arith.muli %get3A_538, %mul3A_540 : vector<16xi32>
    %rem3A_542 = arith.constant 32 : i32
    %rem3A_543 = vector.broadcast %rem3A_542 : i32 to vector<16xi32>
    %rem3A_544 = arith.remsi %add3A_535, %rem3A_543 : vector<16xi32>
    %add3A_545 = arith.addi %mul3A_541, %rem3A_544 : vector<16xi32>
    %swap3A_546 = arith.constant 432 : index
    %swap3A_547 = tpu.vector_load %arg5[%swap3A_546] {strides = array<i32>} : memref<1296xi32, #tpu.memory_space<vmem>>, vector<16xi32>,
    %swap3A_548 = vector.shape_cast %swap3A_547 : vector<16xi32> to vector<16xi32>
    %swap3A_549 = vector.shape_cast %add3A_545 : vector<16xi32> to vector<16xi32>
    tpu.vector_store %arg5[%swap3A_546], %swap3A_549 {strides = array<i32>} : memref<1296xi32, #tpu.memory_space<vmem>>, vector<16xi32>,
    %add3A_550 = arith.constant 448 : i32
    %add3A_551 = arith.addi %mul3A_2, %add3A_550 : i32
    %iota3A_552 = tpu.iota {dimensions = array<i32: 0>} : vector<16xi32>
    %add3A_553 = vector.broadcast %add3A_551 : i32 to vector<16xi32>
    %add3A_554 = arith.addi %add3A_553, %iota3A_552 : vector<16xi32>
    %get3A_555 = arith.constant 448 : index
    %get3A_556 = tpu.vector_load %arg5[%get3A_555] {strides = array<i32>} : memref<1296xi32, #tpu.memory_space<vmem>>, vector<16xi32>,
    %get3A_557 = vector.shape_cast %get3A_556 : vector<16xi32> to vector<16xi32>
    %mul3A_558 = arith.constant 32 : i32
    %mul3A_559 = vector.broadcast %mul3A_558 : i32 to vector<16xi32>
    %mul3A_560 = arith.muli %get3A_557, %mul3A_559 : vector<16xi32>
    %rem3A_561 = arith.constant 32 : i32
    %rem3A_562 = vector.broadcast %rem3A_561 : i32 to vector<16xi32>
    %rem3A_563 = arith.remsi %add3A_554, %rem3A_562 : vector<16xi32>
    %add3A_564 = arith.addi %mul3A_560, %rem3A_563 : vector<16xi32>
    %swap3A_565 = arith.constant 448 : index
    %swap3A_566 = tpu.vector_load %arg5[%swap3A_565] {strides = array<i32>} : memref<1296xi32, #tpu.memory_space<vmem>>, vector<16xi32>,
    %swap3A_567 = vector.shape_cast %swap3A_566 : vector<16xi32> to vector<16xi32>
    %swap3A_568 = vector.shape_cast %add3A_564 : vector<16xi32> to vector<16xi32>
    tpu.vector_store %arg5[%swap3A_565], %swap3A_568 {strides = array<i32>} : memref<1296xi32, #tpu.memory_space<vmem>>, vector<16xi32>,
    %add3A_569 = arith.constant 464 : i32
    %add3A_570 = arith.addi %mul3A_2, %add3A_569 : i32
    %iota3A_571 = tpu.iota {dimensions = array<i32: 0>} : vector<16xi32>
    %add3A_572 = vector.broadcast %add3A_570 : i32 to vector<16xi32>
    %add3A_573 = arith.addi %add3A_572, %iota3A_571 : vector<16xi32>
    %get3A_574 = arith.constant 464 : index
    %get3A_575 = tpu.vector_load %arg5[%get3A_574] {strides = array<i32>} : memref<1296xi32, #tpu.memory_space<vmem>>, vector<16xi32>,
    %get3A_576 = vector.shape_cast %get3A_575 : vector<16xi32> to vector<16xi32>
    %mul3A_577 = arith.constant 32 : i32
    %mul3A_578 = vector.broadcast %mul3A_577 : i32 to vector<16xi32>
    %mul3A_579 = arith.muli %get3A_576, %mul3A_578 : vector<16xi32>
    %rem3A_580 = arith.constant 32 : i32
    %rem3A_581 = vector.broadcast %rem3A_580 : i32 to vector<16xi32>
    %rem3A_582 = arith.remsi %add3A_573, %rem3A_581 : vector<16xi32>
    %add3A_583 = arith.addi %mul3A_579, %rem3A_582 : vector<16xi32>
    %swap3A_584 = arith.constant 464 : index
    %swap3A_585 = tpu.vector_load %arg5[%swap3A_584] {strides = array<i32>} : memref<1296xi32, #tpu.memory_space<vmem>>, vector<16xi32>,
    %swap3A_586 = vector.shape_cast %swap3A_585 : vector<16xi32> to vector<16xi32>
    %swap3A_587 = vector.shape_cast %add3A_583 : vector<16xi32> to vector<16xi32>
    tpu.vector_store %arg5[%swap3A_584], %swap3A_587 {strides = array<i32>} : memref<1296xi32, #tpu.memory_space<vmem>>, vector<16xi32>,
    %add3A_588 = arith.constant 480 : i32
    %add3A_589 = arith.addi %mul3A_2, %add3A_588 : i32
    %iota3A_590 = tpu.iota {dimensions = array<i32: 0>} : vector<16xi32>
    %add3A_591 = vector.broadcast %add3A_589 : i32 to vector<16xi32>
    %add3A_592 = arith.addi %add3A_591, %iota3A_590 : vector<16xi32>
    %get3A_593 = arith.constant 480 : index
    %get3A_594 = tpu.vector_load %arg5[%get3A_593] {strides = array<i32>} : memref<1296xi32, #tpu.memory_space<vmem>>, vector<16xi32>,
    %get3A_595 = vector.shape_cast %get3A_594 : vector<16xi32> to vector<16xi32>
    %mul3A_596 = arith.constant 32 : i32
    %mul3A_597 = vector.broadcast %mul3A_596 : i32 to vector<16xi32>
    %mul3A_598 = arith.muli %get3A_595, %mul3A_597 : vector<16xi32>
    %rem3A_599 = arith.constant 32 : i32
    %rem3A_600 = vector.broadcast %rem3A_599 : i32 to vector<16xi32>
    %rem3A_601 = arith.remsi %add3A_592, %rem3A_600 : vector<16xi32>
    %add3A_602 = arith.addi %mul3A_598, %rem3A_601 : vector<16xi32>
    %swap3A_603 = arith.constant 480 : index
    %swap3A_604 = tpu.vector_load %arg5[%swap3A_603] {strides = array<i32>} : memref<1296xi32, #tpu.memory_space<vmem>>, vector<16xi32>,
    %swap3A_605 = vector.shape_cast %swap3A_604 : vector<16xi32> to vector<16xi32>
    %swap3A_606 = vector.shape_cast %add3A_602 : vector<16xi32> to vector<16xi32>
    tpu.vector_store %arg5[%swap3A_603], %swap3A_606 {strides = array<i32>} : memref<1296xi32, #tpu.memory_space<vmem>>, vector<16xi32>,
    %add3A_607 = arith.constant 496 : i32
    %add3A_608 = arith.addi %mul3A_2, %add3A_607 : i32
    %iota3A_609 = tpu.iota {dimensions = array<i32: 0>} : vector<16xi32>
    %add3A_610 = vector.broadcast %add3A_608 : i32 to vector<16xi32>
    %add3A_611 = arith.addi %add3A_610, %iota3A_609 : vector<16xi32>
    %get3A_612 = arith.constant 496 : index
    %get3A_613 = tpu.vector_load %arg5[%get3A_612] {strides = array<i32>} : memref<1296xi32, #tpu.memory_space<vmem>>, vector<16xi32>,
    %get3A_614 = vector.shape_cast %get3A_613 : vector<16xi32> to vector<16xi32>
    %mul3A_615 = arith.constant 32 : i32
    %mul3A_616 = vector.broadcast %mul3A_615 : i32 to vector<16xi32>
    %mul3A_617 = arith.muli %get3A_614, %mul3A_616 : vector<16xi32>
    %rem3A_618 = arith.constant 32 : i32
    %rem3A_619 = vector.broadcast %rem3A_618 : i32 to vector<16xi32>
    %rem3A_620 = arith.remsi %add3A_611, %rem3A_619 : vector<16xi32>
    %add3A_621 = arith.addi %mul3A_617, %rem3A_620 : vector<16xi32>
    %swap3A_622 = arith.constant 496 : index
    %swap3A_623 = tpu.vector_load %arg5[%swap3A_622] {strides = array<i32>} : memref<1296xi32, #tpu.memory_space<vmem>>, vector<16xi32>,
    %swap3A_624 = vector.shape_cast %swap3A_623 : vector<16xi32> to vector<16xi32>
    %swap3A_625 = vector.shape_cast %add3A_621 : vector<16xi32> to vector<16xi32>
    tpu.vector_store %arg5[%swap3A_622], %swap3A_625 {strides = array<i32>} : memref<1296xi32, #tpu.memory_space<vmem>>, vector<16xi32>,
    %add3A_626 = arith.constant 512 : i32
    %add3A_627 = arith.addi %mul3A_2, %add3A_626 : i32
    %iota3A_628 = tpu.iota {dimensions = array<i32: 0>} : vector<16xi32>
    %add3A_629 = vector.broadcast %add3A_627 : i32 to vector<16xi32>
    %add3A_630 = arith.addi %add3A_629, %iota3A_628 : vector<16xi32>
    %get3A_631 = arith.constant 512 : index
    %get3A_632 = tpu.vector_load %arg5[%get3A_631] {strides = array<i32>} : memref<1296xi32, #tpu.memory_space<vmem>>, vector<16xi32>,
    %get3A_633 = vector.shape_cast %get3A_632 : vector<16xi32> to vector<16xi32>
    %mul3A_634 = arith.constant 32 : i32
    %mul3A_635 = vector.broadcast %mul3A_634 : i32 to vector<16xi32>
    %mul3A_636 = arith.muli %get3A_633, %mul3A_635 : vector<16xi32>
    %rem3A_637 = arith.constant 32 : i32
    %rem3A_638 = vector.broadcast %rem3A_637 : i32 to vector<16xi32>
    %rem3A_639 = arith.remsi %add3A_630, %rem3A_638 : vector<16xi32>
    %add3A_640 = arith.addi %mul3A_636, %rem3A_639 : vector<16xi32>
    %swap3A_641 = arith.constant 512 : index
    %swap3A_642 = tpu.vector_load %arg5[%swap3A_641] {strides = array<i32>} : memref<1296xi32, #tpu.memory_space<vmem>>, vector<16xi32>,
    %swap3A_643 = vector.shape_cast %swap3A_642 : vector<16xi32> to vector<16xi32>
    %swap3A_644 = vector.shape_cast %add3A_640 : vector<16xi32> to vector<16xi32>
    tpu.vector_store %arg5[%swap3A_641], %swap3A_644 {strides = array<i32>} : memref<1296xi32, #tpu.memory_space<vmem>>, vector<16xi32>,
    %add3A_645 = arith.constant 528 : i32
    %add3A_646 = arith.addi %mul3A_2, %add3A_645 : i32
    %iota3A_647 = tpu.iota {dimensions = array<i32: 0>} : vector<16xi32>
    %add3A_648 = vector.broadcast %add3A_646 : i32 to vector<16xi32>
    %add3A_649 = arith.addi %add3A_648, %iota3A_647 : vector<16xi32>
    %get3A_650 = arith.constant 528 : index
    %get3A_651 = tpu.vector_load %arg5[%get3A_650] {strides = array<i32>} : memref<1296xi32, #tpu.memory_space<vmem>>, vector<16xi32>,
    %get3A_652 = vector.shape_cast %get3A_651 : vector<16xi32> to vector<16xi32>
    %mul3A_653 = arith.constant 32 : i32
    %mul3A_654 = vector.broadcast %mul3A_653 : i32 to vector<16xi32>
    %mul3A_655 = arith.muli %get3A_652, %mul3A_654 : vector<16xi32>
    %rem3A_656 = arith.constant 32 : i32
    %rem3A_657 = vector.broadcast %rem3A_656 : i32 to vector<16xi32>
    %rem3A_658 = arith.remsi %add3A_649, %rem3A_657 : vector<16xi32>
    %add3A_659 = arith.addi %mul3A_655, %rem3A_658 : vector<16xi32>
    %swap3A_660 = arith.constant 528 : index
    %swap3A_661 = tpu.vector_load %arg5[%swap3A_660] {strides = array<i32>} : memref<1296xi32, #tpu.memory_space<vmem>>, vector<16xi32>,
    %swap3A_662 = vector.shape_cast %swap3A_661 : vector<16xi32> to vector<16xi32>
    %swap3A_663 = vector.shape_cast %add3A_659 : vector<16xi32> to vector<16xi32>
    tpu.vector_store %arg5[%swap3A_660], %swap3A_663 {strides = array<i32>} : memref<1296xi32, #tpu.memory_space<vmem>>, vector<16xi32>,
    %add3A_664 = arith.constant 544 : i32
    %add3A_665 = arith.addi %mul3A_2, %add3A_664 : i32
    %iota3A_666 = tpu.iota {dimensions = array<i32: 0>} : vector<16xi32>
    %add3A_667 = vector.broadcast %add3A_665 : i32 to vector<16xi32>
    %add3A_668 = arith.addi %add3A_667, %iota3A_666 : vector<16xi32>
    %get3A_669 = arith.constant 544 : index
    %get3A_670 = tpu.vector_load %arg5[%get3A_669] {strides = array<i32>} : memref<1296xi32, #tpu.memory_space<vmem>>, vector<16xi32>,
    %get3A_671 = vector.shape_cast %get3A_670 : vector<16xi32> to vector<16xi32>
    %mul3A_672 = arith.constant 32 : i32
    %mul3A_673 = vector.broadcast %mul3A_672 : i32 to vector<16xi32>
    %mul3A_674 = arith.muli %get3A_671, %mul3A_673 : vector<16xi32>
    %rem3A_675 = arith.constant 32 : i32
    %rem3A_676 = vector.broadcast %rem3A_675 : i32 to vector<16xi32>
    %rem3A_677 = arith.remsi %add3A_668, %rem3A_676 : vector<16xi32>
    %add3A_678 = arith.addi %mul3A_674, %rem3A_677 : vector<16xi32>
    %swap3A_679 = arith.constant 544 : index
    %swap3A_680 = tpu.vector_load %arg5[%swap3A_679] {strides = array<i32>} : memref<1296xi32, #tpu.memory_space<vmem>>, vector<16xi32>,
    %swap3A_681 = vector.shape_cast %swap3A_680 : vector<16xi32> to vector<16xi32>
    %swap3A_682 = vector.shape_cast %add3A_678 : vector<16xi32> to vector<16xi32>
    tpu.vector_store %arg5[%swap3A_679], %swap3A_682 {strides = array<i32>} : memref<1296xi32, #tpu.memory_space<vmem>>, vector<16xi32>,
    %add3A_683 = arith.constant 560 : i32
    %add3A_684 = arith.addi %mul3A_2, %add3A_683 : i32
    %iota3A_685 = tpu.iota {dimensions = array<i32: 0>} : vector<16xi32>
    %add3A_686 = vector.broadcast %add3A_684 : i32 to vector<16xi32>
    %add3A_687 = arith.addi %add3A_686, %iota3A_685 : vector<16xi32>
    %get3A_688 = arith.constant 560 : index
    %get3A_689 = tpu.vector_load %arg5[%get3A_688] {strides = array<i32>} : memref<1296xi32, #tpu.memory_space<vmem>>, vector<16xi32>,
    %get3A_690 = vector.shape_cast %get3A_689 : vector<16xi32> to vector<16xi32>
    %mul3A_691 = arith.constant 32 : i32
    %mul3A_692 = vector.broadcast %mul3A_691 : i32 to vector<16xi32>
    %mul3A_693 = arith.muli %get3A_690, %mul3A_692 : vector<16xi32>
    %rem3A_694 = arith.constant 32 : i32
    %rem3A_695 = vector.broadcast %rem3A_694 : i32 to vector<16xi32>
    %rem3A_696 = arith.remsi %add3A_687, %rem3A_695 : vector<16xi32>
    %add3A_697 = arith.addi %mul3A_693, %rem3A_696 : vector<16xi32>
    %swap3A_698 = arith.constant 560 : index
    %swap3A_699 = tpu.vector_load %arg5[%swap3A_698] {strides = array<i32>} : memref<1296xi32, #tpu.memory_space<vmem>>, vector<16xi32>,
    %swap3A_700 = vector.shape_cast %swap3A_699 : vector<16xi32> to vector<16xi32>
    %swap3A_701 = vector.shape_cast %add3A_697 : vector<16xi32> to vector<16xi32>
    tpu.vector_store %arg5[%swap3A_698], %swap3A_701 {strides = array<i32>} : memref<1296xi32, #tpu.memory_space<vmem>>, vector<16xi32>,
    %add3A_702 = arith.constant 576 : i32
    %add3A_703 = arith.addi %mul3A_2, %add3A_702 : i32
    %iota3A_704 = tpu.iota {dimensions = array<i32: 0>} : vector<16xi32>
    %add3A_705 = vector.broadcast %add3A_703 : i32 to vector<16xi32>
    %add3A_706 = arith.addi %add3A_705, %iota3A_704 : vector<16xi32>
    %get3A_707 = arith.constant 576 : index
    %get3A_708 = tpu.vector_load %arg5[%get3A_707] {strides = array<i32>} : memref<1296xi32, #tpu.memory_space<vmem>>, vector<16xi32>,
    %get3A_709 = vector.shape_cast %get3A_708 : vector<16xi32> to vector<16xi32>
    %mul3A_710 = arith.constant 32 : i32
    %mul3A_711 = vector.broadcast %mul3A_710 : i32 to vector<16xi32>
    %mul3A_712 = arith.muli %get3A_709, %mul3A_711 : vector<16xi32>
    %rem3A_713 = arith.constant 32 : i32
    %rem3A_714 = vector.broadcast %rem3A_713 : i32 to vector<16xi32>
    %rem3A_715 = arith.remsi %add3A_706, %rem3A_714 : vector<16xi32>
    %add3A_716 = arith.addi %mul3A_712, %rem3A_715 : vector<16xi32>
    %swap3A_717 = arith.constant 576 : index
    %swap3A_718 = tpu.vector_load %arg5[%swap3A_717] {strides = array<i32>} : memref<1296xi32, #tpu.memory_space<vmem>>, vector<16xi32>,
    %swap3A_719 = vector.shape_cast %swap3A_718 : vector<16xi32> to vector<16xi32>
    %swap3A_720 = vector.shape_cast %add3A_716 : vector<16xi32> to vector<16xi32>
    tpu.vector_store %arg5[%swap3A_717], %swap3A_720 {strides = array<i32>} : memref<1296xi32, #tpu.memory_space<vmem>>, vector<16xi32>,
    %add3A_721 = arith.constant 592 : i32
    %add3A_722 = arith.addi %mul3A_2, %add3A_721 : i32
    %iota3A_723 = tpu.iota {dimensions = array<i32: 0>} : vector<16xi32>
    %add3A_724 = vector.broadcast %add3A_722 : i32 to vector<16xi32>
    %add3A_725 = arith.addi %add3A_724, %iota3A_723 : vector<16xi32>
    %get3A_726 = arith.constant 592 : index
    %get3A_727 = tpu.vector_load %arg5[%get3A_726] {strides = array<i32>} : memref<1296xi32, #tpu.memory_space<vmem>>, vector<16xi32>,
    %get3A_728 = vector.shape_cast %get3A_727 : vector<16xi32> to vector<16xi32>
    %mul3A_729 = arith.constant 32 : i32
    %mul3A_730 = vector.broadcast %mul3A_729 : i32 to vector<16xi32>
    %mul3A_731 = arith.muli %get3A_728, %mul3A_730 : vector<16xi32>
    %rem3A_732 = arith.constant 32 : i32
    %rem3A_733 = vector.broadcast %rem3A_732 : i32 to vector<16xi32>
    %rem3A_734 = arith.remsi %add3A_725, %rem3A_733 : vector<16xi32>
    %add3A_735 = arith.addi %mul3A_731, %rem3A_734 : vector<16xi32>
    %swap3A_736 = arith.constant 592 : index
    %swap3A_737 = tpu.vector_load %arg5[%swap3A_736] {strides = array<i32>} : memref<1296xi32, #tpu.memory_space<vmem>>, vector<16xi32>,
    %swap3A_738 = vector.shape_cast %swap3A_737 : vector<16xi32> to vector<16xi32>
    %swap3A_739 = vector.shape_cast %add3A_735 : vector<16xi32> to vector<16xi32>
    tpu.vector_store %arg5[%swap3A_736], %swap3A_739 {strides = array<i32>} : memref<1296xi32, #tpu.memory_space<vmem>>, vector<16xi32>,
    %add3A_740 = arith.constant 608 : i32
    %add3A_741 = arith.addi %mul3A_2, %add3A_740 : i32
    %iota3A_742 = tpu.iota {dimensions = array<i32: 0>} : vector<16xi32>
    %add3A_743 = vector.broadcast %add3A_741 : i32 to vector<16xi32>
    %add3A_744 = arith.addi %add3A_743, %iota3A_742 : vector<16xi32>
    %get3A_745 = arith.constant 608 : index
    %get3A_746 = tpu.vector_load %arg5[%get3A_745] {strides = array<i32>} : memref<1296xi32, #tpu.memory_space<vmem>>, vector<16xi32>,
    %get3A_747 = vector.shape_cast %get3A_746 : vector<16xi32> to vector<16xi32>
    %mul3A_748 = arith.constant 32 : i32
    %mul3A_749 = vector.broadcast %mul3A_748 : i32 to vector<16xi32>
    %mul3A_750 = arith.muli %get3A_747, %mul3A_749 : vector<16xi32>
    %rem3A_751 = arith.constant 32 : i32
    %rem3A_752 = vector.broadcast %rem3A_751 : i32 to vector<16xi32>
    %rem3A_753 = arith.remsi %add3A_744, %rem3A_752 : vector<16xi32>
    %add3A_754 = arith.addi %mul3A_750, %rem3A_753 : vector<16xi32>
    %swap3A_755 = arith.constant 608 : index
    %swap3A_756 = tpu.vector_load %arg5[%swap3A_755] {strides = array<i32>} : memref<1296xi32, #tpu.memory_space<vmem>>, vector<16xi32>,
    %swap3A_757 = vector.shape_cast %swap3A_756 : vector<16xi32> to vector<16xi32>
    %swap3A_758 = vector.shape_cast %add3A_754 : vector<16xi32> to vector<16xi32>
    tpu.vector_store %arg5[%swap3A_755], %swap3A_758 {strides = array<i32>} : memref<1296xi32, #tpu.memory_space<vmem>>, vector<16xi32>,
    %add3A_759 = arith.constant 624 : i32
    %add3A_760 = arith.addi %mul3A_2, %add3A_759 : i32
    %iota3A_761 = tpu.iota {dimensions = array<i32: 0>} : vector<16xi32>
    %add3A_762 = vector.broadcast %add3A_760 : i32 to vector<16xi32>
    %add3A_763 = arith.addi %add3A_762, %iota3A_761 : vector<16xi32>
    %get3A_764 = arith.constant 624 : index
    %get3A_765 = tpu.vector_load %arg5[%get3A_764] {strides = array<i32>} : memref<1296xi32, #tpu.memory_space<vmem>>, vector<16xi32>,
    %get3A_766 = vector.shape_cast %get3A_765 : vector<16xi32> to vector<16xi32>
    %mul3A_767 = arith.constant 32 : i32
    %mul3A_768 = vector.broadcast %mul3A_767 : i32 to vector<16xi32>
    %mul3A_769 = arith.muli %get3A_766, %mul3A_768 : vector<16xi32>
    %rem3A_770 = arith.constant 32 : i32
    %rem3A_771 = vector.broadcast %rem3A_770 : i32 to vector<16xi32>
    %rem3A_772 = arith.remsi %add3A_763, %rem3A_771 : vector<16xi32>
    %add3A_773 = arith.addi %mul3A_769, %rem3A_772 : vector<16xi32>
    %swap3A_774 = arith.constant 624 : index
    %swap3A_775 = tpu.vector_load %arg5[%swap3A_774] {strides = array<i32>} : memref<1296xi32, #tpu.memory_space<vmem>>, vector<16xi32>,
    %swap3A_776 = vector.shape_cast %swap3A_775 : vector<16xi32> to vector<16xi32>
    %swap3A_777 = vector.shape_cast %add3A_773 : vector<16xi32> to vector<16xi32>
    tpu.vector_store %arg5[%swap3A_774], %swap3A_777 {strides = array<i32>} : memref<1296xi32, #tpu.memory_space<vmem>>, vector<16xi32>,
    %add3A_778 = arith.constant 640 : i32
    %add3A_779 = arith.addi %mul3A_2, %add3A_778 : i32
    %iota3A_780 = tpu.iota {dimensions = array<i32: 0>} : vector<16xi32>
    %add3A_781 = vector.broadcast %add3A_779 : i32 to vector<16xi32>
    %add3A_782 = arith.addi %add3A_781, %iota3A_780 : vector<16xi32>
    %get3A_783 = arith.constant 640 : index
    %get3A_784 = tpu.vector_load %arg5[%get3A_783] {strides = array<i32>} : memref<1296xi32, #tpu.memory_space<vmem>>, vector<16xi32>,
    %get3A_785 = vector.shape_cast %get3A_784 : vector<16xi32> to vector<16xi32>
    %mul3A_786 = arith.constant 32 : i32
    %mul3A_787 = vector.broadcast %mul3A_786 : i32 to vector<16xi32>
    %mul3A_788 = arith.muli %get3A_785, %mul3A_787 : vector<16xi32>
    %rem3A_789 = arith.constant 32 : i32
    %rem3A_790 = vector.broadcast %rem3A_789 : i32 to vector<16xi32>
    %rem3A_791 = arith.remsi %add3A_782, %rem3A_790 : vector<16xi32>
    %add3A_792 = arith.addi %mul3A_788, %rem3A_791 : vector<16xi32>
    %swap3A_793 = arith.constant 640 : index
    %swap3A_794 = tpu.vector_load %arg5[%swap3A_793] {strides = array<i32>} : memref<1296xi32, #tpu.memory_space<vmem>>, vector<16xi32>,
    %swap3A_795 = vector.shape_cast %swap3A_794 : vector<16xi32> to vector<16xi32>
    %swap3A_796 = vector.shape_cast %add3A_792 : vector<16xi32> to vector<16xi32>
    tpu.vector_store %arg5[%swap3A_793], %swap3A_796 {strides = array<i32>} : memref<1296xi32, #tpu.memory_space<vmem>>, vector<16xi32>,
    %add3A_797 = arith.constant 656 : i32
    %add3A_798 = arith.addi %mul3A_2, %add3A_797 : i32
    %iota3A_799 = tpu.iota {dimensions = array<i32: 0>} : vector<16xi32>
    %add3A_800 = vector.broadcast %add3A_798 : i32 to vector<16xi32>
    %add3A_801 = arith.addi %add3A_800, %iota3A_799 : vector<16xi32>
    %get3A_802 = arith.constant 656 : index
    %get3A_803 = tpu.vector_load %arg5[%get3A_802] {strides = array<i32>} : memref<1296xi32, #tpu.memory_space<vmem>>, vector<16xi32>,
    %get3A_804 = vector.shape_cast %get3A_803 : vector<16xi32> to vector<16xi32>
    %mul3A_805 = arith.constant 32 : i32
    %mul3A_806 = vector.broadcast %mul3A_805 : i32 to vector<16xi32>
    %mul3A_807 = arith.muli %get3A_804, %mul3A_806 : vector<16xi32>
    %rem3A_808 = arith.constant 32 : i32
    %rem3A_809 = vector.broadcast %rem3A_808 : i32 to vector<16xi32>
    %rem3A_810 = arith.remsi %add3A_801, %rem3A_809 : vector<16xi32>
    %add3A_811 = arith.addi %mul3A_807, %rem3A_810 : vector<16xi32>
    %swap3A_812 = arith.constant 656 : index
    %swap3A_813 = tpu.vector_load %arg5[%swap3A_812] {strides = array<i32>} : memref<1296xi32, #tpu.memory_space<vmem>>, vector<16xi32>,
    %swap3A_814 = vector.shape_cast %swap3A_813 : vector<16xi32> to vector<16xi32>
    %swap3A_815 = vector.shape_cast %add3A_811 : vector<16xi32> to vector<16xi32>
    tpu.vector_store %arg5[%swap3A_812], %swap3A_815 {strides = array<i32>} : memref<1296xi32, #tpu.memory_space<vmem>>, vector<16xi32>,
    %add3A_816 = arith.constant 672 : i32
    %add3A_817 = arith.addi %mul3A_2, %add3A_816 : i32
    %iota3A_818 = tpu.iota {dimensions = array<i32: 0>} : vector<16xi32>
    %add3A_819 = vector.broadcast %add3A_817 : i32 to vector<16xi32>
    %add3A_820 = arith.addi %add3A_819, %iota3A_818 : vector<16xi32>
    %get3A_821 = arith.constant 672 : index
    %get3A_822 = tpu.vector_load %arg5[%get3A_821] {strides = array<i32>} : memref<1296xi32, #tpu.memory_space<vmem>>, vector<16xi32>,
    %get3A_823 = vector.shape_cast %get3A_822 : vector<16xi32> to vector<16xi32>
    %mul3A_824 = arith.constant 32 : i32
    %mul3A_825 = vector.broadcast %mul3A_824 : i32 to vector<16xi32>
    %mul3A_826 = arith.muli %get3A_823, %mul3A_825 : vector<16xi32>
    %rem3A_827 = arith.constant 32 : i32
    %rem3A_828 = vector.broadcast %rem3A_827 : i32 to vector<16xi32>
    %rem3A_829 = arith.remsi %add3A_820, %rem3A_828 : vector<16xi32>
    %add3A_830 = arith.addi %mul3A_826, %rem3A_829 : vector<16xi32>
    %swap3A_831 = arith.constant 672 : index
    %swap3A_832 = tpu.vector_load %arg5[%swap3A_831] {strides = array<i32>} : memref<1296xi32, #tpu.memory_space<vmem>>, vector<16xi32>,
    %swap3A_833 = vector.shape_cast %swap3A_832 : vector<16xi32> to vector<16xi32>
    %swap3A_834 = vector.shape_cast %add3A_830 : vector<16xi32> to vector<16xi32>
    tpu.vector_store %arg5[%swap3A_831], %swap3A_834 {strides = array<i32>} : memref<1296xi32, #tpu.memory_space<vmem>>, vector<16xi32>,
    %add3A_835 = arith.constant 688 : i32
    %add3A_836 = arith.addi %mul3A_2, %add3A_835 : i32
    %iota3A_837 = tpu.iota {dimensions = array<i32: 0>} : vector<16xi32>
    %add3A_838 = vector.broadcast %add3A_836 : i32 to vector<16xi32>
    %add3A_839 = arith.addi %add3A_838, %iota3A_837 : vector<16xi32>
    %get3A_840 = arith.constant 688 : index
    %get3A_841 = tpu.vector_load %arg5[%get3A_840] {strides = array<i32>} : memref<1296xi32, #tpu.memory_space<vmem>>, vector<16xi32>,
    %get3A_842 = vector.shape_cast %get3A_841 : vector<16xi32> to vector<16xi32>
    %mul3A_843 = arith.constant 32 : i32
    %mul3A_844 = vector.broadcast %mul3A_843 : i32 to vector<16xi32>
    %mul3A_845 = arith.muli %get3A_842, %mul3A_844 : vector<16xi32>
    %rem3A_846 = arith.constant 32 : i32
    %rem3A_847 = vector.broadcast %rem3A_846 : i32 to vector<16xi32>
    %rem3A_848 = arith.remsi %add3A_839, %rem3A_847 : vector<16xi32>
    %add3A_849 = arith.addi %mul3A_845, %rem3A_848 : vector<16xi32>
    %swap3A_850 = arith.constant 688 : index
    %swap3A_851 = tpu.vector_load %arg5[%swap3A_850] {strides = array<i32>} : memref<1296xi32, #tpu.memory_space<vmem>>, vector<16xi32>,
    %swap3A_852 = vector.shape_cast %swap3A_851 : vector<16xi32> to vector<16xi32>
    %swap3A_853 = vector.shape_cast %add3A_849 : vector<16xi32> to vector<16xi32>
    tpu.vector_store %arg5[%swap3A_850], %swap3A_853 {strides = array<i32>} : memref<1296xi32, #tpu.memory_space<vmem>>, vector<16xi32>,
    %add3A_854 = arith.constant 704 : i32
    %add3A_855 = arith.addi %mul3A_2, %add3A_854 : i32
    %iota3A_856 = tpu.iota {dimensions = array<i32: 0>} : vector<16xi32>
    %add3A_857 = vector.broadcast %add3A_855 : i32 to vector<16xi32>
    %add3A_858 = arith.addi %add3A_857, %iota3A_856 : vector<16xi32>
    %get3A_859 = arith.constant 704 : index
    %get3A_860 = tpu.vector_load %arg5[%get3A_859] {strides = array<i32>} : memref<1296xi32, #tpu.memory_space<vmem>>, vector<16xi32>,
    %get3A_861 = vector.shape_cast %get3A_860 : vector<16xi32> to vector<16xi32>
    %mul3A_862 = arith.constant 32 : i32
    %mul3A_863 = vector.broadcast %mul3A_862 : i32 to vector<16xi32>
    %mul3A_864 = arith.muli %get3A_861, %mul3A_863 : vector<16xi32>
    %rem3A_865 = arith.constant 32 : i32
    %rem3A_866 = vector.broadcast %rem3A_865 : i32 to vector<16xi32>
    %rem3A_867 = arith.remsi %add3A_858, %rem3A_866 : vector<16xi32>
    %add3A_868 = arith.addi %mul3A_864, %rem3A_867 : vector<16xi32>
    %swap3A_869 = arith.constant 704 : index
    %swap3A_870 = tpu.vector_load %arg5[%swap3A_869] {strides = array<i32>} : memref<1296xi32, #tpu.memory_space<vmem>>, vector<16xi32>,
    %swap3A_871 = vector.shape_cast %swap3A_870 : vector<16xi32> to vector<16xi32>
    %swap3A_872 = vector.shape_cast %add3A_868 : vector<16xi32> to vector<16xi32>
    tpu.vector_store %arg5[%swap3A_869], %swap3A_872 {strides = array<i32>} : memref<1296xi32, #tpu.memory_space<vmem>>, vector<16xi32>,
    %add3A_873 = arith.constant 720 : i32
    %add3A_874 = arith.addi %mul3A_2, %add3A_873 : i32
    %iota3A_875 = tpu.iota {dimensions = array<i32: 0>} : vector<16xi32>
    %add3A_876 = vector.broadcast %add3A_874 : i32 to vector<16xi32>
    %add3A_877 = arith.addi %add3A_876, %iota3A_875 : vector<16xi32>
    %get3A_878 = arith.constant 720 : index
    %get3A_879 = tpu.vector_load %arg5[%get3A_878] {strides = array<i32>} : memref<1296xi32, #tpu.memory_space<vmem>>, vector<16xi32>,
    %get3A_880 = vector.shape_cast %get3A_879 : vector<16xi32> to vector<16xi32>
    %mul3A_881 = arith.constant 32 : i32
    %mul3A_882 = vector.broadcast %mul3A_881 : i32 to vector<16xi32>
    %mul3A_883 = arith.muli %get3A_880, %mul3A_882 : vector<16xi32>
    %rem3A_884 = arith.constant 32 : i32
    %rem3A_885 = vector.broadcast %rem3A_884 : i32 to vector<16xi32>
    %rem3A_886 = arith.remsi %add3A_877, %rem3A_885 : vector<16xi32>
    %add3A_887 = arith.addi %mul3A_883, %rem3A_886 : vector<16xi32>
    %swap3A_888 = arith.constant 720 : index
    %swap3A_889 = tpu.vector_load %arg5[%swap3A_888] {strides = array<i32>} : memref<1296xi32, #tpu.memory_space<vmem>>, vector<16xi32>,
    %swap3A_890 = vector.shape_cast %swap3A_889 : vector<16xi32> to vector<16xi32>
    %swap3A_891 = vector.shape_cast %add3A_887 : vector<16xi32> to vector<16xi32>
    tpu.vector_store %arg5[%swap3A_888], %swap3A_891 {strides = array<i32>} : memref<1296xi32, #tpu.memory_space<vmem>>, vector<16xi32>,
    %add3A_892 = arith.constant 736 : i32
    %add3A_893 = arith.addi %mul3A_2, %add3A_892 : i32
    %iota3A_894 = tpu.iota {dimensions = array<i32: 0>} : vector<16xi32>
    %add3A_895 = vector.broadcast %add3A_893 : i32 to vector<16xi32>
    %add3A_896 = arith.addi %add3A_895, %iota3A_894 : vector<16xi32>
    %get3A_897 = arith.constant 736 : index
    %get3A_898 = tpu.vector_load %arg5[%get3A_897] {strides = array<i32>} : memref<1296xi32, #tpu.memory_space<vmem>>, vector<16xi32>,
    %get3A_899 = vector.shape_cast %get3A_898 : vector<16xi32> to vector<16xi32>
    %mul3A_900 = arith.constant 32 : i32
    %mul3A_901 = vector.broadcast %mul3A_900 : i32 to vector<16xi32>
    %mul3A_902 = arith.muli %get3A_899, %mul3A_901 : vector<16xi32>
    %rem3A_903 = arith.constant 32 : i32
    %rem3A_904 = vector.broadcast %rem3A_903 : i32 to vector<16xi32>
    %rem3A_905 = arith.remsi %add3A_896, %rem3A_904 : vector<16xi32>
    %add3A_906 = arith.addi %mul3A_902, %rem3A_905 : vector<16xi32>
    %swap3A_907 = arith.constant 736 : index
    %swap3A_908 = tpu.vector_load %arg5[%swap3A_907] {strides = array<i32>} : memref<1296xi32, #tpu.memory_space<vmem>>, vector<16xi32>,
    %swap3A_909 = vector.shape_cast %swap3A_908 : vector<16xi32> to vector<16xi32>
    %swap3A_910 = vector.shape_cast %add3A_906 : vector<16xi32> to vector<16xi32>
    tpu.vector_store %arg5[%swap3A_907], %swap3A_910 {strides = array<i32>} : memref<1296xi32, #tpu.memory_space<vmem>>, vector<16xi32>,
    %add3A_911 = arith.constant 752 : i32
    %add3A_912 = arith.addi %mul3A_2, %add3A_911 : i32
    %iota3A_913 = tpu.iota {dimensions = array<i32: 0>} : vector<16xi32>
    %add3A_914 = vector.broadcast %add3A_912 : i32 to vector<16xi32>
    %add3A_915 = arith.addi %add3A_914, %iota3A_913 : vector<16xi32>
    %get3A_916 = arith.constant 752 : index
    %get3A_917 = tpu.vector_load %arg5[%get3A_916] {strides = array<i32>} : memref<1296xi32, #tpu.memory_space<vmem>>, vector<16xi32>,
    %get3A_918 = vector.shape_cast %get3A_917 : vector<16xi32> to vector<16xi32>
    %mul3A_919 = arith.constant 32 : i32
    %mul3A_920 = vector.broadcast %mul3A_919 : i32 to vector<16xi32>
    %mul3A_921 = arith.muli %get3A_918, %mul3A_920 : vector<16xi32>
    %rem3A_922 = arith.constant 32 : i32
    %rem3A_923 = vector.broadcast %rem3A_922 : i32 to vector<16xi32>
    %rem3A_924 = arith.remsi %add3A_915, %rem3A_923 : vector<16xi32>
    %add3A_925 = arith.addi %mul3A_921, %rem3A_924 : vector<16xi32>
    %swap3A_926 = arith.constant 752 : index
    %swap3A_927 = tpu.vector_load %arg5[%swap3A_926] {strides = array<i32>} : memref<1296xi32, #tpu.memory_space<vmem>>, vector<16xi32>,
    %swap3A_928 = vector.shape_cast %swap3A_927 : vector<16xi32> to vector<16xi32>
    %swap3A_929 = vector.shape_cast %add3A_925 : vector<16xi32> to vector<16xi32>
    tpu.vector_store %arg5[%swap3A_926], %swap3A_929 {strides = array<i32>} : memref<1296xi32, #tpu.memory_space<vmem>>, vector<16xi32>,
    %add3A_930 = arith.constant 768 : i32
    %add3A_931 = arith.addi %mul3A_2, %add3A_930 : i32
    %iota3A_932 = tpu.iota {dimensions = array<i32: 0>} : vector<16xi32>
    %add3A_933 = vector.broadcast %add3A_931 : i32 to vector<16xi32>
    %add3A_934 = arith.addi %add3A_933, %iota3A_932 : vector<16xi32>
    %get3A_935 = arith.constant 768 : index
    %get3A_936 = tpu.vector_load %arg5[%get3A_935] {strides = array<i32>} : memref<1296xi32, #tpu.memory_space<vmem>>, vector<16xi32>,
    %get3A_937 = vector.shape_cast %get3A_936 : vector<16xi32> to vector<16xi32>
    %mul3A_938 = arith.constant 32 : i32
    %mul3A_939 = vector.broadcast %mul3A_938 : i32 to vector<16xi32>
    %mul3A_940 = arith.muli %get3A_937, %mul3A_939 : vector<16xi32>
    %rem3A_941 = arith.constant 32 : i32
    %rem3A_942 = vector.broadcast %rem3A_941 : i32 to vector<16xi32>
    %rem3A_943 = arith.remsi %add3A_934, %rem3A_942 : vector<16xi32>
    %add3A_944 = arith.addi %mul3A_940, %rem3A_943 : vector<16xi32>
    %swap3A_945 = arith.constant 768 : index
    %swap3A_946 = tpu.vector_load %arg5[%swap3A_945] {strides = array<i32>} : memref<1296xi32, #tpu.memory_space<vmem>>, vector<16xi32>,
    %swap3A_947 = vector.shape_cast %swap3A_946 : vector<16xi32> to vector<16xi32>
    %swap3A_948 = vector.shape_cast %add3A_944 : vector<16xi32> to vector<16xi32>
    tpu.vector_store %arg5[%swap3A_945], %swap3A_948 {strides = array<i32>} : memref<1296xi32, #tpu.memory_space<vmem>>, vector<16xi32>,
    %add3A_949 = arith.constant 784 : i32
    %add3A_950 = arith.addi %mul3A_2, %add3A_949 : i32
    %iota3A_951 = tpu.iota {dimensions = array<i32: 0>} : vector<16xi32>
    %add3A_952 = vector.broadcast %add3A_950 : i32 to vector<16xi32>
    %add3A_953 = arith.addi %add3A_952, %iota3A_951 : vector<16xi32>
    %get3A_954 = arith.constant 784 : index
    %get3A_955 = tpu.vector_load %arg5[%get3A_954] {strides = array<i32>} : memref<1296xi32, #tpu.memory_space<vmem>>, vector<16xi32>,
    %get3A_956 = vector.shape_cast %get3A_955 : vector<16xi32> to vector<16xi32>
    %mul3A_957 = arith.constant 32 : i32
    %mul3A_958 = vector.broadcast %mul3A_957 : i32 to vector<16xi32>
    %mul3A_959 = arith.muli %get3A_956, %mul3A_958 : vector<16xi32>
    %rem3A_960 = arith.constant 32 : i32
    %rem3A_961 = vector.broadcast %rem3A_960 : i32 to vector<16xi32>
    %rem3A_962 = arith.remsi %add3A_953, %rem3A_961 : vector<16xi32>
    %add3A_963 = arith.addi %mul3A_959, %rem3A_962 : vector<16xi32>
    %swap3A_964 = arith.constant 784 : index
    %swap3A_965 = tpu.vector_load %arg5[%swap3A_964] {strides = array<i32>} : memref<1296xi32, #tpu.memory_space<vmem>>, vector<16xi32>,
    %swap3A_966 = vector.shape_cast %swap3A_965 : vector<16xi32> to vector<16xi32>
    %swap3A_967 = vector.shape_cast %add3A_963 : vector<16xi32> to vector<16xi32>
    tpu.vector_store %arg5[%swap3A_964], %swap3A_967 {strides = array<i32>} : memref<1296xi32, #tpu.memory_space<vmem>>, vector<16xi32>,
    %add3A_968 = arith.constant 800 : i32
    %add3A_969 = arith.addi %mul3A_2, %add3A_968 : i32
    %iota3A_970 = tpu.iota {dimensions = array<i32: 0>} : vector<16xi32>
    %add3A_971 = vector.broadcast %add3A_969 : i32 to vector<16xi32>
    %add3A_972 = arith.addi %add3A_971, %iota3A_970 : vector<16xi32>
    %get3A_973 = arith.constant 800 : index
    %get3A_974 = tpu.vector_load %arg5[%get3A_973] {strides = array<i32>} : memref<1296xi32, #tpu.memory_space<vmem>>, vector<16xi32>,
    %get3A_975 = vector.shape_cast %get3A_974 : vector<16xi32> to vector<16xi32>
    %mul3A_976 = arith.constant 32 : i32
    %mul3A_977 = vector.broadcast %mul3A_976 : i32 to vector<16xi32>
    %mul3A_978 = arith.muli %get3A_975, %mul3A_977 : vector<16xi32>
    %rem3A_979 = arith.constant 32 : i32
    %rem3A_980 = vector.broadcast %rem3A_979 : i32 to vector<16xi32>
    %rem3A_981 = arith.remsi %add3A_972, %rem3A_980 : vector<16xi32>
    %add3A_982 = arith.addi %mul3A_978, %rem3A_981 : vector<16xi32>
    %swap3A_983 = arith.constant 800 : index
    %swap3A_984 = tpu.vector_load %arg5[%swap3A_983] {strides = array<i32>} : memref<1296xi32, #tpu.memory_space<vmem>>, vector<16xi32>,
    %swap3A_985 = vector.shape_cast %swap3A_984 : vector<16xi32> to vector<16xi32>
    %swap3A_986 = vector.shape_cast %add3A_982 : vector<16xi32> to vector<16xi32>
    tpu.vector_store %arg5[%swap3A_983], %swap3A_986 {strides = array<i32>} : memref<1296xi32, #tpu.memory_space<vmem>>, vector<16xi32>,
    %add3A_987 = arith.constant 816 : i32
    %add3A_988 = arith.addi %mul3A_2, %add3A_987 : i32
    %iota3A_989 = tpu.iota {dimensions = array<i32: 0>} : vector<16xi32>
    %add3A_990 = vector.broadcast %add3A_988 : i32 to vector<16xi32>
    %add3A_991 = arith.addi %add3A_990, %iota3A_989 : vector<16xi32>
    %get3A_992 = arith.constant 816 : index
    %get3A_993 = tpu.vector_load %arg5[%get3A_992] {strides = array<i32>} : memref<1296xi32, #tpu.memory_space<vmem>>, vector<16xi32>,
    %get3A_994 = vector.shape_cast %get3A_993 : vector<16xi32> to vector<16xi32>
    %mul3A_995 = arith.constant 32 : i32
    %mul3A_996 = vector.broadcast %mul3A_995 : i32 to vector<16xi32>
    %mul3A_997 = arith.muli %get3A_994, %mul3A_996 : vector<16xi32>
    %rem3A_998 = arith.constant 32 : i32
    %rem3A_999 = vector.broadcast %rem3A_998 : i32 to vector<16xi32>
    %rem3A_1000 = arith.remsi %add3A_991, %rem3A_999 : vector<16xi32>
    %add3A_1001 = arith.addi %mul3A_997, %rem3A_1000 : vector<16xi32>
    %swap3A_1002 = arith.constant 816 : index
    %swap3A_1003 = tpu.vector_load %arg5[%swap3A_1002] {strides = array<i32>} : memref<1296xi32, #tpu.memory_space<vmem>>, vector<16xi32>,
    %swap3A_1004 = vector.shape_cast %swap3A_1003 : vector<16xi32> to vector<16xi32>
    %swap3A_1005 = vector.shape_cast %add3A_1001 : vector<16xi32> to vector<16xi32>
    tpu.vector_store %arg5[%swap3A_1002], %swap3A_1005 {strides = array<i32>} : memref<1296xi32, #tpu.memory_space<vmem>>, vector<16xi32>,
    %add3A_1006 = arith.constant 832 : i32
    %add3A_1007 = arith.addi %mul3A_2, %add3A_1006 : i32
    %iota3A_1008 = tpu.iota {dimensions = array<i32: 0>} : vector<16xi32>
    %add3A_1009 = vector.broadcast %add3A_1007 : i32 to vector<16xi32>
    %add3A_1010 = arith.addi %add3A_1009, %iota3A_1008 : vector<16xi32>
    %get3A_1011 = arith.constant 832 : index
    %get3A_1012 = tpu.vector_load %arg5[%get3A_1011] {strides = array<i32>} : memref<1296xi32, #tpu.memory_space<vmem>>, vector<16xi32>,
    %get3A_1013 = vector.shape_cast %get3A_1012 : vector<16xi32> to vector<16xi32>
    %mul3A_1014 = arith.constant 32 : i32
    %mul3A_1015 = vector.broadcast %mul3A_1014 : i32 to vector<16xi32>
    %mul3A_1016 = arith.muli %get3A_1013, %mul3A_1015 : vector<16xi32>
    %rem3A_1017 = arith.constant 32 : i32
    %rem3A_1018 = vector.broadcast %rem3A_1017 : i32 to vector<16xi32>
    %rem3A_1019 = arith.remsi %add3A_1010, %rem3A_1018 : vector<16xi32>
    %add3A_1020 = arith.addi %mul3A_1016, %rem3A_1019 : vector<16xi32>
    %swap3A_1021 = arith.constant 832 : index
    %swap3A_1022 = tpu.vector_load %arg5[%swap3A_1021] {strides = array<i32>} : memref<1296xi32, #tpu.memory_space<vmem>>, vector<16xi32>,
    %swap3A_1023 = vector.shape_cast %swap3A_1022 : vector<16xi32> to vector<16xi32>
    %swap3A_1024 = vector.shape_cast %add3A_1020 : vector<16xi32> to vector<16xi32>
    tpu.vector_store %arg5[%swap3A_1021], %swap3A_1024 {strides = array<i32>} : memref<1296xi32, #tpu.memory_space<vmem>>, vector<16xi32>,
    %add3A_1025 = arith.constant 848 : i32
    %add3A_1026 = arith.addi %mul3A_2, %add3A_1025 : i32
    %iota3A_1027 = tpu.iota {dimensions = array<i32: 0>} : vector<16xi32>
    %add3A_1028 = vector.broadcast %add3A_1026 : i32 to vector<16xi32>
    %add3A_1029 = arith.addi %add3A_1028, %iota3A_1027 : vector<16xi32>
    %get3A_1030 = arith.constant 848 : index
    %get3A_1031 = tpu.vector_load %arg5[%get3A_1030] {strides = array<i32>} : memref<1296xi32, #tpu.memory_space<vmem>>, vector<16xi32>,
    %get3A_1032 = vector.shape_cast %get3A_1031 : vector<16xi32> to vector<16xi32>
    %mul3A_1033 = arith.constant 32 : i32
    %mul3A_1034 = vector.broadcast %mul3A_1033 : i32 to vector<16xi32>
    %mul3A_1035 = arith.muli %get3A_1032, %mul3A_1034 : vector<16xi32>
    %rem3A_1036 = arith.constant 32 : i32
    %rem3A_1037 = vector.broadcast %rem3A_1036 : i32 to vector<16xi32>
    %rem3A_1038 = arith.remsi %add3A_1029, %rem3A_1037 : vector<16xi32>
    %add3A_1039 = arith.addi %mul3A_1035, %rem3A_1038 : vector<16xi32>
    %swap3A_1040 = arith.constant 848 : index
    %swap3A_1041 = tpu.vector_load %arg5[%swap3A_1040] {strides = array<i32>} : memref<1296xi32, #tpu.memory_space<vmem>>, vector<16xi32>,
    %swap3A_1042 = vector.shape_cast %swap3A_1041 : vector<16xi32> to vector<16xi32>
    %swap3A_1043 = vector.shape_cast %add3A_1039 : vector<16xi32> to vector<16xi32>
    tpu.vector_store %arg5[%swap3A_1040], %swap3A_1043 {strides = array<i32>} : memref<1296xi32, #tpu.memory_space<vmem>>, vector<16xi32>,
    %add3A_1044 = arith.constant 864 : i32
    %add3A_1045 = arith.addi %mul3A_2, %add3A_1044 : i32
    %iota3A_1046 = tpu.iota {dimensions = array<i32: 0>} : vector<16xi32>
    %add3A_1047 = vector.broadcast %add3A_1045 : i32 to vector<16xi32>
    %add3A_1048 = arith.addi %add3A_1047, %iota3A_1046 : vector<16xi32>
    %get3A_1049 = arith.constant 864 : index
    %get3A_1050 = tpu.vector_load %arg5[%get3A_1049] {strides = array<i32>} : memref<1296xi32, #tpu.memory_space<vmem>>, vector<16xi32>,
    %get3A_1051 = vector.shape_cast %get3A_1050 : vector<16xi32> to vector<16xi32>
    %mul3A_1052 = arith.constant 32 : i32
    %mul3A_1053 = vector.broadcast %mul3A_1052 : i32 to vector<16xi32>
    %mul3A_1054 = arith.muli %get3A_1051, %mul3A_1053 : vector<16xi32>
    %rem3A_1055 = arith.constant 32 : i32
    %rem3A_1056 = vector.broadcast %rem3A_1055 : i32 to vector<16xi32>
    %rem3A_1057 = arith.remsi %add3A_1048, %rem3A_1056 : vector<16xi32>
    %add3A_1058 = arith.addi %mul3A_1054, %rem3A_1057 : vector<16xi32>
    %swap3A_1059 = arith.constant 864 : index
    %swap3A_1060 = tpu.vector_load %arg5[%swap3A_1059] {strides = array<i32>} : memref<1296xi32, #tpu.memory_space<vmem>>, vector<16xi32>,
    %swap3A_1061 = vector.shape_cast %swap3A_1060 : vector<16xi32> to vector<16xi32>
    %swap3A_1062 = vector.shape_cast %add3A_1058 : vector<16xi32> to vector<16xi32>
    tpu.vector_store %arg5[%swap3A_1059], %swap3A_1062 {strides = array<i32>} : memref<1296xi32, #tpu.memory_space<vmem>>, vector<16xi32>,
    %add3A_1063 = arith.constant 880 : i32
    %add3A_1064 = arith.addi %mul3A_2, %add3A_1063 : i32
    %iota3A_1065 = tpu.iota {dimensions = array<i32: 0>} : vector<16xi32>
    %add3A_1066 = vector.broadcast %add3A_1064 : i32 to vector<16xi32>
    %add3A_1067 = arith.addi %add3A_1066, %iota3A_1065 : vector<16xi32>
    %get3A_1068 = arith.constant 880 : index
    %get3A_1069 = tpu.vector_load %arg5[%get3A_1068] {strides = array<i32>} : memref<1296xi32, #tpu.memory_space<vmem>>, vector<16xi32>,
    %get3A_1070 = vector.shape_cast %get3A_1069 : vector<16xi32> to vector<16xi32>
    %mul3A_1071 = arith.constant 32 : i32
    %mul3A_1072 = vector.broadcast %mul3A_1071 : i32 to vector<16xi32>
    %mul3A_1073 = arith.muli %get3A_1070, %mul3A_1072 : vector<16xi32>
    %rem3A_1074 = arith.constant 32 : i32
    %rem3A_1075 = vector.broadcast %rem3A_1074 : i32 to vector<16xi32>
    %rem3A_1076 = arith.remsi %add3A_1067, %rem3A_1075 : vector<16xi32>
    %add3A_1077 = arith.addi %mul3A_1073, %rem3A_1076 : vector<16xi32>
    %swap3A_1078 = arith.constant 880 : index
    %swap3A_1079 = tpu.vector_load %arg5[%swap3A_1078] {strides = array<i32>} : memref<1296xi32, #tpu.memory_space<vmem>>, vector<16xi32>,
    %swap3A_1080 = vector.shape_cast %swap3A_1079 : vector<16xi32> to vector<16xi32>
    %swap3A_1081 = vector.shape_cast %add3A_1077 : vector<16xi32> to vector<16xi32>
    tpu.vector_store %arg5[%swap3A_1078], %swap3A_1081 {strides = array<i32>} : memref<1296xi32, #tpu.memory_space<vmem>>, vector<16xi32>,
    %add3A_1082 = arith.constant 896 : i32
    %add3A_1083 = arith.addi %mul3A_2, %add3A_1082 : i32
    %iota3A_1084 = tpu.iota {dimensions = array<i32: 0>} : vector<16xi32>
    %add3A_1085 = vector.broadcast %add3A_1083 : i32 to vector<16xi32>
    %add3A_1086 = arith.addi %add3A_1085, %iota3A_1084 : vector<16xi32>
    %get3A_1087 = arith.constant 896 : index
    %get3A_1088 = tpu.vector_load %arg5[%get3A_1087] {strides = array<i32>} : memref<1296xi32, #tpu.memory_space<vmem>>, vector<16xi32>,
    %get3A_1089 = vector.shape_cast %get3A_1088 : vector<16xi32> to vector<16xi32>
    %mul3A_1090 = arith.constant 32 : i32
    %mul3A_1091 = vector.broadcast %mul3A_1090 : i32 to vector<16xi32>
    %mul3A_1092 = arith.muli %get3A_1089, %mul3A_1091 : vector<16xi32>
    %rem3A_1093 = arith.constant 32 : i32
    %rem3A_1094 = vector.broadcast %rem3A_1093 : i32 to vector<16xi32>
    %rem3A_1095 = arith.remsi %add3A_1086, %rem3A_1094 : vector<16xi32>
    %add3A_1096 = arith.addi %mul3A_1092, %rem3A_1095 : vector<16xi32>
    %swap3A_1097 = arith.constant 896 : index
    %swap3A_1098 = tpu.vector_load %arg5[%swap3A_1097] {strides = array<i32>} : memref<1296xi32, #tpu.memory_space<vmem>>, vector<16xi32>,
    %swap3A_1099 = vector.shape_cast %swap3A_1098 : vector<16xi32> to vector<16xi32>
    %swap3A_1100 = vector.shape_cast %add3A_1096 : vector<16xi32> to vector<16xi32>
    tpu.vector_store %arg5[%swap3A_1097], %swap3A_1100 {strides = array<i32>} : memref<1296xi32, #tpu.memory_space<vmem>>, vector<16xi32>,
    %add3A_1101 = arith.constant 912 : i32
    %add3A_1102 = arith.addi %mul3A_2, %add3A_1101 : i32
    %iota3A_1103 = tpu.iota {dimensions = array<i32: 0>} : vector<16xi32>
    %add3A_1104 = vector.broadcast %add3A_1102 : i32 to vector<16xi32>
    %add3A_1105 = arith.addi %add3A_1104, %iota3A_1103 : vector<16xi32>
    %get3A_1106 = arith.constant 912 : index
    %get3A_1107 = tpu.vector_load %arg5[%get3A_1106] {strides = array<i32>} : memref<1296xi32, #tpu.memory_space<vmem>>, vector<16xi32>,
    %get3A_1108 = vector.shape_cast %get3A_1107 : vector<16xi32> to vector<16xi32>
    %mul3A_1109 = arith.constant 32 : i32
    %mul3A_1110 = vector.broadcast %mul3A_1109 : i32 to vector<16xi32>
    %mul3A_1111 = arith.muli %get3A_1108, %mul3A_1110 : vector<16xi32>
    %rem3A_1112 = arith.constant 32 : i32
    %rem3A_1113 = vector.broadcast %rem3A_1112 : i32 to vector<16xi32>
    %rem3A_1114 = arith.remsi %add3A_1105, %rem3A_1113 : vector<16xi32>
    %add3A_1115 = arith.addi %mul3A_1111, %rem3A_1114 : vector<16xi32>
    %swap3A_1116 = arith.constant 912 : index
    %swap3A_1117 = tpu.vector_load %arg5[%swap3A_1116] {strides = array<i32>} : memref<1296xi32, #tpu.memory_space<vmem>>, vector<16xi32>,
    %swap3A_1118 = vector.shape_cast %swap3A_1117 : vector<16xi32> to vector<16xi32>
    %swap3A_1119 = vector.shape_cast %add3A_1115 : vector<16xi32> to vector<16xi32>
    tpu.vector_store %arg5[%swap3A_1116], %swap3A_1119 {strides = array<i32>} : memref<1296xi32, #tpu.memory_space<vmem>>, vector<16xi32>,
    %add3A_1120 = arith.constant 928 : i32
    %add3A_1121 = arith.addi %mul3A_2, %add3A_1120 : i32
    %iota3A_1122 = tpu.iota {dimensions = array<i32: 0>} : vector<16xi32>
    %add3A_1123 = vector.broadcast %add3A_1121 : i32 to vector<16xi32>
    %add3A_1124 = arith.addi %add3A_1123, %iota3A_1122 : vector<16xi32>
    %get3A_1125 = arith.constant 928 : index
    %get3A_1126 = tpu.vector_load %arg5[%get3A_1125] {strides = array<i32>} : memref<1296xi32, #tpu.memory_space<vmem>>, vector<16xi32>,
    %get3A_1127 = vector.shape_cast %get3A_1126 : vector<16xi32> to vector<16xi32>
    %mul3A_1128 = arith.constant 32 : i32
    %mul3A_1129 = vector.broadcast %mul3A_1128 : i32 to vector<16xi32>
    %mul3A_1130 = arith.muli %get3A_1127, %mul3A_1129 : vector<16xi32>
    %rem3A_1131 = arith.constant 32 : i32
    %rem3A_1132 = vector.broadcast %rem3A_1131 : i32 to vector<16xi32>
    %rem3A_1133 = arith.remsi %add3A_1124, %rem3A_1132 : vector<16xi32>
    %add3A_1134 = arith.addi %mul3A_1130, %rem3A_1133 : vector<16xi32>
    %swap3A_1135 = arith.constant 928 : index
    %swap3A_1136 = tpu.vector_load %arg5[%swap3A_1135] {strides = array<i32>} : memref<1296xi32, #tpu.memory_space<vmem>>, vector<16xi32>,
    %swap3A_1137 = vector.shape_cast %swap3A_1136 : vector<16xi32> to vector<16xi32>
    %swap3A_1138 = vector.shape_cast %add3A_1134 : vector<16xi32> to vector<16xi32>
    tpu.vector_store %arg5[%swap3A_1135], %swap3A_1138 {strides = array<i32>} : memref<1296xi32, #tpu.memory_space<vmem>>, vector<16xi32>,
    %add3A_1139 = arith.constant 944 : i32
    %add3A_1140 = arith.addi %mul3A_2, %add3A_1139 : i32
    %iota3A_1141 = tpu.iota {dimensions = array<i32: 0>} : vector<16xi32>
    %add3A_1142 = vector.broadcast %add3A_1140 : i32 to vector<16xi32>
    %add3A_1143 = arith.addi %add3A_1142, %iota3A_1141 : vector<16xi32>
    %get3A_1144 = arith.constant 944 : index
    %get3A_1145 = tpu.vector_load %arg5[%get3A_1144] {strides = array<i32>} : memref<1296xi32, #tpu.memory_space<vmem>>, vector<16xi32>,
    %get3A_1146 = vector.shape_cast %get3A_1145 : vector<16xi32> to vector<16xi32>
    %mul3A_1147 = arith.constant 32 : i32
    %mul3A_1148 = vector.broadcast %mul3A_1147 : i32 to vector<16xi32>
    %mul3A_1149 = arith.muli %get3A_1146, %mul3A_1148 : vector<16xi32>
    %rem3A_1150 = arith.constant 32 : i32
    %rem3A_1151 = vector.broadcast %rem3A_1150 : i32 to vector<16xi32>
    %rem3A_1152 = arith.remsi %add3A_1143, %rem3A_1151 : vector<16xi32>
    %add3A_1153 = arith.addi %mul3A_1149, %rem3A_1152 : vector<16xi32>
    %swap3A_1154 = arith.constant 944 : index
    %swap3A_1155 = tpu.vector_load %arg5[%swap3A_1154] {strides = array<i32>} : memref<1296xi32, #tpu.memory_space<vmem>>, vector<16xi32>,
    %swap3A_1156 = vector.shape_cast %swap3A_1155 : vector<16xi32> to vector<16xi32>
    %swap3A_1157 = vector.shape_cast %add3A_1153 : vector<16xi32> to vector<16xi32>
    tpu.vector_store %arg5[%swap3A_1154], %swap3A_1157 {strides = array<i32>} : memref<1296xi32, #tpu.memory_space<vmem>>, vector<16xi32>,
    %add3A_1158 = arith.constant 960 : i32
    %add3A_1159 = arith.addi %mul3A_2, %add3A_1158 : i32
    %iota3A_1160 = tpu.iota {dimensions = array<i32: 0>} : vector<16xi32>
    %add3A_1161 = vector.broadcast %add3A_1159 : i32 to vector<16xi32>
    %add3A_1162 = arith.addi %add3A_1161, %iota3A_1160 : vector<16xi32>
    %get3A_1163 = arith.constant 960 : index
    %get3A_1164 = tpu.vector_load %arg5[%get3A_1163] {strides = array<i32>} : memref<1296xi32, #tpu.memory_space<vmem>>, vector<16xi32>,
    %get3A_1165 = vector.shape_cast %get3A_1164 : vector<16xi32> to vector<16xi32>
    %mul3A_1166 = arith.constant 32 : i32
    %mul3A_1167 = vector.broadcast %mul3A_1166 : i32 to vector<16xi32>
    %mul3A_1168 = arith.muli %get3A_1165, %mul3A_1167 : vector<16xi32>
    %rem3A_1169 = arith.constant 32 : i32
    %rem3A_1170 = vector.broadcast %rem3A_1169 : i32 to vector<16xi32>
    %rem3A_1171 = arith.remsi %add3A_1162, %rem3A_1170 : vector<16xi32>
    %add3A_1172 = arith.addi %mul3A_1168, %rem3A_1171 : vector<16xi32>
    %swap3A_1173 = arith.constant 960 : index
    %swap3A_1174 = tpu.vector_load %arg5[%swap3A_1173] {strides = array<i32>} : memref<1296xi32, #tpu.memory_space<vmem>>, vector<16xi32>,
    %swap3A_1175 = vector.shape_cast %swap3A_1174 : vector<16xi32> to vector<16xi32>
    %swap3A_1176 = vector.shape_cast %add3A_1172 : vector<16xi32> to vector<16xi32>
    tpu.vector_store %arg5[%swap3A_1173], %swap3A_1176 {strides = array<i32>} : memref<1296xi32, #tpu.memory_space<vmem>>, vector<16xi32>,
    %add3A_1177 = arith.constant 976 : i32
    %add3A_1178 = arith.addi %mul3A_2, %add3A_1177 : i32
    %iota3A_1179 = tpu.iota {dimensions = array<i32: 0>} : vector<16xi32>
    %add3A_1180 = vector.broadcast %add3A_1178 : i32 to vector<16xi32>
    %add3A_1181 = arith.addi %add3A_1180, %iota3A_1179 : vector<16xi32>
    %get3A_1182 = arith.constant 976 : index
    %get3A_1183 = tpu.vector_load %arg5[%get3A_1182] {strides = array<i32>} : memref<1296xi32, #tpu.memory_space<vmem>>, vector<16xi32>,
    %get3A_1184 = vector.shape_cast %get3A_1183 : vector<16xi32> to vector<16xi32>
    %mul3A_1185 = arith.constant 32 : i32
    %mul3A_1186 = vector.broadcast %mul3A_1185 : i32 to vector<16xi32>
    %mul3A_1187 = arith.muli %get3A_1184, %mul3A_1186 : vector<16xi32>
    %rem3A_1188 = arith.constant 32 : i32
    %rem3A_1189 = vector.broadcast %rem3A_1188 : i32 to vector<16xi32>
    %rem3A_1190 = arith.remsi %add3A_1181, %rem3A_1189 : vector<16xi32>
    %add3A_1191 = arith.addi %mul3A_1187, %rem3A_1190 : vector<16xi32>
    %swap3A_1192 = arith.constant 976 : index
    %swap3A_1193 = tpu.vector_load %arg5[%swap3A_1192] {strides = array<i32>} : memref<1296xi32, #tpu.memory_space<vmem>>, vector<16xi32>,
    %swap3A_1194 = vector.shape_cast %swap3A_1193 : vector<16xi32> to vector<16xi32>
    %swap3A_1195 = vector.shape_cast %add3A_1191 : vector<16xi32> to vector<16xi32>
    tpu.vector_store %arg5[%swap3A_1192], %swap3A_1195 {strides = array<i32>} : memref<1296xi32, #tpu.memory_space<vmem>>, vector<16xi32>,
    %add3A_1196 = arith.constant 992 : i32
    %add3A_1197 = arith.addi %mul3A_2, %add3A_1196 : i32
    %iota3A_1198 = tpu.iota {dimensions = array<i32: 0>} : vector<16xi32>
    %add3A_1199 = vector.broadcast %add3A_1197 : i32 to vector<16xi32>
    %add3A_1200 = arith.addi %add3A_1199, %iota3A_1198 : vector<16xi32>
    %get3A_1201 = arith.constant 992 : index
    %get3A_1202 = tpu.vector_load %arg5[%get3A_1201] {strides = array<i32>} : memref<1296xi32, #tpu.memory_space<vmem>>, vector<16xi32>,
    %get3A_1203 = vector.shape_cast %get3A_1202 : vector<16xi32> to vector<16xi32>
    %mul3A_1204 = arith.constant 32 : i32
    %mul3A_1205 = vector.broadcast %mul3A_1204 : i32 to vector<16xi32>
    %mul3A_1206 = arith.muli %get3A_1203, %mul3A_1205 : vector<16xi32>
    %rem3A_1207 = arith.constant 32 : i32
    %rem3A_1208 = vector.broadcast %rem3A_1207 : i32 to vector<16xi32>
    %rem3A_1209 = arith.remsi %add3A_1200, %rem3A_1208 : vector<16xi32>
    %add3A_1210 = arith.addi %mul3A_1206, %rem3A_1209 : vector<16xi32>
    %swap3A_1211 = arith.constant 992 : index
    %swap3A_1212 = tpu.vector_load %arg5[%swap3A_1211] {strides = array<i32>} : memref<1296xi32, #tpu.memory_space<vmem>>, vector<16xi32>,
    %swap3A_1213 = vector.shape_cast %swap3A_1212 : vector<16xi32> to vector<16xi32>
    %swap3A_1214 = vector.shape_cast %add3A_1210 : vector<16xi32> to vector<16xi32>
    tpu.vector_store %arg5[%swap3A_1211], %swap3A_1214 {strides = array<i32>} : memref<1296xi32, #tpu.memory_space<vmem>>, vector<16xi32>,
    %add3A_1215 = arith.constant 1008 : i32
    %add3A_1216 = arith.addi %mul3A_2, %add3A_1215 : i32
    %iota3A_1217 = tpu.iota {dimensions = array<i32: 0>} : vector<16xi32>
    %add3A_1218 = vector.broadcast %add3A_1216 : i32 to vector<16xi32>
    %add3A_1219 = arith.addi %add3A_1218, %iota3A_1217 : vector<16xi32>
    %get3A_1220 = arith.constant 1008 : index
    %get3A_1221 = tpu.vector_load %arg5[%get3A_1220] {strides = array<i32>} : memref<1296xi32, #tpu.memory_space<vmem>>, vector<16xi32>,
    %get3A_1222 = vector.shape_cast %get3A_1221 : vector<16xi32> to vector<16xi32>
    %mul3A_1223 = arith.constant 32 : i32
    %mul3A_1224 = vector.broadcast %mul3A_1223 : i32 to vector<16xi32>
    %mul3A_1225 = arith.muli %get3A_1222, %mul3A_1224 : vector<16xi32>
    %rem3A_1226 = arith.constant 32 : i32
    %rem3A_1227 = vector.broadcast %rem3A_1226 : i32 to vector<16xi32>
    %rem3A_1228 = arith.remsi %add3A_1219, %rem3A_1227 : vector<16xi32>
    %add3A_1229 = arith.addi %mul3A_1225, %rem3A_1228 : vector<16xi32>
    %swap3A_1230 = arith.constant 1008 : index
    %swap3A_1231 = tpu.vector_load %arg5[%swap3A_1230] {strides = array<i32>} : memref<1296xi32, #tpu.memory_space<vmem>>, vector<16xi32>,
    %swap3A_1232 = vector.shape_cast %swap3A_1231 : vector<16xi32> to vector<16xi32>
    %swap3A_1233 = vector.shape_cast %add3A_1229 : vector<16xi32> to vector<16xi32>
    tpu.vector_store %arg5[%swap3A_1230], %swap3A_1233 {strides = array<i32>} : memref<1296xi32, #tpu.memory_space<vmem>>, vector<16xi32>,
    %add3A_1234 = arith.constant 1024 : i32
    %add3A_1235 = arith.addi %mul3A_2, %add3A_1234 : i32
    %iota3A_1236 = tpu.iota {dimensions = array<i32: 0>} : vector<16xi32>
    %add3A_1237 = vector.broadcast %add3A_1235 : i32 to vector<16xi32>
    %add3A_1238 = arith.addi %add3A_1237, %iota3A_1236 : vector<16xi32>
    %get3A_1239 = arith.constant 1024 : index
    %get3A_1240 = tpu.vector_load %arg5[%get3A_1239] {strides = array<i32>} : memref<1296xi32, #tpu.memory_space<vmem>>, vector<16xi32>,
    %get3A_1241 = vector.shape_cast %get3A_1240 : vector<16xi32> to vector<16xi32>
    %mul3A_1242 = arith.constant 32 : i32
    %mul3A_1243 = vector.broadcast %mul3A_1242 : i32 to vector<16xi32>
    %mul3A_1244 = arith.muli %get3A_1241, %mul3A_1243 : vector<16xi32>
    %rem3A_1245 = arith.constant 32 : i32
    %rem3A_1246 = vector.broadcast %rem3A_1245 : i32 to vector<16xi32>
    %rem3A_1247 = arith.remsi %add3A_1238, %rem3A_1246 : vector<16xi32>
    %add3A_1248 = arith.addi %mul3A_1244, %rem3A_1247 : vector<16xi32>
    %swap3A_1249 = arith.constant 1024 : index
    %swap3A_1250 = tpu.vector_load %arg5[%swap3A_1249] {strides = array<i32>} : memref<1296xi32, #tpu.memory_space<vmem>>, vector<16xi32>,
    %swap3A_1251 = vector.shape_cast %swap3A_1250 : vector<16xi32> to vector<16xi32>
    %swap3A_1252 = vector.shape_cast %add3A_1248 : vector<16xi32> to vector<16xi32>
    tpu.vector_store %arg5[%swap3A_1249], %swap3A_1252 {strides = array<i32>} : memref<1296xi32, #tpu.memory_space<vmem>>, vector<16xi32>,
    %add3A_1253 = arith.constant 1040 : i32
    %add3A_1254 = arith.addi %mul3A_2, %add3A_1253 : i32
    %iota3A_1255 = tpu.iota {dimensions = array<i32: 0>} : vector<16xi32>
    %add3A_1256 = vector.broadcast %add3A_1254 : i32 to vector<16xi32>
    %add3A_1257 = arith.addi %add3A_1256, %iota3A_1255 : vector<16xi32>
    %get3A_1258 = arith.constant 1040 : index
    %get3A_1259 = tpu.vector_load %arg5[%get3A_1258] {strides = array<i32>} : memref<1296xi32, #tpu.memory_space<vmem>>, vector<16xi32>,
    %get3A_1260 = vector.shape_cast %get3A_1259 : vector<16xi32> to vector<16xi32>
    %mul3A_1261 = arith.constant 32 : i32
    %mul3A_1262 = vector.broadcast %mul3A_1261 : i32 to vector<16xi32>
    %mul3A_1263 = arith.muli %get3A_1260, %mul3A_1262 : vector<16xi32>
    %rem3A_1264 = arith.constant 32 : i32
    %rem3A_1265 = vector.broadcast %rem3A_1264 : i32 to vector<16xi32>
    %rem3A_1266 = arith.remsi %add3A_1257, %rem3A_1265 : vector<16xi32>
    %add3A_1267 = arith.addi %mul3A_1263, %rem3A_1266 : vector<16xi32>
    %swap3A_1268 = arith.constant 1040 : index
    %swap3A_1269 = tpu.vector_load %arg5[%swap3A_1268] {strides = array<i32>} : memref<1296xi32, #tpu.memory_space<vmem>>, vector<16xi32>,
    %swap3A_1270 = vector.shape_cast %swap3A_1269 : vector<16xi32> to vector<16xi32>
    %swap3A_1271 = vector.shape_cast %add3A_1267 : vector<16xi32> to vector<16xi32>
    tpu.vector_store %arg5[%swap3A_1268], %swap3A_1271 {strides = array<i32>} : memref<1296xi32, #tpu.memory_space<vmem>>, vector<16xi32>,
    %add3A_1272 = arith.constant 1056 : i32
    %add3A_1273 = arith.addi %mul3A_2, %add3A_1272 : i32
    %iota3A_1274 = tpu.iota {dimensions = array<i32: 0>} : vector<16xi32>
    %add3A_1275 = vector.broadcast %add3A_1273 : i32 to vector<16xi32>
    %add3A_1276 = arith.addi %add3A_1275, %iota3A_1274 : vector<16xi32>
    %get3A_1277 = arith.constant 1056 : index
    %get3A_1278 = tpu.vector_load %arg5[%get3A_1277] {strides = array<i32>} : memref<1296xi32, #tpu.memory_space<vmem>>, vector<16xi32>,
    %get3A_1279 = vector.shape_cast %get3A_1278 : vector<16xi32> to vector<16xi32>
    %mul3A_1280 = arith.constant 32 : i32
    %mul3A_1281 = vector.broadcast %mul3A_1280 : i32 to vector<16xi32>
    %mul3A_1282 = arith.muli %get3A_1279, %mul3A_1281 : vector<16xi32>
    %rem3A_1283 = arith.constant 32 : i32
    %rem3A_1284 = vector.broadcast %rem3A_1283 : i32 to vector<16xi32>
    %rem3A_1285 = arith.remsi %add3A_1276, %rem3A_1284 : vector<16xi32>
    %add3A_1286 = arith.addi %mul3A_1282, %rem3A_1285 : vector<16xi32>
    %swap3A_1287 = arith.constant 1056 : index
    %swap3A_1288 = tpu.vector_load %arg5[%swap3A_1287] {strides = array<i32>} : memref<1296xi32, #tpu.memory_space<vmem>>, vector<16xi32>,
    %swap3A_1289 = vector.shape_cast %swap3A_1288 : vector<16xi32> to vector<16xi32>
    %swap3A_1290 = vector.shape_cast %add3A_1286 : vector<16xi32> to vector<16xi32>
    tpu.vector_store %arg5[%swap3A_1287], %swap3A_1290 {strides = array<i32>} : memref<1296xi32, #tpu.memory_space<vmem>>, vector<16xi32>,
    %add3A_1291 = arith.constant 1072 : i32
    %add3A_1292 = arith.addi %mul3A_2, %add3A_1291 : i32
    %iota3A_1293 = tpu.iota {dimensions = array<i32: 0>} : vector<16xi32>
    %add3A_1294 = vector.broadcast %add3A_1292 : i32 to vector<16xi32>
    %add3A_1295 = arith.addi %add3A_1294, %iota3A_1293 : vector<16xi32>
    %get3A_1296 = arith.constant 1072 : index
    %get3A_1297 = tpu.vector_load %arg5[%get3A_1296] {strides = array<i32>} : memref<1296xi32, #tpu.memory_space<vmem>>, vector<16xi32>,
    %get3A_1298 = vector.shape_cast %get3A_1297 : vector<16xi32> to vector<16xi32>
    %mul3A_1299 = arith.constant 32 : i32
    %mul3A_1300 = vector.broadcast %mul3A_1299 : i32 to vector<16xi32>
    %mul3A_1301 = arith.muli %get3A_1298, %mul3A_1300 : vector<16xi32>
    %rem3A_1302 = arith.constant 32 : i32
    %rem3A_1303 = vector.broadcast %rem3A_1302 : i32 to vector<16xi32>
    %rem3A_1304 = arith.remsi %add3A_1295, %rem3A_1303 : vector<16xi32>
    %add3A_1305 = arith.addi %mul3A_1301, %rem3A_1304 : vector<16xi32>
    %swap3A_1306 = arith.constant 1072 : index
    %swap3A_1307 = tpu.vector_load %arg5[%swap3A_1306] {strides = array<i32>} : memref<1296xi32, #tpu.memory_space<vmem>>, vector<16xi32>,
    %swap3A_1308 = vector.shape_cast %swap3A_1307 : vector<16xi32> to vector<16xi32>
    %swap3A_1309 = vector.shape_cast %add3A_1305 : vector<16xi32> to vector<16xi32>
    tpu.vector_store %arg5[%swap3A_1306], %swap3A_1309 {strides = array<i32>} : memref<1296xi32, #tpu.memory_space<vmem>>, vector<16xi32>,
    %add3A_1310 = arith.constant 1088 : i32
    %add3A_1311 = arith.addi %mul3A_2, %add3A_1310 : i32
    %iota3A_1312 = tpu.iota {dimensions = array<i32: 0>} : vector<16xi32>
    %add3A_1313 = vector.broadcast %add3A_1311 : i32 to vector<16xi32>
    %add3A_1314 = arith.addi %add3A_1313, %iota3A_1312 : vector<16xi32>
    %get3A_1315 = arith.constant 1088 : index
    %get3A_1316 = tpu.vector_load %arg5[%get3A_1315] {strides = array<i32>} : memref<1296xi32, #tpu.memory_space<vmem>>, vector<16xi32>,
    %get3A_1317 = vector.shape_cast %get3A_1316 : vector<16xi32> to vector<16xi32>
    %mul3A_1318 = arith.constant 32 : i32
    %mul3A_1319 = vector.broadcast %mul3A_1318 : i32 to vector<16xi32>
    %mul3A_1320 = arith.muli %get3A_1317, %mul3A_1319 : vector<16xi32>
    %rem3A_1321 = arith.constant 32 : i32
    %rem3A_1322 = vector.broadcast %rem3A_1321 : i32 to vector<16xi32>
    %rem3A_1323 = arith.remsi %add3A_1314, %rem3A_1322 : vector<16xi32>
    %add3A_1324 = arith.addi %mul3A_1320, %rem3A_1323 : vector<16xi32>
    %swap3A_1325 = arith.constant 1088 : index
    %swap3A_1326 = tpu.vector_load %arg5[%swap3A_1325] {strides = array<i32>} : memref<1296xi32, #tpu.memory_space<vmem>>, vector<16xi32>,
    %swap3A_1327 = vector.shape_cast %swap3A_1326 : vector<16xi32> to vector<16xi32>
    %swap3A_1328 = vector.shape_cast %add3A_1324 : vector<16xi32> to vector<16xi32>
    tpu.vector_store %arg5[%swap3A_1325], %swap3A_1328 {strides = array<i32>} : memref<1296xi32, #tpu.memory_space<vmem>>, vector<16xi32>,
    %add3A_1329 = arith.constant 1104 : i32
    %add3A_1330 = arith.addi %mul3A_2, %add3A_1329 : i32
    %iota3A_1331 = tpu.iota {dimensions = array<i32: 0>} : vector<16xi32>
    %add3A_1332 = vector.broadcast %add3A_1330 : i32 to vector<16xi32>
    %add3A_1333 = arith.addi %add3A_1332, %iota3A_1331 : vector<16xi32>
    %get3A_1334 = arith.constant 1104 : index
    %get3A_1335 = tpu.vector_load %arg5[%get3A_1334] {strides = array<i32>} : memref<1296xi32, #tpu.memory_space<vmem>>, vector<16xi32>,
    %get3A_1336 = vector.shape_cast %get3A_1335 : vector<16xi32> to vector<16xi32>
    %mul3A_1337 = arith.constant 32 : i32
    %mul3A_1338 = vector.broadcast %mul3A_1337 : i32 to vector<16xi32>
    %mul3A_1339 = arith.muli %get3A_1336, %mul3A_1338 : vector<16xi32>
    %rem3A_1340 = arith.constant 32 : i32
    %rem3A_1341 = vector.broadcast %rem3A_1340 : i32 to vector<16xi32>
    %rem3A_1342 = arith.remsi %add3A_1333, %rem3A_1341 : vector<16xi32>
    %add3A_1343 = arith.addi %mul3A_1339, %rem3A_1342 : vector<16xi32>
    %swap3A_1344 = arith.constant 1104 : index
    %swap3A_1345 = tpu.vector_load %arg5[%swap3A_1344] {strides = array<i32>} : memref<1296xi32, #tpu.memory_space<vmem>>, vector<16xi32>,
    %swap3A_1346 = vector.shape_cast %swap3A_1345 : vector<16xi32> to vector<16xi32>
    %swap3A_1347 = vector.shape_cast %add3A_1343 : vector<16xi32> to vector<16xi32>
    tpu.vector_store %arg5[%swap3A_1344], %swap3A_1347 {strides = array<i32>} : memref<1296xi32, #tpu.memory_space<vmem>>, vector<16xi32>,
    %add3A_1348 = arith.constant 1120 : i32
    %add3A_1349 = arith.addi %mul3A_2, %add3A_1348 : i32
    %iota3A_1350 = tpu.iota {dimensions = array<i32: 0>} : vector<16xi32>
    %add3A_1351 = vector.broadcast %add3A_1349 : i32 to vector<16xi32>
    %add3A_1352 = arith.addi %add3A_1351, %iota3A_1350 : vector<16xi32>
    %get3A_1353 = arith.constant 1120 : index
    %get3A_1354 = tpu.vector_load %arg5[%get3A_1353] {strides = array<i32>} : memref<1296xi32, #tpu.memory_space<vmem>>, vector<16xi32>,
    %get3A_1355 = vector.shape_cast %get3A_1354 : vector<16xi32> to vector<16xi32>
    %mul3A_1356 = arith.constant 32 : i32
    %mul3A_1357 = vector.broadcast %mul3A_1356 : i32 to vector<16xi32>
    %mul3A_1358 = arith.muli %get3A_1355, %mul3A_1357 : vector<16xi32>
    %rem3A_1359 = arith.constant 32 : i32
    %rem3A_1360 = vector.broadcast %rem3A_1359 : i32 to vector<16xi32>
    %rem3A_1361 = arith.remsi %add3A_1352, %rem3A_1360 : vector<16xi32>
    %add3A_1362 = arith.addi %mul3A_1358, %rem3A_1361 : vector<16xi32>
    %swap3A_1363 = arith.constant 1120 : index
    %swap3A_1364 = tpu.vector_load %arg5[%swap3A_1363] {strides = array<i32>} : memref<1296xi32, #tpu.memory_space<vmem>>, vector<16xi32>,
    %swap3A_1365 = vector.shape_cast %swap3A_1364 : vector<16xi32> to vector<16xi32>
    %swap3A_1366 = vector.shape_cast %add3A_1362 : vector<16xi32> to vector<16xi32>
    tpu.vector_store %arg5[%swap3A_1363], %swap3A_1366 {strides = array<i32>} : memref<1296xi32, #tpu.memory_space<vmem>>, vector<16xi32>,
    %add3A_1367 = arith.constant 1136 : i32
    %add3A_1368 = arith.addi %mul3A_2, %add3A_1367 : i32
    %iota3A_1369 = tpu.iota {dimensions = array<i32: 0>} : vector<16xi32>
    %add3A_1370 = vector.broadcast %add3A_1368 : i32 to vector<16xi32>
    %add3A_1371 = arith.addi %add3A_1370, %iota3A_1369 : vector<16xi32>
    %get3A_1372 = arith.constant 1136 : index
    %get3A_1373 = tpu.vector_load %arg5[%get3A_1372] {strides = array<i32>} : memref<1296xi32, #tpu.memory_space<vmem>>, vector<16xi32>,
    %get3A_1374 = vector.shape_cast %get3A_1373 : vector<16xi32> to vector<16xi32>
    %mul3A_1375 = arith.constant 32 : i32
    %mul3A_1376 = vector.broadcast %mul3A_1375 : i32 to vector<16xi32>
    %mul3A_1377 = arith.muli %get3A_1374, %mul3A_1376 : vector<16xi32>
    %rem3A_1378 = arith.constant 32 : i32
    %rem3A_1379 = vector.broadcast %rem3A_1378 : i32 to vector<16xi32>
    %rem3A_1380 = arith.remsi %add3A_1371, %rem3A_1379 : vector<16xi32>
    %add3A_1381 = arith.addi %mul3A_1377, %rem3A_1380 : vector<16xi32>
    %swap3A_1382 = arith.constant 1136 : index
    %swap3A_1383 = tpu.vector_load %arg5[%swap3A_1382] {strides = array<i32>} : memref<1296xi32, #tpu.memory_space<vmem>>, vector<16xi32>,
    %swap3A_1384 = vector.shape_cast %swap3A_1383 : vector<16xi32> to vector<16xi32>
    %swap3A_1385 = vector.shape_cast %add3A_1381 : vector<16xi32> to vector<16xi32>
    tpu.vector_store %arg5[%swap3A_1382], %swap3A_1385 {strides = array<i32>} : memref<1296xi32, #tpu.memory_space<vmem>>, vector<16xi32>,
    %add3A_1386 = arith.constant 1152 : i32
    %add3A_1387 = arith.addi %mul3A_2, %add3A_1386 : i32
    %iota3A_1388 = tpu.iota {dimensions = array<i32: 0>} : vector<16xi32>
    %add3A_1389 = vector.broadcast %add3A_1387 : i32 to vector<16xi32>
    %add3A_1390 = arith.addi %add3A_1389, %iota3A_1388 : vector<16xi32>
    %get3A_1391 = arith.constant 1152 : index
    %get3A_1392 = tpu.vector_load %arg5[%get3A_1391] {strides = array<i32>} : memref<1296xi32, #tpu.memory_space<vmem>>, vector<16xi32>,
    %get3A_1393 = vector.shape_cast %get3A_1392 : vector<16xi32> to vector<16xi32>
    %mul3A_1394 = arith.constant 32 : i32
    %mul3A_1395 = vector.broadcast %mul3A_1394 : i32 to vector<16xi32>
    %mul3A_1396 = arith.muli %get3A_1393, %mul3A_1395 : vector<16xi32>
    %rem3A_1397 = arith.constant 32 : i32
    %rem3A_1398 = vector.broadcast %rem3A_1397 : i32 to vector<16xi32>
    %rem3A_1399 = arith.remsi %add3A_1390, %rem3A_1398 : vector<16xi32>
    %add3A_1400 = arith.addi %mul3A_1396, %rem3A_1399 : vector<16xi32>
    %swap3A_1401 = arith.constant 1152 : index
    %swap3A_1402 = tpu.vector_load %arg5[%swap3A_1401] {strides = array<i32>} : memref<1296xi32, #tpu.memory_space<vmem>>, vector<16xi32>,
    %swap3A_1403 = vector.shape_cast %swap3A_1402 : vector<16xi32> to vector<16xi32>
    %swap3A_1404 = vector.shape_cast %add3A_1400 : vector<16xi32> to vector<16xi32>
    tpu.vector_store %arg5[%swap3A_1401], %swap3A_1404 {strides = array<i32>} : memref<1296xi32, #tpu.memory_space<vmem>>, vector<16xi32>,
    %add3A_1405 = arith.constant 1168 : i32
    %add3A_1406 = arith.addi %mul3A_2, %add3A_1405 : i32
    %iota3A_1407 = tpu.iota {dimensions = array<i32: 0>} : vector<16xi32>
    %add3A_1408 = vector.broadcast %add3A_1406 : i32 to vector<16xi32>
    %add3A_1409 = arith.addi %add3A_1408, %iota3A_1407 : vector<16xi32>
    %get3A_1410 = arith.constant 1168 : index
    %get3A_1411 = tpu.vector_load %arg5[%get3A_1410] {strides = array<i32>} : memref<1296xi32, #tpu.memory_space<vmem>>, vector<16xi32>,
    %get3A_1412 = vector.shape_cast %get3A_1411 : vector<16xi32> to vector<16xi32>
    %mul3A_1413 = arith.constant 32 : i32
    %mul3A_1414 = vector.broadcast %mul3A_1413 : i32 to vector<16xi32>
    %mul3A_1415 = arith.muli %get3A_1412, %mul3A_1414 : vector<16xi32>
    %rem3A_1416 = arith.constant 32 : i32
    %rem3A_1417 = vector.broadcast %rem3A_1416 : i32 to vector<16xi32>
    %rem3A_1418 = arith.remsi %add3A_1409, %rem3A_1417 : vector<16xi32>
    %add3A_1419 = arith.addi %mul3A_1415, %rem3A_1418 : vector<16xi32>
    %swap3A_1420 = arith.constant 1168 : index
    %swap3A_1421 = tpu.vector_load %arg5[%swap3A_1420] {strides = array<i32>} : memref<1296xi32, #tpu.memory_space<vmem>>, vector<16xi32>,
    %swap3A_1422 = vector.shape_cast %swap3A_1421 : vector<16xi32> to vector<16xi32>
    %swap3A_1423 = vector.shape_cast %add3A_1419 : vector<16xi32> to vector<16xi32>
    tpu.vector_store %arg5[%swap3A_1420], %swap3A_1423 {strides = array<i32>} : memref<1296xi32, #tpu.memory_space<vmem>>, vector<16xi32>,
    %add3A_1424 = arith.constant 1184 : i32
    %add3A_1425 = arith.addi %mul3A_2, %add3A_1424 : i32
    %iota3A_1426 = tpu.iota {dimensions = array<i32: 0>} : vector<16xi32>
    %add3A_1427 = vector.broadcast %add3A_1425 : i32 to vector<16xi32>
    %add3A_1428 = arith.addi %add3A_1427, %iota3A_1426 : vector<16xi32>
    %get3A_1429 = arith.constant 1184 : index
    %get3A_1430 = tpu.vector_load %arg5[%get3A_1429] {strides = array<i32>} : memref<1296xi32, #tpu.memory_space<vmem>>, vector<16xi32>,
    %get3A_1431 = vector.shape_cast %get3A_1430 : vector<16xi32> to vector<16xi32>
    %mul3A_1432 = arith.constant 32 : i32
    %mul3A_1433 = vector.broadcast %mul3A_1432 : i32 to vector<16xi32>
    %mul3A_1434 = arith.muli %get3A_1431, %mul3A_1433 : vector<16xi32>
    %rem3A_1435 = arith.constant 32 : i32
    %rem3A_1436 = vector.broadcast %rem3A_1435 : i32 to vector<16xi32>
    %rem3A_1437 = arith.remsi %add3A_1428, %rem3A_1436 : vector<16xi32>
    %add3A_1438 = arith.addi %mul3A_1434, %rem3A_1437 : vector<16xi32>
    %swap3A_1439 = arith.constant 1184 : index
    %swap3A_1440 = tpu.vector_load %arg5[%swap3A_1439] {strides = array<i32>} : memref<1296xi32, #tpu.memory_space<vmem>>, vector<16xi32>,
    %swap3A_1441 = vector.shape_cast %swap3A_1440 : vector<16xi32> to vector<16xi32>
    %swap3A_1442 = vector.shape_cast %add3A_1438 : vector<16xi32> to vector<16xi32>
    tpu.vector_store %arg5[%swap3A_1439], %swap3A_1442 {strides = array<i32>} : memref<1296xi32, #tpu.memory_space<vmem>>, vector<16xi32>,
    %add3A_1443 = arith.constant 1200 : i32
    %add3A_1444 = arith.addi %mul3A_2, %add3A_1443 : i32
    %iota3A_1445 = tpu.iota {dimensions = array<i32: 0>} : vector<16xi32>
    %add3A_1446 = vector.broadcast %add3A_1444 : i32 to vector<16xi32>
    %add3A_1447 = arith.addi %add3A_1446, %iota3A_1445 : vector<16xi32>
    %get3A_1448 = arith.constant 1200 : index
    %get3A_1449 = tpu.vector_load %arg5[%get3A_1448] {strides = array<i32>} : memref<1296xi32, #tpu.memory_space<vmem>>, vector<16xi32>,
    %get3A_1450 = vector.shape_cast %get3A_1449 : vector<16xi32> to vector<16xi32>
    %mul3A_1451 = arith.constant 32 : i32
    %mul3A_1452 = vector.broadcast %mul3A_1451 : i32 to vector<16xi32>
    %mul3A_1453 = arith.muli %get3A_1450, %mul3A_1452 : vector<16xi32>
    %rem3A_1454 = arith.constant 32 : i32
    %rem3A_1455 = vector.broadcast %rem3A_1454 : i32 to vector<16xi32>
    %rem3A_1456 = arith.remsi %add3A_1447, %rem3A_1455 : vector<16xi32>
    %add3A_1457 = arith.addi %mul3A_1453, %rem3A_1456 : vector<16xi32>
    %swap3A_1458 = arith.constant 1200 : index
    %swap3A_1459 = tpu.vector_load %arg5[%swap3A_1458] {strides = array<i32>} : memref<1296xi32, #tpu.memory_space<vmem>>, vector<16xi32>,
    %swap3A_1460 = vector.shape_cast %swap3A_1459 : vector<16xi32> to vector<16xi32>
    %swap3A_1461 = vector.shape_cast %add3A_1457 : vector<16xi32> to vector<16xi32>
    tpu.vector_store %arg5[%swap3A_1458], %swap3A_1461 {strides = array<i32>} : memref<1296xi32, #tpu.memory_space<vmem>>, vector<16xi32>,
    %add3A_1462 = arith.constant 1216 : i32
    %add3A_1463 = arith.addi %mul3A_2, %add3A_1462 : i32
    %iota3A_1464 = tpu.iota {dimensions = array<i32: 0>} : vector<16xi32>
    %add3A_1465 = vector.broadcast %add3A_1463 : i32 to vector<16xi32>
    %add3A_1466 = arith.addi %add3A_1465, %iota3A_1464 : vector<16xi32>
    %get3A_1467 = arith.constant 1216 : index
    %get3A_1468 = tpu.vector_load %arg5[%get3A_1467] {strides = array<i32>} : memref<1296xi32, #tpu.memory_space<vmem>>, vector<16xi32>,
    %get3A_1469 = vector.shape_cast %get3A_1468 : vector<16xi32> to vector<16xi32>
    %mul3A_1470 = arith.constant 32 : i32
    %mul3A_1471 = vector.broadcast %mul3A_1470 : i32 to vector<16xi32>
    %mul3A_1472 = arith.muli %get3A_1469, %mul3A_1471 : vector<16xi32>
    %rem3A_1473 = arith.constant 32 : i32
    %rem3A_1474 = vector.broadcast %rem3A_1473 : i32 to vector<16xi32>
    %rem3A_1475 = arith.remsi %add3A_1466, %rem3A_1474 : vector<16xi32>
    %add3A_1476 = arith.addi %mul3A_1472, %rem3A_1475 : vector<16xi32>
    %swap3A_1477 = arith.constant 1216 : index
    %swap3A_1478 = tpu.vector_load %arg5[%swap3A_1477] {strides = array<i32>} : memref<1296xi32, #tpu.memory_space<vmem>>, vector<16xi32>,
    %swap3A_1479 = vector.shape_cast %swap3A_1478 : vector<16xi32> to vector<16xi32>
    %swap3A_1480 = vector.shape_cast %add3A_1476 : vector<16xi32> to vector<16xi32>
    tpu.vector_store %arg5[%swap3A_1477], %swap3A_1480 {strides = array<i32>} : memref<1296xi32, #tpu.memory_space<vmem>>, vector<16xi32>,
    %add3A_1481 = arith.constant 1232 : i32
    %add3A_1482 = arith.addi %mul3A_2, %add3A_1481 : i32
    %iota3A_1483 = tpu.iota {dimensions = array<i32: 0>} : vector<16xi32>
    %add3A_1484 = vector.broadcast %add3A_1482 : i32 to vector<16xi32>
    %add3A_1485 = arith.addi %add3A_1484, %iota3A_1483 : vector<16xi32>
    %get3A_1486 = arith.constant 1232 : index
    %get3A_1487 = tpu.vector_load %arg5[%get3A_1486] {strides = array<i32>} : memref<1296xi32, #tpu.memory_space<vmem>>, vector<16xi32>,
    %get3A_1488 = vector.shape_cast %get3A_1487 : vector<16xi32> to vector<16xi32>
    %mul3A_1489 = arith.constant 32 : i32
    %mul3A_1490 = vector.broadcast %mul3A_1489 : i32 to vector<16xi32>
    %mul3A_1491 = arith.muli %get3A_1488, %mul3A_1490 : vector<16xi32>
    %rem3A_1492 = arith.constant 32 : i32
    %rem3A_1493 = vector.broadcast %rem3A_1492 : i32 to vector<16xi32>
    %rem3A_1494 = arith.remsi %add3A_1485, %rem3A_1493 : vector<16xi32>
    %add3A_1495 = arith.addi %mul3A_1491, %rem3A_1494 : vector<16xi32>
    %swap3A_1496 = arith.constant 1232 : index
    %swap3A_1497 = tpu.vector_load %arg5[%swap3A_1496] {strides = array<i32>} : memref<1296xi32, #tpu.memory_space<vmem>>, vector<16xi32>,
    %swap3A_1498 = vector.shape_cast %swap3A_1497 : vector<16xi32> to vector<16xi32>
    %swap3A_1499 = vector.shape_cast %add3A_1495 : vector<16xi32> to vector<16xi32>
    tpu.vector_store %arg5[%swap3A_1496], %swap3A_1499 {strides = array<i32>} : memref<1296xi32, #tpu.memory_space<vmem>>, vector<16xi32>,
    %add3A_1500 = arith.constant 1248 : i32
    %add3A_1501 = arith.addi %mul3A_2, %add3A_1500 : i32
    %iota3A_1502 = tpu.iota {dimensions = array<i32: 0>} : vector<16xi32>
    %add3A_1503 = vector.broadcast %add3A_1501 : i32 to vector<16xi32>
    %add3A_1504 = arith.addi %add3A_1503, %iota3A_1502 : vector<16xi32>
    %get3A_1505 = arith.constant 1248 : index
    %get3A_1506 = tpu.vector_load %arg5[%get3A_1505] {strides = array<i32>} : memref<1296xi32, #tpu.memory_space<vmem>>, vector<16xi32>,
    %get3A_1507 = vector.shape_cast %get3A_1506 : vector<16xi32> to vector<16xi32>
    %mul3A_1508 = arith.constant 32 : i32
    %mul3A_1509 = vector.broadcast %mul3A_1508 : i32 to vector<16xi32>
    %mul3A_1510 = arith.muli %get3A_1507, %mul3A_1509 : vector<16xi32>
    %rem3A_1511 = arith.constant 32 : i32
    %rem3A_1512 = vector.broadcast %rem3A_1511 : i32 to vector<16xi32>
    %rem3A_1513 = arith.remsi %add3A_1504, %rem3A_1512 : vector<16xi32>
    %add3A_1514 = arith.addi %mul3A_1510, %rem3A_1513 : vector<16xi32>
    %swap3A_1515 = arith.constant 1248 : index
    %swap3A_1516 = tpu.vector_load %arg5[%swap3A_1515] {strides = array<i32>} : memref<1296xi32, #tpu.memory_space<vmem>>, vector<16xi32>,
    %swap3A_1517 = vector.shape_cast %swap3A_1516 : vector<16xi32> to vector<16xi32>
    %swap3A_1518 = vector.shape_cast %add3A_1514 : vector<16xi32> to vector<16xi32>
    tpu.vector_store %arg5[%swap3A_1515], %swap3A_1518 {strides = array<i32>} : memref<1296xi32, #tpu.memory_space<vmem>>, vector<16xi32>,
    %add3A_1519 = arith.constant 1264 : i32
    %add3A_1520 = arith.addi %mul3A_2, %add3A_1519 : i32
    %iota3A_1521 = tpu.iota {dimensions = array<i32: 0>} : vector<16xi32>
    %add3A_1522 = vector.broadcast %add3A_1520 : i32 to vector<16xi32>
    %add3A_1523 = arith.addi %add3A_1522, %iota3A_1521 : vector<16xi32>
    %get3A_1524 = arith.constant 1264 : index
    %get3A_1525 = tpu.vector_load %arg5[%get3A_1524] {strides = array<i32>} : memref<1296xi32, #tpu.memory_space<vmem>>, vector<16xi32>,
    %get3A_1526 = vector.shape_cast %get3A_1525 : vector<16xi32> to vector<16xi32>
    %mul3A_1527 = arith.constant 32 : i32
    %mul3A_1528 = vector.broadcast %mul3A_1527 : i32 to vector<16xi32>
    %mul3A_1529 = arith.muli %get3A_1526, %mul3A_1528 : vector<16xi32>
    %rem3A_1530 = arith.constant 32 : i32
    %rem3A_1531 = vector.broadcast %rem3A_1530 : i32 to vector<16xi32>
    %rem3A_1532 = arith.remsi %add3A_1523, %rem3A_1531 : vector<16xi32>
    %add3A_1533 = arith.addi %mul3A_1529, %rem3A_1532 : vector<16xi32>
    %swap3A_1534 = arith.constant 1264 : index
    %swap3A_1535 = tpu.vector_load %arg5[%swap3A_1534] {strides = array<i32>} : memref<1296xi32, #tpu.memory_space<vmem>>, vector<16xi32>,
    %swap3A_1536 = vector.shape_cast %swap3A_1535 : vector<16xi32> to vector<16xi32>
    %swap3A_1537 = vector.shape_cast %add3A_1533 : vector<16xi32> to vector<16xi32>
    tpu.vector_store %arg5[%swap3A_1534], %swap3A_1537 {strides = array<i32>} : memref<1296xi32, #tpu.memory_space<vmem>>, vector<16xi32>,
    %add3A_1538 = arith.constant 1280 : i32
    %add3A_1539 = arith.addi %mul3A_2, %add3A_1538 : i32
    %iota3A_1540 = tpu.iota {dimensions = array<i32: 0>} : vector<16xi32>
    %add3A_1541 = vector.broadcast %add3A_1539 : i32 to vector<16xi32>
    %add3A_1542 = arith.addi %add3A_1541, %iota3A_1540 : vector<16xi32>
    %get3A_1543 = arith.constant 1280 : index
    %get3A_1544 = tpu.vector_load %arg5[%get3A_1543] {strides = array<i32>} : memref<1296xi32, #tpu.memory_space<vmem>>, vector<16xi32>,
    %get3A_1545 = vector.shape_cast %get3A_1544 : vector<16xi32> to vector<16xi32>
    %mul3A_1546 = arith.constant 32 : i32
    %mul3A_1547 = vector.broadcast %mul3A_1546 : i32 to vector<16xi32>
    %mul3A_1548 = arith.muli %get3A_1545, %mul3A_1547 : vector<16xi32>
    %rem3A_1549 = arith.constant 32 : i32
    %rem3A_1550 = vector.broadcast %rem3A_1549 : i32 to vector<16xi32>
    %rem3A_1551 = arith.remsi %add3A_1542, %rem3A_1550 : vector<16xi32>
    %add3A_1552 = arith.addi %mul3A_1548, %rem3A_1551 : vector<16xi32>
    %swap3A_1553 = arith.constant 1280 : index
    %swap3A_1554 = tpu.vector_load %arg5[%swap3A_1553] {strides = array<i32>} : memref<1296xi32, #tpu.memory_space<vmem>>, vector<16xi32>,
    %swap3A_1555 = vector.shape_cast %swap3A_1554 : vector<16xi32> to vector<16xi32>
    %swap3A_1556 = vector.shape_cast %add3A_1552 : vector<16xi32> to vector<16xi32>
    tpu.vector_store %arg5[%swap3A_1553], %swap3A_1556 {strides = array<i32>} : memref<1296xi32, #tpu.memory_space<vmem>>, vector<16xi32>,
    %dma_wait3A = arith.constant 0 : i32
    %dma_wait3A_1557 = arith.constant 0 : i32
    %dma_wait3A_1558 = arith.constant 0 : i32
    %dma_wait3A_1559 = tpu.memref_slice %arg6[%dma_wait3A, %dma_wait3A_1557, %dma_wait3A_1558] : memref<2x72x768xf32, #tpu.memory_space<vmem>> -> memref<1x72x768xf32, #tpu.memory_space<vmem>>
    %dma_wait3A_1560 = tpu.memref_squeeze %dma_wait3A_1559 : memref<1x72x768xf32, #tpu.memory_space<vmem>> -> memref<72x768xf32, #tpu.memory_space<vmem>>
    %dma_wait3A_1561 = arith.constant 0 : i32
    %dma_wait3A_1562 = tpu.memref_slice %arg5[%dma_wait3A_1561] : memref<1296xi32, #tpu.memory_space<vmem>> -> memref<72xi32, #tpu.memory_space<vmem>>
    %dma_wait3A_1563 = arith.constant 0 : i32
    %dma_wait3A_1564 = arith.constant 0 : i32
    %dma_wait3A_1565 = tpu.memref_slice %arg2[%dma_wait3A_1563, %dma_wait3A_1564] : memref<55296x768xf32, #tpu.memory_space<hbm>> -> memref<55296x768xf32, #tpu.memory_space<hbm>>
    tpu.wait_indirect_dma semaphore(%arg7 : memref<!tpu.dma_semaphore, #tpu.memory_space<semaphore_mem>>) src(%dma_wait3A_1565 : memref<55296x768xf32, #tpu.memory_space<hbm>>) dst(%dma_wait3A_1560 : memref<72x768xf32, #tpu.memory_space<vmem>>)
    %add3A_1566 = arith.constant 0 : i32
    %add3A_1567 = arith.addi %mul3A_2, %add3A_1566 : i32
    %dma_start3A_1568 = arith.constant 0 : i32
    %dma_start3A_1569 = arith.constant 0 : i32
    %dma_start3A_1570 = arith.constant 0 : i32
    %dma_start3A_1571 = tpu.memref_slice %arg6[%dma_start3A_1568, %dma_start3A_1569, %dma_start3A_1570] : memref<2x72x768xf32, #tpu.memory_space<vmem>> -> memref<1x72x768xf32, #tpu.memory_space<vmem>>
    %dma_start3A_1572 = tpu.memref_squeeze %dma_start3A_1571 : memref<1x72x768xf32, #tpu.memory_space<vmem>> -> memref<72x768xf32, #tpu.memory_space<vmem>>
    %dma_start3A_1573 = arith.constant 0 : i32
    %dma_start3A_1574 = tpu.memref_slice %arg4[%add3A_1567, %dma_start3A_1573] : memref<41472x768xf32, #tpu.memory_space<hbm>> -> memref<72x768xf32, #tpu.memory_space<hbm>>
    %dma_start3A_1575 = arith.constant 0 : i32
    %dma_start3A_1576 = tpu.memref_slice %arg4[%add3A_1567, %dma_start3A_1575] : memref<41472x768xf32, #tpu.memory_space<hbm>> -> memref<72x768xf32, #tpu.memory_space<hbm>>
    %dma_start3A_1577 = arith.constant 0 : i32
    %dma_start3A_1578 = arith.constant 0 : i32
    %dma_start3A_1579 = tpu.memref_slice %arg6[%dma_start3A_1568, %dma_start3A_1577, %dma_start3A_1578] : memref<2x72x768xf32, #tpu.memory_space<vmem>> -> memref<1x72x768xf32, #tpu.memory_space<vmem>>
    %dma_start3A_1580 = tpu.memref_squeeze %dma_start3A_1579 : memref<1x72x768xf32, #tpu.memory_space<vmem>> -> memref<72x768xf32, #tpu.memory_space<vmem>>
    tpu.enqueue_dma source(%dma_start3A_1580 : memref<72x768xf32, #tpu.memory_space<vmem>>) target(%dma_start3A_1576 : memref<72x768xf32, #tpu.memory_space<hbm>>) target_semaphore(%arg9 : memref<!tpu.dma_semaphore, #tpu.memory_space<semaphore_mem>>)
    %dma_wait3A_1581 = arith.constant 0 : i32
    %dma_wait3A_1582 = arith.constant 0 : i32
    %dma_wait3A_1583 = arith.constant 0 : i32
    %dma_wait3A_1584 = tpu.memref_slice %arg6[%dma_wait3A_1581, %dma_wait3A_1582, %dma_wait3A_1583] : memref<2x72x768xf32, #tpu.memory_space<vmem>> -> memref<1x72x768xf32, #tpu.memory_space<vmem>>
    %dma_wait3A_1585 = tpu.memref_squeeze %dma_wait3A_1584 : memref<1x72x768xf32, #tpu.memory_space<vmem>> -> memref<72x768xf32, #tpu.memory_space<vmem>>
    %dma_wait3A_1586 = arith.constant 0 : i32
    %dma_wait3A_1587 = tpu.memref_slice %arg4[%add3A_1567, %dma_wait3A_1586] : memref<41472x768xf32, #tpu.memory_space<hbm>> -> memref<72x768xf32, #tpu.memory_space<hbm>>
    %dma_wait3A_1588 = arith.constant 0 : i32
    %dma_wait3A_1589 = tpu.memref_slice %arg4[%add3A_1567, %dma_wait3A_1588] : memref<41472x768xf32, #tpu.memory_space<hbm>> -> memref<72x768xf32, #tpu.memory_space<hbm>>
    %dma_wait3A_1590 = arith.constant 0 : i32
    %dma_wait3A_1591 = arith.constant 0 : i32
    %dma_wait3A_1592 = tpu.memref_slice %arg6[%dma_wait3A_1581, %dma_wait3A_1590, %dma_wait3A_1591] : memref<2x72x768xf32, #tpu.memory_space<vmem>> -> memref<1x72x768xf32, #tpu.memory_space<vmem>>
    %dma_wait3A_1593 = tpu.memref_squeeze %dma_wait3A_1592 : memref<1x72x768xf32, #tpu.memory_space<vmem>> -> memref<72x768xf32, #tpu.memory_space<vmem>>
    tpu.wait_dma2 semaphore(%arg9 : memref<!tpu.dma_semaphore, #tpu.memory_space<semaphore_mem>>) src(%dma_wait3A_1593 : memref<72x768xf32, #tpu.memory_space<vmem>>) dst(%dma_wait3A_1589 : memref<72x768xf32, #tpu.memory_space<hbm>>)
    %dma_start3A_1594 = arith.constant 0 : i32
    %dma_start3A_1595 = arith.constant 0 : i32
    %dma_start3A_1596 = arith.constant 0 : i32
    %dma_start3A_1597 = tpu.memref_slice %arg6[%dma_start3A_1594, %dma_start3A_1595, %dma_start3A_1596] : memref<2x72x768xf32, #tpu.memory_space<vmem>> -> memref<1x72x768xf32, #tpu.memory_space<vmem>>
    %dma_start3A_1598 = tpu.memref_squeeze %dma_start3A_1597 : memref<1x72x768xf32, #tpu.memory_space<vmem>> -> memref<72x768xf32, #tpu.memory_space<vmem>>
    %dma_start3A_1599 = arith.constant 144 : i32
    %dma_start3A_1600 = tpu.memref_slice %arg5[%dma_start3A_1599] : memref<1296xi32, #tpu.memory_space<vmem>> -> memref<72xi32, #tpu.memory_space<vmem>>
    %dma_start3A_1601 = arith.constant 0 : i32
    %dma_start3A_1602 = arith.constant 0 : i32
    %dma_start3A_1603 = tpu.memref_slice %arg2[%dma_start3A_1601, %dma_start3A_1602] : memref<55296x768xf32, #tpu.memory_space<hbm>> -> memref<55296x768xf32, #tpu.memory_space<hbm>>
    tpu.enqueue_indirect_dma source(%dma_start3A_1603 : memref<55296x768xf32, #tpu.memory_space<hbm>>) target(%dma_start3A_1598 : memref<72x768xf32, #tpu.memory_space<vmem>>) offsets(%dma_start3A_1600 : memref<72xi32, #tpu.memory_space<vmem>>) semaphore(%arg7 : memref<!tpu.dma_semaphore, #tpu.memory_space<semaphore_mem>>)
    %dma_wait3A_1604 = arith.constant 1 : i32
    %dma_wait3A_1605 = arith.constant 0 : i32
    %dma_wait3A_1606 = arith.constant 0 : i32
    %dma_wait3A_1607 = tpu.memref_slice %arg6[%dma_wait3A_1604, %dma_wait3A_1605, %dma_wait3A_1606] : memref<2x72x768xf32, #tpu.memory_space<vmem>> -> memref<1x72x768xf32, #tpu.memory_space<vmem>>
    %dma_wait3A_1608 = tpu.memref_squeeze %dma_wait3A_1607 : memref<1x72x768xf32, #tpu.memory_space<vmem>> -> memref<72x768xf32, #tpu.memory_space<vmem>>
    %dma_wait3A_1609 = arith.constant 72 : i32
    %dma_wait3A_1610 = tpu.memref_slice %arg5[%dma_wait3A_1609] : memref<1296xi32, #tpu.memory_space<vmem>> -> memref<72xi32, #tpu.memory_space<vmem>>
    %dma_wait3A_1611 = arith.constant 0 : i32
    %dma_wait3A_1612 = arith.constant 0 : i32
    %dma_wait3A_1613 = tpu.memref_slice %arg2[%dma_wait3A_1611, %dma_wait3A_1612] : memref<55296x768xf32, #tpu.memory_space<hbm>> -> memref<55296x768xf32, #tpu.memory_space<hbm>>
    tpu.wait_indirect_dma semaphore(%arg8 : memref<!tpu.dma_semaphore, #tpu.memory_space<semaphore_mem>>) src(%dma_wait3A_1613 : memref<55296x768xf32, #tpu.memory_space<hbm>>) dst(%dma_wait3A_1608 : memref<72x768xf32, #tpu.memory_space<vmem>>)
    %add3A_1614 = arith.constant 72 : i32
    %add3A_1615 = arith.addi %mul3A_2, %add3A_1614 : i32
    %dma_start3A_1616 = arith.constant 1 : i32
    %dma_start3A_1617 = arith.constant 0 : i32
    %dma_start3A_1618 = arith.constant 0 : i32
    %dma_start3A_1619 = tpu.memref_slice %arg6[%dma_start3A_1616, %dma_start3A_1617, %dma_start3A_1618] : memref<2x72x768xf32, #tpu.memory_space<vmem>> -> memref<1x72x768xf32, #tpu.memory_space<vmem>>
    %dma_start3A_1620 = tpu.memref_squeeze %dma_start3A_1619 : memref<1x72x768xf32, #tpu.memory_space<vmem>> -> memref<72x768xf32, #tpu.memory_space<vmem>>
    %dma_start3A_1621 = arith.constant 0 : i32
    %dma_start3A_1622 = tpu.memref_slice %arg4[%add3A_1615, %dma_start3A_1621] : memref<41472x768xf32, #tpu.memory_space<hbm>> -> memref<72x768xf32, #tpu.memory_space<hbm>>
    %dma_start3A_1623 = arith.constant 0 : i32
    %dma_start3A_1624 = tpu.memref_slice %arg4[%add3A_1615, %dma_start3A_1623] : memref<41472x768xf32, #tpu.memory_space<hbm>> -> memref<72x768xf32, #tpu.memory_space<hbm>>
    %dma_start3A_1625 = arith.constant 0 : i32
    %dma_start3A_1626 = arith.constant 0 : i32
    %dma_start3A_1627 = tpu.memref_slice %arg6[%dma_start3A_1616, %dma_start3A_1625, %dma_start3A_1626] : memref<2x72x768xf32, #tpu.memory_space<vmem>> -> memref<1x72x768xf32, #tpu.memory_space<vmem>>
    %dma_start3A_1628 = tpu.memref_squeeze %dma_start3A_1627 : memref<1x72x768xf32, #tpu.memory_space<vmem>> -> memref<72x768xf32, #tpu.memory_space<vmem>>
    tpu.enqueue_dma source(%dma_start3A_1628 : memref<72x768xf32, #tpu.memory_space<vmem>>) target(%dma_start3A_1624 : memref<72x768xf32, #tpu.memory_space<hbm>>) target_semaphore(%arg10 : memref<!tpu.dma_semaphore, #tpu.memory_space<semaphore_mem>>)
    %dma_wait3A_1629 = arith.constant 1 : i32
    %dma_wait3A_1630 = arith.constant 0 : i32
    %dma_wait3A_1631 = arith.constant 0 : i32
    %dma_wait3A_1632 = tpu.memref_slice %arg6[%dma_wait3A_1629, %dma_wait3A_1630, %dma_wait3A_1631] : memref<2x72x768xf32, #tpu.memory_space<vmem>> -> memref<1x72x768xf32, #tpu.memory_space<vmem>>
    %dma_wait3A_1633 = tpu.memref_squeeze %dma_wait3A_1632 : memref<1x72x768xf32, #tpu.memory_space<vmem>> -> memref<72x768xf32, #tpu.memory_space<vmem>>
    %dma_wait3A_1634 = arith.constant 0 : i32
    %dma_wait3A_1635 = tpu.memref_slice %arg4[%add3A_1615, %dma_wait3A_1634] : memref<41472x768xf32, #tpu.memory_space<hbm>> -> memref<72x768xf32, #tpu.memory_space<hbm>>
    %dma_wait3A_1636 = arith.constant 0 : i32
    %dma_wait3A_1637 = tpu.memref_slice %arg4[%add3A_1615, %dma_wait3A_1636] : memref<41472x768xf32, #tpu.memory_space<hbm>> -> memref<72x768xf32, #tpu.memory_space<hbm>>
    %dma_wait3A_1638 = arith.constant 0 : i32
    %dma_wait3A_1639 = arith.constant 0 : i32
    %dma_wait3A_1640 = tpu.memref_slice %arg6[%dma_wait3A_1629, %dma_wait3A_1638, %dma_wait3A_1639] : memref<2x72x768xf32, #tpu.memory_space<vmem>> -> memref<1x72x768xf32, #tpu.memory_space<vmem>>
    %dma_wait3A_1641 = tpu.memref_squeeze %dma_wait3A_1640 : memref<1x72x768xf32, #tpu.memory_space<vmem>> -> memref<72x768xf32, #tpu.memory_space<vmem>>
    tpu.wait_dma2 semaphore(%arg10 : memref<!tpu.dma_semaphore, #tpu.memory_space<semaphore_mem>>) src(%dma_wait3A_1641 : memref<72x768xf32, #tpu.memory_space<vmem>>) dst(%dma_wait3A_1637 : memref<72x768xf32, #tpu.memory_space<hbm>>)
    %dma_start3A_1642 = arith.constant 1 : i32
    %dma_start3A_1643 = arith.constant 0 : i32
    %dma_start3A_1644 = arith.constant 0 : i32
    %dma_start3A_1645 = tpu.memref_slice %arg6[%dma_start3A_1642, %dma_start3A_1643, %dma_start3A_1644] : memref<2x72x768xf32, #tpu.memory_space<vmem>> -> memref<1x72x768xf32, #tpu.memory_space<vmem>>
    %dma_start3A_1646 = tpu.memref_squeeze %dma_start3A_1645 : memref<1x72x768xf32, #tpu.memory_space<vmem>> -> memref<72x768xf32, #tpu.memory_space<vmem>>
    %dma_start3A_1647 = arith.constant 216 : i32
    %dma_start3A_1648 = tpu.memref_slice %arg5[%dma_start3A_1647] : memref<1296xi32, #tpu.memory_space<vmem>> -> memref<72xi32, #tpu.memory_space<vmem>>
    %dma_start3A_1649 = arith.constant 0 : i32
    %dma_start3A_1650 = arith.constant 0 : i32
    %dma_start3A_1651 = tpu.memref_slice %arg2[%dma_start3A_1649, %dma_start3A_1650] : memref<55296x768xf32, #tpu.memory_space<hbm>> -> memref<55296x768xf32, #tpu.memory_space<hbm>>
    tpu.enqueue_indirect_dma source(%dma_start3A_1651 : memref<55296x768xf32, #tpu.memory_space<hbm>>) target(%dma_start3A_1646 : memref<72x768xf32, #tpu.memory_space<vmem>>) offsets(%dma_start3A_1648 : memref<72xi32, #tpu.memory_space<vmem>>) semaphore(%arg8 : memref<!tpu.dma_semaphore, #tpu.memory_space<semaphore_mem>>)
    %dma_wait3A_1652 = arith.constant 0 : i32
    %dma_wait3A_1653 = arith.constant 0 : i32
    %dma_wait3A_1654 = arith.constant 0 : i32
    %dma_wait3A_1655 = tpu.memref_slice %arg6[%dma_wait3A_1652, %dma_wait3A_1653, %dma_wait3A_1654] : memref<2x72x768xf32, #tpu.memory_space<vmem>> -> memref<1x72x768xf32, #tpu.memory_space<vmem>>
    %dma_wait3A_1656 = tpu.memref_squeeze %dma_wait3A_1655 : memref<1x72x768xf32, #tpu.memory_space<vmem>> -> memref<72x768xf32, #tpu.memory_space<vmem>>
    %dma_wait3A_1657 = arith.constant 144 : i32
    %dma_wait3A_1658 = tpu.memref_slice %arg5[%dma_wait3A_1657] : memref<1296xi32, #tpu.memory_space<vmem>> -> memref<72xi32, #tpu.memory_space<vmem>>
    %dma_wait3A_1659 = arith.constant 0 : i32
    %dma_wait3A_1660 = arith.constant 0 : i32
    %dma_wait3A_1661 = tpu.memref_slice %arg2[%dma_wait3A_1659, %dma_wait3A_1660] : memref<55296x768xf32, #tpu.memory_space<hbm>> -> memref<55296x768xf32, #tpu.memory_space<hbm>>
    tpu.wait_indirect_dma semaphore(%arg7 : memref<!tpu.dma_semaphore, #tpu.memory_space<semaphore_mem>>) src(%dma_wait3A_1661 : memref<55296x768xf32, #tpu.memory_space<hbm>>) dst(%dma_wait3A_1656 : memref<72x768xf32, #tpu.memory_space<vmem>>)
    %add3A_1662 = arith.constant 144 : i32
    %add3A_1663 = arith.addi %mul3A_2, %add3A_1662 : i32
    %dma_start3A_1664 = arith.constant 0 : i32
    %dma_start3A_1665 = arith.constant 0 : i32
    %dma_start3A_1666 = arith.constant 0 : i32
    %dma_start3A_1667 = tpu.memref_slice %arg6[%dma_start3A_1664, %dma_start3A_1665, %dma_start3A_1666] : memref<2x72x768xf32, #tpu.memory_space<vmem>> -> memref<1x72x768xf32, #tpu.memory_space<vmem>>
    %dma_start3A_1668 = tpu.memref_squeeze %dma_start3A_1667 : memref<1x72x768xf32, #tpu.memory_space<vmem>> -> memref<72x768xf32, #tpu.memory_space<vmem>>
    %dma_start3A_1669 = arith.constant 0 : i32
    %dma_start3A_1670 = tpu.memref_slice %arg4[%add3A_1663, %dma_start3A_1669] : memref<41472x768xf32, #tpu.memory_space<hbm>> -> memref<72x768xf32, #tpu.memory_space<hbm>>
    %dma_start3A_1671 = arith.constant 0 : i32
    %dma_start3A_1672 = tpu.memref_slice %arg4[%add3A_1663, %dma_start3A_1671] : memref<41472x768xf32, #tpu.memory_space<hbm>> -> memref<72x768xf32, #tpu.memory_space<hbm>>
    %dma_start3A_1673 = arith.constant 0 : i32
    %dma_start3A_1674 = arith.constant 0 : i32
    %dma_start3A_1675 = tpu.memref_slice %arg6[%dma_start3A_1664, %dma_start3A_1673, %dma_start3A_1674] : memref<2x72x768xf32, #tpu.memory_space<vmem>> -> memref<1x72x768xf32, #tpu.memory_space<vmem>>
    %dma_start3A_1676 = tpu.memref_squeeze %dma_start3A_1675 : memref<1x72x768xf32, #tpu.memory_space<vmem>> -> memref<72x768xf32, #tpu.memory_space<vmem>>
    tpu.enqueue_dma source(%dma_start3A_1676 : memref<72x768xf32, #tpu.memory_space<vmem>>) target(%dma_start3A_1672 : memref<72x768xf32, #tpu.memory_space<hbm>>) target_semaphore(%arg9 : memref<!tpu.dma_semaphore, #tpu.memory_space<semaphore_mem>>)
    %dma_wait3A_1677 = arith.constant 0 : i32
    %dma_wait3A_1678 = arith.constant 0 : i32
    %dma_wait3A_1679 = arith.constant 0 : i32
    %dma_wait3A_1680 = tpu.memref_slice %arg6[%dma_wait3A_1677, %dma_wait3A_1678, %dma_wait3A_1679] : memref<2x72x768xf32, #tpu.memory_space<vmem>> -> memref<1x72x768xf32, #tpu.memory_space<vmem>>
    %dma_wait3A_1681 = tpu.memref_squeeze %dma_wait3A_1680 : memref<1x72x768xf32, #tpu.memory_space<vmem>> -> memref<72x768xf32, #tpu.memory_space<vmem>>
    %dma_wait3A_1682 = arith.constant 0 : i32
    %dma_wait3A_1683 = tpu.memref_slice %arg4[%add3A_1663, %dma_wait3A_1682] : memref<41472x768xf32, #tpu.memory_space<hbm>> -> memref<72x768xf32, #tpu.memory_space<hbm>>
    %dma_wait3A_1684 = arith.constant 0 : i32
    %dma_wait3A_1685 = tpu.memref_slice %arg4[%add3A_1663, %dma_wait3A_1684] : memref<41472x768xf32, #tpu.memory_space<hbm>> -> memref<72x768xf32, #tpu.memory_space<hbm>>
    %dma_wait3A_1686 = arith.constant 0 : i32
    %dma_wait3A_1687 = arith.constant 0 : i32
    %dma_wait3A_1688 = tpu.memref_slice %arg6[%dma_wait3A_1677, %dma_wait3A_1686, %dma_wait3A_1687] : memref<2x72x768xf32, #tpu.memory_space<vmem>> -> memref<1x72x768xf32, #tpu.memory_space<vmem>>
    %dma_wait3A_1689 = tpu.memref_squeeze %dma_wait3A_1688 : memref<1x72x768xf32, #tpu.memory_space<vmem>> -> memref<72x768xf32, #tpu.memory_space<vmem>>
    tpu.wait_dma2 semaphore(%arg9 : memref<!tpu.dma_semaphore, #tpu.memory_space<semaphore_mem>>) src(%dma_wait3A_1689 : memref<72x768xf32, #tpu.memory_space<vmem>>) dst(%dma_wait3A_1685 : memref<72x768xf32, #tpu.memory_space<hbm>>)
    %dma_start3A_1690 = arith.constant 0 : i32
    %dma_start3A_1691 = arith.constant 0 : i32
    %dma_start3A_1692 = arith.constant 0 : i32
    %dma_start3A_1693 = tpu.memref_slice %arg6[%dma_start3A_1690, %dma_start3A_1691, %dma_start3A_1692] : memref<2x72x768xf32, #tpu.memory_space<vmem>> -> memref<1x72x768xf32, #tpu.memory_space<vmem>>
    %dma_start3A_1694 = tpu.memref_squeeze %dma_start3A_1693 : memref<1x72x768xf32, #tpu.memory_space<vmem>> -> memref<72x768xf32, #tpu.memory_space<vmem>>
    %dma_start3A_1695 = arith.constant 288 : i32
    %dma_start3A_1696 = tpu.memref_slice %arg5[%dma_start3A_1695] : memref<1296xi32, #tpu.memory_space<vmem>> -> memref<72xi32, #tpu.memory_space<vmem>>
    %dma_start3A_1697 = arith.constant 0 : i32
    %dma_start3A_1698 = arith.constant 0 : i32
    %dma_start3A_1699 = tpu.memref_slice %arg2[%dma_start3A_1697, %dma_start3A_1698] : memref<55296x768xf32, #tpu.memory_space<hbm>> -> memref<55296x768xf32, #tpu.memory_space<hbm>>
    tpu.enqueue_indirect_dma source(%dma_start3A_1699 : memref<55296x768xf32, #tpu.memory_space<hbm>>) target(%dma_start3A_1694 : memref<72x768xf32, #tpu.memory_space<vmem>>) offsets(%dma_start3A_1696 : memref<72xi32, #tpu.memory_space<vmem>>) semaphore(%arg7 : memref<!tpu.dma_semaphore, #tpu.memory_space<semaphore_mem>>)
    %dma_wait3A_1700 = arith.constant 1 : i32
    %dma_wait3A_1701 = arith.constant 0 : i32
    %dma_wait3A_1702 = arith.constant 0 : i32
    %dma_wait3A_1703 = tpu.memref_slice %arg6[%dma_wait3A_1700, %dma_wait3A_1701, %dma_wait3A_1702] : memref<2x72x768xf32, #tpu.memory_space<vmem>> -> memref<1x72x768xf32, #tpu.memory_space<vmem>>
    %dma_wait3A_1704 = tpu.memref_squeeze %dma_wait3A_1703 : memref<1x72x768xf32, #tpu.memory_space<vmem>> -> memref<72x768xf32, #tpu.memory_space<vmem>>
    %dma_wait3A_1705 = arith.constant 216 : i32
    %dma_wait3A_1706 = tpu.memref_slice %arg5[%dma_wait3A_1705] : memref<1296xi32, #tpu.memory_space<vmem>> -> memref<72xi32, #tpu.memory_space<vmem>>
    %dma_wait3A_1707 = arith.constant 0 : i32
    %dma_wait3A_1708 = arith.constant 0 : i32
    %dma_wait3A_1709 = tpu.memref_slice %arg2[%dma_wait3A_1707, %dma_wait3A_1708] : memref<55296x768xf32, #tpu.memory_space<hbm>> -> memref<55296x768xf32, #tpu.memory_space<hbm>>
    tpu.wait_indirect_dma semaphore(%arg8 : memref<!tpu.dma_semaphore, #tpu.memory_space<semaphore_mem>>) src(%dma_wait3A_1709 : memref<55296x768xf32, #tpu.memory_space<hbm>>) dst(%dma_wait3A_1704 : memref<72x768xf32, #tpu.memory_space<vmem>>)
    %add3A_1710 = arith.constant 216 : i32
    %add3A_1711 = arith.addi %mul3A_2, %add3A_1710 : i32
    %dma_start3A_1712 = arith.constant 1 : i32
    %dma_start3A_1713 = arith.constant 0 : i32
    %dma_start3A_1714 = arith.constant 0 : i32
    %dma_start3A_1715 = tpu.memref_slice %arg6[%dma_start3A_1712, %dma_start3A_1713, %dma_start3A_1714] : memref<2x72x768xf32, #tpu.memory_space<vmem>> -> memref<1x72x768xf32, #tpu.memory_space<vmem>>
    %dma_start3A_1716 = tpu.memref_squeeze %dma_start3A_1715 : memref<1x72x768xf32, #tpu.memory_space<vmem>> -> memref<72x768xf32, #tpu.memory_space<vmem>>
    %dma_start3A_1717 = arith.constant 0 : i32
    %dma_start3A_1718 = tpu.memref_slice %arg4[%add3A_1711, %dma_start3A_1717] : memref<41472x768xf32, #tpu.memory_space<hbm>> -> memref<72x768xf32, #tpu.memory_space<hbm>>
    %dma_start3A_1719 = arith.constant 0 : i32
    %dma_start3A_1720 = tpu.memref_slice %arg4[%add3A_1711, %dma_start3A_1719] : memref<41472x768xf32, #tpu.memory_space<hbm>> -> memref<72x768xf32, #tpu.memory_space<hbm>>
    %dma_start3A_1721 = arith.constant 0 : i32
    %dma_start3A_1722 = arith.constant 0 : i32
    %dma_start3A_1723 = tpu.memref_slice %arg6[%dma_start3A_1712, %dma_start3A_1721, %dma_start3A_1722] : memref<2x72x768xf32, #tpu.memory_space<vmem>> -> memref<1x72x768xf32, #tpu.memory_space<vmem>>
    %dma_start3A_1724 = tpu.memref_squeeze %dma_start3A_1723 : memref<1x72x768xf32, #tpu.memory_space<vmem>> -> memref<72x768xf32, #tpu.memory_space<vmem>>
    tpu.enqueue_dma source(%dma_start3A_1724 : memref<72x768xf32, #tpu.memory_space<vmem>>) target(%dma_start3A_1720 : memref<72x768xf32, #tpu.memory_space<hbm>>) target_semaphore(%arg10 : memref<!tpu.dma_semaphore, #tpu.memory_space<semaphore_mem>>)
    %dma_wait3A_1725 = arith.constant 1 : i32
    %dma_wait3A_1726 = arith.constant 0 : i32
    %dma_wait3A_1727 = arith.constant 0 : i32
    %dma_wait3A_1728 = tpu.memref_slice %arg6[%dma_wait3A_1725, %dma_wait3A_1726, %dma_wait3A_1727] : memref<2x72x768xf32, #tpu.memory_space<vmem>> -> memref<1x72x768xf32, #tpu.memory_space<vmem>>
    %dma_wait3A_1729 = tpu.memref_squeeze %dma_wait3A_1728 : memref<1x72x768xf32, #tpu.memory_space<vmem>> -> memref<72x768xf32, #tpu.memory_space<vmem>>
    %dma_wait3A_1730 = arith.constant 0 : i32
    %dma_wait3A_1731 = tpu.memref_slice %arg4[%add3A_1711, %dma_wait3A_1730] : memref<41472x768xf32, #tpu.memory_space<hbm>> -> memref<72x768xf32, #tpu.memory_space<hbm>>
    %dma_wait3A_1732 = arith.constant 0 : i32
    %dma_wait3A_1733 = tpu.memref_slice %arg4[%add3A_1711, %dma_wait3A_1732] : memref<41472x768xf32, #tpu.memory_space<hbm>> -> memref<72x768xf32, #tpu.memory_space<hbm>>
    %dma_wait3A_1734 = arith.constant 0 : i32
    %dma_wait3A_1735 = arith.constant 0 : i32
    %dma_wait3A_1736 = tpu.memref_slice %arg6[%dma_wait3A_1725, %dma_wait3A_1734, %dma_wait3A_1735] : memref<2x72x768xf32, #tpu.memory_space<vmem>> -> memref<1x72x768xf32, #tpu.memory_space<vmem>>
    %dma_wait3A_1737 = tpu.memref_squeeze %dma_wait3A_1736 : memref<1x72x768xf32, #tpu.memory_space<vmem>> -> memref<72x768xf32, #tpu.memory_space<vmem>>
    tpu.wait_dma2 semaphore(%arg10 : memref<!tpu.dma_semaphore, #tpu.memory_space<semaphore_mem>>) src(%dma_wait3A_1737 : memref<72x768xf32, #tpu.memory_space<vmem>>) dst(%dma_wait3A_1733 : memref<72x768xf32, #tpu.memory_space<hbm>>)
    %dma_start3A_1738 = arith.constant 1 : i32
    %dma_start3A_1739 = arith.constant 0 : i32
    %dma_start3A_1740 = arith.constant 0 : i32
    %dma_start3A_1741 = tpu.memref_slice %arg6[%dma_start3A_1738, %dma_start3A_1739, %dma_start3A_1740] : memref<2x72x768xf32, #tpu.memory_space<vmem>> -> memref<1x72x768xf32, #tpu.memory_space<vmem>>
    %dma_start3A_1742 = tpu.memref_squeeze %dma_start3A_1741 : memref<1x72x768xf32, #tpu.memory_space<vmem>> -> memref<72x768xf32, #tpu.memory_space<vmem>>
    %dma_start3A_1743 = arith.constant 360 : i32
    %dma_start3A_1744 = tpu.memref_slice %arg5[%dma_start3A_1743] : memref<1296xi32, #tpu.memory_space<vmem>> -> memref<72xi32, #tpu.memory_space<vmem>>
    %dma_start3A_1745 = arith.constant 0 : i32
    %dma_start3A_1746 = arith.constant 0 : i32
    %dma_start3A_1747 = tpu.memref_slice %arg2[%dma_start3A_1745, %dma_start3A_1746] : memref<55296x768xf32, #tpu.memory_space<hbm>> -> memref<55296x768xf32, #tpu.memory_space<hbm>>
    tpu.enqueue_indirect_dma source(%dma_start3A_1747 : memref<55296x768xf32, #tpu.memory_space<hbm>>) target(%dma_start3A_1742 : memref<72x768xf32, #tpu.memory_space<vmem>>) offsets(%dma_start3A_1744 : memref<72xi32, #tpu.memory_space<vmem>>) semaphore(%arg8 : memref<!tpu.dma_semaphore, #tpu.memory_space<semaphore_mem>>)
    %dma_wait3A_1748 = arith.constant 0 : i32
    %dma_wait3A_1749 = arith.constant 0 : i32
    %dma_wait3A_1750 = arith.constant 0 : i32
    %dma_wait3A_1751 = tpu.memref_slice %arg6[%dma_wait3A_1748, %dma_wait3A_1749, %dma_wait3A_1750] : memref<2x72x768xf32, #tpu.memory_space<vmem>> -> memref<1x72x768xf32, #tpu.memory_space<vmem>>
    %dma_wait3A_1752 = tpu.memref_squeeze %dma_wait3A_1751 : memref<1x72x768xf32, #tpu.memory_space<vmem>> -> memref<72x768xf32, #tpu.memory_space<vmem>>
    %dma_wait3A_1753 = arith.constant 288 : i32
    %dma_wait3A_1754 = tpu.memref_slice %arg5[%dma_wait3A_1753] : memref<1296xi32, #tpu.memory_space<vmem>> -> memref<72xi32, #tpu.memory_space<vmem>>
    %dma_wait3A_1755 = arith.constant 0 : i32
    %dma_wait3A_1756 = arith.constant 0 : i32
    %dma_wait3A_1757 = tpu.memref_slice %arg2[%dma_wait3A_1755, %dma_wait3A_1756] : memref<55296x768xf32, #tpu.memory_space<hbm>> -> memref<55296x768xf32, #tpu.memory_space<hbm>>
    tpu.wait_indirect_dma semaphore(%arg7 : memref<!tpu.dma_semaphore, #tpu.memory_space<semaphore_mem>>) src(%dma_wait3A_1757 : memref<55296x768xf32, #tpu.memory_space<hbm>>) dst(%dma_wait3A_1752 : memref<72x768xf32, #tpu.memory_space<vmem>>)
    %add3A_1758 = arith.constant 288 : i32
    %add3A_1759 = arith.addi %mul3A_2, %add3A_1758 : i32
    %dma_start3A_1760 = arith.constant 0 : i32
    %dma_start3A_1761 = arith.constant 0 : i32
    %dma_start3A_1762 = arith.constant 0 : i32
    %dma_start3A_1763 = tpu.memref_slice %arg6[%dma_start3A_1760, %dma_start3A_1761, %dma_start3A_1762] : memref<2x72x768xf32, #tpu.memory_space<vmem>> -> memref<1x72x768xf32, #tpu.memory_space<vmem>>
    %dma_start3A_1764 = tpu.memref_squeeze %dma_start3A_1763 : memref<1x72x768xf32, #tpu.memory_space<vmem>> -> memref<72x768xf32, #tpu.memory_space<vmem>>
    %dma_start3A_1765 = arith.constant 0 : i32
    %dma_start3A_1766 = tpu.memref_slice %arg4[%add3A_1759, %dma_start3A_1765] : memref<41472x768xf32, #tpu.memory_space<hbm>> -> memref<72x768xf32, #tpu.memory_space<hbm>>
    %dma_start3A_1767 = arith.constant 0 : i32
    %dma_start3A_1768 = tpu.memref_slice %arg4[%add3A_1759, %dma_start3A_1767] : memref<41472x768xf32, #tpu.memory_space<hbm>> -> memref<72x768xf32, #tpu.memory_space<hbm>>
    %dma_start3A_1769 = arith.constant 0 : i32
    %dma_start3A_1770 = arith.constant 0 : i32
    %dma_start3A_1771 = tpu.memref_slice %arg6[%dma_start3A_1760, %dma_start3A_1769, %dma_start3A_1770] : memref<2x72x768xf32, #tpu.memory_space<vmem>> -> memref<1x72x768xf32, #tpu.memory_space<vmem>>
    %dma_start3A_1772 = tpu.memref_squeeze %dma_start3A_1771 : memref<1x72x768xf32, #tpu.memory_space<vmem>> -> memref<72x768xf32, #tpu.memory_space<vmem>>
    tpu.enqueue_dma source(%dma_start3A_1772 : memref<72x768xf32, #tpu.memory_space<vmem>>) target(%dma_start3A_1768 : memref<72x768xf32, #tpu.memory_space<hbm>>) target_semaphore(%arg9 : memref<!tpu.dma_semaphore, #tpu.memory_space<semaphore_mem>>)
    %dma_wait3A_1773 = arith.constant 0 : i32
    %dma_wait3A_1774 = arith.constant 0 : i32
    %dma_wait3A_1775 = arith.constant 0 : i32
    %dma_wait3A_1776 = tpu.memref_slice %arg6[%dma_wait3A_1773, %dma_wait3A_1774, %dma_wait3A_1775] : memref<2x72x768xf32, #tpu.memory_space<vmem>> -> memref<1x72x768xf32, #tpu.memory_space<vmem>>
    %dma_wait3A_1777 = tpu.memref_squeeze %dma_wait3A_1776 : memref<1x72x768xf32, #tpu.memory_space<vmem>> -> memref<72x768xf32, #tpu.memory_space<vmem>>
    %dma_wait3A_1778 = arith.constant 0 : i32
    %dma_wait3A_1779 = tpu.memref_slice %arg4[%add3A_1759, %dma_wait3A_1778] : memref<41472x768xf32, #tpu.memory_space<hbm>> -> memref<72x768xf32, #tpu.memory_space<hbm>>
    %dma_wait3A_1780 = arith.constant 0 : i32
    %dma_wait3A_1781 = tpu.memref_slice %arg4[%add3A_1759, %dma_wait3A_1780] : memref<41472x768xf32, #tpu.memory_space<hbm>> -> memref<72x768xf32, #tpu.memory_space<hbm>>
    %dma_wait3A_1782 = arith.constant 0 : i32
    %dma_wait3A_1783 = arith.constant 0 : i32
    %dma_wait3A_1784 = tpu.memref_slice %arg6[%dma_wait3A_1773, %dma_wait3A_1782, %dma_wait3A_1783] : memref<2x72x768xf32, #tpu.memory_space<vmem>> -> memref<1x72x768xf32, #tpu.memory_space<vmem>>
    %dma_wait3A_1785 = tpu.memref_squeeze %dma_wait3A_1784 : memref<1x72x768xf32, #tpu.memory_space<vmem>> -> memref<72x768xf32, #tpu.memory_space<vmem>>
    tpu.wait_dma2 semaphore(%arg9 : memref<!tpu.dma_semaphore, #tpu.memory_space<semaphore_mem>>) src(%dma_wait3A_1785 : memref<72x768xf32, #tpu.memory_space<vmem>>) dst(%dma_wait3A_1781 : memref<72x768xf32, #tpu.memory_space<hbm>>)
    %dma_start3A_1786 = arith.constant 0 : i32
    %dma_start3A_1787 = arith.constant 0 : i32
    %dma_start3A_1788 = arith.constant 0 : i32
    %dma_start3A_1789 = tpu.memref_slice %arg6[%dma_start3A_1786, %dma_start3A_1787, %dma_start3A_1788] : memref<2x72x768xf32, #tpu.memory_space<vmem>> -> memref<1x72x768xf32, #tpu.memory_space<vmem>>
    %dma_start3A_1790 = tpu.memref_squeeze %dma_start3A_1789 : memref<1x72x768xf32, #tpu.memory_space<vmem>> -> memref<72x768xf32, #tpu.memory_space<vmem>>
    %dma_start3A_1791 = arith.constant 432 : i32
    %dma_start3A_1792 = tpu.memref_slice %arg5[%dma_start3A_1791] : memref<1296xi32, #tpu.memory_space<vmem>> -> memref<72xi32, #tpu.memory_space<vmem>>
    %dma_start3A_1793 = arith.constant 0 : i32
    %dma_start3A_1794 = arith.constant 0 : i32
    %dma_start3A_1795 = tpu.memref_slice %arg2[%dma_start3A_1793, %dma_start3A_1794] : memref<55296x768xf32, #tpu.memory_space<hbm>> -> memref<55296x768xf32, #tpu.memory_space<hbm>>
    tpu.enqueue_indirect_dma source(%dma_start3A_1795 : memref<55296x768xf32, #tpu.memory_space<hbm>>) target(%dma_start3A_1790 : memref<72x768xf32, #tpu.memory_space<vmem>>) offsets(%dma_start3A_1792 : memref<72xi32, #tpu.memory_space<vmem>>) semaphore(%arg7 : memref<!tpu.dma_semaphore, #tpu.memory_space<semaphore_mem>>)
    %dma_wait3A_1796 = arith.constant 1 : i32
    %dma_wait3A_1797 = arith.constant 0 : i32
    %dma_wait3A_1798 = arith.constant 0 : i32
    %dma_wait3A_1799 = tpu.memref_slice %arg6[%dma_wait3A_1796, %dma_wait3A_1797, %dma_wait3A_1798] : memref<2x72x768xf32, #tpu.memory_space<vmem>> -> memref<1x72x768xf32, #tpu.memory_space<vmem>>
    %dma_wait3A_1800 = tpu.memref_squeeze %dma_wait3A_1799 : memref<1x72x768xf32, #tpu.memory_space<vmem>> -> memref<72x768xf32, #tpu.memory_space<vmem>>
    %dma_wait3A_1801 = arith.constant 360 : i32
    %dma_wait3A_1802 = tpu.memref_slice %arg5[%dma_wait3A_1801] : memref<1296xi32, #tpu.memory_space<vmem>> -> memref<72xi32, #tpu.memory_space<vmem>>
    %dma_wait3A_1803 = arith.constant 0 : i32
    %dma_wait3A_1804 = arith.constant 0 : i32
    %dma_wait3A_1805 = tpu.memref_slice %arg2[%dma_wait3A_1803, %dma_wait3A_1804] : memref<55296x768xf32, #tpu.memory_space<hbm>> -> memref<55296x768xf32, #tpu.memory_space<hbm>>
    tpu.wait_indirect_dma semaphore(%arg8 : memref<!tpu.dma_semaphore, #tpu.memory_space<semaphore_mem>>) src(%dma_wait3A_1805 : memref<55296x768xf32, #tpu.memory_space<hbm>>) dst(%dma_wait3A_1800 : memref<72x768xf32, #tpu.memory_space<vmem>>)
    %add3A_1806 = arith.constant 360 : i32
    %add3A_1807 = arith.addi %mul3A_2, %add3A_1806 : i32
    %dma_start3A_1808 = arith.constant 1 : i32
    %dma_start3A_1809 = arith.constant 0 : i32
    %dma_start3A_1810 = arith.constant 0 : i32
    %dma_start3A_1811 = tpu.memref_slice %arg6[%dma_start3A_1808, %dma_start3A_1809, %dma_start3A_1810] : memref<2x72x768xf32, #tpu.memory_space<vmem>> -> memref<1x72x768xf32, #tpu.memory_space<vmem>>
    %dma_start3A_1812 = tpu.memref_squeeze %dma_start3A_1811 : memref<1x72x768xf32, #tpu.memory_space<vmem>> -> memref<72x768xf32, #tpu.memory_space<vmem>>
    %dma_start3A_1813 = arith.constant 0 : i32
    %dma_start3A_1814 = tpu.memref_slice %arg4[%add3A_1807, %dma_start3A_1813] : memref<41472x768xf32, #tpu.memory_space<hbm>> -> memref<72x768xf32, #tpu.memory_space<hbm>>
    %dma_start3A_1815 = arith.constant 0 : i32
    %dma_start3A_1816 = tpu.memref_slice %arg4[%add3A_1807, %dma_start3A_1815] : memref<41472x768xf32, #tpu.memory_space<hbm>> -> memref<72x768xf32, #tpu.memory_space<hbm>>
    %dma_start3A_1817 = arith.constant 0 : i32
    %dma_start3A_1818 = arith.constant 0 : i32
    %dma_start3A_1819 = tpu.memref_slice %arg6[%dma_start3A_1808, %dma_start3A_1817, %dma_start3A_1818] : memref<2x72x768xf32, #tpu.memory_space<vmem>> -> memref<1x72x768xf32, #tpu.memory_space<vmem>>
    %dma_start3A_1820 = tpu.memref_squeeze %dma_start3A_1819 : memref<1x72x768xf32, #tpu.memory_space<vmem>> -> memref<72x768xf32, #tpu.memory_space<vmem>>
    tpu.enqueue_dma source(%dma_start3A_1820 : memref<72x768xf32, #tpu.memory_space<vmem>>) target(%dma_start3A_1816 : memref<72x768xf32, #tpu.memory_space<hbm>>) target_semaphore(%arg10 : memref<!tpu.dma_semaphore, #tpu.memory_space<semaphore_mem>>)
    %dma_wait3A_1821 = arith.constant 1 : i32
    %dma_wait3A_1822 = arith.constant 0 : i32
    %dma_wait3A_1823 = arith.constant 0 : i32
    %dma_wait3A_1824 = tpu.memref_slice %arg6[%dma_wait3A_1821, %dma_wait3A_1822, %dma_wait3A_1823] : memref<2x72x768xf32, #tpu.memory_space<vmem>> -> memref<1x72x768xf32, #tpu.memory_space<vmem>>
    %dma_wait3A_1825 = tpu.memref_squeeze %dma_wait3A_1824 : memref<1x72x768xf32, #tpu.memory_space<vmem>> -> memref<72x768xf32, #tpu.memory_space<vmem>>
    %dma_wait3A_1826 = arith.constant 0 : i32
    %dma_wait3A_1827 = tpu.memref_slice %arg4[%add3A_1807, %dma_wait3A_1826] : memref<41472x768xf32, #tpu.memory_space<hbm>> -> memref<72x768xf32, #tpu.memory_space<hbm>>
    %dma_wait3A_1828 = arith.constant 0 : i32
    %dma_wait3A_1829 = tpu.memref_slice %arg4[%add3A_1807, %dma_wait3A_1828] : memref<41472x768xf32, #tpu.memory_space<hbm>> -> memref<72x768xf32, #tpu.memory_space<hbm>>
    %dma_wait3A_1830 = arith.constant 0 : i32
    %dma_wait3A_1831 = arith.constant 0 : i32
    %dma_wait3A_1832 = tpu.memref_slice %arg6[%dma_wait3A_1821, %dma_wait3A_1830, %dma_wait3A_1831] : memref<2x72x768xf32, #tpu.memory_space<vmem>> -> memref<1x72x768xf32, #tpu.memory_space<vmem>>
    %dma_wait3A_1833 = tpu.memref_squeeze %dma_wait3A_1832 : memref<1x72x768xf32, #tpu.memory_space<vmem>> -> memref<72x768xf32, #tpu.memory_space<vmem>>
    tpu.wait_dma2 semaphore(%arg10 : memref<!tpu.dma_semaphore, #tpu.memory_space<semaphore_mem>>) src(%dma_wait3A_1833 : memref<72x768xf32, #tpu.memory_space<vmem>>) dst(%dma_wait3A_1829 : memref<72x768xf32, #tpu.memory_space<hbm>>)
    %dma_start3A_1834 = arith.constant 1 : i32
    %dma_start3A_1835 = arith.constant 0 : i32
    %dma_start3A_1836 = arith.constant 0 : i32
    %dma_start3A_1837 = tpu.memref_slice %arg6[%dma_start3A_1834, %dma_start3A_1835, %dma_start3A_1836] : memref<2x72x768xf32, #tpu.memory_space<vmem>> -> memref<1x72x768xf32, #tpu.memory_space<vmem>>
    %dma_start3A_1838 = tpu.memref_squeeze %dma_start3A_1837 : memref<1x72x768xf32, #tpu.memory_space<vmem>> -> memref<72x768xf32, #tpu.memory_space<vmem>>
    %dma_start3A_1839 = arith.constant 504 : i32
    %dma_start3A_1840 = tpu.memref_slice %arg5[%dma_start3A_1839] : memref<1296xi32, #tpu.memory_space<vmem>> -> memref<72xi32, #tpu.memory_space<vmem>>
    %dma_start3A_1841 = arith.constant 0 : i32
    %dma_start3A_1842 = arith.constant 0 : i32
    %dma_start3A_1843 = tpu.memref_slice %arg2[%dma_start3A_1841, %dma_start3A_1842] : memref<55296x768xf32, #tpu.memory_space<hbm>> -> memref<55296x768xf32, #tpu.memory_space<hbm>>
    tpu.enqueue_indirect_dma source(%dma_start3A_1843 : memref<55296x768xf32, #tpu.memory_space<hbm>>) target(%dma_start3A_1838 : memref<72x768xf32, #tpu.memory_space<vmem>>) offsets(%dma_start3A_1840 : memref<72xi32, #tpu.memory_space<vmem>>) semaphore(%arg8 : memref<!tpu.dma_semaphore, #tpu.memory_space<semaphore_mem>>)
    %dma_wait3A_1844 = arith.constant 0 : i32
    %dma_wait3A_1845 = arith.constant 0 : i32
    %dma_wait3A_1846 = arith.constant 0 : i32
    %dma_wait3A_1847 = tpu.memref_slice %arg6[%dma_wait3A_1844, %dma_wait3A_1845, %dma_wait3A_1846] : memref<2x72x768xf32, #tpu.memory_space<vmem>> -> memref<1x72x768xf32, #tpu.memory_space<vmem>>
    %dma_wait3A_1848 = tpu.memref_squeeze %dma_wait3A_1847 : memref<1x72x768xf32, #tpu.memory_space<vmem>> -> memref<72x768xf32, #tpu.memory_space<vmem>>
    %dma_wait3A_1849 = arith.constant 432 : i32
    %dma_wait3A_1850 = tpu.memref_slice %arg5[%dma_wait3A_1849] : memref<1296xi32, #tpu.memory_space<vmem>> -> memref<72xi32, #tpu.memory_space<vmem>>
    %dma_wait3A_1851 = arith.constant 0 : i32
    %dma_wait3A_1852 = arith.constant 0 : i32
    %dma_wait3A_1853 = tpu.memref_slice %arg2[%dma_wait3A_1851, %dma_wait3A_1852] : memref<55296x768xf32, #tpu.memory_space<hbm>> -> memref<55296x768xf32, #tpu.memory_space<hbm>>
    tpu.wait_indirect_dma semaphore(%arg7 : memref<!tpu.dma_semaphore, #tpu.memory_space<semaphore_mem>>) src(%dma_wait3A_1853 : memref<55296x768xf32, #tpu.memory_space<hbm>>) dst(%dma_wait3A_1848 : memref<72x768xf32, #tpu.memory_space<vmem>>)
    %add3A_1854 = arith.constant 432 : i32
    %add3A_1855 = arith.addi %mul3A_2, %add3A_1854 : i32
    %dma_start3A_1856 = arith.constant 0 : i32
    %dma_start3A_1857 = arith.constant 0 : i32
    %dma_start3A_1858 = arith.constant 0 : i32
    %dma_start3A_1859 = tpu.memref_slice %arg6[%dma_start3A_1856, %dma_start3A_1857, %dma_start3A_1858] : memref<2x72x768xf32, #tpu.memory_space<vmem>> -> memref<1x72x768xf32, #tpu.memory_space<vmem>>
    %dma_start3A_1860 = tpu.memref_squeeze %dma_start3A_1859 : memref<1x72x768xf32, #tpu.memory_space<vmem>> -> memref<72x768xf32, #tpu.memory_space<vmem>>
    %dma_start3A_1861 = arith.constant 0 : i32
    %dma_start3A_1862 = tpu.memref_slice %arg4[%add3A_1855, %dma_start3A_1861] : memref<41472x768xf32, #tpu.memory_space<hbm>> -> memref<72x768xf32, #tpu.memory_space<hbm>>
    %dma_start3A_1863 = arith.constant 0 : i32
    %dma_start3A_1864 = tpu.memref_slice %arg4[%add3A_1855, %dma_start3A_1863] : memref<41472x768xf32, #tpu.memory_space<hbm>> -> memref<72x768xf32, #tpu.memory_space<hbm>>
    %dma_start3A_1865 = arith.constant 0 : i32
    %dma_start3A_1866 = arith.constant 0 : i32
    %dma_start3A_1867 = tpu.memref_slice %arg6[%dma_start3A_1856, %dma_start3A_1865, %dma_start3A_1866] : memref<2x72x768xf32, #tpu.memory_space<vmem>> -> memref<1x72x768xf32, #tpu.memory_space<vmem>>
    %dma_start3A_1868 = tpu.memref_squeeze %dma_start3A_1867 : memref<1x72x768xf32, #tpu.memory_space<vmem>> -> memref<72x768xf32, #tpu.memory_space<vmem>>
    tpu.enqueue_dma source(%dma_start3A_1868 : memref<72x768xf32, #tpu.memory_space<vmem>>) target(%dma_start3A_1864 : memref<72x768xf32, #tpu.memory_space<hbm>>) target_semaphore(%arg9 : memref<!tpu.dma_semaphore, #tpu.memory_space<semaphore_mem>>)
    %dma_wait3A_1869 = arith.constant 0 : i32
    %dma_wait3A_1870 = arith.constant 0 : i32
    %dma_wait3A_1871 = arith.constant 0 : i32
    %dma_wait3A_1872 = tpu.memref_slice %arg6[%dma_wait3A_1869, %dma_wait3A_1870, %dma_wait3A_1871] : memref<2x72x768xf32, #tpu.memory_space<vmem>> -> memref<1x72x768xf32, #tpu.memory_space<vmem>>
    %dma_wait3A_1873 = tpu.memref_squeeze %dma_wait3A_1872 : memref<1x72x768xf32, #tpu.memory_space<vmem>> -> memref<72x768xf32, #tpu.memory_space<vmem>>
    %dma_wait3A_1874 = arith.constant 0 : i32
    %dma_wait3A_1875 = tpu.memref_slice %arg4[%add3A_1855, %dma_wait3A_1874] : memref<41472x768xf32, #tpu.memory_space<hbm>> -> memref<72x768xf32, #tpu.memory_space<hbm>>
    %dma_wait3A_1876 = arith.constant 0 : i32
    %dma_wait3A_1877 = tpu.memref_slice %arg4[%add3A_1855, %dma_wait3A_1876] : memref<41472x768xf32, #tpu.memory_space<hbm>> -> memref<72x768xf32, #tpu.memory_space<hbm>>
    %dma_wait3A_1878 = arith.constant 0 : i32
    %dma_wait3A_1879 = arith.constant 0 : i32
    %dma_wait3A_1880 = tpu.memref_slice %arg6[%dma_wait3A_1869, %dma_wait3A_1878, %dma_wait3A_1879] : memref<2x72x768xf32, #tpu.memory_space<vmem>> -> memref<1x72x768xf32, #tpu.memory_space<vmem>>
    %dma_wait3A_1881 = tpu.memref_squeeze %dma_wait3A_1880 : memref<1x72x768xf32, #tpu.memory_space<vmem>> -> memref<72x768xf32, #tpu.memory_space<vmem>>
    tpu.wait_dma2 semaphore(%arg9 : memref<!tpu.dma_semaphore, #tpu.memory_space<semaphore_mem>>) src(%dma_wait3A_1881 : memref<72x768xf32, #tpu.memory_space<vmem>>) dst(%dma_wait3A_1877 : memref<72x768xf32, #tpu.memory_space<hbm>>)
    %dma_start3A_1882 = arith.constant 0 : i32
    %dma_start3A_1883 = arith.constant 0 : i32
    %dma_start3A_1884 = arith.constant 0 : i32
    %dma_start3A_1885 = tpu.memref_slice %arg6[%dma_start3A_1882, %dma_start3A_1883, %dma_start3A_1884] : memref<2x72x768xf32, #tpu.memory_space<vmem>> -> memref<1x72x768xf32, #tpu.memory_space<vmem>>
    %dma_start3A_1886 = tpu.memref_squeeze %dma_start3A_1885 : memref<1x72x768xf32, #tpu.memory_space<vmem>> -> memref<72x768xf32, #tpu.memory_space<vmem>>
    %dma_start3A_1887 = arith.constant 576 : i32
    %dma_start3A_1888 = tpu.memref_slice %arg5[%dma_start3A_1887] : memref<1296xi32, #tpu.memory_space<vmem>> -> memref<72xi32, #tpu.memory_space<vmem>>
    %dma_start3A_1889 = arith.constant 0 : i32
    %dma_start3A_1890 = arith.constant 0 : i32
    %dma_start3A_1891 = tpu.memref_slice %arg2[%dma_start3A_1889, %dma_start3A_1890] : memref<55296x768xf32, #tpu.memory_space<hbm>> -> memref<55296x768xf32, #tpu.memory_space<hbm>>
    tpu.enqueue_indirect_dma source(%dma_start3A_1891 : memref<55296x768xf32, #tpu.memory_space<hbm>>) target(%dma_start3A_1886 : memref<72x768xf32, #tpu.memory_space<vmem>>) offsets(%dma_start3A_1888 : memref<72xi32, #tpu.memory_space<vmem>>) semaphore(%arg7 : memref<!tpu.dma_semaphore, #tpu.memory_space<semaphore_mem>>)
    %dma_wait3A_1892 = arith.constant 1 : i32
    %dma_wait3A_1893 = arith.constant 0 : i32
    %dma_wait3A_1894 = arith.constant 0 : i32
    %dma_wait3A_1895 = tpu.memref_slice %arg6[%dma_wait3A_1892, %dma_wait3A_1893, %dma_wait3A_1894] : memref<2x72x768xf32, #tpu.memory_space<vmem>> -> memref<1x72x768xf32, #tpu.memory_space<vmem>>
    %dma_wait3A_1896 = tpu.memref_squeeze %dma_wait3A_1895 : memref<1x72x768xf32, #tpu.memory_space<vmem>> -> memref<72x768xf32, #tpu.memory_space<vmem>>
    %dma_wait3A_1897 = arith.constant 504 : i32
    %dma_wait3A_1898 = tpu.memref_slice %arg5[%dma_wait3A_1897] : memref<1296xi32, #tpu.memory_space<vmem>> -> memref<72xi32, #tpu.memory_space<vmem>>
    %dma_wait3A_1899 = arith.constant 0 : i32
    %dma_wait3A_1900 = arith.constant 0 : i32
    %dma_wait3A_1901 = tpu.memref_slice %arg2[%dma_wait3A_1899, %dma_wait3A_1900] : memref<55296x768xf32, #tpu.memory_space<hbm>> -> memref<55296x768xf32, #tpu.memory_space<hbm>>
    tpu.wait_indirect_dma semaphore(%arg8 : memref<!tpu.dma_semaphore, #tpu.memory_space<semaphore_mem>>) src(%dma_wait3A_1901 : memref<55296x768xf32, #tpu.memory_space<hbm>>) dst(%dma_wait3A_1896 : memref<72x768xf32, #tpu.memory_space<vmem>>)
    %add3A_1902 = arith.constant 504 : i32
    %add3A_1903 = arith.addi %mul3A_2, %add3A_1902 : i32
    %dma_start3A_1904 = arith.constant 1 : i32
    %dma_start3A_1905 = arith.constant 0 : i32
    %dma_start3A_1906 = arith.constant 0 : i32
    %dma_start3A_1907 = tpu.memref_slice %arg6[%dma_start3A_1904, %dma_start3A_1905, %dma_start3A_1906] : memref<2x72x768xf32, #tpu.memory_space<vmem>> -> memref<1x72x768xf32, #tpu.memory_space<vmem>>
    %dma_start3A_1908 = tpu.memref_squeeze %dma_start3A_1907 : memref<1x72x768xf32, #tpu.memory_space<vmem>> -> memref<72x768xf32, #tpu.memory_space<vmem>>
    %dma_start3A_1909 = arith.constant 0 : i32
    %dma_start3A_1910 = tpu.memref_slice %arg4[%add3A_1903, %dma_start3A_1909] : memref<41472x768xf32, #tpu.memory_space<hbm>> -> memref<72x768xf32, #tpu.memory_space<hbm>>
    %dma_start3A_1911 = arith.constant 0 : i32
    %dma_start3A_1912 = tpu.memref_slice %arg4[%add3A_1903, %dma_start3A_1911] : memref<41472x768xf32, #tpu.memory_space<hbm>> -> memref<72x768xf32, #tpu.memory_space<hbm>>
    %dma_start3A_1913 = arith.constant 0 : i32
    %dma_start3A_1914 = arith.constant 0 : i32
    %dma_start3A_1915 = tpu.memref_slice %arg6[%dma_start3A_1904, %dma_start3A_1913, %dma_start3A_1914] : memref<2x72x768xf32, #tpu.memory_space<vmem>> -> memref<1x72x768xf32, #tpu.memory_space<vmem>>
    %dma_start3A_1916 = tpu.memref_squeeze %dma_start3A_1915 : memref<1x72x768xf32, #tpu.memory_space<vmem>> -> memref<72x768xf32, #tpu.memory_space<vmem>>
    tpu.enqueue_dma source(%dma_start3A_1916 : memref<72x768xf32, #tpu.memory_space<vmem>>) target(%dma_start3A_1912 : memref<72x768xf32, #tpu.memory_space<hbm>>) target_semaphore(%arg10 : memref<!tpu.dma_semaphore, #tpu.memory_space<semaphore_mem>>)
    %dma_wait3A_1917 = arith.constant 1 : i32
    %dma_wait3A_1918 = arith.constant 0 : i32
    %dma_wait3A_1919 = arith.constant 0 : i32
    %dma_wait3A_1920 = tpu.memref_slice %arg6[%dma_wait3A_1917, %dma_wait3A_1918, %dma_wait3A_1919] : memref<2x72x768xf32, #tpu.memory_space<vmem>> -> memref<1x72x768xf32, #tpu.memory_space<vmem>>
    %dma_wait3A_1921 = tpu.memref_squeeze %dma_wait3A_1920 : memref<1x72x768xf32, #tpu.memory_space<vmem>> -> memref<72x768xf32, #tpu.memory_space<vmem>>
    %dma_wait3A_1922 = arith.constant 0 : i32
    %dma_wait3A_1923 = tpu.memref_slice %arg4[%add3A_1903, %dma_wait3A_1922] : memref<41472x768xf32, #tpu.memory_space<hbm>> -> memref<72x768xf32, #tpu.memory_space<hbm>>
    %dma_wait3A_1924 = arith.constant 0 : i32
    %dma_wait3A_1925 = tpu.memref_slice %arg4[%add3A_1903, %dma_wait3A_1924] : memref<41472x768xf32, #tpu.memory_space<hbm>> -> memref<72x768xf32, #tpu.memory_space<hbm>>
    %dma_wait3A_1926 = arith.constant 0 : i32
    %dma_wait3A_1927 = arith.constant 0 : i32
    %dma_wait3A_1928 = tpu.memref_slice %arg6[%dma_wait3A_1917, %dma_wait3A_1926, %dma_wait3A_1927] : memref<2x72x768xf32, #tpu.memory_space<vmem>> -> memref<1x72x768xf32, #tpu.memory_space<vmem>>
    %dma_wait3A_1929 = tpu.memref_squeeze %dma_wait3A_1928 : memref<1x72x768xf32, #tpu.memory_space<vmem>> -> memref<72x768xf32, #tpu.memory_space<vmem>>
    tpu.wait_dma2 semaphore(%arg10 : memref<!tpu.dma_semaphore, #tpu.memory_space<semaphore_mem>>) src(%dma_wait3A_1929 : memref<72x768xf32, #tpu.memory_space<vmem>>) dst(%dma_wait3A_1925 : memref<72x768xf32, #tpu.memory_space<hbm>>)
    %dma_start3A_1930 = arith.constant 1 : i32
    %dma_start3A_1931 = arith.constant 0 : i32
    %dma_start3A_1932 = arith.constant 0 : i32
    %dma_start3A_1933 = tpu.memref_slice %arg6[%dma_start3A_1930, %dma_start3A_1931, %dma_start3A_1932] : memref<2x72x768xf32, #tpu.memory_space<vmem>> -> memref<1x72x768xf32, #tpu.memory_space<vmem>>
    %dma_start3A_1934 = tpu.memref_squeeze %dma_start3A_1933 : memref<1x72x768xf32, #tpu.memory_space<vmem>> -> memref<72x768xf32, #tpu.memory_space<vmem>>
    %dma_start3A_1935 = arith.constant 648 : i32
    %dma_start3A_1936 = tpu.memref_slice %arg5[%dma_start3A_1935] : memref<1296xi32, #tpu.memory_space<vmem>> -> memref<72xi32, #tpu.memory_space<vmem>>
    %dma_start3A_1937 = arith.constant 0 : i32
    %dma_start3A_1938 = arith.constant 0 : i32
    %dma_start3A_1939 = tpu.memref_slice %arg2[%dma_start3A_1937, %dma_start3A_1938] : memref<55296x768xf32, #tpu.memory_space<hbm>> -> memref<55296x768xf32, #tpu.memory_space<hbm>>
    tpu.enqueue_indirect_dma source(%dma_start3A_1939 : memref<55296x768xf32, #tpu.memory_space<hbm>>) target(%dma_start3A_1934 : memref<72x768xf32, #tpu.memory_space<vmem>>) offsets(%dma_start3A_1936 : memref<72xi32, #tpu.memory_space<vmem>>) semaphore(%arg8 : memref<!tpu.dma_semaphore, #tpu.memory_space<semaphore_mem>>)
    %dma_wait3A_1940 = arith.constant 0 : i32
    %dma_wait3A_1941 = arith.constant 0 : i32
    %dma_wait3A_1942 = arith.constant 0 : i32
    %dma_wait3A_1943 = tpu.memref_slice %arg6[%dma_wait3A_1940, %dma_wait3A_1941, %dma_wait3A_1942] : memref<2x72x768xf32, #tpu.memory_space<vmem>> -> memref<1x72x768xf32, #tpu.memory_space<vmem>>
    %dma_wait3A_1944 = tpu.memref_squeeze %dma_wait3A_1943 : memref<1x72x768xf32, #tpu.memory_space<vmem>> -> memref<72x768xf32, #tpu.memory_space<vmem>>
    %dma_wait3A_1945 = arith.constant 576 : i32
    %dma_wait3A_1946 = tpu.memref_slice %arg5[%dma_wait3A_1945] : memref<1296xi32, #tpu.memory_space<vmem>> -> memref<72xi32, #tpu.memory_space<vmem>>
    %dma_wait3A_1947 = arith.constant 0 : i32
    %dma_wait3A_1948 = arith.constant 0 : i32
    %dma_wait3A_1949 = tpu.memref_slice %arg2[%dma_wait3A_1947, %dma_wait3A_1948] : memref<55296x768xf32, #tpu.memory_space<hbm>> -> memref<55296x768xf32, #tpu.memory_space<hbm>>
    tpu.wait_indirect_dma semaphore(%arg7 : memref<!tpu.dma_semaphore, #tpu.memory_space<semaphore_mem>>) src(%dma_wait3A_1949 : memref<55296x768xf32, #tpu.memory_space<hbm>>) dst(%dma_wait3A_1944 : memref<72x768xf32, #tpu.memory_space<vmem>>)
    %add3A_1950 = arith.constant 576 : i32
    %add3A_1951 = arith.addi %mul3A_2, %add3A_1950 : i32
    %dma_start3A_1952 = arith.constant 0 : i32
    %dma_start3A_1953 = arith.constant 0 : i32
    %dma_start3A_1954 = arith.constant 0 : i32
    %dma_start3A_1955 = tpu.memref_slice %arg6[%dma_start3A_1952, %dma_start3A_1953, %dma_start3A_1954] : memref<2x72x768xf32, #tpu.memory_space<vmem>> -> memref<1x72x768xf32, #tpu.memory_space<vmem>>
    %dma_start3A_1956 = tpu.memref_squeeze %dma_start3A_1955 : memref<1x72x768xf32, #tpu.memory_space<vmem>> -> memref<72x768xf32, #tpu.memory_space<vmem>>
    %dma_start3A_1957 = arith.constant 0 : i32
    %dma_start3A_1958 = tpu.memref_slice %arg4[%add3A_1951, %dma_start3A_1957] : memref<41472x768xf32, #tpu.memory_space<hbm>> -> memref<72x768xf32, #tpu.memory_space<hbm>>
    %dma_start3A_1959 = arith.constant 0 : i32
    %dma_start3A_1960 = tpu.memref_slice %arg4[%add3A_1951, %dma_start3A_1959] : memref<41472x768xf32, #tpu.memory_space<hbm>> -> memref<72x768xf32, #tpu.memory_space<hbm>>
    %dma_start3A_1961 = arith.constant 0 : i32
    %dma_start3A_1962 = arith.constant 0 : i32
    %dma_start3A_1963 = tpu.memref_slice %arg6[%dma_start3A_1952, %dma_start3A_1961, %dma_start3A_1962] : memref<2x72x768xf32, #tpu.memory_space<vmem>> -> memref<1x72x768xf32, #tpu.memory_space<vmem>>
    %dma_start3A_1964 = tpu.memref_squeeze %dma_start3A_1963 : memref<1x72x768xf32, #tpu.memory_space<vmem>> -> memref<72x768xf32, #tpu.memory_space<vmem>>
    tpu.enqueue_dma source(%dma_start3A_1964 : memref<72x768xf32, #tpu.memory_space<vmem>>) target(%dma_start3A_1960 : memref<72x768xf32, #tpu.memory_space<hbm>>) target_semaphore(%arg9 : memref<!tpu.dma_semaphore, #tpu.memory_space<semaphore_mem>>)
    %dma_wait3A_1965 = arith.constant 0 : i32
    %dma_wait3A_1966 = arith.constant 0 : i32
    %dma_wait3A_1967 = arith.constant 0 : i32
    %dma_wait3A_1968 = tpu.memref_slice %arg6[%dma_wait3A_1965, %dma_wait3A_1966, %dma_wait3A_1967] : memref<2x72x768xf32, #tpu.memory_space<vmem>> -> memref<1x72x768xf32, #tpu.memory_space<vmem>>
    %dma_wait3A_1969 = tpu.memref_squeeze %dma_wait3A_1968 : memref<1x72x768xf32, #tpu.memory_space<vmem>> -> memref<72x768xf32, #tpu.memory_space<vmem>>
    %dma_wait3A_1970 = arith.constant 0 : i32
    %dma_wait3A_1971 = tpu.memref_slice %arg4[%add3A_1951, %dma_wait3A_1970] : memref<41472x768xf32, #tpu.memory_space<hbm>> -> memref<72x768xf32, #tpu.memory_space<hbm>>
    %dma_wait3A_1972 = arith.constant 0 : i32
    %dma_wait3A_1973 = tpu.memref_slice %arg4[%add3A_1951, %dma_wait3A_1972] : memref<41472x768xf32, #tpu.memory_space<hbm>> -> memref<72x768xf32, #tpu.memory_space<hbm>>
    %dma_wait3A_1974 = arith.constant 0 : i32
    %dma_wait3A_1975 = arith.constant 0 : i32
    %dma_wait3A_1976 = tpu.memref_slice %arg6[%dma_wait3A_1965, %dma_wait3A_1974, %dma_wait3A_1975] : memref<2x72x768xf32, #tpu.memory_space<vmem>> -> memref<1x72x768xf32, #tpu.memory_space<vmem>>
    %dma_wait3A_1977 = tpu.memref_squeeze %dma_wait3A_1976 : memref<1x72x768xf32, #tpu.memory_space<vmem>> -> memref<72x768xf32, #tpu.memory_space<vmem>>
    tpu.wait_dma2 semaphore(%arg9 : memref<!tpu.dma_semaphore, #tpu.memory_space<semaphore_mem>>) src(%dma_wait3A_1977 : memref<72x768xf32, #tpu.memory_space<vmem>>) dst(%dma_wait3A_1973 : memref<72x768xf32, #tpu.memory_space<hbm>>)
    %dma_start3A_1978 = arith.constant 0 : i32
    %dma_start3A_1979 = arith.constant 0 : i32
    %dma_start3A_1980 = arith.constant 0 : i32
    %dma_start3A_1981 = tpu.memref_slice %arg6[%dma_start3A_1978, %dma_start3A_1979, %dma_start3A_1980] : memref<2x72x768xf32, #tpu.memory_space<vmem>> -> memref<1x72x768xf32, #tpu.memory_space<vmem>>
    %dma_start3A_1982 = tpu.memref_squeeze %dma_start3A_1981 : memref<1x72x768xf32, #tpu.memory_space<vmem>> -> memref<72x768xf32, #tpu.memory_space<vmem>>
    %dma_start3A_1983 = arith.constant 720 : i32
    %dma_start3A_1984 = tpu.memref_slice %arg5[%dma_start3A_1983] : memref<1296xi32, #tpu.memory_space<vmem>> -> memref<72xi32, #tpu.memory_space<vmem>>
    %dma_start3A_1985 = arith.constant 0 : i32
    %dma_start3A_1986 = arith.constant 0 : i32
    %dma_start3A_1987 = tpu.memref_slice %arg2[%dma_start3A_1985, %dma_start3A_1986] : memref<55296x768xf32, #tpu.memory_space<hbm>> -> memref<55296x768xf32, #tpu.memory_space<hbm>>
    tpu.enqueue_indirect_dma source(%dma_start3A_1987 : memref<55296x768xf32, #tpu.memory_space<hbm>>) target(%dma_start3A_1982 : memref<72x768xf32, #tpu.memory_space<vmem>>) offsets(%dma_start3A_1984 : memref<72xi32, #tpu.memory_space<vmem>>) semaphore(%arg7 : memref<!tpu.dma_semaphore, #tpu.memory_space<semaphore_mem>>)
    %dma_wait3A_1988 = arith.constant 1 : i32
    %dma_wait3A_1989 = arith.constant 0 : i32
    %dma_wait3A_1990 = arith.constant 0 : i32
    %dma_wait3A_1991 = tpu.memref_slice %arg6[%dma_wait3A_1988, %dma_wait3A_1989, %dma_wait3A_1990] : memref<2x72x768xf32, #tpu.memory_space<vmem>> -> memref<1x72x768xf32, #tpu.memory_space<vmem>>
    %dma_wait3A_1992 = tpu.memref_squeeze %dma_wait3A_1991 : memref<1x72x768xf32, #tpu.memory_space<vmem>> -> memref<72x768xf32, #tpu.memory_space<vmem>>
    %dma_wait3A_1993 = arith.constant 648 : i32
    %dma_wait3A_1994 = tpu.memref_slice %arg5[%dma_wait3A_1993] : memref<1296xi32, #tpu.memory_space<vmem>> -> memref<72xi32, #tpu.memory_space<vmem>>
    %dma_wait3A_1995 = arith.constant 0 : i32
    %dma_wait3A_1996 = arith.constant 0 : i32
    %dma_wait3A_1997 = tpu.memref_slice %arg2[%dma_wait3A_1995, %dma_wait3A_1996] : memref<55296x768xf32, #tpu.memory_space<hbm>> -> memref<55296x768xf32, #tpu.memory_space<hbm>>
    tpu.wait_indirect_dma semaphore(%arg8 : memref<!tpu.dma_semaphore, #tpu.memory_space<semaphore_mem>>) src(%dma_wait3A_1997 : memref<55296x768xf32, #tpu.memory_space<hbm>>) dst(%dma_wait3A_1992 : memref<72x768xf32, #tpu.memory_space<vmem>>)
    %add3A_1998 = arith.constant 648 : i32
    %add3A_1999 = arith.addi %mul3A_2, %add3A_1998 : i32
    %dma_start3A_2000 = arith.constant 1 : i32
    %dma_start3A_2001 = arith.constant 0 : i32
    %dma_start3A_2002 = arith.constant 0 : i32
    %dma_start3A_2003 = tpu.memref_slice %arg6[%dma_start3A_2000, %dma_start3A_2001, %dma_start3A_2002] : memref<2x72x768xf32, #tpu.memory_space<vmem>> -> memref<1x72x768xf32, #tpu.memory_space<vmem>>
    %dma_start3A_2004 = tpu.memref_squeeze %dma_start3A_2003 : memref<1x72x768xf32, #tpu.memory_space<vmem>> -> memref<72x768xf32, #tpu.memory_space<vmem>>
    %dma_start3A_2005 = arith.constant 0 : i32
    %dma_start3A_2006 = tpu.memref_slice %arg4[%add3A_1999, %dma_start3A_2005] : memref<41472x768xf32, #tpu.memory_space<hbm>> -> memref<72x768xf32, #tpu.memory_space<hbm>>
    %dma_start3A_2007 = arith.constant 0 : i32
    %dma_start3A_2008 = tpu.memref_slice %arg4[%add3A_1999, %dma_start3A_2007] : memref<41472x768xf32, #tpu.memory_space<hbm>> -> memref<72x768xf32, #tpu.memory_space<hbm>>
    %dma_start3A_2009 = arith.constant 0 : i32
    %dma_start3A_2010 = arith.constant 0 : i32
    %dma_start3A_2011 = tpu.memref_slice %arg6[%dma_start3A_2000, %dma_start3A_2009, %dma_start3A_2010] : memref<2x72x768xf32, #tpu.memory_space<vmem>> -> memref<1x72x768xf32, #tpu.memory_space<vmem>>
    %dma_start3A_2012 = tpu.memref_squeeze %dma_start3A_2011 : memref<1x72x768xf32, #tpu.memory_space<vmem>> -> memref<72x768xf32, #tpu.memory_space<vmem>>
    tpu.enqueue_dma source(%dma_start3A_2012 : memref<72x768xf32, #tpu.memory_space<vmem>>) target(%dma_start3A_2008 : memref<72x768xf32, #tpu.memory_space<hbm>>) target_semaphore(%arg10 : memref<!tpu.dma_semaphore, #tpu.memory_space<semaphore_mem>>)
    %dma_wait3A_2013 = arith.constant 1 : i32
    %dma_wait3A_2014 = arith.constant 0 : i32
    %dma_wait3A_2015 = arith.constant 0 : i32
    %dma_wait3A_2016 = tpu.memref_slice %arg6[%dma_wait3A_2013, %dma_wait3A_2014, %dma_wait3A_2015] : memref<2x72x768xf32, #tpu.memory_space<vmem>> -> memref<1x72x768xf32, #tpu.memory_space<vmem>>
    %dma_wait3A_2017 = tpu.memref_squeeze %dma_wait3A_2016 : memref<1x72x768xf32, #tpu.memory_space<vmem>> -> memref<72x768xf32, #tpu.memory_space<vmem>>
    %dma_wait3A_2018 = arith.constant 0 : i32
    %dma_wait3A_2019 = tpu.memref_slice %arg4[%add3A_1999, %dma_wait3A_2018] : memref<41472x768xf32, #tpu.memory_space<hbm>> -> memref<72x768xf32, #tpu.memory_space<hbm>>
    %dma_wait3A_2020 = arith.constant 0 : i32
    %dma_wait3A_2021 = tpu.memref_slice %arg4[%add3A_1999, %dma_wait3A_2020] : memref<41472x768xf32, #tpu.memory_space<hbm>> -> memref<72x768xf32, #tpu.memory_space<hbm>>
    %dma_wait3A_2022 = arith.constant 0 : i32
    %dma_wait3A_2023 = arith.constant 0 : i32
    %dma_wait3A_2024 = tpu.memref_slice %arg6[%dma_wait3A_2013, %dma_wait3A_2022, %dma_wait3A_2023] : memref<2x72x768xf32, #tpu.memory_space<vmem>> -> memref<1x72x768xf32, #tpu.memory_space<vmem>>
    %dma_wait3A_2025 = tpu.memref_squeeze %dma_wait3A_2024 : memref<1x72x768xf32, #tpu.memory_space<vmem>> -> memref<72x768xf32, #tpu.memory_space<vmem>>
    tpu.wait_dma2 semaphore(%arg10 : memref<!tpu.dma_semaphore, #tpu.memory_space<semaphore_mem>>) src(%dma_wait3A_2025 : memref<72x768xf32, #tpu.memory_space<vmem>>) dst(%dma_wait3A_2021 : memref<72x768xf32, #tpu.memory_space<hbm>>)
    %dma_start3A_2026 = arith.constant 1 : i32
    %dma_start3A_2027 = arith.constant 0 : i32
    %dma_start3A_2028 = arith.constant 0 : i32
    %dma_start3A_2029 = tpu.memref_slice %arg6[%dma_start3A_2026, %dma_start3A_2027, %dma_start3A_2028] : memref<2x72x768xf32, #tpu.memory_space<vmem>> -> memref<1x72x768xf32, #tpu.memory_space<vmem>>
    %dma_start3A_2030 = tpu.memref_squeeze %dma_start3A_2029 : memref<1x72x768xf32, #tpu.memory_space<vmem>> -> memref<72x768xf32, #tpu.memory_space<vmem>>
    %dma_start3A_2031 = arith.constant 792 : i32
    %dma_start3A_2032 = tpu.memref_slice %arg5[%dma_start3A_2031] : memref<1296xi32, #tpu.memory_space<vmem>> -> memref<72xi32, #tpu.memory_space<vmem>>
    %dma_start3A_2033 = arith.constant 0 : i32
    %dma_start3A_2034 = arith.constant 0 : i32
    %dma_start3A_2035 = tpu.memref_slice %arg2[%dma_start3A_2033, %dma_start3A_2034] : memref<55296x768xf32, #tpu.memory_space<hbm>> -> memref<55296x768xf32, #tpu.memory_space<hbm>>
    tpu.enqueue_indirect_dma source(%dma_start3A_2035 : memref<55296x768xf32, #tpu.memory_space<hbm>>) target(%dma_start3A_2030 : memref<72x768xf32, #tpu.memory_space<vmem>>) offsets(%dma_start3A_2032 : memref<72xi32, #tpu.memory_space<vmem>>) semaphore(%arg8 : memref<!tpu.dma_semaphore, #tpu.memory_space<semaphore_mem>>)
    %dma_wait3A_2036 = arith.constant 0 : i32
    %dma_wait3A_2037 = arith.constant 0 : i32
    %dma_wait3A_2038 = arith.constant 0 : i32
    %dma_wait3A_2039 = tpu.memref_slice %arg6[%dma_wait3A_2036, %dma_wait3A_2037, %dma_wait3A_2038] : memref<2x72x768xf32, #tpu.memory_space<vmem>> -> memref<1x72x768xf32, #tpu.memory_space<vmem>>
    %dma_wait3A_2040 = tpu.memref_squeeze %dma_wait3A_2039 : memref<1x72x768xf32, #tpu.memory_space<vmem>> -> memref<72x768xf32, #tpu.memory_space<vmem>>
    %dma_wait3A_2041 = arith.constant 720 : i32
    %dma_wait3A_2042 = tpu.memref_slice %arg5[%dma_wait3A_2041] : memref<1296xi32, #tpu.memory_space<vmem>> -> memref<72xi32, #tpu.memory_space<vmem>>
    %dma_wait3A_2043 = arith.constant 0 : i32
    %dma_wait3A_2044 = arith.constant 0 : i32
    %dma_wait3A_2045 = tpu.memref_slice %arg2[%dma_wait3A_2043, %dma_wait3A_2044] : memref<55296x768xf32, #tpu.memory_space<hbm>> -> memref<55296x768xf32, #tpu.memory_space<hbm>>
    tpu.wait_indirect_dma semaphore(%arg7 : memref<!tpu.dma_semaphore, #tpu.memory_space<semaphore_mem>>) src(%dma_wait3A_2045 : memref<55296x768xf32, #tpu.memory_space<hbm>>) dst(%dma_wait3A_2040 : memref<72x768xf32, #tpu.memory_space<vmem>>)
    %add3A_2046 = arith.constant 720 : i32
    %add3A_2047 = arith.addi %mul3A_2, %add3A_2046 : i32
    %dma_start3A_2048 = arith.constant 0 : i32
    %dma_start3A_2049 = arith.constant 0 : i32
    %dma_start3A_2050 = arith.constant 0 : i32
    %dma_start3A_2051 = tpu.memref_slice %arg6[%dma_start3A_2048, %dma_start3A_2049, %dma_start3A_2050] : memref<2x72x768xf32, #tpu.memory_space<vmem>> -> memref<1x72x768xf32, #tpu.memory_space<vmem>>
    %dma_start3A_2052 = tpu.memref_squeeze %dma_start3A_2051 : memref<1x72x768xf32, #tpu.memory_space<vmem>> -> memref<72x768xf32, #tpu.memory_space<vmem>>
    %dma_start3A_2053 = arith.constant 0 : i32
    %dma_start3A_2054 = tpu.memref_slice %arg4[%add3A_2047, %dma_start3A_2053] : memref<41472x768xf32, #tpu.memory_space<hbm>> -> memref<72x768xf32, #tpu.memory_space<hbm>>
    %dma_start3A_2055 = arith.constant 0 : i32
    %dma_start3A_2056 = tpu.memref_slice %arg4[%add3A_2047, %dma_start3A_2055] : memref<41472x768xf32, #tpu.memory_space<hbm>> -> memref<72x768xf32, #tpu.memory_space<hbm>>
    %dma_start3A_2057 = arith.constant 0 : i32
    %dma_start3A_2058 = arith.constant 0 : i32
    %dma_start3A_2059 = tpu.memref_slice %arg6[%dma_start3A_2048, %dma_start3A_2057, %dma_start3A_2058] : memref<2x72x768xf32, #tpu.memory_space<vmem>> -> memref<1x72x768xf32, #tpu.memory_space<vmem>>
    %dma_start3A_2060 = tpu.memref_squeeze %dma_start3A_2059 : memref<1x72x768xf32, #tpu.memory_space<vmem>> -> memref<72x768xf32, #tpu.memory_space<vmem>>
    tpu.enqueue_dma source(%dma_start3A_2060 : memref<72x768xf32, #tpu.memory_space<vmem>>) target(%dma_start3A_2056 : memref<72x768xf32, #tpu.memory_space<hbm>>) target_semaphore(%arg9 : memref<!tpu.dma_semaphore, #tpu.memory_space<semaphore_mem>>)
    %dma_wait3A_2061 = arith.constant 0 : i32
    %dma_wait3A_2062 = arith.constant 0 : i32
    %dma_wait3A_2063 = arith.constant 0 : i32
    %dma_wait3A_2064 = tpu.memref_slice %arg6[%dma_wait3A_2061, %dma_wait3A_2062, %dma_wait3A_2063] : memref<2x72x768xf32, #tpu.memory_space<vmem>> -> memref<1x72x768xf32, #tpu.memory_space<vmem>>
    %dma_wait3A_2065 = tpu.memref_squeeze %dma_wait3A_2064 : memref<1x72x768xf32, #tpu.memory_space<vmem>> -> memref<72x768xf32, #tpu.memory_space<vmem>>
    %dma_wait3A_2066 = arith.constant 0 : i32
    %dma_wait3A_2067 = tpu.memref_slice %arg4[%add3A_2047, %dma_wait3A_2066] : memref<41472x768xf32, #tpu.memory_space<hbm>> -> memref<72x768xf32, #tpu.memory_space<hbm>>
    %dma_wait3A_2068 = arith.constant 0 : i32
    %dma_wait3A_2069 = tpu.memref_slice %arg4[%add3A_2047, %dma_wait3A_2068] : memref<41472x768xf32, #tpu.memory_space<hbm>> -> memref<72x768xf32, #tpu.memory_space<hbm>>
    %dma_wait3A_2070 = arith.constant 0 : i32
    %dma_wait3A_2071 = arith.constant 0 : i32
    %dma_wait3A_2072 = tpu.memref_slice %arg6[%dma_wait3A_2061, %dma_wait3A_2070, %dma_wait3A_2071] : memref<2x72x768xf32, #tpu.memory_space<vmem>> -> memref<1x72x768xf32, #tpu.memory_space<vmem>>
    %dma_wait3A_2073 = tpu.memref_squeeze %dma_wait3A_2072 : memref<1x72x768xf32, #tpu.memory_space<vmem>> -> memref<72x768xf32, #tpu.memory_space<vmem>>
    tpu.wait_dma2 semaphore(%arg9 : memref<!tpu.dma_semaphore, #tpu.memory_space<semaphore_mem>>) src(%dma_wait3A_2073 : memref<72x768xf32, #tpu.memory_space<vmem>>) dst(%dma_wait3A_2069 : memref<72x768xf32, #tpu.memory_space<hbm>>)
    %dma_start3A_2074 = arith.constant 0 : i32
    %dma_start3A_2075 = arith.constant 0 : i32
    %dma_start3A_2076 = arith.constant 0 : i32
    %dma_start3A_2077 = tpu.memref_slice %arg6[%dma_start3A_2074, %dma_start3A_2075, %dma_start3A_2076] : memref<2x72x768xf32, #tpu.memory_space<vmem>> -> memref<1x72x768xf32, #tpu.memory_space<vmem>>
    %dma_start3A_2078 = tpu.memref_squeeze %dma_start3A_2077 : memref<1x72x768xf32, #tpu.memory_space<vmem>> -> memref<72x768xf32, #tpu.memory_space<vmem>>
    %dma_start3A_2079 = arith.constant 864 : i32
    %dma_start3A_2080 = tpu.memref_slice %arg5[%dma_start3A_2079] : memref<1296xi32, #tpu.memory_space<vmem>> -> memref<72xi32, #tpu.memory_space<vmem>>
    %dma_start3A_2081 = arith.constant 0 : i32
    %dma_start3A_2082 = arith.constant 0 : i32
    %dma_start3A_2083 = tpu.memref_slice %arg2[%dma_start3A_2081, %dma_start3A_2082] : memref<55296x768xf32, #tpu.memory_space<hbm>> -> memref<55296x768xf32, #tpu.memory_space<hbm>>
    tpu.enqueue_indirect_dma source(%dma_start3A_2083 : memref<55296x768xf32, #tpu.memory_space<hbm>>) target(%dma_start3A_2078 : memref<72x768xf32, #tpu.memory_space<vmem>>) offsets(%dma_start3A_2080 : memref<72xi32, #tpu.memory_space<vmem>>) semaphore(%arg7 : memref<!tpu.dma_semaphore, #tpu.memory_space<semaphore_mem>>)
    %dma_wait3A_2084 = arith.constant 1 : i32
    %dma_wait3A_2085 = arith.constant 0 : i32
    %dma_wait3A_2086 = arith.constant 0 : i32
    %dma_wait3A_2087 = tpu.memref_slice %arg6[%dma_wait3A_2084, %dma_wait3A_2085, %dma_wait3A_2086] : memref<2x72x768xf32, #tpu.memory_space<vmem>> -> memref<1x72x768xf32, #tpu.memory_space<vmem>>
    %dma_wait3A_2088 = tpu.memref_squeeze %dma_wait3A_2087 : memref<1x72x768xf32, #tpu.memory_space<vmem>> -> memref<72x768xf32, #tpu.memory_space<vmem>>
    %dma_wait3A_2089 = arith.constant 792 : i32
    %dma_wait3A_2090 = tpu.memref_slice %arg5[%dma_wait3A_2089] : memref<1296xi32, #tpu.memory_space<vmem>> -> memref<72xi32, #tpu.memory_space<vmem>>
    %dma_wait3A_2091 = arith.constant 0 : i32
    %dma_wait3A_2092 = arith.constant 0 : i32
    %dma_wait3A_2093 = tpu.memref_slice %arg2[%dma_wait3A_2091, %dma_wait3A_2092] : memref<55296x768xf32, #tpu.memory_space<hbm>> -> memref<55296x768xf32, #tpu.memory_space<hbm>>
    tpu.wait_indirect_dma semaphore(%arg8 : memref<!tpu.dma_semaphore, #tpu.memory_space<semaphore_mem>>) src(%dma_wait3A_2093 : memref<55296x768xf32, #tpu.memory_space<hbm>>) dst(%dma_wait3A_2088 : memref<72x768xf32, #tpu.memory_space<vmem>>)
    %add3A_2094 = arith.constant 792 : i32
    %add3A_2095 = arith.addi %mul3A_2, %add3A_2094 : i32
    %dma_start3A_2096 = arith.constant 1 : i32
    %dma_start3A_2097 = arith.constant 0 : i32
    %dma_start3A_2098 = arith.constant 0 : i32
    %dma_start3A_2099 = tpu.memref_slice %arg6[%dma_start3A_2096, %dma_start3A_2097, %dma_start3A_2098] : memref<2x72x768xf32, #tpu.memory_space<vmem>> -> memref<1x72x768xf32, #tpu.memory_space<vmem>>
    %dma_start3A_2100 = tpu.memref_squeeze %dma_start3A_2099 : memref<1x72x768xf32, #tpu.memory_space<vmem>> -> memref<72x768xf32, #tpu.memory_space<vmem>>
    %dma_start3A_2101 = arith.constant 0 : i32
    %dma_start3A_2102 = tpu.memref_slice %arg4[%add3A_2095, %dma_start3A_2101] : memref<41472x768xf32, #tpu.memory_space<hbm>> -> memref<72x768xf32, #tpu.memory_space<hbm>>
    %dma_start3A_2103 = arith.constant 0 : i32
    %dma_start3A_2104 = tpu.memref_slice %arg4[%add3A_2095, %dma_start3A_2103] : memref<41472x768xf32, #tpu.memory_space<hbm>> -> memref<72x768xf32, #tpu.memory_space<hbm>>
    %dma_start3A_2105 = arith.constant 0 : i32
    %dma_start3A_2106 = arith.constant 0 : i32
    %dma_start3A_2107 = tpu.memref_slice %arg6[%dma_start3A_2096, %dma_start3A_2105, %dma_start3A_2106] : memref<2x72x768xf32, #tpu.memory_space<vmem>> -> memref<1x72x768xf32, #tpu.memory_space<vmem>>
    %dma_start3A_2108 = tpu.memref_squeeze %dma_start3A_2107 : memref<1x72x768xf32, #tpu.memory_space<vmem>> -> memref<72x768xf32, #tpu.memory_space<vmem>>
    tpu.enqueue_dma source(%dma_start3A_2108 : memref<72x768xf32, #tpu.memory_space<vmem>>) target(%dma_start3A_2104 : memref<72x768xf32, #tpu.memory_space<hbm>>) target_semaphore(%arg10 : memref<!tpu.dma_semaphore, #tpu.memory_space<semaphore_mem>>)
    %dma_wait3A_2109 = arith.constant 1 : i32
    %dma_wait3A_2110 = arith.constant 0 : i32
    %dma_wait3A_2111 = arith.constant 0 : i32
    %dma_wait3A_2112 = tpu.memref_slice %arg6[%dma_wait3A_2109, %dma_wait3A_2110, %dma_wait3A_2111] : memref<2x72x768xf32, #tpu.memory_space<vmem>> -> memref<1x72x768xf32, #tpu.memory_space<vmem>>
    %dma_wait3A_2113 = tpu.memref_squeeze %dma_wait3A_2112 : memref<1x72x768xf32, #tpu.memory_space<vmem>> -> memref<72x768xf32, #tpu.memory_space<vmem>>
    %dma_wait3A_2114 = arith.constant 0 : i32
    %dma_wait3A_2115 = tpu.memref_slice %arg4[%add3A_2095, %dma_wait3A_2114] : memref<41472x768xf32, #tpu.memory_space<hbm>> -> memref<72x768xf32, #tpu.memory_space<hbm>>
    %dma_wait3A_2116 = arith.constant 0 : i32
    %dma_wait3A_2117 = tpu.memref_slice %arg4[%add3A_2095, %dma_wait3A_2116] : memref<41472x768xf32, #tpu.memory_space<hbm>> -> memref<72x768xf32, #tpu.memory_space<hbm>>
    %dma_wait3A_2118 = arith.constant 0 : i32
    %dma_wait3A_2119 = arith.constant 0 : i32
    %dma_wait3A_2120 = tpu.memref_slice %arg6[%dma_wait3A_2109, %dma_wait3A_2118, %dma_wait3A_2119] : memref<2x72x768xf32, #tpu.memory_space<vmem>> -> memref<1x72x768xf32, #tpu.memory_space<vmem>>
    %dma_wait3A_2121 = tpu.memref_squeeze %dma_wait3A_2120 : memref<1x72x768xf32, #tpu.memory_space<vmem>> -> memref<72x768xf32, #tpu.memory_space<vmem>>
    tpu.wait_dma2 semaphore(%arg10 : memref<!tpu.dma_semaphore, #tpu.memory_space<semaphore_mem>>) src(%dma_wait3A_2121 : memref<72x768xf32, #tpu.memory_space<vmem>>) dst(%dma_wait3A_2117 : memref<72x768xf32, #tpu.memory_space<hbm>>)
    %dma_start3A_2122 = arith.constant 1 : i32
    %dma_start3A_2123 = arith.constant 0 : i32
    %dma_start3A_2124 = arith.constant 0 : i32
    %dma_start3A_2125 = tpu.memref_slice %arg6[%dma_start3A_2122, %dma_start3A_2123, %dma_start3A_2124] : memref<2x72x768xf32, #tpu.memory_space<vmem>> -> memref<1x72x768xf32, #tpu.memory_space<vmem>>
    %dma_start3A_2126 = tpu.memref_squeeze %dma_start3A_2125 : memref<1x72x768xf32, #tpu.memory_space<vmem>> -> memref<72x768xf32, #tpu.memory_space<vmem>>
    %dma_start3A_2127 = arith.constant 936 : i32
    %dma_start3A_2128 = tpu.memref_slice %arg5[%dma_start3A_2127] : memref<1296xi32, #tpu.memory_space<vmem>> -> memref<72xi32, #tpu.memory_space<vmem>>
    %dma_start3A_2129 = arith.constant 0 : i32
    %dma_start3A_2130 = arith.constant 0 : i32
    %dma_start3A_2131 = tpu.memref_slice %arg2[%dma_start3A_2129, %dma_start3A_2130] : memref<55296x768xf32, #tpu.memory_space<hbm>> -> memref<55296x768xf32, #tpu.memory_space<hbm>>
    tpu.enqueue_indirect_dma source(%dma_start3A_2131 : memref<55296x768xf32, #tpu.memory_space<hbm>>) target(%dma_start3A_2126 : memref<72x768xf32, #tpu.memory_space<vmem>>) offsets(%dma_start3A_2128 : memref<72xi32, #tpu.memory_space<vmem>>) semaphore(%arg8 : memref<!tpu.dma_semaphore, #tpu.memory_space<semaphore_mem>>)
    %dma_wait3A_2132 = arith.constant 0 : i32
    %dma_wait3A_2133 = arith.constant 0 : i32
    %dma_wait3A_2134 = arith.constant 0 : i32
    %dma_wait3A_2135 = tpu.memref_slice %arg6[%dma_wait3A_2132, %dma_wait3A_2133, %dma_wait3A_2134] : memref<2x72x768xf32, #tpu.memory_space<vmem>> -> memref<1x72x768xf32, #tpu.memory_space<vmem>>
    %dma_wait3A_2136 = tpu.memref_squeeze %dma_wait3A_2135 : memref<1x72x768xf32, #tpu.memory_space<vmem>> -> memref<72x768xf32, #tpu.memory_space<vmem>>
    %dma_wait3A_2137 = arith.constant 864 : i32
    %dma_wait3A_2138 = tpu.memref_slice %arg5[%dma_wait3A_2137] : memref<1296xi32, #tpu.memory_space<vmem>> -> memref<72xi32, #tpu.memory_space<vmem>>
    %dma_wait3A_2139 = arith.constant 0 : i32
    %dma_wait3A_2140 = arith.constant 0 : i32
    %dma_wait3A_2141 = tpu.memref_slice %arg2[%dma_wait3A_2139, %dma_wait3A_2140] : memref<55296x768xf32, #tpu.memory_space<hbm>> -> memref<55296x768xf32, #tpu.memory_space<hbm>>
    tpu.wait_indirect_dma semaphore(%arg7 : memref<!tpu.dma_semaphore, #tpu.memory_space<semaphore_mem>>) src(%dma_wait3A_2141 : memref<55296x768xf32, #tpu.memory_space<hbm>>) dst(%dma_wait3A_2136 : memref<72x768xf32, #tpu.memory_space<vmem>>)
    %add3A_2142 = arith.constant 864 : i32
    %add3A_2143 = arith.addi %mul3A_2, %add3A_2142 : i32
    %dma_start3A_2144 = arith.constant 0 : i32
    %dma_start3A_2145 = arith.constant 0 : i32
    %dma_start3A_2146 = arith.constant 0 : i32
    %dma_start3A_2147 = tpu.memref_slice %arg6[%dma_start3A_2144, %dma_start3A_2145, %dma_start3A_2146] : memref<2x72x768xf32, #tpu.memory_space<vmem>> -> memref<1x72x768xf32, #tpu.memory_space<vmem>>
    %dma_start3A_2148 = tpu.memref_squeeze %dma_start3A_2147 : memref<1x72x768xf32, #tpu.memory_space<vmem>> -> memref<72x768xf32, #tpu.memory_space<vmem>>
    %dma_start3A_2149 = arith.constant 0 : i32
    %dma_start3A_2150 = tpu.memref_slice %arg4[%add3A_2143, %dma_start3A_2149] : memref<41472x768xf32, #tpu.memory_space<hbm>> -> memref<72x768xf32, #tpu.memory_space<hbm>>
    %dma_start3A_2151 = arith.constant 0 : i32
    %dma_start3A_2152 = tpu.memref_slice %arg4[%add3A_2143, %dma_start3A_2151] : memref<41472x768xf32, #tpu.memory_space<hbm>> -> memref<72x768xf32, #tpu.memory_space<hbm>>
    %dma_start3A_2153 = arith.constant 0 : i32
    %dma_start3A_2154 = arith.constant 0 : i32
    %dma_start3A_2155 = tpu.memref_slice %arg6[%dma_start3A_2144, %dma_start3A_2153, %dma_start3A_2154] : memref<2x72x768xf32, #tpu.memory_space<vmem>> -> memref<1x72x768xf32, #tpu.memory_space<vmem>>
    %dma_start3A_2156 = tpu.memref_squeeze %dma_start3A_2155 : memref<1x72x768xf32, #tpu.memory_space<vmem>> -> memref<72x768xf32, #tpu.memory_space<vmem>>
    tpu.enqueue_dma source(%dma_start3A_2156 : memref<72x768xf32, #tpu.memory_space<vmem>>) target(%dma_start3A_2152 : memref<72x768xf32, #tpu.memory_space<hbm>>) target_semaphore(%arg9 : memref<!tpu.dma_semaphore, #tpu.memory_space<semaphore_mem>>)
    %dma_wait3A_2157 = arith.constant 0 : i32
    %dma_wait3A_2158 = arith.constant 0 : i32
    %dma_wait3A_2159 = arith.constant 0 : i32
    %dma_wait3A_2160 = tpu.memref_slice %arg6[%dma_wait3A_2157, %dma_wait3A_2158, %dma_wait3A_2159] : memref<2x72x768xf32, #tpu.memory_space<vmem>> -> memref<1x72x768xf32, #tpu.memory_space<vmem>>
    %dma_wait3A_2161 = tpu.memref_squeeze %dma_wait3A_2160 : memref<1x72x768xf32, #tpu.memory_space<vmem>> -> memref<72x768xf32, #tpu.memory_space<vmem>>
    %dma_wait3A_2162 = arith.constant 0 : i32
    %dma_wait3A_2163 = tpu.memref_slice %arg4[%add3A_2143, %dma_wait3A_2162] : memref<41472x768xf32, #tpu.memory_space<hbm>> -> memref<72x768xf32, #tpu.memory_space<hbm>>
    %dma_wait3A_2164 = arith.constant 0 : i32
    %dma_wait3A_2165 = tpu.memref_slice %arg4[%add3A_2143, %dma_wait3A_2164] : memref<41472x768xf32, #tpu.memory_space<hbm>> -> memref<72x768xf32, #tpu.memory_space<hbm>>
    %dma_wait3A_2166 = arith.constant 0 : i32
    %dma_wait3A_2167 = arith.constant 0 : i32
    %dma_wait3A_2168 = tpu.memref_slice %arg6[%dma_wait3A_2157, %dma_wait3A_2166, %dma_wait3A_2167] : memref<2x72x768xf32, #tpu.memory_space<vmem>> -> memref<1x72x768xf32, #tpu.memory_space<vmem>>
    %dma_wait3A_2169 = tpu.memref_squeeze %dma_wait3A_2168 : memref<1x72x768xf32, #tpu.memory_space<vmem>> -> memref<72x768xf32, #tpu.memory_space<vmem>>
    tpu.wait_dma2 semaphore(%arg9 : memref<!tpu.dma_semaphore, #tpu.memory_space<semaphore_mem>>) src(%dma_wait3A_2169 : memref<72x768xf32, #tpu.memory_space<vmem>>) dst(%dma_wait3A_2165 : memref<72x768xf32, #tpu.memory_space<hbm>>)
    %dma_start3A_2170 = arith.constant 0 : i32
    %dma_start3A_2171 = arith.constant 0 : i32
    %dma_start3A_2172 = arith.constant 0 : i32
    %dma_start3A_2173 = tpu.memref_slice %arg6[%dma_start3A_2170, %dma_start3A_2171, %dma_start3A_2172] : memref<2x72x768xf32, #tpu.memory_space<vmem>> -> memref<1x72x768xf32, #tpu.memory_space<vmem>>
    %dma_start3A_2174 = tpu.memref_squeeze %dma_start3A_2173 : memref<1x72x768xf32, #tpu.memory_space<vmem>> -> memref<72x768xf32, #tpu.memory_space<vmem>>
    %dma_start3A_2175 = arith.constant 1008 : i32
    %dma_start3A_2176 = tpu.memref_slice %arg5[%dma_start3A_2175] : memref<1296xi32, #tpu.memory_space<vmem>> -> memref<72xi32, #tpu.memory_space<vmem>>
    %dma_start3A_2177 = arith.constant 0 : i32
    %dma_start3A_2178 = arith.constant 0 : i32
    %dma_start3A_2179 = tpu.memref_slice %arg2[%dma_start3A_2177, %dma_start3A_2178] : memref<55296x768xf32, #tpu.memory_space<hbm>> -> memref<55296x768xf32, #tpu.memory_space<hbm>>
    tpu.enqueue_indirect_dma source(%dma_start3A_2179 : memref<55296x768xf32, #tpu.memory_space<hbm>>) target(%dma_start3A_2174 : memref<72x768xf32, #tpu.memory_space<vmem>>) offsets(%dma_start3A_2176 : memref<72xi32, #tpu.memory_space<vmem>>) semaphore(%arg7 : memref<!tpu.dma_semaphore, #tpu.memory_space<semaphore_mem>>)
    %dma_wait3A_2180 = arith.constant 1 : i32
    %dma_wait3A_2181 = arith.constant 0 : i32
    %dma_wait3A_2182 = arith.constant 0 : i32
    %dma_wait3A_2183 = tpu.memref_slice %arg6[%dma_wait3A_2180, %dma_wait3A_2181, %dma_wait3A_2182] : memref<2x72x768xf32, #tpu.memory_space<vmem>> -> memref<1x72x768xf32, #tpu.memory_space<vmem>>
    %dma_wait3A_2184 = tpu.memref_squeeze %dma_wait3A_2183 : memref<1x72x768xf32, #tpu.memory_space<vmem>> -> memref<72x768xf32, #tpu.memory_space<vmem>>
    %dma_wait3A_2185 = arith.constant 936 : i32
    %dma_wait3A_2186 = tpu.memref_slice %arg5[%dma_wait3A_2185] : memref<1296xi32, #tpu.memory_space<vmem>> -> memref<72xi32, #tpu.memory_space<vmem>>
    %dma_wait3A_2187 = arith.constant 0 : i32
    %dma_wait3A_2188 = arith.constant 0 : i32
    %dma_wait3A_2189 = tpu.memref_slice %arg2[%dma_wait3A_2187, %dma_wait3A_2188] : memref<55296x768xf32, #tpu.memory_space<hbm>> -> memref<55296x768xf32, #tpu.memory_space<hbm>>
    tpu.wait_indirect_dma semaphore(%arg8 : memref<!tpu.dma_semaphore, #tpu.memory_space<semaphore_mem>>) src(%dma_wait3A_2189 : memref<55296x768xf32, #tpu.memory_space<hbm>>) dst(%dma_wait3A_2184 : memref<72x768xf32, #tpu.memory_space<vmem>>)
    %add3A_2190 = arith.constant 936 : i32
    %add3A_2191 = arith.addi %mul3A_2, %add3A_2190 : i32
    %dma_start3A_2192 = arith.constant 1 : i32
    %dma_start3A_2193 = arith.constant 0 : i32
    %dma_start3A_2194 = arith.constant 0 : i32
    %dma_start3A_2195 = tpu.memref_slice %arg6[%dma_start3A_2192, %dma_start3A_2193, %dma_start3A_2194] : memref<2x72x768xf32, #tpu.memory_space<vmem>> -> memref<1x72x768xf32, #tpu.memory_space<vmem>>
    %dma_start3A_2196 = tpu.memref_squeeze %dma_start3A_2195 : memref<1x72x768xf32, #tpu.memory_space<vmem>> -> memref<72x768xf32, #tpu.memory_space<vmem>>
    %dma_start3A_2197 = arith.constant 0 : i32
    %dma_start3A_2198 = tpu.memref_slice %arg4[%add3A_2191, %dma_start3A_2197] : memref<41472x768xf32, #tpu.memory_space<hbm>> -> memref<72x768xf32, #tpu.memory_space<hbm>>
    %dma_start3A_2199 = arith.constant 0 : i32
    %dma_start3A_2200 = tpu.memref_slice %arg4[%add3A_2191, %dma_start3A_2199] : memref<41472x768xf32, #tpu.memory_space<hbm>> -> memref<72x768xf32, #tpu.memory_space<hbm>>
    %dma_start3A_2201 = arith.constant 0 : i32
    %dma_start3A_2202 = arith.constant 0 : i32
    %dma_start3A_2203 = tpu.memref_slice %arg6[%dma_start3A_2192, %dma_start3A_2201, %dma_start3A_2202] : memref<2x72x768xf32, #tpu.memory_space<vmem>> -> memref<1x72x768xf32, #tpu.memory_space<vmem>>
    %dma_start3A_2204 = tpu.memref_squeeze %dma_start3A_2203 : memref<1x72x768xf32, #tpu.memory_space<vmem>> -> memref<72x768xf32, #tpu.memory_space<vmem>>
    tpu.enqueue_dma source(%dma_start3A_2204 : memref<72x768xf32, #tpu.memory_space<vmem>>) target(%dma_start3A_2200 : memref<72x768xf32, #tpu.memory_space<hbm>>) target_semaphore(%arg10 : memref<!tpu.dma_semaphore, #tpu.memory_space<semaphore_mem>>)
    %dma_wait3A_2205 = arith.constant 1 : i32
    %dma_wait3A_2206 = arith.constant 0 : i32
    %dma_wait3A_2207 = arith.constant 0 : i32
    %dma_wait3A_2208 = tpu.memref_slice %arg6[%dma_wait3A_2205, %dma_wait3A_2206, %dma_wait3A_2207] : memref<2x72x768xf32, #tpu.memory_space<vmem>> -> memref<1x72x768xf32, #tpu.memory_space<vmem>>
    %dma_wait3A_2209 = tpu.memref_squeeze %dma_wait3A_2208 : memref<1x72x768xf32, #tpu.memory_space<vmem>> -> memref<72x768xf32, #tpu.memory_space<vmem>>
    %dma_wait3A_2210 = arith.constant 0 : i32
    %dma_wait3A_2211 = tpu.memref_slice %arg4[%add3A_2191, %dma_wait3A_2210] : memref<41472x768xf32, #tpu.memory_space<hbm>> -> memref<72x768xf32, #tpu.memory_space<hbm>>
    %dma_wait3A_2212 = arith.constant 0 : i32
    %dma_wait3A_2213 = tpu.memref_slice %arg4[%add3A_2191, %dma_wait3A_2212] : memref<41472x768xf32, #tpu.memory_space<hbm>> -> memref<72x768xf32, #tpu.memory_space<hbm>>
    %dma_wait3A_2214 = arith.constant 0 : i32
    %dma_wait3A_2215 = arith.constant 0 : i32
    %dma_wait3A_2216 = tpu.memref_slice %arg6[%dma_wait3A_2205, %dma_wait3A_2214, %dma_wait3A_2215] : memref<2x72x768xf32, #tpu.memory_space<vmem>> -> memref<1x72x768xf32, #tpu.memory_space<vmem>>
    %dma_wait3A_2217 = tpu.memref_squeeze %dma_wait3A_2216 : memref<1x72x768xf32, #tpu.memory_space<vmem>> -> memref<72x768xf32, #tpu.memory_space<vmem>>
    tpu.wait_dma2 semaphore(%arg10 : memref<!tpu.dma_semaphore, #tpu.memory_space<semaphore_mem>>) src(%dma_wait3A_2217 : memref<72x768xf32, #tpu.memory_space<vmem>>) dst(%dma_wait3A_2213 : memref<72x768xf32, #tpu.memory_space<hbm>>)
    %dma_start3A_2218 = arith.constant 1 : i32
    %dma_start3A_2219 = arith.constant 0 : i32
    %dma_start3A_2220 = arith.constant 0 : i32
    %dma_start3A_2221 = tpu.memref_slice %arg6[%dma_start3A_2218, %dma_start3A_2219, %dma_start3A_2220] : memref<2x72x768xf32, #tpu.memory_space<vmem>> -> memref<1x72x768xf32, #tpu.memory_space<vmem>>
    %dma_start3A_2222 = tpu.memref_squeeze %dma_start3A_2221 : memref<1x72x768xf32, #tpu.memory_space<vmem>> -> memref<72x768xf32, #tpu.memory_space<vmem>>
    %dma_start3A_2223 = arith.constant 1080 : i32
    %dma_start3A_2224 = tpu.memref_slice %arg5[%dma_start3A_2223] : memref<1296xi32, #tpu.memory_space<vmem>> -> memref<72xi32, #tpu.memory_space<vmem>>
    %dma_start3A_2225 = arith.constant 0 : i32
    %dma_start3A_2226 = arith.constant 0 : i32
    %dma_start3A_2227 = tpu.memref_slice %arg2[%dma_start3A_2225, %dma_start3A_2226] : memref<55296x768xf32, #tpu.memory_space<hbm>> -> memref<55296x768xf32, #tpu.memory_space<hbm>>
    tpu.enqueue_indirect_dma source(%dma_start3A_2227 : memref<55296x768xf32, #tpu.memory_space<hbm>>) target(%dma_start3A_2222 : memref<72x768xf32, #tpu.memory_space<vmem>>) offsets(%dma_start3A_2224 : memref<72xi32, #tpu.memory_space<vmem>>) semaphore(%arg8 : memref<!tpu.dma_semaphore, #tpu.memory_space<semaphore_mem>>)
    %dma_wait3A_2228 = arith.constant 0 : i32
    %dma_wait3A_2229 = arith.constant 0 : i32
    %dma_wait3A_2230 = arith.constant 0 : i32
    %dma_wait3A_2231 = tpu.memref_slice %arg6[%dma_wait3A_2228, %dma_wait3A_2229, %dma_wait3A_2230] : memref<2x72x768xf32, #tpu.memory_space<vmem>> -> memref<1x72x768xf32, #tpu.memory_space<vmem>>
    %dma_wait3A_2232 = tpu.memref_squeeze %dma_wait3A_2231 : memref<1x72x768xf32, #tpu.memory_space<vmem>> -> memref<72x768xf32, #tpu.memory_space<vmem>>
    %dma_wait3A_2233 = arith.constant 1008 : i32
    %dma_wait3A_2234 = tpu.memref_slice %arg5[%dma_wait3A_2233] : memref<1296xi32, #tpu.memory_space<vmem>> -> memref<72xi32, #tpu.memory_space<vmem>>
    %dma_wait3A_2235 = arith.constant 0 : i32
    %dma_wait3A_2236 = arith.constant 0 : i32
    %dma_wait3A_2237 = tpu.memref_slice %arg2[%dma_wait3A_2235, %dma_wait3A_2236] : memref<55296x768xf32, #tpu.memory_space<hbm>> -> memref<55296x768xf32, #tpu.memory_space<hbm>>
    tpu.wait_indirect_dma semaphore(%arg7 : memref<!tpu.dma_semaphore, #tpu.memory_space<semaphore_mem>>) src(%dma_wait3A_2237 : memref<55296x768xf32, #tpu.memory_space<hbm>>) dst(%dma_wait3A_2232 : memref<72x768xf32, #tpu.memory_space<vmem>>)
    %add3A_2238 = arith.constant 1008 : i32
    %add3A_2239 = arith.addi %mul3A_2, %add3A_2238 : i32
    %dma_start3A_2240 = arith.constant 0 : i32
    %dma_start3A_2241 = arith.constant 0 : i32
    %dma_start3A_2242 = arith.constant 0 : i32
    %dma_start3A_2243 = tpu.memref_slice %arg6[%dma_start3A_2240, %dma_start3A_2241, %dma_start3A_2242] : memref<2x72x768xf32, #tpu.memory_space<vmem>> -> memref<1x72x768xf32, #tpu.memory_space<vmem>>
    %dma_start3A_2244 = tpu.memref_squeeze %dma_start3A_2243 : memref<1x72x768xf32, #tpu.memory_space<vmem>> -> memref<72x768xf32, #tpu.memory_space<vmem>>
    %dma_start3A_2245 = arith.constant 0 : i32
    %dma_start3A_2246 = tpu.memref_slice %arg4[%add3A_2239, %dma_start3A_2245] : memref<41472x768xf32, #tpu.memory_space<hbm>> -> memref<72x768xf32, #tpu.memory_space<hbm>>
    %dma_start3A_2247 = arith.constant 0 : i32
    %dma_start3A_2248 = tpu.memref_slice %arg4[%add3A_2239, %dma_start3A_2247] : memref<41472x768xf32, #tpu.memory_space<hbm>> -> memref<72x768xf32, #tpu.memory_space<hbm>>
    %dma_start3A_2249 = arith.constant 0 : i32
    %dma_start3A_2250 = arith.constant 0 : i32
    %dma_start3A_2251 = tpu.memref_slice %arg6[%dma_start3A_2240, %dma_start3A_2249, %dma_start3A_2250] : memref<2x72x768xf32, #tpu.memory_space<vmem>> -> memref<1x72x768xf32, #tpu.memory_space<vmem>>
    %dma_start3A_2252 = tpu.memref_squeeze %dma_start3A_2251 : memref<1x72x768xf32, #tpu.memory_space<vmem>> -> memref<72x768xf32, #tpu.memory_space<vmem>>
    tpu.enqueue_dma source(%dma_start3A_2252 : memref<72x768xf32, #tpu.memory_space<vmem>>) target(%dma_start3A_2248 : memref<72x768xf32, #tpu.memory_space<hbm>>) target_semaphore(%arg9 : memref<!tpu.dma_semaphore, #tpu.memory_space<semaphore_mem>>)
    %dma_wait3A_2253 = arith.constant 0 : i32
    %dma_wait3A_2254 = arith.constant 0 : i32
    %dma_wait3A_2255 = arith.constant 0 : i32
    %dma_wait3A_2256 = tpu.memref_slice %arg6[%dma_wait3A_2253, %dma_wait3A_2254, %dma_wait3A_2255] : memref<2x72x768xf32, #tpu.memory_space<vmem>> -> memref<1x72x768xf32, #tpu.memory_space<vmem>>
    %dma_wait3A_2257 = tpu.memref_squeeze %dma_wait3A_2256 : memref<1x72x768xf32, #tpu.memory_space<vmem>> -> memref<72x768xf32, #tpu.memory_space<vmem>>
    %dma_wait3A_2258 = arith.constant 0 : i32
    %dma_wait3A_2259 = tpu.memref_slice %arg4[%add3A_2239, %dma_wait3A_2258] : memref<41472x768xf32, #tpu.memory_space<hbm>> -> memref<72x768xf32, #tpu.memory_space<hbm>>
    %dma_wait3A_2260 = arith.constant 0 : i32
    %dma_wait3A_2261 = tpu.memref_slice %arg4[%add3A_2239, %dma_wait3A_2260] : memref<41472x768xf32, #tpu.memory_space<hbm>> -> memref<72x768xf32, #tpu.memory_space<hbm>>
    %dma_wait3A_2262 = arith.constant 0 : i32
    %dma_wait3A_2263 = arith.constant 0 : i32
    %dma_wait3A_2264 = tpu.memref_slice %arg6[%dma_wait3A_2253, %dma_wait3A_2262, %dma_wait3A_2263] : memref<2x72x768xf32, #tpu.memory_space<vmem>> -> memref<1x72x768xf32, #tpu.memory_space<vmem>>
    %dma_wait3A_2265 = tpu.memref_squeeze %dma_wait3A_2264 : memref<1x72x768xf32, #tpu.memory_space<vmem>> -> memref<72x768xf32, #tpu.memory_space<vmem>>
    tpu.wait_dma2 semaphore(%arg9 : memref<!tpu.dma_semaphore, #tpu.memory_space<semaphore_mem>>) src(%dma_wait3A_2265 : memref<72x768xf32, #tpu.memory_space<vmem>>) dst(%dma_wait3A_2261 : memref<72x768xf32, #tpu.memory_space<hbm>>)
    %dma_start3A_2266 = arith.constant 0 : i32
    %dma_start3A_2267 = arith.constant 0 : i32
    %dma_start3A_2268 = arith.constant 0 : i32
    %dma_start3A_2269 = tpu.memref_slice %arg6[%dma_start3A_2266, %dma_start3A_2267, %dma_start3A_2268] : memref<2x72x768xf32, #tpu.memory_space<vmem>> -> memref<1x72x768xf32, #tpu.memory_space<vmem>>
    %dma_start3A_2270 = tpu.memref_squeeze %dma_start3A_2269 : memref<1x72x768xf32, #tpu.memory_space<vmem>> -> memref<72x768xf32, #tpu.memory_space<vmem>>
    %dma_start3A_2271 = arith.constant 1152 : i32
    %dma_start3A_2272 = tpu.memref_slice %arg5[%dma_start3A_2271] : memref<1296xi32, #tpu.memory_space<vmem>> -> memref<72xi32, #tpu.memory_space<vmem>>
    %dma_start3A_2273 = arith.constant 0 : i32
    %dma_start3A_2274 = arith.constant 0 : i32
    %dma_start3A_2275 = tpu.memref_slice %arg2[%dma_start3A_2273, %dma_start3A_2274] : memref<55296x768xf32, #tpu.memory_space<hbm>> -> memref<55296x768xf32, #tpu.memory_space<hbm>>
    tpu.enqueue_indirect_dma source(%dma_start3A_2275 : memref<55296x768xf32, #tpu.memory_space<hbm>>) target(%dma_start3A_2270 : memref<72x768xf32, #tpu.memory_space<vmem>>) offsets(%dma_start3A_2272 : memref<72xi32, #tpu.memory_space<vmem>>) semaphore(%arg7 : memref<!tpu.dma_semaphore, #tpu.memory_space<semaphore_mem>>)
    %dma_wait3A_2276 = arith.constant 1 : i32
    %dma_wait3A_2277 = arith.constant 0 : i32
    %dma_wait3A_2278 = arith.constant 0 : i32
    %dma_wait3A_2279 = tpu.memref_slice %arg6[%dma_wait3A_2276, %dma_wait3A_2277, %dma_wait3A_2278] : memref<2x72x768xf32, #tpu.memory_space<vmem>> -> memref<1x72x768xf32, #tpu.memory_space<vmem>>
    %dma_wait3A_2280 = tpu.memref_squeeze %dma_wait3A_2279 : memref<1x72x768xf32, #tpu.memory_space<vmem>> -> memref<72x768xf32, #tpu.memory_space<vmem>>
    %dma_wait3A_2281 = arith.constant 1080 : i32
    %dma_wait3A_2282 = tpu.memref_slice %arg5[%dma_wait3A_2281] : memref<1296xi32, #tpu.memory_space<vmem>> -> memref<72xi32, #tpu.memory_space<vmem>>
    %dma_wait3A_2283 = arith.constant 0 : i32
    %dma_wait3A_2284 = arith.constant 0 : i32
    %dma_wait3A_2285 = tpu.memref_slice %arg2[%dma_wait3A_2283, %dma_wait3A_2284] : memref<55296x768xf32, #tpu.memory_space<hbm>> -> memref<55296x768xf32, #tpu.memory_space<hbm>>
    tpu.wait_indirect_dma semaphore(%arg8 : memref<!tpu.dma_semaphore, #tpu.memory_space<semaphore_mem>>) src(%dma_wait3A_2285 : memref<55296x768xf32, #tpu.memory_space<hbm>>) dst(%dma_wait3A_2280 : memref<72x768xf32, #tpu.memory_space<vmem>>)
    %add3A_2286 = arith.constant 1080 : i32
    %add3A_2287 = arith.addi %mul3A_2, %add3A_2286 : i32
    %dma_start3A_2288 = arith.constant 1 : i32
    %dma_start3A_2289 = arith.constant 0 : i32
    %dma_start3A_2290 = arith.constant 0 : i32
    %dma_start3A_2291 = tpu.memref_slice %arg6[%dma_start3A_2288, %dma_start3A_2289, %dma_start3A_2290] : memref<2x72x768xf32, #tpu.memory_space<vmem>> -> memref<1x72x768xf32, #tpu.memory_space<vmem>>
    %dma_start3A_2292 = tpu.memref_squeeze %dma_start3A_2291 : memref<1x72x768xf32, #tpu.memory_space<vmem>> -> memref<72x768xf32, #tpu.memory_space<vmem>>
    %dma_start3A_2293 = arith.constant 0 : i32
    %dma_start3A_2294 = tpu.memref_slice %arg4[%add3A_2287, %dma_start3A_2293] : memref<41472x768xf32, #tpu.memory_space<hbm>> -> memref<72x768xf32, #tpu.memory_space<hbm>>
    %dma_start3A_2295 = arith.constant 0 : i32
    %dma_start3A_2296 = tpu.memref_slice %arg4[%add3A_2287, %dma_start3A_2295] : memref<41472x768xf32, #tpu.memory_space<hbm>> -> memref<72x768xf32, #tpu.memory_space<hbm>>
    %dma_start3A_2297 = arith.constant 0 : i32
    %dma_start3A_2298 = arith.constant 0 : i32
    %dma_start3A_2299 = tpu.memref_slice %arg6[%dma_start3A_2288, %dma_start3A_2297, %dma_start3A_2298] : memref<2x72x768xf32, #tpu.memory_space<vmem>> -> memref<1x72x768xf32, #tpu.memory_space<vmem>>
    %dma_start3A_2300 = tpu.memref_squeeze %dma_start3A_2299 : memref<1x72x768xf32, #tpu.memory_space<vmem>> -> memref<72x768xf32, #tpu.memory_space<vmem>>
    tpu.enqueue_dma source(%dma_start3A_2300 : memref<72x768xf32, #tpu.memory_space<vmem>>) target(%dma_start3A_2296 : memref<72x768xf32, #tpu.memory_space<hbm>>) target_semaphore(%arg10 : memref<!tpu.dma_semaphore, #tpu.memory_space<semaphore_mem>>)
    %dma_wait3A_2301 = arith.constant 1 : i32
    %dma_wait3A_2302 = arith.constant 0 : i32
    %dma_wait3A_2303 = arith.constant 0 : i32
    %dma_wait3A_2304 = tpu.memref_slice %arg6[%dma_wait3A_2301, %dma_wait3A_2302, %dma_wait3A_2303] : memref<2x72x768xf32, #tpu.memory_space<vmem>> -> memref<1x72x768xf32, #tpu.memory_space<vmem>>
    %dma_wait3A_2305 = tpu.memref_squeeze %dma_wait3A_2304 : memref<1x72x768xf32, #tpu.memory_space<vmem>> -> memref<72x768xf32, #tpu.memory_space<vmem>>
    %dma_wait3A_2306 = arith.constant 0 : i32
    %dma_wait3A_2307 = tpu.memref_slice %arg4[%add3A_2287, %dma_wait3A_2306] : memref<41472x768xf32, #tpu.memory_space<hbm>> -> memref<72x768xf32, #tpu.memory_space<hbm>>
    %dma_wait3A_2308 = arith.constant 0 : i32
    %dma_wait3A_2309 = tpu.memref_slice %arg4[%add3A_2287, %dma_wait3A_2308] : memref<41472x768xf32, #tpu.memory_space<hbm>> -> memref<72x768xf32, #tpu.memory_space<hbm>>
    %dma_wait3A_2310 = arith.constant 0 : i32
    %dma_wait3A_2311 = arith.constant 0 : i32
    %dma_wait3A_2312 = tpu.memref_slice %arg6[%dma_wait3A_2301, %dma_wait3A_2310, %dma_wait3A_2311] : memref<2x72x768xf32, #tpu.memory_space<vmem>> -> memref<1x72x768xf32, #tpu.memory_space<vmem>>
    %dma_wait3A_2313 = tpu.memref_squeeze %dma_wait3A_2312 : memref<1x72x768xf32, #tpu.memory_space<vmem>> -> memref<72x768xf32, #tpu.memory_space<vmem>>
    tpu.wait_dma2 semaphore(%arg10 : memref<!tpu.dma_semaphore, #tpu.memory_space<semaphore_mem>>) src(%dma_wait3A_2313 : memref<72x768xf32, #tpu.memory_space<vmem>>) dst(%dma_wait3A_2309 : memref<72x768xf32, #tpu.memory_space<hbm>>)
    %dma_start3A_2314 = arith.constant 1 : i32
    %dma_start3A_2315 = arith.constant 0 : i32
    %dma_start3A_2316 = arith.constant 0 : i32
    %dma_start3A_2317 = tpu.memref_slice %arg6[%dma_start3A_2314, %dma_start3A_2315, %dma_start3A_2316] : memref<2x72x768xf32, #tpu.memory_space<vmem>> -> memref<1x72x768xf32, #tpu.memory_space<vmem>>
    %dma_start3A_2318 = tpu.memref_squeeze %dma_start3A_2317 : memref<1x72x768xf32, #tpu.memory_space<vmem>> -> memref<72x768xf32, #tpu.memory_space<vmem>>
    %dma_start3A_2319 = arith.constant 1224 : i32
    %dma_start3A_2320 = tpu.memref_slice %arg5[%dma_start3A_2319] : memref<1296xi32, #tpu.memory_space<vmem>> -> memref<72xi32, #tpu.memory_space<vmem>>
    %dma_start3A_2321 = arith.constant 0 : i32
    %dma_start3A_2322 = arith.constant 0 : i32
    %dma_start3A_2323 = tpu.memref_slice %arg2[%dma_start3A_2321, %dma_start3A_2322] : memref<55296x768xf32, #tpu.memory_space<hbm>> -> memref<55296x768xf32, #tpu.memory_space<hbm>>
    tpu.enqueue_indirect_dma source(%dma_start3A_2323 : memref<55296x768xf32, #tpu.memory_space<hbm>>) target(%dma_start3A_2318 : memref<72x768xf32, #tpu.memory_space<vmem>>) offsets(%dma_start3A_2320 : memref<72xi32, #tpu.memory_space<vmem>>) semaphore(%arg8 : memref<!tpu.dma_semaphore, #tpu.memory_space<semaphore_mem>>)
    %dma_wait3A_2324 = arith.constant 0 : i32
    %dma_wait3A_2325 = arith.constant 0 : i32
    %dma_wait3A_2326 = arith.constant 0 : i32
    %dma_wait3A_2327 = tpu.memref_slice %arg6[%dma_wait3A_2324, %dma_wait3A_2325, %dma_wait3A_2326] : memref<2x72x768xf32, #tpu.memory_space<vmem>> -> memref<1x72x768xf32, #tpu.memory_space<vmem>>
    %dma_wait3A_2328 = tpu.memref_squeeze %dma_wait3A_2327 : memref<1x72x768xf32, #tpu.memory_space<vmem>> -> memref<72x768xf32, #tpu.memory_space<vmem>>
    %dma_wait3A_2329 = arith.constant 1152 : i32
    %dma_wait3A_2330 = tpu.memref_slice %arg5[%dma_wait3A_2329] : memref<1296xi32, #tpu.memory_space<vmem>> -> memref<72xi32, #tpu.memory_space<vmem>>
    %dma_wait3A_2331 = arith.constant 0 : i32
    %dma_wait3A_2332 = arith.constant 0 : i32
    %dma_wait3A_2333 = tpu.memref_slice %arg2[%dma_wait3A_2331, %dma_wait3A_2332] : memref<55296x768xf32, #tpu.memory_space<hbm>> -> memref<55296x768xf32, #tpu.memory_space<hbm>>
    tpu.wait_indirect_dma semaphore(%arg7 : memref<!tpu.dma_semaphore, #tpu.memory_space<semaphore_mem>>) src(%dma_wait3A_2333 : memref<55296x768xf32, #tpu.memory_space<hbm>>) dst(%dma_wait3A_2328 : memref<72x768xf32, #tpu.memory_space<vmem>>)
    %add3A_2334 = arith.constant 1152 : i32
    %add3A_2335 = arith.addi %mul3A_2, %add3A_2334 : i32
    %dma_start3A_2336 = arith.constant 0 : i32
    %dma_start3A_2337 = arith.constant 0 : i32
    %dma_start3A_2338 = arith.constant 0 : i32
    %dma_start3A_2339 = tpu.memref_slice %arg6[%dma_start3A_2336, %dma_start3A_2337, %dma_start3A_2338] : memref<2x72x768xf32, #tpu.memory_space<vmem>> -> memref<1x72x768xf32, #tpu.memory_space<vmem>>
    %dma_start3A_2340 = tpu.memref_squeeze %dma_start3A_2339 : memref<1x72x768xf32, #tpu.memory_space<vmem>> -> memref<72x768xf32, #tpu.memory_space<vmem>>
    %dma_start3A_2341 = arith.constant 0 : i32
    %dma_start3A_2342 = tpu.memref_slice %arg4[%add3A_2335, %dma_start3A_2341] : memref<41472x768xf32, #tpu.memory_space<hbm>> -> memref<72x768xf32, #tpu.memory_space<hbm>>
    %dma_start3A_2343 = arith.constant 0 : i32
    %dma_start3A_2344 = tpu.memref_slice %arg4[%add3A_2335, %dma_start3A_2343] : memref<41472x768xf32, #tpu.memory_space<hbm>> -> memref<72x768xf32, #tpu.memory_space<hbm>>
    %dma_start3A_2345 = arith.constant 0 : i32
    %dma_start3A_2346 = arith.constant 0 : i32
    %dma_start3A_2347 = tpu.memref_slice %arg6[%dma_start3A_2336, %dma_start3A_2345, %dma_start3A_2346] : memref<2x72x768xf32, #tpu.memory_space<vmem>> -> memref<1x72x768xf32, #tpu.memory_space<vmem>>
    %dma_start3A_2348 = tpu.memref_squeeze %dma_start3A_2347 : memref<1x72x768xf32, #tpu.memory_space<vmem>> -> memref<72x768xf32, #tpu.memory_space<vmem>>
    tpu.enqueue_dma source(%dma_start3A_2348 : memref<72x768xf32, #tpu.memory_space<vmem>>) target(%dma_start3A_2344 : memref<72x768xf32, #tpu.memory_space<hbm>>) target_semaphore(%arg9 : memref<!tpu.dma_semaphore, #tpu.memory_space<semaphore_mem>>)
    %dma_wait3A_2349 = arith.constant 1 : i32
    %dma_wait3A_2350 = arith.constant 0 : i32
    %dma_wait3A_2351 = arith.constant 0 : i32
    %dma_wait3A_2352 = tpu.memref_slice %arg6[%dma_wait3A_2349, %dma_wait3A_2350, %dma_wait3A_2351] : memref<2x72x768xf32, #tpu.memory_space<vmem>> -> memref<1x72x768xf32, #tpu.memory_space<vmem>>
    %dma_wait3A_2353 = tpu.memref_squeeze %dma_wait3A_2352 : memref<1x72x768xf32, #tpu.memory_space<vmem>> -> memref<72x768xf32, #tpu.memory_space<vmem>>
    %dma_wait3A_2354 = arith.constant 1224 : i32
    %dma_wait3A_2355 = tpu.memref_slice %arg5[%dma_wait3A_2354] : memref<1296xi32, #tpu.memory_space<vmem>> -> memref<72xi32, #tpu.memory_space<vmem>>
    %dma_wait3A_2356 = arith.constant 0 : i32
    %dma_wait3A_2357 = arith.constant 0 : i32
    %dma_wait3A_2358 = tpu.memref_slice %arg2[%dma_wait3A_2356, %dma_wait3A_2357] : memref<55296x768xf32, #tpu.memory_space<hbm>> -> memref<55296x768xf32, #tpu.memory_space<hbm>>
    tpu.wait_indirect_dma semaphore(%arg8 : memref<!tpu.dma_semaphore, #tpu.memory_space<semaphore_mem>>) src(%dma_wait3A_2358 : memref<55296x768xf32, #tpu.memory_space<hbm>>) dst(%dma_wait3A_2353 : memref<72x768xf32, #tpu.memory_space<vmem>>)
    %add3A_2359 = arith.constant 1224 : i32
    %add3A_2360 = arith.addi %mul3A_2, %add3A_2359 : i32
    %dma_start3A_2361 = arith.constant 1 : i32
    %dma_start3A_2362 = arith.constant 0 : i32
    %dma_start3A_2363 = arith.constant 0 : i32
    %dma_start3A_2364 = tpu.memref_slice %arg6[%dma_start3A_2361, %dma_start3A_2362, %dma_start3A_2363] : memref<2x72x768xf32, #tpu.memory_space<vmem>> -> memref<1x72x768xf32, #tpu.memory_space<vmem>>
    %dma_start3A_2365 = tpu.memref_squeeze %dma_start3A_2364 : memref<1x72x768xf32, #tpu.memory_space<vmem>> -> memref<72x768xf32, #tpu.memory_space<vmem>>
    %dma_start3A_2366 = arith.constant 0 : i32
    %dma_start3A_2367 = tpu.memref_slice %arg4[%add3A_2360, %dma_start3A_2366] : memref<41472x768xf32, #tpu.memory_space<hbm>> -> memref<72x768xf32, #tpu.memory_space<hbm>>
    %dma_start3A_2368 = arith.constant 0 : i32
    %dma_start3A_2369 = tpu.memref_slice %arg4[%add3A_2360, %dma_start3A_2368] : memref<41472x768xf32, #tpu.memory_space<hbm>> -> memref<72x768xf32, #tpu.memory_space<hbm>>
    %dma_start3A_2370 = arith.constant 0 : i32
    %dma_start3A_2371 = arith.constant 0 : i32
    %dma_start3A_2372 = tpu.memref_slice %arg6[%dma_start3A_2361, %dma_start3A_2370, %dma_start3A_2371] : memref<2x72x768xf32, #tpu.memory_space<vmem>> -> memref<1x72x768xf32, #tpu.memory_space<vmem>>
    %dma_start3A_2373 = tpu.memref_squeeze %dma_start3A_2372 : memref<1x72x768xf32, #tpu.memory_space<vmem>> -> memref<72x768xf32, #tpu.memory_space<vmem>>
    tpu.enqueue_dma source(%dma_start3A_2373 : memref<72x768xf32, #tpu.memory_space<vmem>>) target(%dma_start3A_2369 : memref<72x768xf32, #tpu.memory_space<hbm>>) target_semaphore(%arg10 : memref<!tpu.dma_semaphore, #tpu.memory_space<semaphore_mem>>)
    %dma_wait3A_2374 = arith.constant 0 : i32
    %dma_wait3A_2375 = arith.constant 0 : i32
    %dma_wait3A_2376 = arith.constant 0 : i32
    %dma_wait3A_2377 = tpu.memref_slice %arg6[%dma_wait3A_2374, %dma_wait3A_2375, %dma_wait3A_2376] : memref<2x72x768xf32, #tpu.memory_space<vmem>> -> memref<1x72x768xf32, #tpu.memory_space<vmem>>
    %dma_wait3A_2378 = tpu.memref_squeeze %dma_wait3A_2377 : memref<1x72x768xf32, #tpu.memory_space<vmem>> -> memref<72x768xf32, #tpu.memory_space<vmem>>
    %dma_wait3A_2379 = arith.constant 0 : i32
    %dma_wait3A_2380 = tpu.memref_slice %arg4[%add3A_2335, %dma_wait3A_2379] : memref<41472x768xf32, #tpu.memory_space<hbm>> -> memref<72x768xf32, #tpu.memory_space<hbm>>
    %dma_wait3A_2381 = arith.constant 0 : i32
    %dma_wait3A_2382 = tpu.memref_slice %arg4[%add3A_2335, %dma_wait3A_2381] : memref<41472x768xf32, #tpu.memory_space<hbm>> -> memref<72x768xf32, #tpu.memory_space<hbm>>
    %dma_wait3A_2383 = arith.constant 0 : i32
    %dma_wait3A_2384 = arith.constant 0 : i32
    %dma_wait3A_2385 = tpu.memref_slice %arg6[%dma_wait3A_2374, %dma_wait3A_2383, %dma_wait3A_2384] : memref<2x72x768xf32, #tpu.memory_space<vmem>> -> memref<1x72x768xf32, #tpu.memory_space<vmem>>
    %dma_wait3A_2386 = tpu.memref_squeeze %dma_wait3A_2385 : memref<1x72x768xf32, #tpu.memory_space<vmem>> -> memref<72x768xf32, #tpu.memory_space<vmem>>
    tpu.wait_dma2 semaphore(%arg9 : memref<!tpu.dma_semaphore, #tpu.memory_space<semaphore_mem>>) src(%dma_wait3A_2386 : memref<72x768xf32, #tpu.memory_space<vmem>>) dst(%dma_wait3A_2382 : memref<72x768xf32, #tpu.memory_space<hbm>>)
    %dma_wait3A_2387 = arith.constant 1 : i32
    %dma_wait3A_2388 = arith.constant 0 : i32
    %dma_wait3A_2389 = arith.constant 0 : i32
    %dma_wait3A_2390 = tpu.memref_slice %arg6[%dma_wait3A_2387, %dma_wait3A_2388, %dma_wait3A_2389] : memref<2x72x768xf32, #tpu.memory_space<vmem>> -> memref<1x72x768xf32, #tpu.memory_space<vmem>>
    %dma_wait3A_2391 = tpu.memref_squeeze %dma_wait3A_2390 : memref<1x72x768xf32, #tpu.memory_space<vmem>> -> memref<72x768xf32, #tpu.memory_space<vmem>>
    %dma_wait3A_2392 = arith.constant 0 : i32
    %dma_wait3A_2393 = tpu.memref_slice %arg4[%add3A_2360, %dma_wait3A_2392] : memref<41472x768xf32, #tpu.memory_space<hbm>> -> memref<72x768xf32, #tpu.memory_space<hbm>>
    %dma_wait3A_2394 = arith.constant 0 : i32
    %dma_wait3A_2395 = tpu.memref_slice %arg4[%add3A_2360, %dma_wait3A_2394] : memref<41472x768xf32, #tpu.memory_space<hbm>> -> memref<72x768xf32, #tpu.memory_space<hbm>>
    %dma_wait3A_2396 = arith.constant 0 : i32
    %dma_wait3A_2397 = arith.constant 0 : i32
    %dma_wait3A_2398 = tpu.memref_slice %arg6[%dma_wait3A_2387, %dma_wait3A_2396, %dma_wait3A_2397] : memref<2x72x768xf32, #tpu.memory_space<vmem>> -> memref<1x72x768xf32, #tpu.memory_space<vmem>>
    %dma_wait3A_2399 = tpu.memref_squeeze %dma_wait3A_2398 : memref<1x72x768xf32, #tpu.memory_space<vmem>> -> memref<72x768xf32, #tpu.memory_space<vmem>>
    tpu.wait_dma2 semaphore(%arg10 : memref<!tpu.dma_semaphore, #tpu.memory_space<semaphore_mem>>) src(%dma_wait3A_2399 : memref<72x768xf32, #tpu.memory_space<vmem>>) dst(%dma_wait3A_2395 : memref<72x768xf32, #tpu.memory_space<hbm>>)
    return
  }
}

</mosaic_0001>

<sc_bundles>
// kernel: kernel.3.cloned.1.call-start
scs
__scs_entry_jumppad:
0x0: {  	(pc) =	sbr.rel $0x88, $3  }
0x1: {  	(tag) =	ssettag $0x0;
	lr =	simm.s32 $0x1  }
0x2: {  	[smem:$0x3F9E] =	sst lr;
	_ =	strace $0xD0000000  }
0x3: {  	_ = 	snop  }
0x4: {  	_ = 	snop  }
0x5: {  	_ = 	snop  }
0x6: {  	_ = 	snop  }
0x7: {  	_ = 	snop  }
__scs_overlays_trampoline_lowered:
0x8: {  	[smem:$0x3FAD] =	sst s0  }
0x9: {  	[smem:$0x3FAE] =	sst s1  }
0xa: {  	[smem:$0x3FAF] =	sst s2  }
0xb: {  	[smem:$0x3FB0] =	sst s3  }
0xc: {  	[smem:$0x3FB1] =	sst s4  }
0xd: {  	[smem:$0x3FB2] =	sst s5  }
0xe: {  	[smem:$0x3FB3] =	sst s6  }
0xf: {  	[smem:$0x3FB4] =	sst s7  }
0x10: {  	[smem:$0x3FB5] =	sst s8  }
0x11: {  	[smem:$0x3FB6] =	sst s9;
	s0 =	simm.s32 @!p0 $0x0  }
0x12: {  	s1 =	sld [smem:$0x3F9C];
	s0 =	simm.s32 @p0 $0x1  }
0x13: {  	[smem:$0x3FB7] =	sst s0;
	s0 =	simm.s32 @!p1 $0x0  }
0x14: {  	s2 =	sld [smem:$0x3F9B];
	s0 =	simm.s32 @p1 $0x1  }
0x15: {  	[smem:$0x3FB8] =	sst s0;
	s0 =	simm.s32 @!p2 $0x0  }
0x16: {  	s3 =	sld [smem:$0x3FDB];
	s0 =	simm.s32 @p2 $0x1  }
0x17: {  	s4 =	simm.s32 $0x1BF5;
	[smem:$0x3FBA] =	sst s0  }
0x18: {  	s0 =	sld [smem:$0x3F9D];
	_ =	swait.ge [sflag:s4], $0x0  }
0x19: {  	s7 =	sld [smem:$0x3F9E]  }
0x1a: {  	s8 =	sadd.s32 $0xFFFFE003, lr  }
0x1b: {  	s9 =	sadd.s32 $0xFFFFFEF7, lr;
	s5 =	simm.s32 $0xFFFFFFFF;
	p2 =	slt.u32 s8, $0xFFFFF086  }
0x1c: {  	p1 =	slt.u32 s9, $0xF7A;
	s5 =	simm.s32 @!p2 $0x0  }
0x1d: {  	s5 =	simm.s32 @p1 $0x1;
	p0 =	seq.s32 s7, s2  }
0x1e: {  	s7 =	smul.u32 @!p0 $0xF7A, s2;
	p2 =	seq.s32 @!p0 s5, $0x0  }
0x1f: {  	s9 =	smul.u32 $0xF7A, s1;
	s8 =	simm.s32 @!p0 $0x1BF5;
	p2 =	por !p2, p0  }
0x20: {  	[sflag:s8] =	ssyncset.s32 @!p0 $0xFFFFF086;
	s6 =	sadd.s32 @!p0 s3, s7;
	s7 =	simm.s32 @!p0 $0x108  }
0x21: {  	s3 =	sadd.s32 s3, s9;
	s6 =	sadd.s32 @!p0 $0x88, s6;
	s7 =	simm.s32 @p2 $0x1082  }
0x22: {  	[simem:s7], [sflag:s8] =	dma.local @!p0 [hbm:s6], $0xF7A  }
0x23: {  	s9 =	sor.u32 $0xD0000000, s2;
	s6 =	simm.s32 $0x108;
	_ =	swait.ge @!p0 [sflag:s8], $0x0  }
0x24: {  	s3 =	sadd.s32 $0x88, s3;
	s6 =	simm.s32 @!p1 $0x1082;
	[sflag:s4] =	ssyncset.s32 $0xFFFFF086  }
0x25: {  	[simem:s6], [sflag:s4] =	dma.local [hbm:s3], $0xF7A  }
0x26: {  	[smem:$0x3F9E] =	sst s1;
	(tag) =	ssettag s2;
	_ =	strace s9  }
0x27: {  	s1 =	sld [smem:$0x3FAE]  }
0x28: {  	s2 =	sld [smem:$0x3FAF]  }
0x29: {  	s4 =	sld [smem:$0x3FB1]  }
0x2a: {  	p0 =	seq.s32 s5, $0x0;
	s5 =	sld [smem:$0x3FB2]  }
0x2b: {  	s6 =	sld [smem:$0x3FB3]  }
0x2c: {  	s7 =	sld [smem:$0x3FB4]  }
0x2d: {  	s3 =	simm.s32 $0x108;
	s8 =	sld [smem:$0x3FB5]  }
0x2e: {  	s3 =	simm.s32 @!p0 $0x1082;
	s9 =	sld [smem:$0x3FB6]  }
0x2f: {  	lr =	sadd.s32 s0, s3;
	s0 =	sld [smem:$0x3FAD]  }
0x30: {  	s3 =	sld [smem:$0x3FB0]  }
0x31: {  	[smem:$0x3FB9] =	sst s10  }
0x32: {  	s10 =	sld [smem:$0x3FB7];
	_ =	sdelay $0x3  }
0x33: {  	p0 =	seq.s32 s10, $0x1;
	s10 =	sld [smem:$0x3FB9];
	_ =	sdelay $0x3  }
0x34: {  	[smem:$0x3FB9] =	sst s10  }
0x35: {  	s10 =	sld [smem:$0x3FB8];
	_ =	sdelay $0x3  }
0x36: {  	p1 =	seq.s32 s10, $0x1;
	s10 =	sld [smem:$0x3FB9];
	_ =	sdelay $0x3  }
0x37: {  	[smem:$0x3FB9] =	sst s10  }
0x38: {  	s10 =	sld [smem:$0x3FBA]  }
0x39: {  	_ = 	snop;
	(pc) =	sbr.ind lr, $3  }
0x3a: {  	_ = 	snop  }
0x3b: {  	_ = 	snop  }
0x3c: {  	p2 =	seq.s32 s10, $0x1;
	s10 =	sld [smem:$0x3FB9]  }
0x3d: {  	_ =	shalt  }
0x3e: {  	_ =	shalt  }
0x3f: {  	_ =	shalt  }
0x40: {  	_ =	shalt  }
0x41: {  	_ =	shalt  }
0x42: {  	_ =	shalt  }
0x43: {  	_ =	shalt  }
0x44: {  	_ =	shalt  }
0x45: {  	_ =	shalt  }
0x46: {  	_ =	shalt  }
0x47: {  	_ =	shalt  }
0x48: {  	_ =	shalt  }
0x49: {  	_ =	shalt  }
0x4a: {  	_ =	shalt  }
0x4b: {  	_ =	shalt  }
0x4c: {  	_ =	shalt  }
0x4d: {  	_ =	shalt  }
0x4e: {  	_ =	shalt  }
0x4f: {  	_ =	shalt  }
0x50: {  	_ =	shalt  }
0x51: {  	_ =	shalt  }
0x52: {  	_ =	shalt  }
0x53: {  	_ =	shalt  }
0x54: {  	_ =	shalt  }
0x55: {  	_ =	shalt  }
0x56: {  	_ =	shalt  }
0x57: {  	_ =	shalt  }
0x58: {  	_ =	shalt  }
0x59: {  	_ =	shalt  }
0x5a: {  	_ =	shalt  }
0x5b: {  	_ =	shalt  }
0x5c: {  	_ =	shalt  }
0x5d: {  	_ =	shalt  }
0x5e: {  	_ =	shalt  }
0x5f: {  	_ =	shalt  }
0x60: {  	_ =	shalt  }
0x61: {  	_ =	shalt  }
0x62: {  	_ =	shalt  }
0x63: {  	_ =	shalt  }
0x64: {  	_ =	shalt  }
0x65: {  	_ =	shalt  }
0x66: {  	_ =	shalt  }
0x67: {  	_ =	shalt  }
0x68: {  	_ =	shalt  }
0x69: {  	_ =	shalt  }
0x6a: {  	_ =	shalt  }
0x6b: {  	_ =	shalt  }
0x6c: {  	_ =	shalt  }
0x6d: {  	_ =	shalt  }
0x6e: {  	_ =	shalt  }
0x6f: {  	_ =	shalt  }
0x70: {  	_ =	shalt  }
0x71: {  	_ =	shalt  }
0x72: {  	_ =	shalt  }
0x73: {  	_ =	shalt  }
0x74: {  	_ =	shalt  }
0x75: {  	_ =	shalt  }
0x76: {  	_ =	shalt  }
0x77: {  	_ =	shalt  }
0x78: {  	_ =	shalt  }
0x79: {  	_ =	shalt  }
0x7a: {  	_ =	shalt  }
0x7b: {  	_ =	shalt  }
0x7c: {  	_ =	shalt  }
0x7d: {  	_ =	shalt  }
0x7e: {  	_ =	shalt  }
0x7f: {  	_ =	shalt  }
0x80: {  	_ =	shalt  }
0x81: {  	_ =	shalt  }
0x82: {  	_ =	shalt  }
0x83: {  	_ =	shalt  }
0x84: {  	_ =	shalt  }
0x85: {  	_ =	shalt  }
0x86: {  	_ =	shalt  }
0x87: {  	_ =	shalt  }
.Lfunc_end0:
.L_simem_size_0:
called_computation_lowered:
.L_overlay_start_0:
0x88: {  	s2 =	sld [smem:$0x3FD9]  }
0x89: {  	s3 =	sld [smem:$0x3FFE];
	_ =	sdelay $0x1  }
0x8a: {  	s1 =	srdreg.scid  }
0x8b: {  	s0 =	sand.u32 $0x1, s1  }
0x8c: {  	s15 =	sshll.u32 s0, $0xA;
	s2 =	sadd.s32 s3, s2  }
0x8d: {  	s2 =	sadd.s32 s2, s15  }
0x8e: {  	[smem:$0x3FC5] =	sst s2  }
0x8f: {  	_ = 	snop  }
0x90: {  	s2 =	sld [smem:$0x3FD0];
	_ =	sdelay $0x2  }
0x91: {  	s4 =	simm.s32 $0xA;
	s5 =	simm.s32 $0x10;
	s16 =	sld [smem:$0x3FC9]  }
0x92: {  	[smem:s5], [sflag:s4] =	dma.local [hbm:s2], $0x1  }
0x93: {  	_ =	swait.eq [sflag:s4], $0x1  }
0x94: {  	[sflag:s4] =	ssyncset.done $0x0  }
0x95: {  	s17 =	sld [smem:$0x10];
	[sflag:s4] =	ssyncadd.s32 $0xFFFFFFFF  }
0x96: {  	s18 =	sld [smem:$0x12];
	(tm) =	ssettm $0x1  }
0x97: {  	s19 =	sld [smem:$0x3FFB];
	_ =	sdelay $0x3  }
0x98: {  	_ =	strace s19  }
0x99: {  	s5 =	sld [smem:$0x3FFC];
	_ =	sdelay $0x3  }
0x9a: {  	_ =	strace s5  }
0x9b: {  	s5 =	sld [smem:$0x3FFD];
	_ =	sdelay $0x3  }
0x9c: {  	_ =	strace s5  }
0x9d: {  	_ =	strace $0x8FFFFFFF  }
0x9e: {  	s20 =	sld [smem:$0x3FDB];
	_ =	sdelay $0x1  }
0x9f: {  	s6 =	simm.s32 $_scs_section_size  }
0xa0: {  	s7 =	simm.s32 $_size__tile_overlayer_lowered;
	s8 =	simm.s32 $_tile_overlayer_lowered  }
0xa1: {  	s23 =	simm.s32 $0x1BFF;
	s22 =	sshll.u32 s8, $0x1;
	s5 =	sadd.s32 s6, s20  }
0xa2: {  	s9 =	simm.s32 $0x0;
	s21 =	sshll.u32 s7, $0x1;
	s7 =	sadd.s32 s22, s5  }
0xa3: {  	[timem:s9], [sflag:s23] =	dma.local [hbm:s7], s21  }
0xa4: {  	_ =	swait.ge [sflag:s23], s21  }
0xa5: {  	s6 =	ssub.s32 $0x0, s21;
	[sflag:s23] =	ssyncset.done $0x0  }
0xa6: {  	[sflag:s23] =	ssyncadd.s32 s6;
	_ =	sdelay $0x1  }
0xa7: {  	s24 =	simm.s32 $0x1B8B  }
0xa8: {  	_ =	swait.ge [sflag:s24], $0x1  }
0xa9: {  	[sflag:s24] =	ssyncset.done $0x0  }
0xaa: {  	s25 =	simm.s32 $0x1B8E;
	[sflag:s24] =	ssyncadd.s32 $0xFFFFFFFF  }
0xab: {  	s26 =	simm.s32 $execute0_lowered;
	[smem:$0x3FD2] =	sst s25  }
0xac: {  	s6 =	sshll.u32 s26, $0x1;
	_ =	strace $0x80000046;
	[dreg:$0x1] =	wrdreg $0xFFFFFFFF  }
0xad: {  	s28 =	simm.s32 $_size_execute0_lowered;
	s5 =	sadd.s32 s5, s6;
	[dreg:$0x0] =	wrdreg $0x0  }
0xae: {  	s6 =	sshll.u32 s28, $0x1;
	[dreg:$0x2] =	wrdreg s5  }
0xaf: {  	[dreg:$0x3] =	wrdreg s6  }
0xb0: {  	[dreg:$0x4] =	wrdreg $0xC0  }
0xb1: {  	_ =	task [dreg:s9], $0x5FFFF  }
0xb2: {  	[dreg:$0x1] =	wrdreg $0xFFFFFFFF  }
0xb3: {  	[dreg:$0x0] =	wrdreg $0x60  }
0xb4: {  	[dreg:$0x2] =	wrdreg s16  }
0xb5: {  	[dreg:$0x3] =	wrdreg s18  }
0xb6: {  	[dreg:$0x4] =	wrdreg s17  }
0xb7: {  	[dreg:$0x5] =	wrdreg $0x9  }
0xb8: {  	_ =	task.clear_ibuf [dreg:s9], $0x6FFFF;
	_ =	strace $0x90000046  }
0xb9: {  	s29 =	simm.s32 $0x9;
	_ =	strace $0x80000048  }
0xba: {  	_ =	swait.ge [sflag:s29], $0x1  }
0xbb: {  	[sflag:s29] =	ssyncadd.s32 $0xFFFFFFFF  }
0xbc: {  	_ =	strace $0x90000048  }
0xbd: {  	_ =	sfence  }
0xbe: {  	s30 =	sld [smem:$0x0];
	_ =	sdelay $0x2  }
0xbf: {  	s31 =	sshll.u32 s1, $0xD;
	s1 =	sshrl.u32 s1, $0x2  }
0xc0: {  	s3 =	sand.u32 $0x4000, s31;
	s1 =	sadd.s32 s1, s30  }
0xc1: {  	s0 =	sor.u32 s3, s0;
	s1 =	sshll.u32 s1, $0x11  }
0xc2: {  	s0 =	sor.u32 s1, s0  }
0xc3: {  	s0 =	sadd.s32 $0x8F2B, s0  }
0xc4: {  	[sflag:s0] =	ssyncadd.remote.s32 $0x1  }
0xc5: {  	_ =	sfence.sel $0xFFFF  }
0xc6: {  	[dreg:$0x0] =	wrdreg $0xFFFFFFFF;
	(pc) =	sbr.abs _section_cstart, $3  }
0xc7: {  	[dreg:$0x1] =	wrdreg $0xFFFFFFFF  }
0xc8: {  	_ =	task.clear_ibuf [dreg:s9], $0x2FFFF;
	_ =	strace $0x9FFFFFFF  }
0xc9: {  	(tm) =	ssettm $0x7FFFFFFF  }
tec
execute0_lowered:
.L_overlay_start_1:
0x0: {  	(tag) =	ssettag $0x1  }
0x1: {  	s0 =	srdreg.scid;
	s2 =	stileid.u32  }
0x2: {  	s1 =	rddreg [dreg:$0x0];
	s4 =	sand.u32 $0x1, s0;
	s11 =	sshll.u32 s2, $0x1  }
0x3: {  	s5 =	rddreg [dreg:$0x1];
	s3 =	simm.s32 $0x0;
	s0 =	sor.u32 s4, s11  }
0x4: {  	[smem:$0x7FF] =	sst s3;
	s0 =	smul.u32 $0x510, s0  }
0x5: {  	s2 =	rddreg [dreg:$0x2];
	_ =	strace $0x80000047  }
0x6: {  	s7 =	sshrl.u32 s0, $0x3;
	s19 =	sadd.s32 $0x10, s0;
	s20 =	sadd.s32 $0x20, s0  }
0x7: {  	s21 =	sadd.s32 $0x30, s0;
	s22 =	sadd.s32 $0x40, s0;
	s15 =	sadd.s32 $0x50, s0  }
0x8: {  	s16 =	sadd.s32 $0x60, s0;
	s17 =	sadd.s32 $0x70, s0;
	s11 =	sadd.s32 $0x80, s0  }
0x9: {  	s13 =	sadd.s32 $0x90, s0;
	s8 =	sadd.s32 $0x48, s0;
	s18 =	sadd.s32 $0xA0, s0  }
0xa: {  	s14 =	sadd.s32 $0xB0, s0;
	s10 =	sadd.s32 $0xD8, s0;
	s28 =	sadd.s32 $0x168, s0  }
0xb: {  	s5 =	sadd.s32 s5, s7;
	s7 =	smul.u32 $0x300, s7;
	s8 =	sshrl.u32 s8, $0x3  }
0xc: {  	v0 =	vlaneseq.u32;
	s9 =	sshrl.u32 s13, $0x3;
	s23 =	sshrl.u32 s10, $0x3;
	s30 =	sshrl.u32 s28, $0x3  }
0xd: {  	v10 =	vor.u32 s21, v0;
	v11 =	vor.u32 s22, v0;
	s21 =	sadd.s32 $0x110, s0;
	s22 =	sadd.s32 $0x140, s0;
	v12 =	vor.u32 s15, v0;
	s15 =	sadd.s32 $0x150, s0  }
0xe: {  	v13 =	vor.u32 s16, v0;
	v14 =	vor.u32 s17, v0;
	s16 =	sadd.s32 $0x160, s0;
	s17 =	sadd.s32 $0x170, s0;
	v16 =	vor.u32 s13, v0;
	s13 =	sadd.s32 $0x180, s0  }
0xf: {  	v9 =	vor.u32 s20, v0;
	v15 =	vor.u32 s11, v0;
	v17 =	vor.u32 s18, v0;
	s18 =	sadd.s32 $0x190, s0;
	s20 =	sadd.s32 $0x230, s0;
	s11 =	sadd.s32 $0x290, s0  }
0x10: {  	v7 =	vor.u32 s19, v0;
	v18 =	vor.u32 s14, v0;
	s14 =	sadd.s32 $0x2C0, s0;
	s19 =	sadd.s32 $0x350, s0;
	s8 =	smul.u32 $0x300, s8  }
0x11: {  	s9 =	smul.u32 $0x300, s9;
	v24 =	vor.u32 s21, v0;
	s21 =	sadd.s32 $0x250, s0;
	v28 =	vor.u32 s15, v0;
	s15 =	sadd.s32 $0x260, s0  }
0x12: {  	v27 =	vor.u32 s22, v0;
	v29 =	vor.u32 s16, v0;
	s16 =	sadd.s32 $0x270, s0;
	s22 =	sadd.s32 $0x280, s0;
	v31 =	vor.u32 s13, v0;
	s13 =	sadd.s32 $0x2A0, s0  }
0x13: {  	v30 =	vor.u32 s17, v0;
	v32 =	vor.u32 s18, v0;
	s17 =	sadd.s32 $0x2B0, s0;
	v42 =	vor.u32 s20, v0;
	s20 =	sadd.s32 $0x360, s0;
	s18 =	sadd.s32 $0x380, s0  }
0x14: {  	v48 =	vor.u32 s11, v0;
	v54 =	vor.u32 s14, v0;
	s11 =	sadd.s32 $0x400, s0;
	s14 =	sadd.s32 $0x420, s0;
	v61 =	vor.u32 s19, v0;
	s19 =	sadd.s32 $0x440, s0  }
0x15: {  	s7 =	sadd.s32 s2, s7;
	v44 =	vor.u32 s21, v0;
	s21 =	sadd.s32 $0x370, s0;
	v46 =	vor.u32 s16, v0;
	s16 =	sadd.s32 $0x390, s0  }
0x16: {  	v45 =	vor.u32 s15, v0;
	s15 =	sadd.s32 $0x3A0, s0;
	[dreg:$0x5] =	wrdreg s7;
	s12 =	sadd.s32 s2, s8  }
0x17: {  	s24 =	sadd.s32 s2, s9;
	s8 =	smul.u32 $0x300, s23;
	s9 =	sadd.s32 $0x1B0, s0  }
0x18: {  	s23 =	sadd.s32 $0x1F8, s0;
	v63 =	vor.u32 s21, v0;
	s21 =	sadd.s32 $0x460, s0;
	[dreg:$0x6] =	wrdreg s12  }
0x19: {  	s12 =	sadd.s32 $0x120, s0;
	[dreg:$0x7] =	wrdreg s24;
	s31 =	sshrl.u32 s9, $0x3  }
0x1a: {  	s23 =	sshrl.u32 s23, $0x3;
	s25 =	sadd.s32 s2, s8;
	s8 =	smul.u32 $0x300, s30  }
0x1b: {  	v34 =	vor.u32 s9, v0;
	s9 =	sadd.s32 $0x3D0, s0;
	s26 =	sshrl.u32 s12, $0x3;
	s10 =	smul.u32 $0x300, s31  }
0x1c: {  	v49 =	vor.u32 s0, v0;
	s24 =	smul.u32 $0x300, s23;
	s23 =	sadd.s32 $0xC0, s0;
	s30 =	sadd.s32 $0xE0, s0  }
0x1d: {  	vm0 =	vmmov $0xffff;
	v1 =	vand.u32 $0x1F, v49;
	s31 =	sadd.s32 $0x130, s0;
	v25 =	vor.u32 s12, v0;
	s12 =	sadd.s32 $0x3B0, s0;
	[dreg:$0x8] =	wrdreg s25  }
0x1e: {  	[tilespmem:$0x1FE40] =	vst v1;
	v1 =	vand.u32 $0x1F, v7;
	s29 =	smul.u32 $0x300, s26;
	v19 =	vor.u32 s23, v0;
	s23 =	sadd.s32 $0x1D0, s0;
	v21 =	vor.u32 s30, v0;
	s30 =	sadd.s32 $0x1F0, s0  }
0x1f: {  	v47 =	vor.u32 s22, v0;
	[tilespmem:$0x1FE50] =	vst v1;
	v1 =	vand.u32 $0x1F, v9;
	v26 =	vor.u32 s31, v0;
	s31 =	sadd.s32 $0x220, s0;
	s8 =	sadd.s32 s2, s8;
	s25 =	sadd.s32 s2, s10  }
0x20: {  	v55 =	vor.u32 s13, v0;
	v52 =	vor.u32 s17, v0;
	[tilespmem:$0x1FE60] =	vst v1;
	v1 =	vand.u32 $0x1F, v10;
	s10 =	sadd.s32 $0x240, s0;
	s26 =	sadd.s32 s2, s24;
	s24 =	sadd.s32 $0xD0, s0  }
0x21: {  	[tilespmem:$0x1FE70] =	vst v1;
	v1 =	vand.u32 $0x1F, v11;
	v36 =	vor.u32 s23, v0;
	v38 =	vor.u32 s30, v0;
	s23 =	sadd.s32 $0x2F0, s0;
	s30 =	sadd.s32 $0x310, s0;
	[dreg:$0xa] =	wrdreg s8  }
0x22: {  	v62 =	vor.u32 s20, v0;
	[tilespmem:$0x1FE80] =	vst v1;
	v1 =	vand.u32 $0x1F, v12;
	v41 =	vor.u32 s31, v0;
	s31 =	sadd.s32 $0x340, s0;
	s7 =	sadd.s32 s2, s29;
	[dreg:$0xb] =	wrdreg s25  }
0x23: {  	v2 =	vor.u32 s11, v0;
	v4 =	vor.u32 s14, v0;
	[tilespmem:$0x1FE90] =	vst v1;
	v1 =	vand.u32 $0x1F, v13;
	[dreg:$0xc] =	wrdreg s26;
	s28 =	sshrl.u32 s10, $0x3;
	s29 =	sadd.s32 $0x288, s0  }
0x24: {  	[tilespmem:$0x1FEA0] =	vst v1;
	v1 =	vand.u32 $0x1F, v14;
	s25 =	sadd.s32 $0xF0, s0;
	s26 =	sadd.s32 $0x100, s0;
	v20 =	vor.u32 s24, v0;
	s24 =	sadd.s32 $0x1E0, s0;
	v43 =	vor.u32 s10, v0  }
0x25: {  	s10 =	sadd.s32 $0x3C0, s0;
	[tilespmem:$0x1FEB0] =	vst v1;
	v1 =	vand.u32 $0x1F, v15;
	v60 =	vor.u32 s31, v0;
	v15 =	vor.u32 s18, v0;
	s18 =	sadd.s32 $0x480, s0;
	s31 =	sadd.s32 $0x4C8, s0  }
0x26: {  	v6 =	vor.u32 s19, v0;
	v2 =	vand.u32 $0x1F, v2;
	v4 =	vand.u32 $0x1F, v4;
	[dreg:$0x9] =	wrdreg s7;
	s7 =	smul.u32 $0x300, s28;
	s8 =	sshrl.u32 s29, $0x3  }
0x27: {  	v6 =	vand.u32 $0x1F, v6;
	s28 =	sadd.s32 $0x1A0, s0;
	s29 =	sadd.s32 $0x1C0, s0;
	v22 =	vor.u32 s25, v0;
	v23 =	vor.u32 s26, v0;
	s25 =	sadd.s32 $0x200, s0  }
0x28: {  	s26 =	sadd.s32 $0x210, s0;
	v37 =	vor.u32 s24, v0;
	s24 =	sadd.s32 $0x300, s0;
	[tilespmem:$0x1FEC0] =	vst v1;
	v1 =	vand.u32 $0x1F, v16;
	v16 =	vor.u32 s16, v0;
	s16 =	sadd.s32 $0x470, s0  }
0x29: {  	v33 =	vor.u32 s28, v0;
	v35 =	vor.u32 s29, v0;
	s28 =	sadd.s32 $0x2D0, s0;
	s29 =	sadd.s32 $0x2E0, s0;
	v39 =	vor.u32 s25, v0;
	s25 =	sadd.s32 $0x320, s0  }
0x2a: {  	v8 =	vor.u32 s21, v0;
	v51 =	vor.u32 s23, v0;
	v40 =	vor.u32 s26, v0;
	s26 =	sadd.s32 $0x330, s0;
	s23 =	smul.u32 $0x300, s8;
	s8 =	sadd.s32 $0x3F0, s0  }
0x2b: {  	v8 =	vand.u32 $0x1F, v8;
	v56 =	vor.u32 s30, v0;
	v53 =	vor.u32 s24, v0;
	s22 =	sadd.s32 s2, s7;
	s7 =	sadd.s32 $0x3E0, s0;
	s24 =	sshrl.u32 s28, $0x3  }
0x2c: {  	v10 =	vor.u32 s18, v0;
	v50 =	vor.u32 s29, v0;
	s29 =	sadd.s32 $0x318, s0;
	v58 =	vor.u32 s25, v0;
	s25 =	sshrl.u32 s8, $0x3;
	[dreg:$0xd] =	wrdreg s22  }
0x2d: {  	[tilespmem:$0x1FED0] =	vst v1;
	v1 =	vand.u32 $0x1F, v17;
	v17 =	vor.u32 s15, v0;
	v57 =	vor.u32 s28, v0;
	s13 =	sadd.s32 s2, s23;
	s28 =	smul.u32 $0x300, s24;
	s17 =	sshrl.u32 s29, $0x3  }
0x2e: {  	v9 =	vor.u32 s16, v0;
	v10 =	vand.u32 $0x1F, v10;
	v59 =	vor.u32 s26, v0;
	s23 =	sshrl.u32 s20, $0x3;
	s24 =	sadd.s32 $0x3A8, s0;
	s20 =	sadd.s32 $0x450, s0  }
0x2f: {  	[tilespmem:$0x1FEE0] =	vst v1;
	v1 =	vand.u32 $0x1F, v18;
	v18 =	vor.u32 s12, v0;
	v49 =	vand.u32 $0x1F, v53;
	[dreg:$0xe] =	wrdreg s13;
	s13 =	sadd.s32 $0x410, s0;
	s17 =	smul.u32 $0x300, s17  }
0x30: {  	v53 =	vand.u32 $0x1F, v60;
	v9 =	vand.u32 $0x1F, v9;
	[tilespmem:$0x1FEF0] =	vst v1;
	v1 =	vand.u32 $0x1F, v19;
	s22 =	smul.u32 $0x300, s23;
	s23 =	sshrl.u32 s24, $0x3;
	s30 =	sadd.s32 s2, s28  }
0x31: {  	v19 =	vor.u32 s10, v0;
	v60 =	vand.u32 $0x1F, v18;
	[tilespmem:$0x1FF00] =	vst v1;
	v1 =	vand.u32 $0x1F, v20;
	s24 =	sadd.s32 $0x490, s0;
	[dreg:$0xf] =	wrdreg s30;
	s17 =	sadd.s32 s2, s17  }
0x32: {  	v20 =	vor.u32 s9, v0;
	v7 =	vor.u32 s20, v0;
	[tilespmem:$0x1FF10] =	vst v1;
	v1 =	vand.u32 $0x1F, v21;
	s23 =	smul.u32 $0x300, s23;
	s22 =	sadd.s32 s2, s22;
	[dreg:$0x10] =	wrdreg s17  }
0x33: {  	s28 =	sadd.s32 $0x438, s0;
	v21 =	vor.u32 s7, v0;
	v3 =	vor.u32 s13, v0;
	[tilespmem:$0x1FF20] =	vst v1;
	v1 =	vand.u32 $0x1F, v22;
	s17 =	sadd.s32 $0x430, s0;
	[dreg:$0x11] =	wrdreg s22  }
0x34: {  	v11 =	vor.u32 s24, v0;
	v7 =	vand.u32 $0x1F, v7;
	[tilespmem:$0x1FF30] =	vst v1;
	v1 =	vand.u32 $0x1F, v23;
	s26 =	sadd.s32 s2, s23;
	s22 =	smul.u32 $0x300, s25;
	s23 =	sshrl.u32 s28, $0x3  }
0x35: {  	v3 =	vand.u32 $0x1F, v3;
	v11 =	vand.u32 $0x1F, v11;
	s25 =	sadd.s32 $0x4A0, s0;
	s28 =	sadd.s32 $0x4C0, s0;
	[tilespmem:$0x1FF40] =	vst v1;
	v1 =	vand.u32 $0x1F, v24;
	s23 =	smul.u32 $0x300, s23  }
0x36: {  	[dreg:$0x12] =	wrdreg s26;
	s26 =	sadd.s32 $0x4B0, s0;
	v5 =	vor.u32 s17, v0;
	v12 =	vor.u32 s25, v0;
	v14 =	vor.u32 s28, v0;
	s22 =	sadd.s32 s2, s22  }
0x37: {  	s29 =	sshrl.u32 s18, $0x3;
	[tilespmem:$0x1FF50] =	vst v1;
	v1 =	vand.u32 $0x1F, v25;
	v13 =	vor.u32 s26, v0;
	v5 =	vand.u32 $0x1F, v5;
	[dreg:$0x13] =	wrdreg s22;
	s30 =	sadd.s32 s2, s23  }
0x38: {  	v12 =	vand.u32 $0x1F, v12;
	v14 =	vand.u32 $0x1F, v14;
	[tilespmem:$0x1FF60] =	vst v1;
	v1 =	vand.u32 $0x1F, v26;
	s22 =	smul.u32 $0x300, s29;
	s23 =	sshrl.u32 s31, $0x3;
	s29 =	sadd.s32 $0x4D0, s0  }
0x39: {  	s31 =	sadd.s32 $0x4F0, s0;
	v13 =	vand.u32 $0x1F, v13;
	[tilespmem:$0x1FF70] =	vst v1;
	v1 =	vand.u32 $0x1F, v27;
	[dreg:$0x14] =	wrdreg s30;
	s30 =	sadd.s32 $0x4E0, s0;
	v22 =	vor.u32 s29, v0  }
0x3a: {  	s0 =	sadd.s32 $0x500, s0;
	v24 =	vor.u32 s31, v0;
	[tilespmem:$0x1FF80] =	vst v1;
	v1 =	vand.u32 $0x1F, v28;
	v23 =	vor.u32 s30, v0  }
0x3b: {  	v25 =	vor.u32 s0, v0;
	[tilespmem:$0x1FF90] =	vst v1;
	v1 =	vand.u32 $0x1F, v29;
	v29 =	vand.u32 $0x1F, v35  }
0x3c: {  	v35 =	vand.u32 $0x1F, v41;
	v41 =	vand.u32 $0x1F, v47;
	v47 =	vand.u32 $0x1F, v50  }
0x3d: {  	v50 =	vand.u32 $0x1F, v56;
	v56 =	vand.u32 $0x1F, v63;
	v63 =	vand.u32 $0x1F, v21  }
0x3e: {  	v18 =	vand.u32 $0x1F, v25;
	[tilespmem:$0x1FFA0] =	vst v1;
	v1 =	vand.u32 $0x1F, v30;
	v30 =	vand.u32 $0x1F, v36  }
0x3f: {  	v36 =	vand.u32 $0x1F, v42;
	v42 =	vand.u32 $0x1F, v48;
	v48 =	vand.u32 $0x1F, v51  }
0x40: {  	v51 =	vand.u32 $0x1F, v58;
	v58 =	vand.u32 $0x1F, v16;
	v16 =	vand.u32 $0x1F, v23  }
0x41: {  	[tilespmem:$0x1FFB0] =	vst v1;
	v1 =	vand.u32 $0x1F, v31;
	v31 =	vand.u32 $0x1F, v37;
	v37 =	vand.u32 $0x1F, v43  }
0x42: {  	v43 =	vand.u32 $0x1F, v55;
	v55 =	vand.u32 $0x1F, v62;
	v62 =	vand.u32 $0x1F, v20  }
0x43: {  	s4 =	ssub.s32 $0x2, s4;
	[tilespmem:$0x1FFC0] =	vst v1;
	v1 =	vand.u32 $0x1F, v32;
	v32 =	vand.u32 $0x1F, v38;
	v38 =	vand.u32 $0x1F, v44  }
0x44: {  	s6 =	sshrl.u32 s4, $0x1;
	v44 =	vand.u32 $0x1F, v52;
	v52 =	vand.u32 $0x1F, v59;
	v59 =	vand.u32 $0x1F, v17  }
0x45: {  	s6 =	ssub.s32 s4, s6;
	s4 =	sadd.s32 $0x100, s1;
	v17 =	vand.u32 $0x1F, v24;
	[tilespmem:$0x1FFD0] =	vst v1;
	v1 =	vand.u32 $0x1F, v33;
	v33 =	vand.u32 $0x1F, v39  }
0x46: {  	s6 =	smax.u32 s6, $0x1;
	[dreg:$0x4] =	wrdreg s5;
	s23 =	smul.u32 $0x300, s23;
	v39 =	vand.u32 $0x1F, v45;
	v45 =	vand.u32 $0x1F, v54;
	v54 =	vand.u32 $0x1F, v61  }
0x47: {  	s5 =	sadd.s32 $0x200, s1;
	s14 =	simm.s32 $0x1;
	s22 =	sadd.s32 s2, s22;
	v61 =	vand.u32 $0x1F, v19;
	[tilespmem:$0x1FFE0] =	vst v1;
	v1 =	vand.u32 $0x1F, v34;
	v34 =	vand.u32 $0x1F, v40  }
0x48: {  	s15 =	simm.s32 $0x3;
	[dreg:$0x15] =	wrdreg s22;
	s2 =	sadd.s32 s2, s23;
	v40 =	vand.u32 $0x1F, v46;
	v46 =	vand.u32 $0x1F, v57;
	[tilespmem:$0x1FFF0] =	vst v1;
	v1 =	vor.u32 s8, v0  }
0x49: {  	s16 =	simm.s32 $0x2;
	[dreg:$0x16] =	wrdreg s2;
	s2 =	simm.s32 $0x4;
	v57 =	vand.u32 $0x1F, v15;
	v15 =	vand.u32 $0x1F, v22;
	v1 =	vand.u32 $0x1F, v1  }
.LBB2_1:
0x4a: {  	[dreg:$0x17] =	wrdreg s6  }
0x4b: {  	s17 =	rddreg [dreg:$0x4];
	s29 =	simm.s32 $0x5  }
0x4c: {  	[tilespmem:s3], [sflag:$0x5] =	stream.linear.gather [hbm4b:s17+s3], $0x510, $0x38;
	[tilespmem:$0x1B580] =	vst v63  }
0x4d: {  	_ =	swait.ge [sflag:s29], $0x510  }
0x4e: {  	[sflag:s29] =	ssyncset.done $0x0  }
0x4f: {  	[sflag:s29] =	ssyncadd.s32 $0xFFFFFAF0  }
0x50: {  	v20 =	vld [tilespmem:$0x10]  }
0x51: {  	v26 =	vld [tilespmem:$0x1FE50];
	_ =	sdelay $0x2  }
0x52: {  	v19 =	vld [tilespmem:$0x0]  }
0x53: {  	v23 =	vld [tilespmem:$0x1FE40];
	v20 =	vshll.u32 v20, $0x5  }
0x54: {  	v22 =	vld [tilespmem:$0x30];
	v20 =	vor.u32 v26, v20  }
0x55: {  	[tilespmem:$0x10] =	vst v20;
	v20 =	vld [tilespmem:$0x1FE70];
	_ =	sdelay $0x1  }
0x56: {  	v21 =	vld [tilespmem:$0x20];
	v19 =	vshll.u32 v19, $0x5  }
0x57: {  	v24 =	vld [tilespmem:$0x50];
	v19 =	vor.u32 v23, v19  }
0x58: {  	v22 =	vshll.u32 v22, $0x5;
	v25 =	vshrl.u32 v19, $0x3;
	[tilespmem:$0x0] =	vst v19;
	v19 =	vld [tilespmem:$0x1FE60]  }
0x59: {  	v23 =	vld [tilespmem:$0x40];
	v22 =	vor.u32 v20, v22  }
0x5a: {  	[tilespmem:$0x30] =	vst v22;
	v22 =	vld [tilespmem:$0x1FE80];
	_ =	sdelay $0x1  }
0x5b: {  	v21 =	vshll.u32 v21, $0x5  }
0x5c: {  	v21 =	vor.u32 v19, v21  }
0x5d: {  	[tilespmem:$0x20] =	vst v21;
	v21 =	vshll.u32 v23, $0x5  }
0x5e: {  	v21 =	vor.u32 v22, v21;
	v22 =	vshll.u32 v24, $0x5;
	v24 =	vld [tilespmem:$0x1FE90];
	_ =	sdelay $0x3  }
0x5f: {  	v26 =	vld [tilespmem:$0x60]  }
0x60: {  	[tilespmem:$0x40] =	vst v21;
	v21 =	vor.u32 v24, v22;
	v24 =	vld [tilespmem:$0x1FEA0];
	_ =	sdelay $0x3  }
0x61: {  	v27 =	vld [tilespmem:$0x70];
	v26 =	vshll.u32 v26, $0x5  }
0x62: {  	[tilespmem:$0x50] =	vst v21;
	v21 =	vor.u32 v24, v26;
	v24 =	vld [tilespmem:$0x1FEB0];
	_ =	sdelay $0x1  }
0x63: {  	v25 =	vmul.u32 $0x30, v25  }
0x64: {  	v19 =	vand.u32 $0x7, v0  }
0x65: {  	v28 =	vld [tilespmem:$0x80];
	v20 =	vshrl.u32 v0, $0x3;
	v25 =	vor.u32 v19, v25;
	v26 =	vshll.u32 v27, $0x5  }
0x66: {  	v20 =	vmul.u32 $0x8, v20;
	v23 =	vperm.xlane v25, v19;
	[tilespmem:$0x60] =	vst v21;
	v21 =	vor.u32 v24, v26;
	v24 =	vld [tilespmem:$0x1FEC0];
	_ =	sdelay $0x1  }
0x67: {  	v23 =	vadd.s32 v20, v23;
	_ =	sdelay $0x1  }
0x68: {  	v26 =	vshll.u32 v28, $0x5  }
0x69: {  	[tilespmem:$0x70] =	vst v21;
	v21 =	vor.u32 $0x8, v0;
	v22 =	vor.u32 v24, v26  }
0x6a: {  	s0 =	simm.s32 $0x580;
	v26 =	vperm.xlane v25, v21;
	[tilespmem:$0x80] =	vst v22  }
0x6b: {  	[tilespmem:s0], [sflag:$0x1] =	stream.indirect_vreg.gather [hbm4b:s1+s3], $0x80, v23, vm0, $0xb8;
	[tilespmem:$0x1B580] =	vst v63  }
0x6c: {  	s30 =	simm.s32 $0xD80;
	v22 =	vadd.s32 v20, v26  }
0x6d: {  	[tilespmem:s30], [sflag:$0x1] =	stream.indirect_vreg.gather [hbm4b:s4+s3], $0x80, v23, vm0, $0xb8;
	[tilespmem:$0x1B580] =	vst v63  }
0x6e: {  	s31 =	simm.s32 $0x1580  }
0x6f: {  	[tilespmem:s31], [sflag:$0x1] =	stream.indirect_vreg.gather [hbm4b:s5+s3], $0x80, v23, vm0, $0xb8;
	[tilespmem:$0x1B580] =	vst v63  }
0x70: {  	s6 =	simm.s32 $0x1D80  }
0x71: {  	[tilespmem:s6], [sflag:$0x1] =	stream.indirect_vreg.gather [hbm4b:s1+s3], $0x80, v22, vm0, $0xb8;
	[tilespmem:$0x1B580] =	vst v63  }
0x72: {  	s7 =	simm.s32 $0x2580  }
0x73: {  	[tilespmem:s7], [sflag:$0x1] =	stream.indirect_vreg.gather [hbm4b:s4+s3], $0x80, v22, vm0, $0xb8;
	[tilespmem:$0x1B580] =	vst v63  }
0x74: {  	s8 =	simm.s32 $0x2D80  }
0x75: {  	[tilespmem:s8], [sflag:$0x1] =	stream.indirect_vreg.gather [hbm4b:s5+s3], $0x80, v22, vm0, $0xb8;
	[tilespmem:$0x1B580] =	vst v63  }
0x76: {  	v22 =	vld [tilespmem:$0x10];
	_ =	sdelay $0x4  }
0x77: {  	v24 =	vshrl.u32 v22, $0x3  }
0x78: {  	v23 =	vmul.u32 $0x30, v24  }
0x79: {  	v22 =	vand.u32 $0x7, v22  }
0x7a: {  	v22 =	vor.u32 v22, v23  }
0x7b: {  	v23 =	vperm.xlane v22, v19;
	_ =	sdelay $0x1  }
0x7c: {  	v23 =	vadd.s32 v20, v23;
	_ =	sdelay $0x3  }
0x7d: {  	s9 =	simm.s32 $0x3580;
	v22 =	vperm.xlane v22, v21  }
0x7e: {  	[tilespmem:s9], [sflag:$0x1] =	stream.indirect_vreg.gather [hbm4b:s1+s3], $0x80, v23, vm0, $0xb8;
	[tilespmem:$0x1B580] =	vst v63  }
0x7f: {  	s10 =	simm.s32 $0x3D80;
	v22 =	vadd.s32 v20, v22  }
0x80: {  	[tilespmem:s10], [sflag:$0x1] =	stream.indirect_vreg.gather [hbm4b:s4+s3], $0x80, v23, vm0, $0xb8;
	[tilespmem:$0x1B580] =	vst v63  }
0x81: {  	s11 =	simm.s32 $0x4580  }
0x82: {  	[tilespmem:s11], [sflag:$0x1] =	stream.indirect_vreg.gather [hbm4b:s5+s3], $0x80, v23, vm0, $0xb8;
	[tilespmem:$0x1B580] =	vst v63  }
0x83: {  	s12 =	simm.s32 $0x4D80  }
0x84: {  	[tilespmem:s12], [sflag:$0x1] =	stream.indirect_vreg.gather [hbm4b:s1+s3], $0x80, v22, vm0, $0xb8;
	[tilespmem:$0x1B580] =	vst v63  }
0x85: {  	s13 =	simm.s32 $0x5580  }
0x86: {  	[tilespmem:s13], [sflag:$0x1] =	stream.indirect_vreg.gather [hbm4b:s4+s3], $0x80, v22, vm0, $0xb8;
	[tilespmem:$0x1B580] =	vst v63  }
0x87: {  	s17 =	simm.s32 $0x5D80  }
0x88: {  	[tilespmem:s17], [sflag:$0x1] =	stream.indirect_vreg.gather [hbm4b:s5+s3], $0x80, v22, vm0, $0xb8;
	[tilespmem:$0x1B580] =	vst v63  }
0x89: {  	v22 =	vld [tilespmem:$0x20];
	_ =	sdelay $0x4  }
0x8a: {  	v25 =	vshrl.u32 v22, $0x3  }
0x8b: {  	v23 =	vmul.u32 $0x30, v25  }
0x8c: {  	v22 =	vand.u32 $0x7, v22  }
0x8d: {  	v22 =	vor.u32 v22, v23  }
0x8e: {  	v23 =	vperm.xlane v22, v19;
	_ =	sdelay $0x1  }
0x8f: {  	v23 =	vadd.s32 v20, v23;
	_ =	sdelay $0x3  }
0x90: {  	s18 =	simm.s32 $0x6580;
	v22 =	vperm.xlane v22, v21  }
0x91: {  	[tilespmem:s18], [sflag:$0x1] =	stream.indirect_vreg.gather [hbm4b:s1+s3], $0x80, v23, vm0, $0xb8;
	[tilespmem:$0x1B580] =	vst v63  }
0x92: {  	s19 =	simm.s32 $0x6D80;
	v22 =	vadd.s32 v20, v22  }
0x93: {  	[tilespmem:s19], [sflag:$0x1] =	stream.indirect_vreg.gather [hbm4b:s4+s3], $0x80, v23, vm0, $0xb8;
	[tilespmem:$0x1B580] =	vst v63  }
0x94: {  	s20 =	simm.s32 $0x7580  }
0x95: {  	[tilespmem:s20], [sflag:$0x1] =	stream.indirect_vreg.gather [hbm4b:s5+s3], $0x80, v23, vm0, $0xb8;
	[tilespmem:$0x1B580] =	vst v63  }
0x96: {  	s21 =	simm.s32 $0x7D80  }
0x97: {  	[tilespmem:s21], [sflag:$0x1] =	stream.indirect_vreg.gather [hbm4b:s1+s3], $0x80, v22, vm0, $0xb8;
	[tilespmem:$0x1B580] =	vst v63  }
0x98: {  	s22 =	simm.s32 $0x8580  }
0x99: {  	[tilespmem:s22], [sflag:$0x1] =	stream.indirect_vreg.gather [hbm4b:s4+s3], $0x80, v22, vm0, $0xb8;
	[tilespmem:$0x1B580] =	vst v63  }
0x9a: {  	s23 =	simm.s32 $0x8D80  }
0x9b: {  	[tilespmem:s23], [sflag:$0x1] =	stream.indirect_vreg.gather [hbm4b:s5+s3], $0x80, v22, vm0, $0xb8;
	[tilespmem:$0x1B580] =	vst v63  }
0x9c: {  	v22 =	vld [tilespmem:$0x30];
	_ =	sdelay $0x4  }
0x9d: {  	v26 =	vshrl.u32 v22, $0x3  }
0x9e: {  	v23 =	vmul.u32 $0x30, v26  }
0x9f: {  	v22 =	vand.u32 $0x7, v22  }
0xa0: {  	v22 =	vor.u32 v22, v23  }
0xa1: {  	v23 =	vperm.xlane v22, v19;
	_ =	sdelay $0x1  }
0xa2: {  	v23 =	vadd.s32 v20, v23;
	_ =	sdelay $0x3  }
0xa3: {  	s24 =	simm.s32 $0x9580;
	v22 =	vperm.xlane v22, v21  }
0xa4: {  	[tilespmem:s24], [sflag:$0x1] =	stream.indirect_vreg.gather [hbm4b:s1+s3], $0x80, v23, vm0, $0xb8;
	[tilespmem:$0x1B580] =	vst v63  }
0xa5: {  	s25 =	simm.s32 $0x9D80;
	v22 =	vadd.s32 v20, v22  }
0xa6: {  	[tilespmem:s25], [sflag:$0x1] =	stream.indirect_vreg.gather [hbm4b:s4+s3], $0x80, v23, vm0, $0xb8;
	[tilespmem:$0x1B580] =	vst v63  }
0xa7: {  	s26 =	simm.s32 $0xA580  }
0xa8: {  	[tilespmem:s26], [sflag:$0x1] =	stream.indirect_vreg.gather [hbm4b:s5+s3], $0x80, v23, vm0, $0xb8;
	[tilespmem:$0x1B580] =	vst v63  }
0xa9: {  	s28 =	simm.s32 $0xAD80  }
0xaa: {  	[tilespmem:s28], [sflag:$0x1] =	stream.indirect_vreg.gather [hbm4b:s1+s3], $0x80, v22, vm0, $0xb8;
	[tilespmem:$0x1B580] =	vst v63  }
0xab: {  	s29 =	simm.s32 $0xB580  }
0xac: {  	[tilespmem:s29], [sflag:$0x1] =	stream.indirect_vreg.gather [hbm4b:s4+s3], $0x80, v22, vm0, $0xb8;
	[tilespmem:$0x1B580] =	vst v63  }
0xad: {  	s30 =	simm.s32 $0xBD80  }
0xae: {  	[tilespmem:s30], [sflag:$0x1] =	stream.indirect_vreg.gather [hbm4b:s5+s3], $0x80, v22, vm0, $0xb8;
	[tilespmem:$0x1B580] =	vst v63  }
0xaf: {  	v22 =	vld.msk [tilespmem:$0x40], $0xff;
	_ =	sdelay $0x4  }
0xb0: {  	v24 =	vshrl.u32 v22, $0x3  }
0xb1: {  	v23 =	vmul.u32 $0x30, v24  }
0xb2: {  	v22 =	vand.u32 $0x7, v22  }
0xb3: {  	v22 =	vor.u32 v22, v23  }
0xb4: {  	v22 =	vperm.xlane v22, v19;
	_ =	sdelay $0x1  }
0xb5: {  	v22 =	vadd.s32 v20, v22;
	_ =	sdelay $0x3  }
0xb6: {  	s31 =	simm.s32 $0xC580  }
0xb7: {  	[tilespmem:s31], [sflag:$0x1] =	stream.indirect_vreg.gather [hbm4b:s1+s3], $0x80, v22, vm0, $0xb8;
	[tilespmem:$0x1B580] =	vst v63  }
0xb8: {  	s6 =	simm.s32 $0xCD80  }
0xb9: {  	[tilespmem:s6], [sflag:$0x1] =	stream.indirect_vreg.gather [hbm4b:s4+s3], $0x80, v22, vm0, $0xb8;
	[tilespmem:$0x1B580] =	vst v63  }
0xba: {  	s7 =	simm.s32 $0xD580  }
0xbb: {  	[tilespmem:s7], [sflag:$0x1] =	stream.indirect_vreg.gather [hbm4b:s5+s3], $0x80, v22, vm0, $0xb8;
	[tilespmem:$0x1B580] =	vst v63  }
0xbc: {  	v22 =	vld [tilespmem:$0x48];
	_ =	sdelay $0x4  }
0xbd: {  	v25 =	vshrl.u32 v22, $0x3  }
0xbe: {  	v23 =	vmul.u32 $0x30, v25  }
0xbf: {  	v22 =	vand.u32 $0x7, v22  }
0xc0: {  	v22 =	vor.u32 v22, v23  }
0xc1: {  	v23 =	vperm.xlane v22, v19;
	_ =	sdelay $0x1  }
0xc2: {  	v23 =	vadd.s32 v20, v23;
	_ =	sdelay $0x3  }
0xc3: {  	s8 =	simm.s32 $0xDD80;
	v22 =	vperm.xlane v22, v21  }
0xc4: {  	[tilespmem:s8], [sflag:$0x2] =	stream.indirect_vreg.gather [hbm4b:s1+s3], $0x80, v23, vm0, $0xb8;
	[tilespmem:$0x1B580] =	vst v63  }
0xc5: {  	s9 =	simm.s32 $0xE580;
	v22 =	vadd.s32 v20, v22  }
0xc6: {  	[tilespmem:s9], [sflag:$0x2] =	stream.indirect_vreg.gather [hbm4b:s4+s3], $0x80, v23, vm0, $0xb8;
	[tilespmem:$0x1B580] =	vst v63  }
0xc7: {  	s10 =	simm.s32 $0xED80  }
0xc8: {  	[tilespmem:s10], [sflag:$0x2] =	stream.indirect_vreg.gather [hbm4b:s5+s3], $0x80, v23, vm0, $0xb8;
	[tilespmem:$0x1B580] =	vst v63  }
0xc9: {  	s11 =	simm.s32 $0xF580  }
0xca: {  	[tilespmem:s11], [sflag:$0x2] =	stream.indirect_vreg.gather [hbm4b:s1+s3], $0x80, v22, vm0, $0xb8;
	[tilespmem:$0x1B580] =	vst v63  }
0xcb: {  	s12 =	simm.s32 $0xFD80  }
0xcc: {  	[tilespmem:s12], [sflag:$0x2] =	stream.indirect_vreg.gather [hbm4b:s4+s3], $0x80, v22, vm0, $0xb8;
	[tilespmem:$0x1B580] =	vst v63  }
0xcd: {  	s13 =	simm.s32 $0x10580  }
0xce: {  	[tilespmem:s13], [sflag:$0x2] =	stream.indirect_vreg.gather [hbm4b:s5+s3], $0x80, v22, vm0, $0xb8;
	[tilespmem:$0x1B580] =	vst v63  }
0xcf: {  	v22 =	vld [tilespmem:$0x58];
	_ =	sdelay $0x4  }
0xd0: {  	v26 =	vshrl.u32 v22, $0x3  }
0xd1: {  	v23 =	vmul.u32 $0x30, v26  }
0xd2: {  	v22 =	vand.u32 $0x7, v22  }
0xd3: {  	v22 =	vor.u32 v22, v23  }
0xd4: {  	v23 =	vperm.xlane v22, v19;
	_ =	sdelay $0x1  }
0xd5: {  	v23 =	vadd.s32 v20, v23;
	_ =	sdelay $0x3  }
0xd6: {  	s18 =	simm.s32 $0x10D80;
	v22 =	vperm.xlane v22, v21  }
0xd7: {  	[tilespmem:s18], [sflag:$0x2] =	stream.indirect_vreg.gather [hbm4b:s1+s3], $0x80, v23, vm0, $0xb8;
	[tilespmem:$0x1B580] =	vst v63  }
0xd8: {  	s19 =	simm.s32 $0x11580;
	v22 =	vadd.s32 v20, v22  }
0xd9: {  	[tilespmem:s19], [sflag:$0x2] =	stream.indirect_vreg.gather [hbm4b:s4+s3], $0x80, v23, vm0, $0xb8;
	[tilespmem:$0x1B580] =	vst v63  }
0xda: {  	s20 =	simm.s32 $0x11D80  }
0xdb: {  	[tilespmem:s20], [sflag:$0x2] =	stream.indirect_vreg.gather [hbm4b:s5+s3], $0x80, v23, vm0, $0xb8;
	[tilespmem:$0x1B580] =	vst v63  }
0xdc: {  	s21 =	simm.s32 $0x12580  }
0xdd: {  	[tilespmem:s21], [sflag:$0x2] =	stream.indirect_vreg.gather [hbm4b:s1+s3], $0x80, v22, vm0, $0xb8;
	[tilespmem:$0x1B580] =	vst v63  }
0xde: {  	s22 =	simm.s32 $0x12D80  }
0xdf: {  	[tilespmem:s22], [sflag:$0x2] =	stream.indirect_vreg.gather [hbm4b:s4+s3], $0x80, v22, vm0, $0xb8;
	[tilespmem:$0x1B580] =	vst v63  }
0xe0: {  	s23 =	simm.s32 $0x13580  }
0xe1: {  	[tilespmem:s23], [sflag:$0x2] =	stream.indirect_vreg.gather [hbm4b:s5+s3], $0x80, v22, vm0, $0xb8;
	[tilespmem:$0x1B580] =	vst v63  }
0xe2: {  	v22 =	vld [tilespmem:$0x68];
	_ =	sdelay $0x4  }
0xe3: {  	v24 =	vshrl.u32 v22, $0x3  }
0xe4: {  	v23 =	vmul.u32 $0x30, v24  }
0xe5: {  	v22 =	vand.u32 $0x7, v22  }
0xe6: {  	v22 =	vor.u32 v22, v23  }
0xe7: {  	v23 =	vperm.xlane v22, v19;
	_ =	sdelay $0x1  }
0xe8: {  	v23 =	vadd.s32 v20, v23;
	_ =	sdelay $0x3  }
0xe9: {  	s24 =	simm.s32 $0x13D80;
	v22 =	vperm.xlane v22, v21  }
0xea: {  	[tilespmem:s24], [sflag:$0x2] =	stream.indirect_vreg.gather [hbm4b:s1+s3], $0x80, v23, vm0, $0xb8;
	[tilespmem:$0x1B580] =	vst v63  }
0xeb: {  	s25 =	simm.s32 $0x14580;
	v22 =	vadd.s32 v20, v22  }
0xec: {  	[tilespmem:s25], [sflag:$0x2] =	stream.indirect_vreg.gather [hbm4b:s4+s3], $0x80, v23, vm0, $0xb8;
	[tilespmem:$0x1B580] =	vst v63  }
0xed: {  	s26 =	simm.s32 $0x14D80  }
0xee: {  	[tilespmem:s26], [sflag:$0x2] =	stream.indirect_vreg.gather [hbm4b:s5+s3], $0x80, v23, vm0, $0xb8;
	[tilespmem:$0x1B580] =	vst v63  }
0xef: {  	s28 =	simm.s32 $0x15580  }
0xf0: {  	[tilespmem:s28], [sflag:$0x2] =	stream.indirect_vreg.gather [hbm4b:s1+s3], $0x80, v22, vm0, $0xb8;
	[tilespmem:$0x1B580] =	vst v63  }
0xf1: {  	s29 =	simm.s32 $0x15D80  }
0xf2: {  	[tilespmem:s29], [sflag:$0x2] =	stream.indirect_vreg.gather [hbm4b:s4+s3], $0x80, v22, vm0, $0xb8;
	[tilespmem:$0x1B580] =	vst v63  }
0xf3: {  	s30 =	simm.s32 $0x16580  }
0xf4: {  	[tilespmem:s30], [sflag:$0x2] =	stream.indirect_vreg.gather [hbm4b:s5+s3], $0x80, v22, vm0, $0xb8;
	[tilespmem:$0x1B580] =	vst v63  }
0xf5: {  	v22 =	vld [tilespmem:$0x78];
	_ =	sdelay $0x4  }
0xf6: {  	v25 =	vshrl.u32 v22, $0x3  }
0xf7: {  	v23 =	vmul.u32 $0x30, v25  }
0xf8: {  	v22 =	vand.u32 $0x7, v22  }
0xf9: {  	v22 =	vor.u32 v22, v23  }
0xfa: {  	v23 =	vperm.xlane v22, v19;
	_ =	sdelay $0x1  }
0xfb: {  	v23 =	vadd.s32 v20, v23;
	_ =	sdelay $0x3  }
0xfc: {  	s31 =	simm.s32 $0x16D80;
	v22 =	vperm.xlane v22, v21  }
0xfd: {  	[tilespmem:s31], [sflag:$0x2] =	stream.indirect_vreg.gather [hbm4b:s1+s3], $0x80, v23, vm0, $0xb8;
	[tilespmem:$0x1B580] =	vst v63  }
0xfe: {  	s0 =	simm.s32 $0x17580;
	v22 =	vadd.s32 v20, v22  }
0xff: {  	[tilespmem:s0], [sflag:$0x2] =	stream.indirect_vreg.gather [hbm4b:s4+s3], $0x80, v23, vm0, $0xb8;
	[tilespmem:$0x1B580] =	vst v63  }
0x100: {  	s6 =	simm.s32 $0x17D80  }
0x101: {  	[tilespmem:s6], [sflag:$0x2] =	stream.indirect_vreg.gather [hbm4b:s5+s3], $0x80, v23, vm0, $0xb8;
	[tilespmem:$0x1B580] =	vst v63  }
0x102: {  	s7 =	simm.s32 $0x18580  }
0x103: {  	[tilespmem:s7], [sflag:$0x2] =	stream.indirect_vreg.gather [hbm4b:s1+s3], $0x80, v22, vm0, $0xb8;
	[tilespmem:$0x1B580] =	vst v63  }
0x104: {  	s8 =	simm.s32 $0x18D80  }
0x105: {  	[tilespmem:s8], [sflag:$0x2] =	stream.indirect_vreg.gather [hbm4b:s4+s3], $0x80, v22, vm0, $0xb8;
	[tilespmem:$0x1B580] =	vst v63  }
0x106: {  	s9 =	simm.s32 $0x19580  }
0x107: {  	[tilespmem:s9], [sflag:$0x2] =	stream.indirect_vreg.gather [hbm4b:s5+s3], $0x80, v22, vm0, $0xb8;
	[tilespmem:$0x1B580] =	vst v63  }
0x108: {  	v22 =	vld.msk [tilespmem:$0x88], $0xff;
	_ =	sdelay $0x4  }
0x109: {  	v26 =	vshrl.u32 v22, $0x3  }
0x10a: {  	v23 =	vmul.u32 $0x30, v26  }
0x10b: {  	v22 =	vand.u32 $0x7, v22  }
0x10c: {  	v22 =	vor.u32 v22, v23  }
0x10d: {  	v22 =	vperm.xlane v22, v19;
	_ =	sdelay $0x1  }
0x10e: {  	v22 =	vadd.s32 v20, v22;
	_ =	sdelay $0x3  }
0x10f: {  	s10 =	simm.s32 $0x19D80  }
0x110: {  	[tilespmem:s10], [sflag:$0x2] =	stream.indirect_vreg.gather [hbm4b:s1+s3], $0x80, v22, vm0, $0xb8;
	[tilespmem:$0x1B580] =	vst v63  }
0x111: {  	s11 =	simm.s32 $0x1A580  }
0x112: {  	[tilespmem:s11], [sflag:$0x2] =	stream.indirect_vreg.gather [hbm4b:s4+s3], $0x80, v22, vm0, $0xb8;
	[tilespmem:$0x1B580] =	vst v63  }
0x113: {  	s12 =	simm.s32 $0x1AD80  }
0x114: {  	[tilespmem:s12], [sflag:$0x2] =	stream.indirect_vreg.gather [hbm4b:s5+s3], $0x80, v22, vm0, $0xb8;
	[tilespmem:$0x1B580] =	vst v63  }
0x115: {  	v22 =	vld [tilespmem:$0x90]  }
0x116: {  	v28 =	vld [tilespmem:$0x1FED0];
	_ =	sdelay $0x3  }
0x117: {  	v22 =	vshll.u32 v22, $0x5  }
0x118: {  	v23 =	vld [tilespmem:$0xA0];
	v22 =	vor.u32 v28, v22  }
0x119: {  	[tilespmem:$0x90] =	vst v22;
	v22 =	vld [tilespmem:$0x1FEE0];
	_ =	sdelay $0x3  }
0x11a: {  	v23 =	vshll.u32 v23, $0x5  }
0x11b: {  	v24 =	vld [tilespmem:$0xB0];
	v22 =	vor.u32 v22, v23  }
0x11c: {  	[tilespmem:$0xA0] =	vst v22;
	v22 =	vld [tilespmem:$0x1FEF0];
	_ =	sdelay $0x3  }
0x11d: {  	v23 =	vshll.u32 v24, $0x5  }
0x11e: {  	v25 =	vld [tilespmem:$0xC0];
	v22 =	vor.u32 v22, v23  }
0x11f: {  	[tilespmem:$0xB0] =	vst v22;
	v22 =	vld [tilespmem:$0x1FF00];
	_ =	sdelay $0x3  }
0x120: {  	v23 =	vshll.u32 v25, $0x5  }
0x121: {  	v26 =	vld [tilespmem:$0xD0];
	v22 =	vor.u32 v22, v23  }
0x122: {  	[tilespmem:$0xC0] =	vst v22;
	v22 =	vld [tilespmem:$0x1FF10];
	_ =	sdelay $0x3  }
0x123: {  	v23 =	vshll.u32 v26, $0x5  }
0x124: {  	v27 =	vld [tilespmem:$0xE0];
	v22 =	vor.u32 v22, v23  }
0x125: {  	[tilespmem:$0xD0] =	vst v22;
	v22 =	vld [tilespmem:$0x1FF20];
	_ =	sdelay $0x3  }
0x126: {  	v23 =	vshll.u32 v27, $0x5  }
0x127: {  	v28 =	vld [tilespmem:$0xF0];
	v22 =	vor.u32 v22, v23  }
0x128: {  	[tilespmem:$0xE0] =	vst v22;
	v22 =	vld [tilespmem:$0x1FF30];
	_ =	sdelay $0x3  }
0x129: {  	v23 =	vshll.u32 v28, $0x5  }
0x12a: {  	v24 =	vld [tilespmem:$0x100];
	v22 =	vor.u32 v22, v23  }
0x12b: {  	[tilespmem:$0xF0] =	vst v22;
	v22 =	vld [tilespmem:$0x1FF40];
	_ =	sdelay $0x3  }
0x12c: {  	v23 =	vshll.u32 v24, $0x5  }
0x12d: {  	v25 =	vld [tilespmem:$0x110];
	v22 =	vor.u32 v22, v23  }
0x12e: {  	[tilespmem:$0x100] =	vst v22;
	v22 =	vld [tilespmem:$0x1FF50];
	_ =	sdelay $0x3  }
0x12f: {  	v23 =	vshll.u32 v25, $0x5  }
0x130: {  	v26 =	vld [tilespmem:$0x120];
	v22 =	vor.u32 v22, v23  }
0x131: {  	[tilespmem:$0x110] =	vst v22;
	v22 =	vld [tilespmem:$0x1FF60];
	_ =	sdelay $0x3  }
0x132: {  	v23 =	vshll.u32 v26, $0x5  }
0x133: {  	v27 =	vld [tilespmem:$0x130];
	v22 =	vor.u32 v22, v23  }
0x134: {  	[tilespmem:$0x120] =	vst v22;
	v22 =	vld [tilespmem:$0x1FF70];
	_ =	sdelay $0x3  }
0x135: {  	v23 =	vshll.u32 v27, $0x5  }
0x136: {  	v28 =	vld [tilespmem:$0x140];
	v22 =	vor.u32 v22, v23  }
0x137: {  	[tilespmem:$0x130] =	vst v22;
	v22 =	vld [tilespmem:$0x1FF80];
	_ =	sdelay $0x3  }
0x138: {  	v23 =	vshll.u32 v28, $0x5  }
0x139: {  	v24 =	vld [tilespmem:$0x150];
	v22 =	vor.u32 v22, v23  }
0x13a: {  	[tilespmem:$0x140] =	vst v22;
	v22 =	vld [tilespmem:$0x1FF90];
	_ =	sdelay $0x3  }
0x13b: {  	v23 =	vshll.u32 v24, $0x5  }
0x13c: {  	v25 =	vld [tilespmem:$0x160];
	v22 =	vor.u32 v22, v23  }
0x13d: {  	[tilespmem:$0x150] =	vst v22;
	v22 =	vld [tilespmem:$0x1FFA0];
	_ =	sdelay $0x3  }
0x13e: {  	v23 =	vshll.u32 v25, $0x5  }
0x13f: {  	v26 =	vld [tilespmem:$0x170];
	v22 =	vor.u32 v22, v23  }
0x140: {  	[tilespmem:$0x160] =	vst v22;
	v22 =	vld [tilespmem:$0x1FFB0];
	_ =	sdelay $0x3  }
0x141: {  	v23 =	vshll.u32 v26, $0x5  }
0x142: {  	v27 =	vld [tilespmem:$0x180];
	v22 =	vor.u32 v22, v23  }
0x143: {  	[tilespmem:$0x170] =	vst v22;
	v22 =	vld [tilespmem:$0x1FFC0];
	_ =	sdelay $0x3  }
0x144: {  	v23 =	vshll.u32 v27, $0x5  }
0x145: {  	v28 =	vld [tilespmem:$0x190];
	v22 =	vor.u32 v22, v23  }
0x146: {  	[tilespmem:$0x180] =	vst v22;
	v22 =	vld [tilespmem:$0x1FFD0];
	_ =	sdelay $0x3  }
0x147: {  	v23 =	vshll.u32 v28, $0x5  }
0x148: {  	v24 =	vld [tilespmem:$0x1A0];
	v22 =	vor.u32 v22, v23  }
0x149: {  	[tilespmem:$0x190] =	vst v22;
	v22 =	vld [tilespmem:$0x1FFE0];
	_ =	sdelay $0x3  }
0x14a: {  	v25 =	vld [tilespmem:$0x1B0];
	v23 =	vshll.u32 v24, $0x5  }
0x14b: {  	v26 =	vld [tilespmem:$0x1C0];
	v22 =	vor.u32 v22, v23  }
0x14c: {  	[tilespmem:$0x1A0] =	vst v22;
	v22 =	vld [tilespmem:$0x1FFF0]  }
0x14d: {  	v27 =	vld [tilespmem:$0x1D0]  }
0x14e: {  	v28 =	vld [tilespmem:$0x1E0]  }
0x14f: {  	v24 =	vld [tilespmem:$0x1F0]  }
0x150: {  	v23 =	vshll.u32 v25, $0x5;
	v25 =	vld [tilespmem:$0x200]  }
0x151: {  	v22 =	vor.u32 v22, v23;
	v23 =	vshll.u32 v26, $0x5;
	v26 =	vld [tilespmem:$0x210]  }
0x152: {  	[tilespmem:$0x1B0] =	vst v22;
	v22 =	vor.u32 v29, v23;
	v23 =	vshll.u32 v27, $0x5;
	v27 =	vld [tilespmem:$0x220]  }
0x153: {  	[tilespmem:$0x1C0] =	vst v22;
	v22 =	vor.u32 v30, v23;
	v23 =	vshll.u32 v28, $0x5;
	v28 =	vld [tilespmem:$0x230]  }
0x154: {  	[tilespmem:$0x1D0] =	vst v22;
	v22 =	vor.u32 v31, v23;
	v23 =	vshll.u32 v24, $0x5;
	v24 =	vld [tilespmem:$0x240]  }
0x155: {  	[tilespmem:$0x1E0] =	vst v22;
	v22 =	vor.u32 v32, v23;
	v23 =	vshll.u32 v25, $0x5;
	v25 =	vld [tilespmem:$0x250]  }
0x156: {  	[tilespmem:$0x1F0] =	vst v22;
	v22 =	vor.u32 v33, v23;
	v23 =	vshll.u32 v26, $0x5;
	v26 =	vld [tilespmem:$0x260]  }
0x157: {  	[tilespmem:$0x200] =	vst v22;
	v22 =	vor.u32 v34, v23;
	v23 =	vshll.u32 v27, $0x5;
	v27 =	vld [tilespmem:$0x270]  }
0x158: {  	[tilespmem:$0x210] =	vst v22;
	v22 =	vor.u32 v35, v23;
	v23 =	vshll.u32 v28, $0x5;
	v28 =	vld [tilespmem:$0x280]  }
0x159: {  	[tilespmem:$0x220] =	vst v22;
	v22 =	vor.u32 v36, v23;
	v23 =	vshll.u32 v24, $0x5;
	v24 =	vld [tilespmem:$0x290]  }
0x15a: {  	[tilespmem:$0x230] =	vst v22;
	v22 =	vor.u32 v37, v23;
	v23 =	vshll.u32 v25, $0x5;
	v25 =	vld [tilespmem:$0x2A0]  }
0x15b: {  	[tilespmem:$0x240] =	vst v22;
	v22 =	vor.u32 v38, v23;
	v23 =	vshll.u32 v26, $0x5;
	v26 =	vld [tilespmem:$0x2B0]  }
0x15c: {  	[tilespmem:$0x250] =	vst v22;
	v22 =	vor.u32 v39, v23;
	v23 =	vshll.u32 v27, $0x5;
	v27 =	vld [tilespmem:$0x2C0]  }
0x15d: {  	[tilespmem:$0x260] =	vst v22;
	v22 =	vor.u32 v40, v23;
	v23 =	vshll.u32 v28, $0x5;
	v28 =	vld [tilespmem:$0x2D0]  }
0x15e: {  	[tilespmem:$0x270] =	vst v22;
	v22 =	vor.u32 v41, v23;
	v23 =	vshll.u32 v24, $0x5;
	v24 =	vld [tilespmem:$0x2E0]  }
0x15f: {  	[tilespmem:$0x280] =	vst v22;
	v22 =	vor.u32 v42, v23;
	v23 =	vshll.u32 v25, $0x5;
	v25 =	vld [tilespmem:$0x2F0]  }
0x160: {  	[tilespmem:$0x290] =	vst v22;
	v22 =	vor.u32 v43, v23;
	v23 =	vshll.u32 v26, $0x5;
	v26 =	vld [tilespmem:$0x300]  }
0x161: {  	[tilespmem:$0x2A0] =	vst v22;
	v22 =	vor.u32 v44, v23;
	v23 =	vshll.u32 v27, $0x5;
	v27 =	vld [tilespmem:$0x310]  }
0x162: {  	[tilespmem:$0x2B0] =	vst v22;
	v22 =	vor.u32 v45, v23;
	v23 =	vshll.u32 v28, $0x5;
	v28 =	vld [tilespmem:$0x320]  }
0x163: {  	[tilespmem:$0x2C0] =	vst v22;
	v22 =	vor.u32 v46, v23;
	v23 =	vshll.u32 v24, $0x5;
	v24 =	vld [tilespmem:$0x330]  }
0x164: {  	[tilespmem:$0x2D0] =	vst v22;
	v22 =	vor.u32 v47, v23;
	v23 =	vshll.u32 v25, $0x5;
	v25 =	vld [tilespmem:$0x340]  }
0x165: {  	[tilespmem:$0x2E0] =	vst v22;
	v22 =	vor.u32 v48, v23;
	v23 =	vshll.u32 v26, $0x5;
	v26 =	vld [tilespmem:$0x350]  }
0x166: {  	[tilespmem:$0x2F0] =	vst v22;
	v22 =	vor.u32 v49, v23;
	v23 =	vshll.u32 v27, $0x5;
	v27 =	vld [tilespmem:$0x360]  }
0x167: {  	[tilespmem:$0x300] =	vst v22;
	v22 =	vor.u32 v50, v23;
	v23 =	vshll.u32 v28, $0x5;
	v28 =	vld [tilespmem:$0x370]  }
0x168: {  	[tilespmem:$0x310] =	vst v22;
	v22 =	vor.u32 v51, v23;
	v23 =	vshll.u32 v24, $0x5;
	v24 =	vld [tilespmem:$0x380]  }
0x169: {  	[tilespmem:$0x320] =	vst v22;
	v22 =	vor.u32 v52, v23;
	v23 =	vshll.u32 v25, $0x5;
	v25 =	vld [tilespmem:$0x390]  }
0x16a: {  	[tilespmem:$0x330] =	vst v22;
	v22 =	vor.u32 v53, v23;
	v23 =	vshll.u32 v26, $0x5;
	v26 =	vld [tilespmem:$0x3A0]  }
0x16b: {  	[tilespmem:$0x340] =	vst v22;
	v22 =	vor.u32 v54, v23;
	v23 =	vshll.u32 v27, $0x5;
	v27 =	vld [tilespmem:$0x3B0]  }
0x16c: {  	[tilespmem:$0x350] =	vst v22;
	v22 =	vor.u32 v55, v23;
	v23 =	vshll.u32 v28, $0x5;
	v28 =	vld [tilespmem:$0x3C0]  }
0x16d: {  	[tilespmem:$0x360] =	vst v22;
	v22 =	vor.u32 v56, v23;
	v23 =	vshll.u32 v24, $0x5;
	v24 =	vld [tilespmem:$0x3D0]  }
0x16e: {  	[tilespmem:$0x370] =	vst v22;
	v22 =	vor.u32 v57, v23;
	v23 =	vshll.u32 v25, $0x5;
	v25 =	vld [tilespmem:$0x3E0]  }
0x16f: {  	[tilespmem:$0x380] =	vst v22;
	v22 =	vor.u32 v58, v23;
	v23 =	vshll.u32 v26, $0x5;
	v26 =	vld [tilespmem:$0x3F0]  }
0x170: {  	[tilespmem:$0x390] =	vst v22;
	v22 =	vor.u32 v59, v23;
	v23 =	vshll.u32 v27, $0x5;
	v27 =	vld [tilespmem:$0x400]  }
0x171: {  	[tilespmem:$0x3A0] =	vst v22;
	v22 =	vor.u32 v60, v23;
	v23 =	vshll.u32 v28, $0x5;
	v28 =	vld [tilespmem:$0x410]  }
0x172: {  	[tilespmem:$0x3B0] =	vst v22;
	v22 =	vor.u32 v61, v23;
	v23 =	vshll.u32 v24, $0x5;
	v24 =	vld [tilespmem:$0x420]  }
0x173: {  	[tilespmem:$0x3C0] =	vst v22;
	v22 =	vor.u32 v62, v23;
	v23 =	vshll.u32 v25, $0x5;
	v25 =	vld [tilespmem:$0x430]  }
0x174: {  	[tilespmem:$0x3D0] =	vst v22;
	v22 =	vor.u32 v63, v23;
	v23 =	vshll.u32 v26, $0x5;
	v26 =	vld [tilespmem:$0x440]  }
0x175: {  	[tilespmem:$0x3E0] =	vst v22;
	v22 =	vor.u32 v1, v23;
	v23 =	vshll.u32 v27, $0x5;
	v27 =	vld [tilespmem:$0x450]  }
0x176: {  	[tilespmem:$0x3F0] =	vst v22;
	v22 =	vor.u32 v2, v23;
	v23 =	vshll.u32 v28, $0x5;
	v28 =	vld [tilespmem:$0x460]  }
0x177: {  	[tilespmem:$0x400] =	vst v22;
	v22 =	vor.u32 v3, v23;
	v23 =	vshll.u32 v24, $0x5;
	v24 =	vld [tilespmem:$0x470]  }
0x178: {  	[tilespmem:$0x410] =	vst v22;
	v22 =	vor.u32 v4, v23;
	v23 =	vshll.u32 v25, $0x5;
	v25 =	vld [tilespmem:$0x480]  }
0x179: {  	[tilespmem:$0x420] =	vst v22;
	v22 =	vor.u32 v5, v23;
	v23 =	vshll.u32 v26, $0x5;
	v26 =	vld [tilespmem:$0x490]  }
0x17a: {  	[tilespmem:$0x430] =	vst v22;
	v22 =	vor.u32 v6, v23;
	v23 =	vshll.u32 v27, $0x5;
	v27 =	vld [tilespmem:$0x4A0]  }
0x17b: {  	[tilespmem:$0x440] =	vst v22;
	v22 =	vor.u32 v7, v23;
	v23 =	vshll.u32 v28, $0x5;
	v28 =	vld [tilespmem:$0x4B0]  }
0x17c: {  	[tilespmem:$0x450] =	vst v22;
	v22 =	vor.u32 v8, v23;
	v23 =	vshll.u32 v24, $0x5;
	v24 =	vld [tilespmem:$0x4C0]  }
0x17d: {  	[tilespmem:$0x460] =	vst v22;
	v22 =	vor.u32 v9, v23;
	v23 =	vshll.u32 v25, $0x5;
	v25 =	vld [tilespmem:$0x4D0]  }
0x17e: {  	[tilespmem:$0x470] =	vst v22;
	v22 =	vor.u32 v10, v23;
	v23 =	vshll.u32 v26, $0x5;
	v26 =	vld [tilespmem:$0x4E0]  }
0x17f: {  	[tilespmem:$0x480] =	vst v22;
	v22 =	vor.u32 v11, v23;
	v23 =	vshll.u32 v27, $0x5;
	v27 =	vld [tilespmem:$0x4F0]  }
0x180: {  	[tilespmem:$0x490] =	vst v22;
	v22 =	vor.u32 v12, v23;
	v23 =	vshll.u32 v28, $0x5;
	v28 =	vld [tilespmem:$0x500]  }
0x181: {  	[tilespmem:$0x4A0] =	vst v22;
	v22 =	vor.u32 v13, v23;
	v24 =	vshll.u32 v24, $0x5  }
0x182: {  	[tilespmem:$0x4B0] =	vst v22;
	v22 =	vor.u32 v14, v24;
	v24 =	vshll.u32 v25, $0x5  }
0x183: {  	[tilespmem:$0x4C0] =	vst v22;
	v25 =	vor.u32 v15, v24;
	v24 =	vshll.u32 v26, $0x5  }
0x184: {  	[tilespmem:$0x4D0] =	vst v25;
	v25 =	vor.u32 v16, v24;
	v26 =	vshll.u32 v27, $0x5  }
0x185: {  	[tilespmem:$0x4E0] =	vst v25;
	v24 =	vor.u32 v17, v26;
	v25 =	vshll.u32 v28, $0x5  }
0x186: {  	[tilespmem:$0x4F0] =	vst v24;
	v26 =	vor.u32 v18, v25  }
0x187: {  	[tilespmem:$0x500] =	vst v26  }
0x188: {  	_ =	swait.ge [sflag:s14], $0xD800  }
0x189: {  	[sflag:s14] =	ssyncset.done $0x0  }
0x18a: {  	s18 =	simm.s32 $0x580;
	s13 =	rddreg [dreg:$0x5];
	[sflag:s14] =	ssyncadd.s32 $0xFFFF2800  }
0x18b: {  	[hbm4b:s13+s3] =	stream.linear.scatter [tilespmem:s18], [sflag:$0x3], $0xD800, $0x38;
	[tilespmem:$0x1B580] =	vst v63  }
0x18c: {  	_ =	swait.ge [sflag:s15], $0xD800  }
0x18d: {  	[sflag:s15] =	ssyncset.done $0x0  }
0x18e: {  	[sflag:s15] =	ssyncadd.s32 $0xFFFF2800  }
0x18f: {  	v24 =	vld [tilespmem:$0x90];
	_ =	sdelay $0x4  }
0x190: {  	v25 =	vshrl.u32 v24, $0x3  }
0x191: {  	v23 =	vmul.u32 $0x30, v25  }
0x192: {  	v22 =	vand.u32 $0x7, v24  }
0x193: {  	v22 =	vor.u32 v22, v23  }
0x194: {  	v23 =	vperm.xlane v22, v19;
	_ =	sdelay $0x1  }
0x195: {  	v23 =	vadd.s32 v20, v23;
	_ =	sdelay $0x3  }
0x196: {  	v22 =	vperm.xlane v22, v21  }
0x197: {  	[tilespmem:s18], [sflag:$0x1] =	stream.indirect_vreg.gather [hbm4b:s1+s3], $0x80, v23, vm0, $0xb8;
	[tilespmem:$0x1B580] =	vst v63  }
0x198: {  	s6 =	simm.s32 $0xD80;
	v22 =	vadd.s32 v20, v22  }
0x199: {  	[tilespmem:s6], [sflag:$0x1] =	stream.indirect_vreg.gather [hbm4b:s4+s3], $0x80, v23, vm0, $0xb8;
	[tilespmem:$0x1B580] =	vst v63  }
0x19a: {  	s19 =	simm.s32 $0x1580  }
0x19b: {  	[tilespmem:s19], [sflag:$0x1] =	stream.indirect_vreg.gather [hbm4b:s5+s3], $0x80, v23, vm0, $0xb8;
	[tilespmem:$0x1B580] =	vst v63  }
0x19c: {  	s20 =	simm.s32 $0x1D80  }
0x19d: {  	[tilespmem:s20], [sflag:$0x1] =	stream.indirect_vreg.gather [hbm4b:s1+s3], $0x80, v22, vm0, $0xb8;
	[tilespmem:$0x1B580] =	vst v63  }
0x19e: {  	s21 =	simm.s32 $0x2580  }
0x19f: {  	[tilespmem:s21], [sflag:$0x1] =	stream.indirect_vreg.gather [hbm4b:s4+s3], $0x80, v22, vm0, $0xb8;
	[tilespmem:$0x1B580] =	vst v63  }
0x1a0: {  	s22 =	simm.s32 $0x2D80  }
0x1a1: {  	[tilespmem:s22], [sflag:$0x1] =	stream.indirect_vreg.gather [hbm4b:s5+s3], $0x80, v22, vm0, $0xb8;
	[tilespmem:$0x1B580] =	vst v63  }
0x1a2: {  	v22 =	vld [tilespmem:$0xA0];
	_ =	sdelay $0x4  }
0x1a3: {  	v26 =	vshrl.u32 v22, $0x3  }
0x1a4: {  	v23 =	vmul.u32 $0x30, v26  }
0x1a5: {  	v22 =	vand.u32 $0x7, v22  }
0x1a6: {  	v22 =	vor.u32 v22, v23  }
0x1a7: {  	v23 =	vperm.xlane v22, v19;
	_ =	sdelay $0x1  }
0x1a8: {  	v23 =	vadd.s32 v20, v23;
	_ =	sdelay $0x3  }
0x1a9: {  	s23 =	simm.s32 $0x3580;
	v22 =	vperm.xlane v22, v21  }
0x1aa: {  	[tilespmem:s23], [sflag:$0x1] =	stream.indirect_vreg.gather [hbm4b:s1+s3], $0x80, v23, vm0, $0xb8;
	[tilespmem:$0x1B580] =	vst v63  }
0x1ab: {  	s24 =	simm.s32 $0x3D80;
	v22 =	vadd.s32 v20, v22  }
0x1ac: {  	[tilespmem:s24], [sflag:$0x1] =	stream.indirect_vreg.gather [hbm4b:s4+s3], $0x80, v23, vm0, $0xb8;
	[tilespmem:$0x1B580] =	vst v63  }
0x1ad: {  	s25 =	simm.s32 $0x4580  }
0x1ae: {  	[tilespmem:s25], [sflag:$0x1] =	stream.indirect_vreg.gather [hbm4b:s5+s3], $0x80, v23, vm0, $0xb8;
	[tilespmem:$0x1B580] =	vst v63  }
0x1af: {  	s26 =	simm.s32 $0x4D80  }
0x1b0: {  	[tilespmem:s26], [sflag:$0x1] =	stream.indirect_vreg.gather [hbm4b:s1+s3], $0x80, v22, vm0, $0xb8;
	[tilespmem:$0x1B580] =	vst v63  }
0x1b1: {  	s28 =	simm.s32 $0x5580  }
0x1b2: {  	[tilespmem:s28], [sflag:$0x1] =	stream.indirect_vreg.gather [hbm4b:s4+s3], $0x80, v22, vm0, $0xb8;
	[tilespmem:$0x1B580] =	vst v63  }
0x1b3: {  	s29 =	simm.s32 $0x5D80  }
0x1b4: {  	[tilespmem:s29], [sflag:$0x1] =	stream.indirect_vreg.gather [hbm4b:s5+s3], $0x80, v22, vm0, $0xb8;
	[tilespmem:$0x1B580] =	vst v63  }
0x1b5: {  	v22 =	vld [tilespmem:$0xB0];
	_ =	sdelay $0x4  }
0x1b6: {  	v24 =	vshrl.u32 v22, $0x3  }
0x1b7: {  	v23 =	vmul.u32 $0x30, v24  }
0x1b8: {  	v22 =	vand.u32 $0x7, v22  }
0x1b9: {  	v22 =	vor.u32 v22, v23  }
0x1ba: {  	v23 =	vperm.xlane v22, v19;
	_ =	sdelay $0x1  }
0x1bb: {  	v23 =	vadd.s32 v20, v23;
	_ =	sdelay $0x3  }
0x1bc: {  	s30 =	simm.s32 $0x6580;
	v22 =	vperm.xlane v22, v21  }
0x1bd: {  	[tilespmem:s30], [sflag:$0x1] =	stream.indirect_vreg.gather [hbm4b:s1+s3], $0x80, v23, vm0, $0xb8;
	[tilespmem:$0x1B580] =	vst v63  }
0x1be: {  	s31 =	simm.s32 $0x6D80;
	v22 =	vadd.s32 v20, v22  }
0x1bf: {  	[tilespmem:s31], [sflag:$0x1] =	stream.indirect_vreg.gather [hbm4b:s4+s3], $0x80, v23, vm0, $0xb8;
	[tilespmem:$0x1B580] =	vst v63  }
0x1c0: {  	s7 =	simm.s32 $0x7580  }
0x1c1: {  	[tilespmem:s7], [sflag:$0x1] =	stream.indirect_vreg.gather [hbm4b:s5+s3], $0x80, v23, vm0, $0xb8;
	[tilespmem:$0x1B580] =	vst v63  }
0x1c2: {  	s8 =	simm.s32 $0x7D80  }
0x1c3: {  	[tilespmem:s8], [sflag:$0x1] =	stream.indirect_vreg.gather [hbm4b:s1+s3], $0x80, v22, vm0, $0xb8;
	[tilespmem:$0x1B580] =	vst v63  }
0x1c4: {  	s9 =	simm.s32 $0x8580  }
0x1c5: {  	[tilespmem:s9], [sflag:$0x1] =	stream.indirect_vreg.gather [hbm4b:s4+s3], $0x80, v22, vm0, $0xb8;
	[tilespmem:$0x1B580] =	vst v63  }
0x1c6: {  	s10 =	simm.s32 $0x8D80  }
0x1c7: {  	[tilespmem:s10], [sflag:$0x1] =	stream.indirect_vreg.gather [hbm4b:s5+s3], $0x80, v22, vm0, $0xb8;
	[tilespmem:$0x1B580] =	vst v63  }
0x1c8: {  	v22 =	vld [tilespmem:$0xC0];
	_ =	sdelay $0x4  }
0x1c9: {  	v25 =	vshrl.u32 v22, $0x3  }
0x1ca: {  	v23 =	vmul.u32 $0x30, v25  }
0x1cb: {  	v22 =	vand.u32 $0x7, v22  }
0x1cc: {  	v22 =	vor.u32 v22, v23  }
0x1cd: {  	v23 =	vperm.xlane v22, v19;
	_ =	sdelay $0x1  }
0x1ce: {  	v23 =	vadd.s32 v20, v23;
	_ =	sdelay $0x3  }
0x1cf: {  	s11 =	simm.s32 $0x9580;
	v22 =	vperm.xlane v22, v21  }
0x1d0: {  	[tilespmem:s11], [sflag:$0x1] =	stream.indirect_vreg.gather [hbm4b:s1+s3], $0x80, v23, vm0, $0xb8;
	[tilespmem:$0x1B580] =	vst v63  }
0x1d1: {  	s12 =	simm.s32 $0x9D80;
	v22 =	vadd.s32 v20, v22  }
0x1d2: {  	[tilespmem:s12], [sflag:$0x1] =	stream.indirect_vreg.gather [hbm4b:s4+s3], $0x80, v23, vm0, $0xb8;
	[tilespmem:$0x1B580] =	vst v63  }
0x1d3: {  	s13 =	simm.s32 $0xA580  }
0x1d4: {  	[tilespmem:s13], [sflag:$0x1] =	stream.indirect_vreg.gather [hbm4b:s5+s3], $0x80, v23, vm0, $0xb8;
	[tilespmem:$0x1B580] =	vst v63  }
0x1d5: {  	s17 =	simm.s32 $0xAD80  }
0x1d6: {  	[tilespmem:s17], [sflag:$0x1] =	stream.indirect_vreg.gather [hbm4b:s1+s3], $0x80, v22, vm0, $0xb8;
	[tilespmem:$0x1B580] =	vst v63  }
0x1d7: {  	s18 =	simm.s32 $0xB580  }
0x1d8: {  	[tilespmem:s18], [sflag:$0x1] =	stream.indirect_vreg.gather [hbm4b:s4+s3], $0x80, v22, vm0, $0xb8;
	[tilespmem:$0x1B580] =	vst v63  }
0x1d9: {  	s19 =	simm.s32 $0xBD80  }
0x1da: {  	[tilespmem:s19], [sflag:$0x1] =	stream.indirect_vreg.gather [hbm4b:s5+s3], $0x80, v22, vm0, $0xb8;
	[tilespmem:$0x1B580] =	vst v63  }
0x1db: {  	v22 =	vld.msk [tilespmem:$0xD0], $0xff;
	_ =	sdelay $0x4  }
0x1dc: {  	v26 =	vshrl.u32 v22, $0x3  }
0x1dd: {  	v23 =	vmul.u32 $0x30, v26  }
0x1de: {  	v22 =	vand.u32 $0x7, v22  }
0x1df: {  	v22 =	vor.u32 v22, v23  }
0x1e0: {  	v22 =	vperm.xlane v22, v19;
	_ =	sdelay $0x1  }
0x1e1: {  	v22 =	vadd.s32 v20, v22;
	_ =	sdelay $0x3  }
0x1e2: {  	s20 =	simm.s32 $0xC580  }
0x1e3: {  	[tilespmem:s20], [sflag:$0x1] =	stream.indirect_vreg.gather [hbm4b:s1+s3], $0x80, v22, vm0, $0xb8;
	[tilespmem:$0x1B580] =	vst v63  }
0x1e4: {  	s21 =	simm.s32 $0xCD80  }
0x1e5: {  	[tilespmem:s21], [sflag:$0x1] =	stream.indirect_vreg.gather [hbm4b:s4+s3], $0x80, v22, vm0, $0xb8;
	[tilespmem:$0x1B580] =	vst v63  }
0x1e6: {  	s22 =	simm.s32 $0xD580  }
0x1e7: {  	[tilespmem:s22], [sflag:$0x1] =	stream.indirect_vreg.gather [hbm4b:s5+s3], $0x80, v22, vm0, $0xb8;
	[tilespmem:$0x1B580] =	vst v63  }
0x1e8: {  	_ =	swait.ge [sflag:s16], $0xD800  }
0x1e9: {  	[sflag:s16] =	ssyncset.done $0x0  }
0x1ea: {  	s24 =	simm.s32 $0xDD80;
	s23 =	rddreg [dreg:$0x6];
	[sflag:s16] =	ssyncadd.s32 $0xFFFF2800  }
0x1eb: {  	[hbm4b:s23+s3] =	stream.linear.scatter [tilespmem:s24], [sflag:$0x4], $0xD800, $0x38;
	[tilespmem:$0x1B580] =	vst v63  }
0x1ec: {  	_ =	swait.ge [sflag:s2], $0xD800  }
0x1ed: {  	[sflag:s2] =	ssyncset.done $0x0  }
0x1ee: {  	[sflag:s2] =	ssyncadd.s32 $0xFFFF2800  }
0x1ef: {  	v24 =	vld [tilespmem:$0xD8];
	_ =	sdelay $0x4  }
0x1f0: {  	v25 =	vshrl.u32 v24, $0x3  }
0x1f1: {  	v23 =	vmul.u32 $0x30, v25  }
0x1f2: {  	v22 =	vand.u32 $0x7, v24  }
0x1f3: {  	v22 =	vor.u32 v22, v23  }
0x1f4: {  	v23 =	vperm.xlane v22, v19;
	_ =	sdelay $0x1  }
0x1f5: {  	v23 =	vadd.s32 v20, v23;
	_ =	sdelay $0x3  }
0x1f6: {  	v22 =	vperm.xlane v22, v21  }
0x1f7: {  	[tilespmem:s24], [sflag:$0x2] =	stream.indirect_vreg.gather [hbm4b:s1+s3], $0x80, v23, vm0, $0xb8;
	[tilespmem:$0x1B580] =	vst v63  }
0x1f8: {  	s25 =	simm.s32 $0xE580;
	v22 =	vadd.s32 v20, v22  }
0x1f9: {  	[tilespmem:s25], [sflag:$0x2] =	stream.indirect_vreg.gather [hbm4b:s4+s3], $0x80, v23, vm0, $0xb8;
	[tilespmem:$0x1B580] =	vst v63  }
0x1fa: {  	s26 =	simm.s32 $0xED80  }
0x1fb: {  	[tilespmem:s26], [sflag:$0x2] =	stream.indirect_vreg.gather [hbm4b:s5+s3], $0x80, v23, vm0, $0xb8;
	[tilespmem:$0x1B580] =	vst v63  }
0x1fc: {  	s7 =	simm.s32 $0xF580  }
0x1fd: {  	[tilespmem:s7], [sflag:$0x2] =	stream.indirect_vreg.gather [hbm4b:s1+s3], $0x80, v22, vm0, $0xb8;
	[tilespmem:$0x1B580] =	vst v63  }
0x1fe: {  	s9 =	simm.s32 $0xFD80  }
0x1ff: {  	[tilespmem:s9], [sflag:$0x2] =	stream.indirect_vreg.gather [hbm4b:s4+s3], $0x80, v22, vm0, $0xb8;
	[tilespmem:$0x1B580] =	vst v63  }
0x200: {  	s31 =	simm.s32 $0x10580  }
0x201: {  	[tilespmem:s31], [sflag:$0x2] =	stream.indirect_vreg.gather [hbm4b:s5+s3], $0x80, v22, vm0, $0xb8;
	[tilespmem:$0x1B580] =	vst v63  }
0x202: {  	v22 =	vld [tilespmem:$0xE8];
	_ =	sdelay $0x4  }
0x203: {  	v26 =	vshrl.u32 v22, $0x3  }
0x204: {  	v23 =	vmul.u32 $0x30, v26  }
0x205: {  	v22 =	vand.u32 $0x7, v22  }
0x206: {  	v22 =	vor.u32 v22, v23  }
0x207: {  	v23 =	vperm.xlane v22, v19;
	_ =	sdelay $0x1  }
0x208: {  	v23 =	vadd.s32 v20, v23;
	_ =	sdelay $0x3  }
0x209: {  	s8 =	simm.s32 $0x10D80;
	v22 =	vperm.xlane v22, v21  }
0x20a: {  	[tilespmem:s8], [sflag:$0x2] =	stream.indirect_vreg.gather [hbm4b:s1+s3], $0x80, v23, vm0, $0xb8;
	[tilespmem:$0x1B580] =	vst v63  }
0x20b: {  	s11 =	simm.s32 $0x11580;
	v22 =	vadd.s32 v20, v22  }
0x20c: {  	[tilespmem:s11], [sflag:$0x2] =	stream.indirect_vreg.gather [hbm4b:s4+s3], $0x80, v23, vm0, $0xb8;
	[tilespmem:$0x1B580] =	vst v63  }
0x20d: {  	s12 =	simm.s32 $0x11D80  }
0x20e: {  	[tilespmem:s12], [sflag:$0x2] =	stream.indirect_vreg.gather [hbm4b:s5+s3], $0x80, v23, vm0, $0xb8;
	[tilespmem:$0x1B580] =	vst v63  }
0x20f: {  	s18 =	simm.s32 $0x12580  }
0x210: {  	[tilespmem:s18], [sflag:$0x2] =	stream.indirect_vreg.gather [hbm4b:s1+s3], $0x80, v22, vm0, $0xb8;
	[tilespmem:$0x1B580] =	vst v63  }
0x211: {  	s19 =	simm.s32 $0x12D80  }
0x212: {  	[tilespmem:s19], [sflag:$0x2] =	stream.indirect_vreg.gather [hbm4b:s4+s3], $0x80, v22, vm0, $0xb8;
	[tilespmem:$0x1B580] =	vst v63  }
0x213: {  	s10 =	simm.s32 $0x13580  }
0x214: {  	[tilespmem:s10], [sflag:$0x2] =	stream.indirect_vreg.gather [hbm4b:s5+s3], $0x80, v22, vm0, $0xb8;
	[tilespmem:$0x1B580] =	vst v63  }
0x215: {  	v22 =	vld [tilespmem:$0xF8];
	_ =	sdelay $0x4  }
0x216: {  	v24 =	vshrl.u32 v22, $0x3  }
0x217: {  	v23 =	vmul.u32 $0x30, v24  }
0x218: {  	v22 =	vand.u32 $0x7, v22  }
0x219: {  	v22 =	vor.u32 v22, v23  }
0x21a: {  	v23 =	vperm.xlane v22, v19;
	_ =	sdelay $0x1  }
0x21b: {  	v23 =	vadd.s32 v20, v23;
	_ =	sdelay $0x3  }
0x21c: {  	s13 =	simm.s32 $0x13D80;
	v22 =	vperm.xlane v22, v21  }
0x21d: {  	[tilespmem:s13], [sflag:$0x2] =	stream.indirect_vreg.gather [hbm4b:s1+s3], $0x80, v23, vm0, $0xb8;
	[tilespmem:$0x1B580] =	vst v63  }
0x21e: {  	s20 =	simm.s32 $0x14580;
	v22 =	vadd.s32 v20, v22  }
0x21f: {  	[tilespmem:s20], [sflag:$0x2] =	stream.indirect_vreg.gather [hbm4b:s4+s3], $0x80, v23, vm0, $0xb8;
	[tilespmem:$0x1B580] =	vst v63  }
0x220: {  	s21 =	simm.s32 $0x14D80  }
0x221: {  	[tilespmem:s21], [sflag:$0x2] =	stream.indirect_vreg.gather [hbm4b:s5+s3], $0x80, v23, vm0, $0xb8;
	[tilespmem:$0x1B580] =	vst v63  }
0x222: {  	s22 =	simm.s32 $0x15580  }
0x223: {  	[tilespmem:s22], [sflag:$0x2] =	stream.indirect_vreg.gather [hbm4b:s1+s3], $0x80, v22, vm0, $0xb8;
	[tilespmem:$0x1B580] =	vst v63  }
0x224: {  	s23 =	simm.s32 $0x15D80  }
0x225: {  	[tilespmem:s23], [sflag:$0x2] =	stream.indirect_vreg.gather [hbm4b:s4+s3], $0x80, v22, vm0, $0xb8;
	[tilespmem:$0x1B580] =	vst v63  }
0x226: {  	s28 =	simm.s32 $0x16580  }
0x227: {  	[tilespmem:s28], [sflag:$0x2] =	stream.indirect_vreg.gather [hbm4b:s5+s3], $0x80, v22, vm0, $0xb8;
	[tilespmem:$0x1B580] =	vst v63  }
0x228: {  	v22 =	vld [tilespmem:$0x108];
	_ =	sdelay $0x4  }
0x229: {  	v25 =	vshrl.u32 v22, $0x3  }
0x22a: {  	v23 =	vmul.u32 $0x30, v25  }
0x22b: {  	v22 =	vand.u32 $0x7, v22  }
0x22c: {  	v22 =	vor.u32 v22, v23  }
0x22d: {  	v23 =	vperm.xlane v22, v19;
	_ =	sdelay $0x1  }
0x22e: {  	v23 =	vadd.s32 v20, v23;
	_ =	sdelay $0x3  }
0x22f: {  	s29 =	simm.s32 $0x16D80;
	v22 =	vperm.xlane v22, v21  }
0x230: {  	[tilespmem:s29], [sflag:$0x2] =	stream.indirect_vreg.gather [hbm4b:s1+s3], $0x80, v23, vm0, $0xb8;
	[tilespmem:$0x1B580] =	vst v63  }
0x231: {  	s24 =	simm.s32 $0x17580;
	v22 =	vadd.s32 v20, v22  }
0x232: {  	[tilespmem:s24], [sflag:$0x2] =	stream.indirect_vreg.gather [hbm4b:s4+s3], $0x80, v23, vm0, $0xb8;
	[tilespmem:$0x1B580] =	vst v63  }
0x233: {  	s25 =	simm.s32 $0x17D80  }
0x234: {  	[tilespmem:s25], [sflag:$0x2] =	stream.indirect_vreg.gather [hbm4b:s5+s3], $0x80, v23, vm0, $0xb8;
	[tilespmem:$0x1B580] =	vst v63  }
0x235: {  	s26 =	simm.s32 $0x18580  }
0x236: {  	[tilespmem:s26], [sflag:$0x2] =	stream.indirect_vreg.gather [hbm4b:s1+s3], $0x80, v22, vm0, $0xb8;
	[tilespmem:$0x1B580] =	vst v63  }
0x237: {  	s28 =	simm.s32 $0x18D80  }
0x238: {  	[tilespmem:s28], [sflag:$0x2] =	stream.indirect_vreg.gather [hbm4b:s4+s3], $0x80, v22, vm0, $0xb8;
	[tilespmem:$0x1B580] =	vst v63  }
0x239: {  	s30 =	simm.s32 $0x19580  }
0x23a: {  	[tilespmem:s30], [sflag:$0x2] =	stream.indirect_vreg.gather [hbm4b:s5+s3], $0x80, v22, vm0, $0xb8;
	[tilespmem:$0x1B580] =	vst v63  }
0x23b: {  	v22 =	vld.msk [tilespmem:$0x118], $0xff;
	_ =	sdelay $0x4  }
0x23c: {  	v26 =	vshrl.u32 v22, $0x3  }
0x23d: {  	v23 =	vmul.u32 $0x30, v26  }
0x23e: {  	v22 =	vand.u32 $0x7, v22  }
0x23f: {  	v22 =	vor.u32 v22, v23  }
0x240: {  	v22 =	vperm.xlane v22, v19;
	_ =	sdelay $0x1  }
0x241: {  	v22 =	vadd.s32 v20, v22;
	_ =	sdelay $0x3  }
0x242: {  	s29 =	simm.s32 $0x19D80  }
0x243: {  	[tilespmem:s29], [sflag:$0x2] =	stream.indirect_vreg.gather [hbm4b:s1+s3], $0x80, v22, vm0, $0xb8;
	[tilespmem:$0x1B580] =	vst v63  }
0x244: {  	s30 =	simm.s32 $0x1A580  }
0x245: {  	[tilespmem:s30], [sflag:$0x2] =	stream.indirect_vreg.gather [hbm4b:s4+s3], $0x80, v22, vm0, $0xb8;
	[tilespmem:$0x1B580] =	vst v63  }
0x246: {  	s17 =	simm.s32 $0x1AD80  }
0x247: {  	[tilespmem:s17], [sflag:$0x2] =	stream.indirect_vreg.gather [hbm4b:s5+s3], $0x80, v22, vm0, $0xb8;
	[tilespmem:$0x1B580] =	vst v63  }
0x248: {  	_ =	swait.ge [sflag:s14], $0xD800  }
0x249: {  	[sflag:s14] =	ssyncset.done $0x0  }
0x24a: {  	s0 =	simm.s32 $0x580;
	s17 =	rddreg [dreg:$0x7];
	[sflag:s14] =	ssyncadd.s32 $0xFFFF2800  }
0x24b: {  	[hbm4b:s17+s3] =	stream.linear.scatter [tilespmem:s0], [sflag:$0x3], $0xD800, $0x38;
	[tilespmem:$0x1B580] =	vst v63  }
0x24c: {  	_ =	swait.ge [sflag:s15], $0xD800  }
0x24d: {  	[sflag:s15] =	ssyncset.done $0x0  }
0x24e: {  	[sflag:s15] =	ssyncadd.s32 $0xFFFF2800  }
0x24f: {  	v24 =	vld [tilespmem:$0x120];
	_ =	sdelay $0x4  }
0x250: {  	v25 =	vshrl.u32 v24, $0x3  }
0x251: {  	v23 =	vmul.u32 $0x30, v25  }
0x252: {  	v22 =	vand.u32 $0x7, v24  }
0x253: {  	v22 =	vor.u32 v22, v23  }
0x254: {  	v23 =	vperm.xlane v22, v19;
	_ =	sdelay $0x1  }
0x255: {  	v23 =	vadd.s32 v20, v23;
	_ =	sdelay $0x3  }
0x256: {  	v22 =	vperm.xlane v22, v21  }
0x257: {  	[tilespmem:s0], [sflag:$0x1] =	stream.indirect_vreg.gather [hbm4b:s1+s3], $0x80, v23, vm0, $0xb8;
	[tilespmem:$0x1B580] =	vst v63  }
0x258: {  	v22 =	vadd.s32 v20, v22  }
0x259: {  	[tilespmem:s6], [sflag:$0x1] =	stream.indirect_vreg.gather [hbm4b:s4+s3], $0x80, v23, vm0, $0xb8;
	[tilespmem:$0x1B580] =	vst v63  }
0x25a: {  	s17 =	simm.s32 $0x1580  }
0x25b: {  	[tilespmem:s17], [sflag:$0x1] =	stream.indirect_vreg.gather [hbm4b:s5+s3], $0x80, v23, vm0, $0xb8;
	[tilespmem:$0x1B580] =	vst v63  }
0x25c: {  	s17 =	simm.s32 $0x1D80  }
0x25d: {  	[tilespmem:s17], [sflag:$0x1] =	stream.indirect_vreg.gather [hbm4b:s1+s3], $0x80, v22, vm0, $0xb8;
	[tilespmem:$0x1B580] =	vst v63  }
0x25e: {  	s17 =	simm.s32 $0x2580  }
0x25f: {  	[tilespmem:s17], [sflag:$0x1] =	stream.indirect_vreg.gather [hbm4b:s4+s3], $0x80, v22, vm0, $0xb8;
	[tilespmem:$0x1B580] =	vst v63  }
0x260: {  	s17 =	simm.s32 $0x2D80  }
0x261: {  	[tilespmem:s17], [sflag:$0x1] =	stream.indirect_vreg.gather [hbm4b:s5+s3], $0x80, v22, vm0, $0xb8;
	[tilespmem:$0x1B580] =	vst v63  }
0x262: {  	v22 =	vld [tilespmem:$0x130];
	_ =	sdelay $0x4  }
0x263: {  	v26 =	vshrl.u32 v22, $0x3  }
0x264: {  	v23 =	vmul.u32 $0x30, v26  }
0x265: {  	v22 =	vand.u32 $0x7, v22  }
0x266: {  	v22 =	vor.u32 v22, v23  }
0x267: {  	v23 =	vperm.xlane v22, v19;
	_ =	sdelay $0x1  }
0x268: {  	v23 =	vadd.s32 v20, v23;
	_ =	sdelay $0x3  }
0x269: {  	s17 =	simm.s32 $0x3580;
	v22 =	vperm.xlane v22, v21  }
0x26a: {  	[tilespmem:s17], [sflag:$0x1] =	stream.indirect_vreg.gather [hbm4b:s1+s3], $0x80, v23, vm0, $0xb8;
	[tilespmem:$0x1B580] =	vst v63  }
0x26b: {  	v22 =	vadd.s32 v20, v22;
	s17 =	simm.s32 $0x3D80  }
0x26c: {  	[tilespmem:s17], [sflag:$0x1] =	stream.indirect_vreg.gather [hbm4b:s4+s3], $0x80, v23, vm0, $0xb8;
	[tilespmem:$0x1B580] =	vst v63  }
0x26d: {  	s17 =	simm.s32 $0x4580  }
0x26e: {  	[tilespmem:s17], [sflag:$0x1] =	stream.indirect_vreg.gather [hbm4b:s5+s3], $0x80, v23, vm0, $0xb8;
	[tilespmem:$0x1B580] =	vst v63  }
0x26f: {  	s17 =	simm.s32 $0x4D80  }
0x270: {  	[tilespmem:s17], [sflag:$0x1] =	stream.indirect_vreg.gather [hbm4b:s1+s3], $0x80, v22, vm0, $0xb8;
	[tilespmem:$0x1B580] =	vst v63  }
0x271: {  	s17 =	simm.s32 $0x5580  }
0x272: {  	[tilespmem:s17], [sflag:$0x1] =	stream.indirect_vreg.gather [hbm4b:s4+s3], $0x80, v22, vm0, $0xb8;
	[tilespmem:$0x1B580] =	vst v63  }
0x273: {  	s17 =	simm.s32 $0x5D80  }
0x274: {  	[tilespmem:s17], [sflag:$0x1] =	stream.indirect_vreg.gather [hbm4b:s5+s3], $0x80, v22, vm0, $0xb8;
	[tilespmem:$0x1B580] =	vst v63  }
0x275: {  	v22 =	vld [tilespmem:$0x140];
	_ =	sdelay $0x4  }
0x276: {  	v24 =	vshrl.u32 v22, $0x3  }
0x277: {  	v23 =	vmul.u32 $0x30, v24  }
0x278: {  	v22 =	vand.u32 $0x7, v22  }
0x279: {  	v22 =	vor.u32 v22, v23  }
0x27a: {  	v23 =	vperm.xlane v22, v19;
	_ =	sdelay $0x1  }
0x27b: {  	v23 =	vadd.s32 v20, v23;
	_ =	sdelay $0x3  }
0x27c: {  	s17 =	simm.s32 $0x6580;
	v22 =	vperm.xlane v22, v21  }
0x27d: {  	[tilespmem:s17], [sflag:$0x1] =	stream.indirect_vreg.gather [hbm4b:s1+s3], $0x80, v23, vm0, $0xb8;
	[tilespmem:$0x1B580] =	vst v63  }
0x27e: {  	v22 =	vadd.s32 v20, v22;
	s17 =	simm.s32 $0x6D80  }
0x27f: {  	[tilespmem:s17], [sflag:$0x1] =	stream.indirect_vreg.gather [hbm4b:s4+s3], $0x80, v23, vm0, $0xb8;
	[tilespmem:$0x1B580] =	vst v63  }
0x280: {  	s17 =	simm.s32 $0x7580  }
0x281: {  	[tilespmem:s17], [sflag:$0x1] =	stream.indirect_vreg.gather [hbm4b:s5+s3], $0x80, v23, vm0, $0xb8;
	[tilespmem:$0x1B580] =	vst v63  }
0x282: {  	s17 =	simm.s32 $0x7D80  }
0x283: {  	[tilespmem:s17], [sflag:$0x1] =	stream.indirect_vreg.gather [hbm4b:s1+s3], $0x80, v22, vm0, $0xb8;
	[tilespmem:$0x1B580] =	vst v63  }
0x284: {  	s17 =	simm.s32 $0x8580  }
0x285: {  	[tilespmem:s17], [sflag:$0x1] =	stream.indirect_vreg.gather [hbm4b:s4+s3], $0x80, v22, vm0, $0xb8;
	[tilespmem:$0x1B580] =	vst v63  }
0x286: {  	s17 =	simm.s32 $0x8D80  }
0x287: {  	[tilespmem:s17], [sflag:$0x1] =	stream.indirect_vreg.gather [hbm4b:s5+s3], $0x80, v22, vm0, $0xb8;
	[tilespmem:$0x1B580] =	vst v63  }
0x288: {  	v22 =	vld [tilespmem:$0x150];
	_ =	sdelay $0x4  }
0x289: {  	v25 =	vshrl.u32 v22, $0x3  }
0x28a: {  	v23 =	vmul.u32 $0x30, v25  }
0x28b: {  	v22 =	vand.u32 $0x7, v22  }
0x28c: {  	v22 =	vor.u32 v22, v23  }
0x28d: {  	v23 =	vperm.xlane v22, v19;
	_ =	sdelay $0x1  }
0x28e: {  	v23 =	vadd.s32 v20, v23;
	_ =	sdelay $0x3  }
0x28f: {  	s17 =	simm.s32 $0x9580;
	v22 =	vperm.xlane v22, v21  }
0x290: {  	[tilespmem:s17], [sflag:$0x1] =	stream.indirect_vreg.gather [hbm4b:s1+s3], $0x80, v23, vm0, $0xb8;
	[tilespmem:$0x1B580] =	vst v63  }
0x291: {  	v22 =	vadd.s32 v20, v22;
	s17 =	simm.s32 $0x9D80  }
0x292: {  	[tilespmem:s17], [sflag:$0x1] =	stream.indirect_vreg.gather [hbm4b:s4+s3], $0x80, v23, vm0, $0xb8;
	[tilespmem:$0x1B580] =	vst v63  }
0x293: {  	s17 =	simm.s32 $0xA580  }
0x294: {  	[tilespmem:s17], [sflag:$0x1] =	stream.indirect_vreg.gather [hbm4b:s5+s3], $0x80, v23, vm0, $0xb8;
	[tilespmem:$0x1B580] =	vst v63  }
0x295: {  	s17 =	simm.s32 $0xAD80  }
0x296: {  	[tilespmem:s17], [sflag:$0x1] =	stream.indirect_vreg.gather [hbm4b:s1+s3], $0x80, v22, vm0, $0xb8;
	[tilespmem:$0x1B580] =	vst v63  }
0x297: {  	s17 =	simm.s32 $0xB580  }
0x298: {  	[tilespmem:s17], [sflag:$0x1] =	stream.indirect_vreg.gather [hbm4b:s4+s3], $0x80, v22, vm0, $0xb8;
	[tilespmem:$0x1B580] =	vst v63  }
0x299: {  	s17 =	simm.s32 $0xBD80  }
0x29a: {  	[tilespmem:s17], [sflag:$0x1] =	stream.indirect_vreg.gather [hbm4b:s5+s3], $0x80, v22, vm0, $0xb8;
	[tilespmem:$0x1B580] =	vst v63  }
0x29b: {  	v22 =	vld.msk [tilespmem:$0x160], $0xff;
	_ =	sdelay $0x4  }
0x29c: {  	v26 =	vshrl.u32 v22, $0x3  }
0x29d: {  	v23 =	vmul.u32 $0x30, v26  }
0x29e: {  	v22 =	vand.u32 $0x7, v22  }
0x29f: {  	v22 =	vor.u32 v22, v23  }
0x2a0: {  	v22 =	vperm.xlane v22, v19;
	_ =	sdelay $0x1  }
0x2a1: {  	v22 =	vadd.s32 v20, v22;
	_ =	sdelay $0x3  }
0x2a2: {  	s17 =	simm.s32 $0xC580  }
0x2a3: {  	[tilespmem:s17], [sflag:$0x1] =	stream.indirect_vreg.gather [hbm4b:s1+s3], $0x80, v22, vm0, $0xb8;
	[tilespmem:$0x1B580] =	vst v63  }
0x2a4: {  	s17 =	simm.s32 $0xCD80  }
0x2a5: {  	[tilespmem:s17], [sflag:$0x1] =	stream.indirect_vreg.gather [hbm4b:s4+s3], $0x80, v22, vm0, $0xb8;
	[tilespmem:$0x1B580] =	vst v63  }
0x2a6: {  	s17 =	simm.s32 $0xD580  }
0x2a7: {  	[tilespmem:s17], [sflag:$0x1] =	stream.indirect_vreg.gather [hbm4b:s5+s3], $0x80, v22, vm0, $0xb8;
	[tilespmem:$0x1B580] =	vst v63  }
0x2a8: {  	_ =	swait.ge [sflag:s16], $0xD800  }
0x2a9: {  	[sflag:s16] =	ssyncset.done $0x0  }
0x2aa: {  	s0 =	simm.s32 $0xDD80;
	s17 =	rddreg [dreg:$0x8];
	[sflag:s16] =	ssyncadd.s32 $0xFFFF2800  }
0x2ab: {  	[hbm4b:s17+s3] =	stream.linear.scatter [tilespmem:s0], [sflag:$0x4], $0xD800, $0x38;
	[tilespmem:$0x1B580] =	vst v63  }
0x2ac: {  	_ =	swait.ge [sflag:s2], $0xD800  }
0x2ad: {  	[sflag:s2] =	ssyncset.done $0x0  }
0x2ae: {  	[sflag:s2] =	ssyncadd.s32 $0xFFFF2800  }
0x2af: {  	v24 =	vld [tilespmem:$0x168];
	_ =	sdelay $0x4  }
0x2b0: {  	v25 =	vshrl.u32 v24, $0x3  }
0x2b1: {  	v23 =	vmul.u32 $0x30, v25  }
0x2b2: {  	v22 =	vand.u32 $0x7, v24  }
0x2b3: {  	v22 =	vor.u32 v22, v23  }
0x2b4: {  	v23 =	vperm.xlane v22, v19;
	_ =	sdelay $0x1  }
0x2b5: {  	v23 =	vadd.s32 v20, v23;
	_ =	sdelay $0x3  }
0x2b6: {  	v22 =	vperm.xlane v22, v21  }
0x2b7: {  	[tilespmem:s0], [sflag:$0x2] =	stream.indirect_vreg.gather [hbm4b:s1+s3], $0x80, v23, vm0, $0xb8;
	[tilespmem:$0x1B580] =	vst v63  }
0x2b8: {  	s17 =	simm.s32 $0xE580;
	v22 =	vadd.s32 v20, v22  }
0x2b9: {  	[tilespmem:s17], [sflag:$0x2] =	stream.indirect_vreg.gather [hbm4b:s4+s3], $0x80, v23, vm0, $0xb8;
	[tilespmem:$0x1B580] =	vst v63  }
0x2ba: {  	s17 =	simm.s32 $0xED80  }
0x2bb: {  	[tilespmem:s17], [sflag:$0x2] =	stream.indirect_vreg.gather [hbm4b:s5+s3], $0x80, v23, vm0, $0xb8;
	[tilespmem:$0x1B580] =	vst v63  }
0x2bc: {  	_ = 	snop  }
0x2bd: {  	[tilespmem:s7], [sflag:$0x2] =	stream.indirect_vreg.gather [hbm4b:s1+s3], $0x80, v22, vm0, $0xb8;
	[tilespmem:$0x1B580] =	vst v63  }
0x2be: {  	_ = 	snop  }
0x2bf: {  	[tilespmem:s9], [sflag:$0x2] =	stream.indirect_vreg.gather [hbm4b:s4+s3], $0x80, v22, vm0, $0xb8;
	[tilespmem:$0x1B580] =	vst v63  }
0x2c0: {  	_ = 	snop  }
0x2c1: {  	[tilespmem:s31], [sflag:$0x2] =	stream.indirect_vreg.gather [hbm4b:s5+s3], $0x80, v22, vm0, $0xb8;
	[tilespmem:$0x1B580] =	vst v63  }
0x2c2: {  	v22 =	vld [tilespmem:$0x178];
	_ =	sdelay $0x4  }
0x2c3: {  	v26 =	vshrl.u32 v22, $0x3  }
0x2c4: {  	v23 =	vmul.u32 $0x30, v26  }
0x2c5: {  	v22 =	vand.u32 $0x7, v22  }
0x2c6: {  	v22 =	vor.u32 v22, v23  }
0x2c7: {  	v23 =	vperm.xlane v22, v19;
	_ =	sdelay $0x1  }
0x2c8: {  	v23 =	vadd.s32 v20, v23;
	_ =	sdelay $0x3  }
0x2c9: {  	v22 =	vperm.xlane v22, v21  }
0x2ca: {  	[tilespmem:s8], [sflag:$0x2] =	stream.indirect_vreg.gather [hbm4b:s1+s3], $0x80, v23, vm0, $0xb8;
	[tilespmem:$0x1B580] =	vst v63  }
0x2cb: {  	v22 =	vadd.s32 v20, v22  }
0x2cc: {  	[tilespmem:s11], [sflag:$0x2] =	stream.indirect_vreg.gather [hbm4b:s4+s3], $0x80, v23, vm0, $0xb8;
	[tilespmem:$0x1B580] =	vst v63  }
0x2cd: {  	_ = 	snop  }
0x2ce: {  	[tilespmem:s12], [sflag:$0x2] =	stream.indirect_vreg.gather [hbm4b:s5+s3], $0x80, v23, vm0, $0xb8;
	[tilespmem:$0x1B580] =	vst v63  }
0x2cf: {  	_ = 	snop  }
0x2d0: {  	[tilespmem:s18], [sflag:$0x2] =	stream.indirect_vreg.gather [hbm4b:s1+s3], $0x80, v22, vm0, $0xb8;
	[tilespmem:$0x1B580] =	vst v63  }
0x2d1: {  	_ = 	snop  }
0x2d2: {  	[tilespmem:s19], [sflag:$0x2] =	stream.indirect_vreg.gather [hbm4b:s4+s3], $0x80, v22, vm0, $0xb8;
	[tilespmem:$0x1B580] =	vst v63  }
0x2d3: {  	_ = 	snop  }
0x2d4: {  	[tilespmem:s10], [sflag:$0x2] =	stream.indirect_vreg.gather [hbm4b:s5+s3], $0x80, v22, vm0, $0xb8;
	[tilespmem:$0x1B580] =	vst v63  }
0x2d5: {  	v22 =	vld [tilespmem:$0x188];
	_ =	sdelay $0x4  }
0x2d6: {  	v24 =	vshrl.u32 v22, $0x3  }
0x2d7: {  	v23 =	vmul.u32 $0x30, v24  }
0x2d8: {  	v22 =	vand.u32 $0x7, v22  }
0x2d9: {  	v22 =	vor.u32 v22, v23  }
0x2da: {  	v23 =	vperm.xlane v22, v19;
	_ =	sdelay $0x1  }
0x2db: {  	v23 =	vadd.s32 v20, v23;
	_ =	sdelay $0x3  }
0x2dc: {  	v22 =	vperm.xlane v22, v21  }
0x2dd: {  	[tilespmem:s13], [sflag:$0x2] =	stream.indirect_vreg.gather [hbm4b:s1+s3], $0x80, v23, vm0, $0xb8;
	[tilespmem:$0x1B580] =	vst v63  }
0x2de: {  	v22 =	vadd.s32 v20, v22  }
0x2df: {  	[tilespmem:s20], [sflag:$0x2] =	stream.indirect_vreg.gather [hbm4b:s4+s3], $0x80, v23, vm0, $0xb8;
	[tilespmem:$0x1B580] =	vst v63  }
0x2e0: {  	_ = 	snop  }
0x2e1: {  	[tilespmem:s21], [sflag:$0x2] =	stream.indirect_vreg.gather [hbm4b:s5+s3], $0x80, v23, vm0, $0xb8;
	[tilespmem:$0x1B580] =	vst v63  }
0x2e2: {  	_ = 	snop  }
0x2e3: {  	[tilespmem:s22], [sflag:$0x2] =	stream.indirect_vreg.gather [hbm4b:s1+s3], $0x80, v22, vm0, $0xb8;
	[tilespmem:$0x1B580] =	vst v63  }
0x2e4: {  	_ = 	snop  }
0x2e5: {  	[tilespmem:s23], [sflag:$0x2] =	stream.indirect_vreg.gather [hbm4b:s4+s3], $0x80, v22, vm0, $0xb8;
	[tilespmem:$0x1B580] =	vst v63  }
0x2e6: {  	s12 =	simm.s32 $0x16580  }
0x2e7: {  	[tilespmem:s12], [sflag:$0x2] =	stream.indirect_vreg.gather [hbm4b:s5+s3], $0x80, v22, vm0, $0xb8;
	[tilespmem:$0x1B580] =	vst v63  }
0x2e8: {  	v22 =	vld [tilespmem:$0x198];
	_ =	sdelay $0x4  }
0x2e9: {  	v25 =	vshrl.u32 v22, $0x3  }
0x2ea: {  	v23 =	vmul.u32 $0x30, v25  }
0x2eb: {  	v22 =	vand.u32 $0x7, v22  }
0x2ec: {  	v22 =	vor.u32 v22, v23  }
0x2ed: {  	v23 =	vperm.xlane v22, v19;
	_ =	sdelay $0x1  }
0x2ee: {  	v23 =	vadd.s32 v20, v23;
	_ =	sdelay $0x3  }
0x2ef: {  	s13 =	simm.s32 $0x16D80;
	v22 =	vperm.xlane v22, v21  }
0x2f0: {  	[tilespmem:s13], [sflag:$0x2] =	stream.indirect_vreg.gather [hbm4b:s1+s3], $0x80, v23, vm0, $0xb8;
	[tilespmem:$0x1B580] =	vst v63  }
0x2f1: {  	v22 =	vadd.s32 v20, v22  }
0x2f2: {  	[tilespmem:s24], [sflag:$0x2] =	stream.indirect_vreg.gather [hbm4b:s4+s3], $0x80, v23, vm0, $0xb8;
	[tilespmem:$0x1B580] =	vst v63  }
0x2f3: {  	_ = 	snop  }
0x2f4: {  	[tilespmem:s25], [sflag:$0x2] =	stream.indirect_vreg.gather [hbm4b:s5+s3], $0x80, v23, vm0, $0xb8;
	[tilespmem:$0x1B580] =	vst v63  }
0x2f5: {  	_ = 	snop  }
0x2f6: {  	[tilespmem:s26], [sflag:$0x2] =	stream.indirect_vreg.gather [hbm4b:s1+s3], $0x80, v22, vm0, $0xb8;
	[tilespmem:$0x1B580] =	vst v63  }
0x2f7: {  	_ = 	snop  }
0x2f8: {  	[tilespmem:s28], [sflag:$0x2] =	stream.indirect_vreg.gather [hbm4b:s4+s3], $0x80, v22, vm0, $0xb8;
	[tilespmem:$0x1B580] =	vst v63  }
0x2f9: {  	s17 =	simm.s32 $0x19580  }
0x2fa: {  	[tilespmem:s17], [sflag:$0x2] =	stream.indirect_vreg.gather [hbm4b:s5+s3], $0x80, v22, vm0, $0xb8;
	[tilespmem:$0x1B580] =	vst v63  }
0x2fb: {  	v22 =	vld.msk [tilespmem:$0x1A8], $0xff;
	_ =	sdelay $0x4  }
0x2fc: {  	v26 =	vshrl.u32 v22, $0x3  }
0x2fd: {  	v23 =	vmul.u32 $0x30, v26  }
0x2fe: {  	v22 =	vand.u32 $0x7, v22  }
0x2ff: {  	v22 =	vor.u32 v22, v23  }
0x300: {  	v22 =	vperm.xlane v22, v19;
	_ =	sdelay $0x1  }
0x301: {  	v22 =	vadd.s32 v20, v22;
	_ =	sdelay $0x4  }
0x302: {  	[tilespmem:s29], [sflag:$0x2] =	stream.indirect_vreg.gather [hbm4b:s1+s3], $0x80, v22, vm0, $0xb8;
	[tilespmem:$0x1B580] =	vst v63  }
0x303: {  	_ = 	snop  }
0x304: {  	[tilespmem:s30], [sflag:$0x2] =	stream.indirect_vreg.gather [hbm4b:s4+s3], $0x80, v22, vm0, $0xb8;
	[tilespmem:$0x1B580] =	vst v63  }
0x305: {  	s18 =	simm.s32 $0x1AD80  }
0x306: {  	[tilespmem:s18], [sflag:$0x2] =	stream.indirect_vreg.gather [hbm4b:s5+s3], $0x80, v22, vm0, $0xb8;
	[tilespmem:$0x1B580] =	vst v63  }
0x307: {  	_ =	swait.ge [sflag:s14], $0xD800  }
0x308: {  	[sflag:s14] =	ssyncset.done $0x0  }
0x309: {  	s20 =	simm.s32 $0x580;
	s19 =	rddreg [dreg:$0x9];
	[sflag:s14] =	ssyncadd.s32 $0xFFFF2800  }
0x30a: {  	[hbm4b:s19+s3] =	stream.linear.scatter [tilespmem:s20], [sflag:$0x3], $0xD800, $0x38;
	[tilespmem:$0x1B580] =	vst v63  }
0x30b: {  	_ =	swait.ge [sflag:s15], $0xD800  }
0x30c: {  	[sflag:s15] =	ssyncset.done $0x0  }
0x30d: {  	[sflag:s15] =	ssyncadd.s32 $0xFFFF2800  }
0x30e: {  	v24 =	vld [tilespmem:$0x1B0];
	_ =	sdelay $0x4  }
0x30f: {  	v25 =	vshrl.u32 v24, $0x3  }
0x310: {  	v23 =	vmul.u32 $0x30, v25  }
0x311: {  	v22 =	vand.u32 $0x7, v24  }
0x312: {  	v22 =	vor.u32 v22, v23  }
0x313: {  	v23 =	vperm.xlane v22, v19;
	_ =	sdelay $0x1  }
0x314: {  	v23 =	vadd.s32 v20, v23;
	_ =	sdelay $0x3  }
0x315: {  	v22 =	vperm.xlane v22, v21  }
0x316: {  	[tilespmem:s20], [sflag:$0x1] =	stream.indirect_vreg.gather [hbm4b:s1+s3], $0x80, v23, vm0, $0xb8;
	[tilespmem:$0x1B580] =	vst v63  }
0x317: {  	s6 =	simm.s32 $0xD80;
	v22 =	vadd.s32 v20, v22  }
0x318: {  	[tilespmem:s6], [sflag:$0x1] =	stream.indirect_vreg.gather [hbm4b:s4+s3], $0x80, v23, vm0, $0xb8;
	[tilespmem:$0x1B580] =	vst v63  }
0x319: {  	s6 =	simm.s32 $0x1580  }
0x31a: {  	[tilespmem:s6], [sflag:$0x1] =	stream.indirect_vreg.gather [hbm4b:s5+s3], $0x80, v23, vm0, $0xb8;
	[tilespmem:$0x1B580] =	vst v63  }
0x31b: {  	s21 =	simm.s32 $0x1D80  }
0x31c: {  	[tilespmem:s21], [sflag:$0x1] =	stream.indirect_vreg.gather [hbm4b:s1+s3], $0x80, v22, vm0, $0xb8;
	[tilespmem:$0x1B580] =	vst v63  }
0x31d: {  	s22 =	simm.s32 $0x2580  }
0x31e: {  	[tilespmem:s22], [sflag:$0x1] =	stream.indirect_vreg.gather [hbm4b:s4+s3], $0x80, v22, vm0, $0xb8;
	[tilespmem:$0x1B580] =	vst v63  }
0x31f: {  	s23 =	simm.s32 $0x2D80  }
0x320: {  	[tilespmem:s23], [sflag:$0x1] =	stream.indirect_vreg.gather [hbm4b:s5+s3], $0x80, v22, vm0, $0xb8;
	[tilespmem:$0x1B580] =	vst v63  }
0x321: {  	v22 =	vld [tilespmem:$0x1C0];
	_ =	sdelay $0x4  }
0x322: {  	v26 =	vshrl.u32 v22, $0x3  }
0x323: {  	v23 =	vmul.u32 $0x30, v26  }
0x324: {  	v22 =	vand.u32 $0x7, v22  }
0x325: {  	v22 =	vor.u32 v22, v23  }
0x326: {  	v23 =	vperm.xlane v22, v19;
	_ =	sdelay $0x1  }
0x327: {  	v23 =	vadd.s32 v20, v23;
	_ =	sdelay $0x3  }
0x328: {  	s24 =	simm.s32 $0x3580;
	v22 =	vperm.xlane v22, v21  }
0x329: {  	[tilespmem:s24], [sflag:$0x1] =	stream.indirect_vreg.gather [hbm4b:s1+s3], $0x80, v23, vm0, $0xb8;
	[tilespmem:$0x1B580] =	vst v63  }
0x32a: {  	s25 =	simm.s32 $0x3D80;
	v22 =	vadd.s32 v20, v22  }
0x32b: {  	[tilespmem:s25], [sflag:$0x1] =	stream.indirect_vreg.gather [hbm4b:s4+s3], $0x80, v23, vm0, $0xb8;
	[tilespmem:$0x1B580] =	vst v63  }
0x32c: {  	s26 =	simm.s32 $0x4580  }
0x32d: {  	[tilespmem:s26], [sflag:$0x1] =	stream.indirect_vreg.gather [hbm4b:s5+s3], $0x80, v23, vm0, $0xb8;
	[tilespmem:$0x1B580] =	vst v63  }
0x32e: {  	s28 =	simm.s32 $0x4D80  }
0x32f: {  	[tilespmem:s28], [sflag:$0x1] =	stream.indirect_vreg.gather [hbm4b:s1+s3], $0x80, v22, vm0, $0xb8;
	[tilespmem:$0x1B580] =	vst v63  }
0x330: {  	s29 =	simm.s32 $0x5580  }
0x331: {  	[tilespmem:s29], [sflag:$0x1] =	stream.indirect_vreg.gather [hbm4b:s4+s3], $0x80, v22, vm0, $0xb8;
	[tilespmem:$0x1B580] =	vst v63  }
0x332: {  	s30 =	simm.s32 $0x5D80  }
0x333: {  	[tilespmem:s30], [sflag:$0x1] =	stream.indirect_vreg.gather [hbm4b:s5+s3], $0x80, v22, vm0, $0xb8;
	[tilespmem:$0x1B580] =	vst v63  }
0x334: {  	v22 =	vld [tilespmem:$0x1D0];
	_ =	sdelay $0x4  }
0x335: {  	v24 =	vshrl.u32 v22, $0x3  }
0x336: {  	v23 =	vmul.u32 $0x30, v24  }
0x337: {  	v22 =	vand.u32 $0x7, v22  }
0x338: {  	v22 =	vor.u32 v22, v23  }
0x339: {  	v23 =	vperm.xlane v22, v19;
	_ =	sdelay $0x1  }
0x33a: {  	v23 =	vadd.s32 v20, v23;
	_ =	sdelay $0x3  }
0x33b: {  	s7 =	simm.s32 $0x6580;
	v22 =	vperm.xlane v22, v21  }
0x33c: {  	[tilespmem:s7], [sflag:$0x1] =	stream.indirect_vreg.gather [hbm4b:s1+s3], $0x80, v23, vm0, $0xb8;
	[tilespmem:$0x1B580] =	vst v63  }
0x33d: {  	s8 =	simm.s32 $0x6D80;
	v22 =	vadd.s32 v20, v22  }
0x33e: {  	[tilespmem:s8], [sflag:$0x1] =	stream.indirect_vreg.gather [hbm4b:s4+s3], $0x80, v23, vm0, $0xb8;
	[tilespmem:$0x1B580] =	vst v63  }
0x33f: {  	s9 =	simm.s32 $0x7580  }
0x340: {  	[tilespmem:s9], [sflag:$0x1] =	stream.indirect_vreg.gather [hbm4b:s5+s3], $0x80, v23, vm0, $0xb8;
	[tilespmem:$0x1B580] =	vst v63  }
0x341: {  	s10 =	simm.s32 $0x7D80  }
0x342: {  	[tilespmem:s10], [sflag:$0x1] =	stream.indirect_vreg.gather [hbm4b:s1+s3], $0x80, v22, vm0, $0xb8;
	[tilespmem:$0x1B580] =	vst v63  }
0x343: {  	s11 =	simm.s32 $0x8580  }
0x344: {  	[tilespmem:s11], [sflag:$0x1] =	stream.indirect_vreg.gather [hbm4b:s4+s3], $0x80, v22, vm0, $0xb8;
	[tilespmem:$0x1B580] =	vst v63  }
0x345: {  	s12 =	simm.s32 $0x8D80  }
0x346: {  	[tilespmem:s12], [sflag:$0x1] =	stream.indirect_vreg.gather [hbm4b:s5+s3], $0x80, v22, vm0, $0xb8;
	[tilespmem:$0x1B580] =	vst v63  }
0x347: {  	v22 =	vld [tilespmem:$0x1E0];
	_ =	sdelay $0x4  }
0x348: {  	v25 =	vshrl.u32 v22, $0x3  }
0x349: {  	v23 =	vmul.u32 $0x30, v25  }
0x34a: {  	v22 =	vand.u32 $0x7, v22  }
0x34b: {  	v22 =	vor.u32 v22, v23  }
0x34c: {  	v23 =	vperm.xlane v22, v19;
	_ =	sdelay $0x1  }
0x34d: {  	v23 =	vadd.s32 v20, v23;
	_ =	sdelay $0x3  }
0x34e: {  	s13 =	simm.s32 $0x9580;
	v22 =	vperm.xlane v22, v21  }
0x34f: {  	[tilespmem:s13], [sflag:$0x1] =	stream.indirect_vreg.gather [hbm4b:s1+s3], $0x80, v23, vm0, $0xb8;
	[tilespmem:$0x1B580] =	vst v63  }
0x350: {  	s17 =	simm.s32 $0x9D80;
	v22 =	vadd.s32 v20, v22  }
0x351: {  	[tilespmem:s17], [sflag:$0x1] =	stream.indirect_vreg.gather [hbm4b:s4+s3], $0x80, v23, vm0, $0xb8;
	[tilespmem:$0x1B580] =	vst v63  }
0x352: {  	s18 =	simm.s32 $0xA580  }
0x353: {  	[tilespmem:s18], [sflag:$0x1] =	stream.indirect_vreg.gather [hbm4b:s5+s3], $0x80, v23, vm0, $0xb8;
	[tilespmem:$0x1B580] =	vst v63  }
0x354: {  	s19 =	simm.s32 $0xAD80  }
0x355: {  	[tilespmem:s19], [sflag:$0x1] =	stream.indirect_vreg.gather [hbm4b:s1+s3], $0x80, v22, vm0, $0xb8;
	[tilespmem:$0x1B580] =	vst v63  }
0x356: {  	s20 =	simm.s32 $0xB580  }
0x357: {  	[tilespmem:s20], [sflag:$0x1] =	stream.indirect_vreg.gather [hbm4b:s4+s3], $0x80, v22, vm0, $0xb8;
	[tilespmem:$0x1B580] =	vst v63  }
0x358: {  	s21 =	simm.s32 $0xBD80  }
0x359: {  	[tilespmem:s21], [sflag:$0x1] =	stream.indirect_vreg.gather [hbm4b:s5+s3], $0x80, v22, vm0, $0xb8;
	[tilespmem:$0x1B580] =	vst v63  }
0x35a: {  	v22 =	vld.msk [tilespmem:$0x1F0], $0xff;
	_ =	sdelay $0x4  }
0x35b: {  	v26 =	vshrl.u32 v22, $0x3  }
0x35c: {  	v23 =	vmul.u32 $0x30, v26  }
0x35d: {  	v22 =	vand.u32 $0x7, v22  }
0x35e: {  	v22 =	vor.u32 v22, v23  }
0x35f: {  	v22 =	vperm.xlane v22, v19;
	_ =	sdelay $0x1  }
0x360: {  	v22 =	vadd.s32 v20, v22;
	_ =	sdelay $0x3  }
0x361: {  	s22 =	simm.s32 $0xC580  }
0x362: {  	[tilespmem:s22], [sflag:$0x1] =	stream.indirect_vreg.gather [hbm4b:s1+s3], $0x80, v22, vm0, $0xb8;
	[tilespmem:$0x1B580] =	vst v63  }
0x363: {  	s23 =	simm.s32 $0xCD80  }
0x364: {  	[tilespmem:s23], [sflag:$0x1] =	stream.indirect_vreg.gather [hbm4b:s4+s3], $0x80, v22, vm0, $0xb8;
	[tilespmem:$0x1B580] =	vst v63  }
0x365: {  	s24 =	simm.s32 $0xD580  }
0x366: {  	[tilespmem:s24], [sflag:$0x1] =	stream.indirect_vreg.gather [hbm4b:s5+s3], $0x80, v22, vm0, $0xb8;
	[tilespmem:$0x1B580] =	vst v63  }
0x367: {  	_ =	swait.ge [sflag:s16], $0xD800  }
0x368: {  	[sflag:s16] =	ssyncset.done $0x0  }
0x369: {  	s26 =	simm.s32 $0xDD80;
	s25 =	rddreg [dreg:$0xa];
	[sflag:s16] =	ssyncadd.s32 $0xFFFF2800  }
0x36a: {  	[hbm4b:s25+s3] =	stream.linear.scatter [tilespmem:s26], [sflag:$0x4], $0xD800, $0x38;
	[tilespmem:$0x1B580] =	vst v63  }
0x36b: {  	_ =	swait.ge [sflag:s2], $0xD800  }
0x36c: {  	[sflag:s2] =	ssyncset.done $0x0  }
0x36d: {  	[sflag:s2] =	ssyncadd.s32 $0xFFFF2800  }
0x36e: {  	v24 =	vld [tilespmem:$0x1F8];
	_ =	sdelay $0x4  }
0x36f: {  	v25 =	vshrl.u32 v24, $0x3  }
0x370: {  	v23 =	vmul.u32 $0x30, v25  }
0x371: {  	v22 =	vand.u32 $0x7, v24  }
0x372: {  	v22 =	vor.u32 v22, v23  }
0x373: {  	v23 =	vperm.xlane v22, v19;
	_ =	sdelay $0x1  }
0x374: {  	v23 =	vadd.s32 v20, v23;
	_ =	sdelay $0x3  }
0x375: {  	v22 =	vperm.xlane v22, v21  }
0x376: {  	[tilespmem:s26], [sflag:$0x2] =	stream.indirect_vreg.gather [hbm4b:s1+s3], $0x80, v23, vm0, $0xb8;
	[tilespmem:$0x1B580] =	vst v63  }
0x377: {  	s8 =	simm.s32 $0xE580;
	v22 =	vadd.s32 v20, v22  }
0x378: {  	[tilespmem:s8], [sflag:$0x2] =	stream.indirect_vreg.gather [hbm4b:s4+s3], $0x80, v23, vm0, $0xb8;
	[tilespmem:$0x1B580] =	vst v63  }
0x379: {  	s9 =	simm.s32 $0xED80  }
0x37a: {  	[tilespmem:s9], [sflag:$0x2] =	stream.indirect_vreg.gather [hbm4b:s5+s3], $0x80, v23, vm0, $0xb8;
	[tilespmem:$0x1B580] =	vst v63  }
0x37b: {  	s10 =	simm.s32 $0xF580  }
0x37c: {  	[tilespmem:s10], [sflag:$0x2] =	stream.indirect_vreg.gather [hbm4b:s1+s3], $0x80, v22, vm0, $0xb8;
	[tilespmem:$0x1B580] =	vst v63  }
0x37d: {  	s11 =	simm.s32 $0xFD80  }
0x37e: {  	[tilespmem:s11], [sflag:$0x2] =	stream.indirect_vreg.gather [hbm4b:s4+s3], $0x80, v22, vm0, $0xb8;
	[tilespmem:$0x1B580] =	vst v63  }
0x37f: {  	s31 =	simm.s32 $0x10580  }
0x380: {  	[tilespmem:s31], [sflag:$0x2] =	stream.indirect_vreg.gather [hbm4b:s5+s3], $0x80, v22, vm0, $0xb8;
	[tilespmem:$0x1B580] =	vst v63  }
0x381: {  	v22 =	vld [tilespmem:$0x208];
	_ =	sdelay $0x4  }
0x382: {  	v26 =	vshrl.u32 v22, $0x3  }
0x383: {  	v23 =	vmul.u32 $0x30, v26  }
0x384: {  	v22 =	vand.u32 $0x7, v22  }
0x385: {  	v22 =	vor.u32 v22, v23  }
0x386: {  	v23 =	vperm.xlane v22, v19;
	_ =	sdelay $0x1  }
0x387: {  	v23 =	vadd.s32 v20, v23;
	_ =	sdelay $0x3  }
0x388: {  	s18 =	simm.s32 $0x10D80;
	v22 =	vperm.xlane v22, v21  }
0x389: {  	[tilespmem:s18], [sflag:$0x2] =	stream.indirect_vreg.gather [hbm4b:s1+s3], $0x80, v23, vm0, $0xb8;
	[tilespmem:$0x1B580] =	vst v63  }
0x38a: {  	s12 =	simm.s32 $0x11580;
	v22 =	vadd.s32 v20, v22  }
0x38b: {  	[tilespmem:s12], [sflag:$0x2] =	stream.indirect_vreg.gather [hbm4b:s4+s3], $0x80, v23, vm0, $0xb8;
	[tilespmem:$0x1B580] =	vst v63  }
0x38c: {  	s13 =	simm.s32 $0x11D80  }
0x38d: {  	[tilespmem:s13], [sflag:$0x2] =	stream.indirect_vreg.gather [hbm4b:s5+s3], $0x80, v23, vm0, $0xb8;
	[tilespmem:$0x1B580] =	vst v63  }
0x38e: {  	s19 =	simm.s32 $0x12580  }
0x38f: {  	[tilespmem:s19], [sflag:$0x2] =	stream.indirect_vreg.gather [hbm4b:s1+s3], $0x80, v22, vm0, $0xb8;
	[tilespmem:$0x1B580] =	vst v63  }
0x390: {  	s20 =	simm.s32 $0x12D80  }
0x391: {  	[tilespmem:s20], [sflag:$0x2] =	stream.indirect_vreg.gather [hbm4b:s4+s3], $0x80, v22, vm0, $0xb8;
	[tilespmem:$0x1B580] =	vst v63  }
0x392: {  	s28 =	simm.s32 $0x13580  }
0x393: {  	[tilespmem:s28], [sflag:$0x2] =	stream.indirect_vreg.gather [hbm4b:s5+s3], $0x80, v22, vm0, $0xb8;
	[tilespmem:$0x1B580] =	vst v63  }
0x394: {  	v22 =	vld [tilespmem:$0x218];
	_ =	sdelay $0x4  }
0x395: {  	v24 =	vshrl.u32 v22, $0x3  }
0x396: {  	v23 =	vmul.u32 $0x30, v24  }
0x397: {  	v22 =	vand.u32 $0x7, v22  }
0x398: {  	v22 =	vor.u32 v22, v23  }
0x399: {  	v23 =	vperm.xlane v22, v19;
	_ =	sdelay $0x1  }
0x39a: {  	v23 =	vadd.s32 v20, v23;
	_ =	sdelay $0x3  }
0x39b: {  	s29 =	simm.s32 $0x13D80;
	v22 =	vperm.xlane v22, v21  }
0x39c: {  	[tilespmem:s29], [sflag:$0x2] =	stream.indirect_vreg.gather [hbm4b:s1+s3], $0x80, v23, vm0, $0xb8;
	[tilespmem:$0x1B580] =	vst v63  }
0x39d: {  	s21 =	simm.s32 $0x14580;
	v22 =	vadd.s32 v20, v22  }
0x39e: {  	[tilespmem:s21], [sflag:$0x2] =	stream.indirect_vreg.gather [hbm4b:s4+s3], $0x80, v23, vm0, $0xb8;
	[tilespmem:$0x1B580] =	vst v63  }
0x39f: {  	s22 =	simm.s32 $0x14D80  }
0x3a0: {  	[tilespmem:s22], [sflag:$0x2] =	stream.indirect_vreg.gather [hbm4b:s5+s3], $0x80, v23, vm0, $0xb8;
	[tilespmem:$0x1B580] =	vst v63  }
0x3a1: {  	s23 =	simm.s32 $0x15580  }
0x3a2: {  	[tilespmem:s23], [sflag:$0x2] =	stream.indirect_vreg.gather [hbm4b:s1+s3], $0x80, v22, vm0, $0xb8;
	[tilespmem:$0x1B580] =	vst v63  }
0x3a3: {  	s24 =	simm.s32 $0x15D80  }
0x3a4: {  	[tilespmem:s24], [sflag:$0x2] =	stream.indirect_vreg.gather [hbm4b:s4+s3], $0x80, v22, vm0, $0xb8;
	[tilespmem:$0x1B580] =	vst v63  }
0x3a5: {  	s7 =	simm.s32 $0x16580  }
0x3a6: {  	[tilespmem:s7], [sflag:$0x2] =	stream.indirect_vreg.gather [hbm4b:s5+s3], $0x80, v22, vm0, $0xb8;
	[tilespmem:$0x1B580] =	vst v63  }
0x3a7: {  	v22 =	vld [tilespmem:$0x228];
	_ =	sdelay $0x4  }
0x3a8: {  	v25 =	vshrl.u32 v22, $0x3  }
0x3a9: {  	v23 =	vmul.u32 $0x30, v25  }
0x3aa: {  	v22 =	vand.u32 $0x7, v22  }
0x3ab: {  	v22 =	vor.u32 v22, v23  }
0x3ac: {  	v23 =	vperm.xlane v22, v19;
	_ =	sdelay $0x1  }
0x3ad: {  	v23 =	vadd.s32 v20, v23;
	_ =	sdelay $0x3  }
0x3ae: {  	s30 =	simm.s32 $0x16D80;
	v22 =	vperm.xlane v22, v21  }
0x3af: {  	[tilespmem:s30], [sflag:$0x2] =	stream.indirect_vreg.gather [hbm4b:s1+s3], $0x80, v23, vm0, $0xb8;
	[tilespmem:$0x1B580] =	vst v63  }
0x3b0: {  	s25 =	simm.s32 $0x17580;
	v22 =	vadd.s32 v20, v22  }
0x3b1: {  	[tilespmem:s25], [sflag:$0x2] =	stream.indirect_vreg.gather [hbm4b:s4+s3], $0x80, v23, vm0, $0xb8;
	[tilespmem:$0x1B580] =	vst v63  }
0x3b2: {  	s26 =	simm.s32 $0x17D80  }
0x3b3: {  	[tilespmem:s26], [sflag:$0x2] =	stream.indirect_vreg.gather [hbm4b:s5+s3], $0x80, v23, vm0, $0xb8;
	[tilespmem:$0x1B580] =	vst v63  }
0x3b4: {  	s28 =	simm.s32 $0x18580  }
0x3b5: {  	[tilespmem:s28], [sflag:$0x2] =	stream.indirect_vreg.gather [hbm4b:s1+s3], $0x80, v22, vm0, $0xb8;
	[tilespmem:$0x1B580] =	vst v63  }
0x3b6: {  	s29 =	simm.s32 $0x18D80  }
0x3b7: {  	[tilespmem:s29], [sflag:$0x2] =	stream.indirect_vreg.gather [hbm4b:s4+s3], $0x80, v22, vm0, $0xb8;
	[tilespmem:$0x1B580] =	vst v63  }
0x3b8: {  	s31 =	simm.s32 $0x19580  }
0x3b9: {  	[tilespmem:s31], [sflag:$0x2] =	stream.indirect_vreg.gather [hbm4b:s5+s3], $0x80, v22, vm0, $0xb8;
	[tilespmem:$0x1B580] =	vst v63  }
0x3ba: {  	v22 =	vld.msk [tilespmem:$0x238], $0xff;
	_ =	sdelay $0x4  }
0x3bb: {  	v26 =	vshrl.u32 v22, $0x3  }
0x3bc: {  	v23 =	vmul.u32 $0x30, v26  }
0x3bd: {  	v22 =	vand.u32 $0x7, v22  }
0x3be: {  	v22 =	vor.u32 v22, v23  }
0x3bf: {  	v22 =	vperm.xlane v22, v19;
	_ =	sdelay $0x1  }
0x3c0: {  	v22 =	vadd.s32 v20, v22;
	_ =	sdelay $0x3  }
0x3c1: {  	s30 =	simm.s32 $0x19D80  }
0x3c2: {  	[tilespmem:s30], [sflag:$0x2] =	stream.indirect_vreg.gather [hbm4b:s1+s3], $0x80, v22, vm0, $0xb8;
	[tilespmem:$0x1B580] =	vst v63  }
0x3c3: {  	s31 =	simm.s32 $0x1A580  }
0x3c4: {  	[tilespmem:s31], [sflag:$0x2] =	stream.indirect_vreg.gather [hbm4b:s4+s3], $0x80, v22, vm0, $0xb8;
	[tilespmem:$0x1B580] =	vst v63  }
0x3c5: {  	s17 =	simm.s32 $0x1AD80  }
0x3c6: {  	[tilespmem:s17], [sflag:$0x2] =	stream.indirect_vreg.gather [hbm4b:s5+s3], $0x80, v22, vm0, $0xb8;
	[tilespmem:$0x1B580] =	vst v63  }
0x3c7: {  	_ =	swait.ge [sflag:s14], $0xD800  }
0x3c8: {  	[sflag:s14] =	ssyncset.done $0x0  }
0x3c9: {  	s0 =	simm.s32 $0x580;
	s17 =	rddreg [dreg:$0xb];
	[sflag:s14] =	ssyncadd.s32 $0xFFFF2800  }
0x3ca: {  	[hbm4b:s17+s3] =	stream.linear.scatter [tilespmem:s0], [sflag:$0x3], $0xD800, $0x38;
	[tilespmem:$0x1B580] =	vst v63  }
0x3cb: {  	_ =	swait.ge [sflag:s15], $0xD800  }
0x3cc: {  	[sflag:s15] =	ssyncset.done $0x0  }
0x3cd: {  	[sflag:s15] =	ssyncadd.s32 $0xFFFF2800  }
0x3ce: {  	v24 =	vld [tilespmem:$0x240];
	_ =	sdelay $0x4  }
0x3cf: {  	v25 =	vshrl.u32 v24, $0x3  }
0x3d0: {  	v23 =	vmul.u32 $0x30, v25  }
0x3d1: {  	v22 =	vand.u32 $0x7, v24  }
0x3d2: {  	v22 =	vor.u32 v22, v23  }
0x3d3: {  	v23 =	vperm.xlane v22, v19;
	_ =	sdelay $0x1  }
0x3d4: {  	v23 =	vadd.s32 v20, v23;
	_ =	sdelay $0x3  }
0x3d5: {  	v22 =	vperm.xlane v22, v21  }
0x3d6: {  	[tilespmem:s0], [sflag:$0x1] =	stream.indirect_vreg.gather [hbm4b:s1+s3], $0x80, v23, vm0, $0xb8;
	[tilespmem:$0x1B580] =	vst v63  }
0x3d7: {  	s17 =	simm.s32 $0xD80;
	v22 =	vadd.s32 v20, v22  }
0x3d8: {  	[tilespmem:s17], [sflag:$0x1] =	stream.indirect_vreg.gather [hbm4b:s4+s3], $0x80, v23, vm0, $0xb8;
	[tilespmem:$0x1B580] =	vst v63  }
0x3d9: {  	_ = 	snop  }
0x3da: {  	[tilespmem:s6], [sflag:$0x1] =	stream.indirect_vreg.gather [hbm4b:s5+s3], $0x80, v23, vm0, $0xb8;
	[tilespmem:$0x1B580] =	vst v63  }
0x3db: {  	s6 =	simm.s32 $0x1D80  }
0x3dc: {  	[tilespmem:s6], [sflag:$0x1] =	stream.indirect_vreg.gather [hbm4b:s1+s3], $0x80, v22, vm0, $0xb8;
	[tilespmem:$0x1B580] =	vst v63  }
0x3dd: {  	s17 =	simm.s32 $0x2580  }
0x3de: {  	[tilespmem:s17], [sflag:$0x1] =	stream.indirect_vreg.gather [hbm4b:s4+s3], $0x80, v22, vm0, $0xb8;
	[tilespmem:$0x1B580] =	vst v63  }
0x3df: {  	s6 =	simm.s32 $0x2D80  }
0x3e0: {  	[tilespmem:s6], [sflag:$0x1] =	stream.indirect_vreg.gather [hbm4b:s5+s3], $0x80, v22, vm0, $0xb8;
	[tilespmem:$0x1B580] =	vst v63  }
0x3e1: {  	v22 =	vld [tilespmem:$0x250];
	_ =	sdelay $0x4  }
0x3e2: {  	v26 =	vshrl.u32 v22, $0x3  }
0x3e3: {  	v23 =	vmul.u32 $0x30, v26  }
0x3e4: {  	v22 =	vand.u32 $0x7, v22  }
0x3e5: {  	v22 =	vor.u32 v22, v23  }
0x3e6: {  	v23 =	vperm.xlane v22, v19;
	_ =	sdelay $0x1  }
0x3e7: {  	v23 =	vadd.s32 v20, v23;
	_ =	sdelay $0x3  }
0x3e8: {  	s17 =	simm.s32 $0x3580;
	v22 =	vperm.xlane v22, v21  }
0x3e9: {  	[tilespmem:s17], [sflag:$0x1] =	stream.indirect_vreg.gather [hbm4b:s1+s3], $0x80, v23, vm0, $0xb8;
	[tilespmem:$0x1B580] =	vst v63  }
0x3ea: {  	s6 =	simm.s32 $0x3D80;
	v22 =	vadd.s32 v20, v22  }
0x3eb: {  	[tilespmem:s6], [sflag:$0x1] =	stream.indirect_vreg.gather [hbm4b:s4+s3], $0x80, v23, vm0, $0xb8;
	[tilespmem:$0x1B580] =	vst v63  }
0x3ec: {  	s17 =	simm.s32 $0x4580  }
0x3ed: {  	[tilespmem:s17], [sflag:$0x1] =	stream.indirect_vreg.gather [hbm4b:s5+s3], $0x80, v23, vm0, $0xb8;
	[tilespmem:$0x1B580] =	vst v63  }
0x3ee: {  	s6 =	simm.s32 $0x4D80  }
0x3ef: {  	[tilespmem:s6], [sflag:$0x1] =	stream.indirect_vreg.gather [hbm4b:s1+s3], $0x80, v22, vm0, $0xb8;
	[tilespmem:$0x1B580] =	vst v63  }
0x3f0: {  	s17 =	simm.s32 $0x5580  }
0x3f1: {  	[tilespmem:s17], [sflag:$0x1] =	stream.indirect_vreg.gather [hbm4b:s4+s3], $0x80, v22, vm0, $0xb8;
	[tilespmem:$0x1B580] =	vst v63  }
0x3f2: {  	s6 =	simm.s32 $0x5D80  }
0x3f3: {  	[tilespmem:s6], [sflag:$0x1] =	stream.indirect_vreg.gather [hbm4b:s5+s3], $0x80, v22, vm0, $0xb8;
	[tilespmem:$0x1B580] =	vst v63  }
0x3f4: {  	v22 =	vld [tilespmem:$0x260];
	_ =	sdelay $0x4  }
0x3f5: {  	v24 =	vshrl.u32 v22, $0x3  }
0x3f6: {  	v23 =	vmul.u32 $0x30, v24  }
0x3f7: {  	v22 =	vand.u32 $0x7, v22  }
0x3f8: {  	v22 =	vor.u32 v22, v23  }
0x3f9: {  	v23 =	vperm.xlane v22, v19;
	_ =	sdelay $0x1  }
0x3fa: {  	v23 =	vadd.s32 v20, v23;
	_ =	sdelay $0x3  }
0x3fb: {  	s17 =	simm.s32 $0x6580;
	v22 =	vperm.xlane v22, v21  }
0x3fc: {  	[tilespmem:s17], [sflag:$0x1] =	stream.indirect_vreg.gather [hbm4b:s1+s3], $0x80, v23, vm0, $0xb8;
	[tilespmem:$0x1B580] =	vst v63  }
0x3fd: {  	s6 =	simm.s32 $0x6D80;
	v22 =	vadd.s32 v20, v22  }
0x3fe: {  	[tilespmem:s6], [sflag:$0x1] =	stream.indirect_vreg.gather [hbm4b:s4+s3], $0x80, v23, vm0, $0xb8;
	[tilespmem:$0x1B580] =	vst v63  }
0x3ff: {  	s17 =	simm.s32 $0x7580  }
0x400: {  	[tilespmem:s17], [sflag:$0x1] =	stream.indirect_vreg.gather [hbm4b:s5+s3], $0x80, v23, vm0, $0xb8;
	[tilespmem:$0x1B580] =	vst v63  }
0x401: {  	s6 =	simm.s32 $0x7D80  }
0x402: {  	[tilespmem:s6], [sflag:$0x1] =	stream.indirect_vreg.gather [hbm4b:s1+s3], $0x80, v22, vm0, $0xb8;
	[tilespmem:$0x1B580] =	vst v63  }
0x403: {  	s17 =	simm.s32 $0x8580  }
0x404: {  	[tilespmem:s17], [sflag:$0x1] =	stream.indirect_vreg.gather [hbm4b:s4+s3], $0x80, v22, vm0, $0xb8;
	[tilespmem:$0x1B580] =	vst v63  }
0x405: {  	s6 =	simm.s32 $0x8D80  }
0x406: {  	[tilespmem:s6], [sflag:$0x1] =	stream.indirect_vreg.gather [hbm4b:s5+s3], $0x80, v22, vm0, $0xb8;
	[tilespmem:$0x1B580] =	vst v63  }
0x407: {  	v22 =	vld [tilespmem:$0x270];
	_ =	sdelay $0x4  }
0x408: {  	v25 =	vshrl.u32 v22, $0x3  }
0x409: {  	v23 =	vmul.u32 $0x30, v25  }
0x40a: {  	v22 =	vand.u32 $0x7, v22  }
0x40b: {  	v22 =	vor.u32 v22, v23  }
0x40c: {  	v23 =	vperm.xlane v22, v19;
	_ =	sdelay $0x1  }
0x40d: {  	v23 =	vadd.s32 v20, v23;
	_ =	sdelay $0x3  }
0x40e: {  	s17 =	simm.s32 $0x9580;
	v22 =	vperm.xlane v22, v21  }
0x40f: {  	[tilespmem:s17], [sflag:$0x1] =	stream.indirect_vreg.gather [hbm4b:s1+s3], $0x80, v23, vm0, $0xb8;
	[tilespmem:$0x1B580] =	vst v63  }
0x410: {  	s6 =	simm.s32 $0x9D80;
	v22 =	vadd.s32 v20, v22  }
0x411: {  	[tilespmem:s6], [sflag:$0x1] =	stream.indirect_vreg.gather [hbm4b:s4+s3], $0x80, v23, vm0, $0xb8;
	[tilespmem:$0x1B580] =	vst v63  }
0x412: {  	s17 =	simm.s32 $0xA580  }
0x413: {  	[tilespmem:s17], [sflag:$0x1] =	stream.indirect_vreg.gather [hbm4b:s5+s3], $0x80, v23, vm0, $0xb8;
	[tilespmem:$0x1B580] =	vst v63  }
0x414: {  	s6 =	simm.s32 $0xAD80  }
0x415: {  	[tilespmem:s6], [sflag:$0x1] =	stream.indirect_vreg.gather [hbm4b:s1+s3], $0x80, v22, vm0, $0xb8;
	[tilespmem:$0x1B580] =	vst v63  }
0x416: {  	s17 =	simm.s32 $0xB580  }
0x417: {  	[tilespmem:s17], [sflag:$0x1] =	stream.indirect_vreg.gather [hbm4b:s4+s3], $0x80, v22, vm0, $0xb8;
	[tilespmem:$0x1B580] =	vst v63  }
0x418: {  	s6 =	simm.s32 $0xBD80  }
0x419: {  	[tilespmem:s6], [sflag:$0x1] =	stream.indirect_vreg.gather [hbm4b:s5+s3], $0x80, v22, vm0, $0xb8;
	[tilespmem:$0x1B580] =	vst v63  }
0x41a: {  	v22 =	vld.msk [tilespmem:$0x280], $0xff;
	_ =	sdelay $0x4  }
0x41b: {  	v26 =	vshrl.u32 v22, $0x3  }
0x41c: {  	v23 =	vmul.u32 $0x30, v26  }
0x41d: {  	v22 =	vand.u32 $0x7, v22  }
0x41e: {  	v22 =	vor.u32 v22, v23  }
0x41f: {  	v22 =	vperm.xlane v22, v19;
	_ =	sdelay $0x1  }
0x420: {  	v22 =	vadd.s32 v20, v22;
	_ =	sdelay $0x3  }
0x421: {  	s17 =	simm.s32 $0xC580  }
0x422: {  	[tilespmem:s17], [sflag:$0x1] =	stream.indirect_vreg.gather [hbm4b:s1+s3], $0x80, v22, vm0, $0xb8;
	[tilespmem:$0x1B580] =	vst v63  }
0x423: {  	s6 =	simm.s32 $0xCD80  }
0x424: {  	[tilespmem:s6], [sflag:$0x1] =	stream.indirect_vreg.gather [hbm4b:s4+s3], $0x80, v22, vm0, $0xb8;
	[tilespmem:$0x1B580] =	vst v63  }
0x425: {  	s17 =	simm.s32 $0xD580  }
0x426: {  	[tilespmem:s17], [sflag:$0x1] =	stream.indirect_vreg.gather [hbm4b:s5+s3], $0x80, v22, vm0, $0xb8;
	[tilespmem:$0x1B580] =	vst v63  }
0x427: {  	_ =	swait.ge [sflag:s16], $0xD800  }
0x428: {  	[sflag:s16] =	ssyncset.done $0x0  }
0x429: {  	s6 =	simm.s32 $0xDD80;
	s0 =	rddreg [dreg:$0xc];
	[sflag:s16] =	ssyncadd.s32 $0xFFFF2800  }
0x42a: {  	[hbm4b:s0+s3] =	stream.linear.scatter [tilespmem:s6], [sflag:$0x4], $0xD800, $0x38;
	[tilespmem:$0x1B580] =	vst v63  }
0x42b: {  	_ =	swait.ge [sflag:s2], $0xD800  }
0x42c: {  	[sflag:s2] =	ssyncset.done $0x0  }
0x42d: {  	[sflag:s2] =	ssyncadd.s32 $0xFFFF2800  }
0x42e: {  	v24 =	vld [tilespmem:$0x288];
	_ =	sdelay $0x4  }
0x42f: {  	v25 =	vshrl.u32 v24, $0x3  }
0x430: {  	v23 =	vmul.u32 $0x30, v25  }
0x431: {  	v22 =	vand.u32 $0x7, v24  }
0x432: {  	v22 =	vor.u32 v22, v23  }
0x433: {  	v23 =	vperm.xlane v22, v19;
	_ =	sdelay $0x1  }
0x434: {  	v23 =	vadd.s32 v20, v23;
	_ =	sdelay $0x3  }
0x435: {  	v22 =	vperm.xlane v22, v21  }
0x436: {  	[tilespmem:s6], [sflag:$0x2] =	stream.indirect_vreg.gather [hbm4b:s1+s3], $0x80, v23, vm0, $0xb8;
	[tilespmem:$0x1B580] =	vst v63  }
0x437: {  	v22 =	vadd.s32 v20, v22  }
0x438: {  	[tilespmem:s8], [sflag:$0x2] =	stream.indirect_vreg.gather [hbm4b:s4+s3], $0x80, v23, vm0, $0xb8;
	[tilespmem:$0x1B580] =	vst v63  }
0x439: {  	_ = 	snop  }
0x43a: {  	[tilespmem:s9], [sflag:$0x2] =	stream.indirect_vreg.gather [hbm4b:s5+s3], $0x80, v23, vm0, $0xb8;
	[tilespmem:$0x1B580] =	vst v63  }
0x43b: {  	_ = 	snop  }
0x43c: {  	[tilespmem:s10], [sflag:$0x2] =	stream.indirect_vreg.gather [hbm4b:s1+s3], $0x80, v22, vm0, $0xb8;
	[tilespmem:$0x1B580] =	vst v63  }
0x43d: {  	_ = 	snop  }
0x43e: {  	[tilespmem:s11], [sflag:$0x2] =	stream.indirect_vreg.gather [hbm4b:s4+s3], $0x80, v22, vm0, $0xb8;
	[tilespmem:$0x1B580] =	vst v63  }
0x43f: {  	s6 =	simm.s32 $0x10580  }
0x440: {  	[tilespmem:s6], [sflag:$0x2] =	stream.indirect_vreg.gather [hbm4b:s5+s3], $0x80, v22, vm0, $0xb8;
	[tilespmem:$0x1B580] =	vst v63  }
0x441: {  	v22 =	vld [tilespmem:$0x298];
	_ =	sdelay $0x4  }
0x442: {  	v26 =	vshrl.u32 v22, $0x3  }
0x443: {  	v23 =	vmul.u32 $0x30, v26  }
0x444: {  	v22 =	vand.u32 $0x7, v22  }
0x445: {  	v22 =	vor.u32 v22, v23  }
0x446: {  	v23 =	vperm.xlane v22, v19;
	_ =	sdelay $0x1  }
0x447: {  	v23 =	vadd.s32 v20, v23;
	_ =	sdelay $0x3  }
0x448: {  	v22 =	vperm.xlane v22, v21  }
0x449: {  	[tilespmem:s18], [sflag:$0x2] =	stream.indirect_vreg.gather [hbm4b:s1+s3], $0x80, v23, vm0, $0xb8;
	[tilespmem:$0x1B580] =	vst v63  }
0x44a: {  	v22 =	vadd.s32 v20, v22  }
0x44b: {  	[tilespmem:s12], [sflag:$0x2] =	stream.indirect_vreg.gather [hbm4b:s4+s3], $0x80, v23, vm0, $0xb8;
	[tilespmem:$0x1B580] =	vst v63  }
0x44c: {  	_ = 	snop  }
0x44d: {  	[tilespmem:s13], [sflag:$0x2] =	stream.indirect_vreg.gather [hbm4b:s5+s3], $0x80, v23, vm0, $0xb8;
	[tilespmem:$0x1B580] =	vst v63  }
0x44e: {  	_ = 	snop  }
0x44f: {  	[tilespmem:s19], [sflag:$0x2] =	stream.indirect_vreg.gather [hbm4b:s1+s3], $0x80, v22, vm0, $0xb8;
	[tilespmem:$0x1B580] =	vst v63  }
0x450: {  	_ = 	snop  }
0x451: {  	[tilespmem:s20], [sflag:$0x2] =	stream.indirect_vreg.gather [hbm4b:s4+s3], $0x80, v22, vm0, $0xb8;
	[tilespmem:$0x1B580] =	vst v63  }
0x452: {  	s19 =	simm.s32 $0x13580  }
0x453: {  	[tilespmem:s19], [sflag:$0x2] =	stream.indirect_vreg.gather [hbm4b:s5+s3], $0x80, v22, vm0, $0xb8;
	[tilespmem:$0x1B580] =	vst v63  }
0x454: {  	v22 =	vld [tilespmem:$0x2A8];
	_ =	sdelay $0x4  }
0x455: {  	v24 =	vshrl.u32 v22, $0x3  }
0x456: {  	v23 =	vmul.u32 $0x30, v24  }
0x457: {  	v22 =	vand.u32 $0x7, v22  }
0x458: {  	v22 =	vor.u32 v22, v23  }
0x459: {  	v23 =	vperm.xlane v22, v19;
	_ =	sdelay $0x1  }
0x45a: {  	v23 =	vadd.s32 v20, v23;
	_ =	sdelay $0x3  }
0x45b: {  	s20 =	simm.s32 $0x13D80;
	v22 =	vperm.xlane v22, v21  }
0x45c: {  	[tilespmem:s20], [sflag:$0x2] =	stream.indirect_vreg.gather [hbm4b:s1+s3], $0x80, v23, vm0, $0xb8;
	[tilespmem:$0x1B580] =	vst v63  }
0x45d: {  	v22 =	vadd.s32 v20, v22  }
0x45e: {  	[tilespmem:s21], [sflag:$0x2] =	stream.indirect_vreg.gather [hbm4b:s4+s3], $0x80, v23, vm0, $0xb8;
	[tilespmem:$0x1B580] =	vst v63  }
0x45f: {  	_ = 	snop  }
0x460: {  	[tilespmem:s22], [sflag:$0x2] =	stream.indirect_vreg.gather [hbm4b:s5+s3], $0x80, v23, vm0, $0xb8;
	[tilespmem:$0x1B580] =	vst v63  }
0x461: {  	_ = 	snop  }
0x462: {  	[tilespmem:s23], [sflag:$0x2] =	stream.indirect_vreg.gather [hbm4b:s1+s3], $0x80, v22, vm0, $0xb8;
	[tilespmem:$0x1B580] =	vst v63  }
0x463: {  	_ = 	snop  }
0x464: {  	[tilespmem:s24], [sflag:$0x2] =	stream.indirect_vreg.gather [hbm4b:s4+s3], $0x80, v22, vm0, $0xb8;
	[tilespmem:$0x1B580] =	vst v63  }
0x465: {  	_ = 	snop  }
0x466: {  	[tilespmem:s7], [sflag:$0x2] =	stream.indirect_vreg.gather [hbm4b:s5+s3], $0x80, v22, vm0, $0xb8;
	[tilespmem:$0x1B580] =	vst v63  }
0x467: {  	v22 =	vld [tilespmem:$0x2B8];
	_ =	sdelay $0x4  }
0x468: {  	v25 =	vshrl.u32 v22, $0x3  }
0x469: {  	v23 =	vmul.u32 $0x30, v25  }
0x46a: {  	v22 =	vand.u32 $0x7, v22  }
0x46b: {  	v22 =	vor.u32 v22, v23  }
0x46c: {  	v23 =	vperm.xlane v22, v19;
	_ =	sdelay $0x1  }
0x46d: {  	v23 =	vadd.s32 v20, v23;
	_ =	sdelay $0x3  }
0x46e: {  	s24 =	simm.s32 $0x16D80;
	v22 =	vperm.xlane v22, v21  }
0x46f: {  	[tilespmem:s24], [sflag:$0x2] =	stream.indirect_vreg.gather [hbm4b:s1+s3], $0x80, v23, vm0, $0xb8;
	[tilespmem:$0x1B580] =	vst v63  }
0x470: {  	v22 =	vadd.s32 v20, v22  }
0x471: {  	[tilespmem:s25], [sflag:$0x2] =	stream.indirect_vreg.gather [hbm4b:s4+s3], $0x80, v23, vm0, $0xb8;
	[tilespmem:$0x1B580] =	vst v63  }
0x472: {  	_ = 	snop  }
0x473: {  	[tilespmem:s26], [sflag:$0x2] =	stream.indirect_vreg.gather [hbm4b:s5+s3], $0x80, v23, vm0, $0xb8;
	[tilespmem:$0x1B580] =	vst v63  }
0x474: {  	_ = 	snop  }
0x475: {  	[tilespmem:s28], [sflag:$0x2] =	stream.indirect_vreg.gather [hbm4b:s1+s3], $0x80, v22, vm0, $0xb8;
	[tilespmem:$0x1B580] =	vst v63  }
0x476: {  	_ = 	snop  }
0x477: {  	[tilespmem:s29], [sflag:$0x2] =	stream.indirect_vreg.gather [hbm4b:s4+s3], $0x80, v22, vm0, $0xb8;
	[tilespmem:$0x1B580] =	vst v63  }
0x478: {  	s28 =	simm.s32 $0x19580  }
0x479: {  	[tilespmem:s28], [sflag:$0x2] =	stream.indirect_vreg.gather [hbm4b:s5+s3], $0x80, v22, vm0, $0xb8;
	[tilespmem:$0x1B580] =	vst v63  }
0x47a: {  	v22 =	vld.msk [tilespmem:$0x2C8], $0xff;
	_ =	sdelay $0x4  }
0x47b: {  	v26 =	vshrl.u32 v22, $0x3  }
0x47c: {  	v23 =	vmul.u32 $0x30, v26  }
0x47d: {  	v22 =	vand.u32 $0x7, v22  }
0x47e: {  	v22 =	vor.u32 v22, v23  }
0x47f: {  	v22 =	vperm.xlane v22, v19;
	_ =	sdelay $0x1  }
0x480: {  	v22 =	vadd.s32 v20, v22;
	_ =	sdelay $0x4  }
0x481: {  	[tilespmem:s30], [sflag:$0x2] =	stream.indirect_vreg.gather [hbm4b:s1+s3], $0x80, v22, vm0, $0xb8;
	[tilespmem:$0x1B580] =	vst v63  }
0x482: {  	_ = 	snop  }
0x483: {  	[tilespmem:s31], [sflag:$0x2] =	stream.indirect_vreg.gather [hbm4b:s4+s3], $0x80, v22, vm0, $0xb8;
	[tilespmem:$0x1B580] =	vst v63  }
0x484: {  	s29 =	simm.s32 $0x1AD80  }
0x485: {  	[tilespmem:s29], [sflag:$0x2] =	stream.indirect_vreg.gather [hbm4b:s5+s3], $0x80, v22, vm0, $0xb8;
	[tilespmem:$0x1B580] =	vst v63  }
0x486: {  	_ =	swait.ge [sflag:s14], $0xD800  }
0x487: {  	[sflag:s14] =	ssyncset.done $0x0  }
0x488: {  	s31 =	simm.s32 $0x580;
	s30 =	rddreg [dreg:$0xd];
	[sflag:s14] =	ssyncadd.s32 $0xFFFF2800  }
0x489: {  	[hbm4b:s30+s3] =	stream.linear.scatter [tilespmem:s31], [sflag:$0x3], $0xD800, $0x38;
	[tilespmem:$0x1B580] =	vst v63  }
0x48a: {  	_ =	swait.ge [sflag:s15], $0xD800  }
0x48b: {  	[sflag:s15] =	ssyncset.done $0x0  }
0x48c: {  	[sflag:s15] =	ssyncadd.s32 $0xFFFF2800  }
0x48d: {  	v24 =	vld [tilespmem:$0x2D0];
	_ =	sdelay $0x4  }
0x48e: {  	v25 =	vshrl.u32 v24, $0x3  }
0x48f: {  	v23 =	vmul.u32 $0x30, v25  }
0x490: {  	v22 =	vand.u32 $0x7, v24  }
0x491: {  	v22 =	vor.u32 v22, v23  }
0x492: {  	v23 =	vperm.xlane v22, v19;
	_ =	sdelay $0x1  }
0x493: {  	v23 =	vadd.s32 v20, v23;
	_ =	sdelay $0x3  }
0x494: {  	v22 =	vperm.xlane v22, v21  }
0x495: {  	[tilespmem:s31], [sflag:$0x1] =	stream.indirect_vreg.gather [hbm4b:s1+s3], $0x80, v23, vm0, $0xb8;
	[tilespmem:$0x1B580] =	vst v63  }
0x496: {  	s19 =	simm.s32 $0xD80;
	v22 =	vadd.s32 v20, v22  }
0x497: {  	[tilespmem:s19], [sflag:$0x1] =	stream.indirect_vreg.gather [hbm4b:s4+s3], $0x80, v23, vm0, $0xb8;
	[tilespmem:$0x1B580] =	vst v63  }
0x498: {  	s7 =	simm.s32 $0x1580  }
0x499: {  	[tilespmem:s7], [sflag:$0x1] =	stream.indirect_vreg.gather [hbm4b:s5+s3], $0x80, v23, vm0, $0xb8;
	[tilespmem:$0x1B580] =	vst v63  }
0x49a: {  	s9 =	simm.s32 $0x1D80  }
0x49b: {  	[tilespmem:s9], [sflag:$0x1] =	stream.indirect_vreg.gather [hbm4b:s1+s3], $0x80, v22, vm0, $0xb8;
	[tilespmem:$0x1B580] =	vst v63  }
0x49c: {  	s10 =	simm.s32 $0x2580  }
0x49d: {  	[tilespmem:s10], [sflag:$0x1] =	stream.indirect_vreg.gather [hbm4b:s4+s3], $0x80, v22, vm0, $0xb8;
	[tilespmem:$0x1B580] =	vst v63  }
0x49e: {  	s17 =	simm.s32 $0x2D80  }
0x49f: {  	[tilespmem:s17], [sflag:$0x1] =	stream.indirect_vreg.gather [hbm4b:s5+s3], $0x80, v22, vm0, $0xb8;
	[tilespmem:$0x1B580] =	vst v63  }
0x4a0: {  	v22 =	vld [tilespmem:$0x2E0];
	_ =	sdelay $0x4  }
0x4a1: {  	v26 =	vshrl.u32 v22, $0x3  }
0x4a2: {  	v23 =	vmul.u32 $0x30, v26  }
0x4a3: {  	v22 =	vand.u32 $0x7, v22  }
0x4a4: {  	v22 =	vor.u32 v22, v23  }
0x4a5: {  	v23 =	vperm.xlane v22, v19;
	_ =	sdelay $0x1  }
0x4a6: {  	v23 =	vadd.s32 v20, v23;
	_ =	sdelay $0x3  }
0x4a7: {  	s18 =	simm.s32 $0x3580;
	v22 =	vperm.xlane v22, v21  }
0x4a8: {  	[tilespmem:s18], [sflag:$0x1] =	stream.indirect_vreg.gather [hbm4b:s1+s3], $0x80, v23, vm0, $0xb8;
	[tilespmem:$0x1B580] =	vst v63  }
0x4a9: {  	s21 =	simm.s32 $0x3D80;
	v22 =	vadd.s32 v20, v22  }
0x4aa: {  	[tilespmem:s21], [sflag:$0x1] =	stream.indirect_vreg.gather [hbm4b:s4+s3], $0x80, v23, vm0, $0xb8;
	[tilespmem:$0x1B580] =	vst v63  }
0x4ab: {  	s23 =	simm.s32 $0x4580  }
0x4ac: {  	[tilespmem:s23], [sflag:$0x1] =	stream.indirect_vreg.gather [hbm4b:s5+s3], $0x80, v23, vm0, $0xb8;
	[tilespmem:$0x1B580] =	vst v63  }
0x4ad: {  	s24 =	simm.s32 $0x4D80  }
0x4ae: {  	[tilespmem:s24], [sflag:$0x1] =	stream.indirect_vreg.gather [hbm4b:s1+s3], $0x80, v22, vm0, $0xb8;
	[tilespmem:$0x1B580] =	vst v63  }
0x4af: {  	s25 =	simm.s32 $0x5580  }
0x4b0: {  	[tilespmem:s25], [sflag:$0x1] =	stream.indirect_vreg.gather [hbm4b:s4+s3], $0x80, v22, vm0, $0xb8;
	[tilespmem:$0x1B580] =	vst v63  }
0x4b1: {  	s26 =	simm.s32 $0x5D80  }
0x4b2: {  	[tilespmem:s26], [sflag:$0x1] =	stream.indirect_vreg.gather [hbm4b:s5+s3], $0x80, v22, vm0, $0xb8;
	[tilespmem:$0x1B580] =	vst v63  }
0x4b3: {  	v22 =	vld [tilespmem:$0x2F0];
	_ =	sdelay $0x4  }
0x4b4: {  	v24 =	vshrl.u32 v22, $0x3  }
0x4b5: {  	v23 =	vmul.u32 $0x30, v24  }
0x4b6: {  	v22 =	vand.u32 $0x7, v22  }
0x4b7: {  	v22 =	vor.u32 v22, v23  }
0x4b8: {  	v23 =	vperm.xlane v22, v19;
	_ =	sdelay $0x1  }
0x4b9: {  	v23 =	vadd.s32 v20, v23;
	_ =	sdelay $0x3  }
0x4ba: {  	s28 =	simm.s32 $0x6580;
	v22 =	vperm.xlane v22, v21  }
0x4bb: {  	[tilespmem:s28], [sflag:$0x1] =	stream.indirect_vreg.gather [hbm4b:s1+s3], $0x80, v23, vm0, $0xb8;
	[tilespmem:$0x1B580] =	vst v63  }
0x4bc: {  	s29 =	simm.s32 $0x6D80;
	v22 =	vadd.s32 v20, v22  }
0x4bd: {  	[tilespmem:s29], [sflag:$0x1] =	stream.indirect_vreg.gather [hbm4b:s4+s3], $0x80, v23, vm0, $0xb8;
	[tilespmem:$0x1B580] =	vst v63  }
0x4be: {  	s30 =	simm.s32 $0x7580  }
0x4bf: {  	[tilespmem:s30], [sflag:$0x1] =	stream.indirect_vreg.gather [hbm4b:s5+s3], $0x80, v23, vm0, $0xb8;
	[tilespmem:$0x1B580] =	vst v63  }
0x4c0: {  	s31 =	simm.s32 $0x7D80  }
0x4c1: {  	[tilespmem:s31], [sflag:$0x1] =	stream.indirect_vreg.gather [hbm4b:s1+s3], $0x80, v22, vm0, $0xb8;
	[tilespmem:$0x1B580] =	vst v63  }
0x4c2: {  	s7 =	simm.s32 $0x8580  }
0x4c3: {  	[tilespmem:s7], [sflag:$0x1] =	stream.indirect_vreg.gather [hbm4b:s4+s3], $0x80, v22, vm0, $0xb8;
	[tilespmem:$0x1B580] =	vst v63  }
0x4c4: {  	s9 =	simm.s32 $0x8D80  }
0x4c5: {  	[tilespmem:s9], [sflag:$0x1] =	stream.indirect_vreg.gather [hbm4b:s5+s3], $0x80, v22, vm0, $0xb8;
	[tilespmem:$0x1B580] =	vst v63  }
0x4c6: {  	v22 =	vld [tilespmem:$0x300];
	_ =	sdelay $0x4  }
0x4c7: {  	v25 =	vshrl.u32 v22, $0x3  }
0x4c8: {  	v23 =	vmul.u32 $0x30, v25  }
0x4c9: {  	v22 =	vand.u32 $0x7, v22  }
0x4ca: {  	v22 =	vor.u32 v22, v23  }
0x4cb: {  	v23 =	vperm.xlane v22, v19;
	_ =	sdelay $0x1  }
0x4cc: {  	v23 =	vadd.s32 v20, v23;
	_ =	sdelay $0x3  }
0x4cd: {  	s10 =	simm.s32 $0x9580;
	v22 =	vperm.xlane v22, v21  }
0x4ce: {  	[tilespmem:s10], [sflag:$0x1] =	stream.indirect_vreg.gather [hbm4b:s1+s3], $0x80, v23, vm0, $0xb8;
	[tilespmem:$0x1B580] =	vst v63  }
0x4cf: {  	s17 =	simm.s32 $0x9D80;
	v22 =	vadd.s32 v20, v22  }
0x4d0: {  	[tilespmem:s17], [sflag:$0x1] =	stream.indirect_vreg.gather [hbm4b:s4+s3], $0x80, v23, vm0, $0xb8;
	[tilespmem:$0x1B580] =	vst v63  }
0x4d1: {  	s18 =	simm.s32 $0xA580  }
0x4d2: {  	[tilespmem:s18], [sflag:$0x1] =	stream.indirect_vreg.gather [hbm4b:s5+s3], $0x80, v23, vm0, $0xb8;
	[tilespmem:$0x1B580] =	vst v63  }
0x4d3: {  	s21 =	simm.s32 $0xAD80  }
0x4d4: {  	[tilespmem:s21], [sflag:$0x1] =	stream.indirect_vreg.gather [hbm4b:s1+s3], $0x80, v22, vm0, $0xb8;
	[tilespmem:$0x1B580] =	vst v63  }
0x4d5: {  	s23 =	simm.s32 $0xB580  }
0x4d6: {  	[tilespmem:s23], [sflag:$0x1] =	stream.indirect_vreg.gather [hbm4b:s4+s3], $0x80, v22, vm0, $0xb8;
	[tilespmem:$0x1B580] =	vst v63  }
0x4d7: {  	s24 =	simm.s32 $0xBD80  }
0x4d8: {  	[tilespmem:s24], [sflag:$0x1] =	stream.indirect_vreg.gather [hbm4b:s5+s3], $0x80, v22, vm0, $0xb8;
	[tilespmem:$0x1B580] =	vst v63  }
0x4d9: {  	v22 =	vld.msk [tilespmem:$0x310], $0xff;
	_ =	sdelay $0x4  }
0x4da: {  	v26 =	vshrl.u32 v22, $0x3  }
0x4db: {  	v23 =	vmul.u32 $0x30, v26  }
0x4dc: {  	v22 =	vand.u32 $0x7, v22  }
0x4dd: {  	v22 =	vor.u32 v22, v23  }
0x4de: {  	v22 =	vperm.xlane v22, v19;
	_ =	sdelay $0x1  }
0x4df: {  	v22 =	vadd.s32 v20, v22;
	_ =	sdelay $0x3  }
0x4e0: {  	s25 =	simm.s32 $0xC580  }
0x4e1: {  	[tilespmem:s25], [sflag:$0x1] =	stream.indirect_vreg.gather [hbm4b:s1+s3], $0x80, v22, vm0, $0xb8;
	[tilespmem:$0x1B580] =	vst v63  }
0x4e2: {  	s26 =	simm.s32 $0xCD80  }
0x4e3: {  	[tilespmem:s26], [sflag:$0x1] =	stream.indirect_vreg.gather [hbm4b:s4+s3], $0x80, v22, vm0, $0xb8;
	[tilespmem:$0x1B580] =	vst v63  }
0x4e4: {  	s28 =	simm.s32 $0xD580  }
0x4e5: {  	[tilespmem:s28], [sflag:$0x1] =	stream.indirect_vreg.gather [hbm4b:s5+s3], $0x80, v22, vm0, $0xb8;
	[tilespmem:$0x1B580] =	vst v63  }
0x4e6: {  	_ =	swait.ge [sflag:s16], $0xD800  }
0x4e7: {  	[sflag:s16] =	ssyncset.done $0x0  }
0x4e8: {  	s30 =	simm.s32 $0xDD80;
	s29 =	rddreg [dreg:$0xe];
	[sflag:s16] =	ssyncadd.s32 $0xFFFF2800  }
0x4e9: {  	[hbm4b:s29+s3] =	stream.linear.scatter [tilespmem:s30], [sflag:$0x4], $0xD800, $0x38;
	[tilespmem:$0x1B580] =	vst v63  }
0x4ea: {  	_ =	swait.ge [sflag:s2], $0xD800  }
0x4eb: {  	[sflag:s2] =	ssyncset.done $0x0  }
0x4ec: {  	[sflag:s2] =	ssyncadd.s32 $0xFFFF2800  }
0x4ed: {  	v24 =	vld [tilespmem:$0x318];
	_ =	sdelay $0x4  }
0x4ee: {  	v25 =	vshrl.u32 v24, $0x3  }
0x4ef: {  	v23 =	vmul.u32 $0x30, v25  }
0x4f0: {  	v22 =	vand.u32 $0x7, v24  }
0x4f1: {  	v22 =	vor.u32 v22, v23  }
0x4f2: {  	v23 =	vperm.xlane v22, v19;
	_ =	sdelay $0x1  }
0x4f3: {  	v23 =	vadd.s32 v20, v23;
	_ =	sdelay $0x3  }
0x4f4: {  	v22 =	vperm.xlane v22, v21  }
0x4f5: {  	[tilespmem:s30], [sflag:$0x2] =	stream.indirect_vreg.gather [hbm4b:s1+s3], $0x80, v23, vm0, $0xb8;
	[tilespmem:$0x1B580] =	vst v63  }
0x4f6: {  	s24 =	simm.s32 $0xE580;
	v22 =	vadd.s32 v20, v22  }
0x4f7: {  	[tilespmem:s24], [sflag:$0x2] =	stream.indirect_vreg.gather [hbm4b:s4+s3], $0x80, v23, vm0, $0xb8;
	[tilespmem:$0x1B580] =	vst v63  }
0x4f8: {  	s26 =	simm.s32 $0xED80  }
0x4f9: {  	[tilespmem:s26], [sflag:$0x2] =	stream.indirect_vreg.gather [hbm4b:s5+s3], $0x80, v23, vm0, $0xb8;
	[tilespmem:$0x1B580] =	vst v63  }
0x4fa: {  	s23 =	simm.s32 $0xF580  }
0x4fb: {  	[tilespmem:s23], [sflag:$0x2] =	stream.indirect_vreg.gather [hbm4b:s1+s3], $0x80, v22, vm0, $0xb8;
	[tilespmem:$0x1B580] =	vst v63  }
0x4fc: {  	s31 =	simm.s32 $0xFD80  }
0x4fd: {  	[tilespmem:s31], [sflag:$0x2] =	stream.indirect_vreg.gather [hbm4b:s4+s3], $0x80, v22, vm0, $0xb8;
	[tilespmem:$0x1B580] =	vst v63  }
0x4fe: {  	_ = 	snop  }
0x4ff: {  	[tilespmem:s6], [sflag:$0x2] =	stream.indirect_vreg.gather [hbm4b:s5+s3], $0x80, v22, vm0, $0xb8;
	[tilespmem:$0x1B580] =	vst v63  }
0x500: {  	v22 =	vld [tilespmem:$0x328];
	_ =	sdelay $0x4  }
0x501: {  	v26 =	vshrl.u32 v22, $0x3  }
0x502: {  	v23 =	vmul.u32 $0x30, v26  }
0x503: {  	v22 =	vand.u32 $0x7, v22  }
0x504: {  	v22 =	vor.u32 v22, v23  }
0x505: {  	v23 =	vperm.xlane v22, v19;
	_ =	sdelay $0x1  }
0x506: {  	v23 =	vadd.s32 v20, v23;
	_ =	sdelay $0x3  }
0x507: {  	s18 =	simm.s32 $0x10D80;
	v22 =	vperm.xlane v22, v21  }
0x508: {  	[tilespmem:s18], [sflag:$0x2] =	stream.indirect_vreg.gather [hbm4b:s1+s3], $0x80, v23, vm0, $0xb8;
	[tilespmem:$0x1B580] =	vst v63  }
0x509: {  	s21 =	simm.s32 $0x11580;
	v22 =	vadd.s32 v20, v22  }
0x50a: {  	[tilespmem:s21], [sflag:$0x2] =	stream.indirect_vreg.gather [hbm4b:s4+s3], $0x80, v23, vm0, $0xb8;
	[tilespmem:$0x1B580] =	vst v63  }
0x50b: {  	s11 =	simm.s32 $0x11D80  }
0x50c: {  	[tilespmem:s11], [sflag:$0x2] =	stream.indirect_vreg.gather [hbm4b:s5+s3], $0x80, v23, vm0, $0xb8;
	[tilespmem:$0x1B580] =	vst v63  }
0x50d: {  	s10 =	simm.s32 $0x12580  }
0x50e: {  	[tilespmem:s10], [sflag:$0x2] =	stream.indirect_vreg.gather [hbm4b:s1+s3], $0x80, v22, vm0, $0xb8;
	[tilespmem:$0x1B580] =	vst v63  }
0x50f: {  	s7 =	simm.s32 $0x12D80  }
0x510: {  	[tilespmem:s7], [sflag:$0x2] =	stream.indirect_vreg.gather [hbm4b:s4+s3], $0x80, v22, vm0, $0xb8;
	[tilespmem:$0x1B580] =	vst v63  }
0x511: {  	s8 =	simm.s32 $0x13580  }
0x512: {  	[tilespmem:s8], [sflag:$0x2] =	stream.indirect_vreg.gather [hbm4b:s5+s3], $0x80, v22, vm0, $0xb8;
	[tilespmem:$0x1B580] =	vst v63  }
0x513: {  	v22 =	vld [tilespmem:$0x338];
	_ =	sdelay $0x4  }
0x514: {  	v24 =	vshrl.u32 v22, $0x3  }
0x515: {  	v23 =	vmul.u32 $0x30, v24  }
0x516: {  	v22 =	vand.u32 $0x7, v22  }
0x517: {  	v22 =	vor.u32 v22, v23  }
0x518: {  	v23 =	vperm.xlane v22, v19;
	_ =	sdelay $0x1  }
0x519: {  	v23 =	vadd.s32 v20, v23;
	_ =	sdelay $0x3  }
0x51a: {  	s28 =	simm.s32 $0x13D80;
	v22 =	vperm.xlane v22, v21  }
0x51b: {  	[tilespmem:s28], [sflag:$0x2] =	stream.indirect_vreg.gather [hbm4b:s1+s3], $0x80, v23, vm0, $0xb8;
	[tilespmem:$0x1B580] =	vst v63  }
0x51c: {  	s12 =	simm.s32 $0x14580;
	v22 =	vadd.s32 v20, v22  }
0x51d: {  	[tilespmem:s12], [sflag:$0x2] =	stream.indirect_vreg.gather [hbm4b:s4+s3], $0x80, v23, vm0, $0xb8;
	[tilespmem:$0x1B580] =	vst v63  }
0x51e: {  	s6 =	simm.s32 $0x14D80  }
0x51f: {  	[tilespmem:s6], [sflag:$0x2] =	stream.indirect_vreg.gather [hbm4b:s5+s3], $0x80, v23, vm0, $0xb8;
	[tilespmem:$0x1B580] =	vst v63  }
0x520: {  	s9 =	simm.s32 $0x15580  }
0x521: {  	[tilespmem:s9], [sflag:$0x2] =	stream.indirect_vreg.gather [hbm4b:s1+s3], $0x80, v22, vm0, $0xb8;
	[tilespmem:$0x1B580] =	vst v63  }
0x522: {  	s13 =	simm.s32 $0x15D80  }
0x523: {  	[tilespmem:s13], [sflag:$0x2] =	stream.indirect_vreg.gather [hbm4b:s4+s3], $0x80, v22, vm0, $0xb8;
	[tilespmem:$0x1B580] =	vst v63  }
0x524: {  	s29 =	simm.s32 $0x16580  }
0x525: {  	[tilespmem:s29], [sflag:$0x2] =	stream.indirect_vreg.gather [hbm4b:s5+s3], $0x80, v22, vm0, $0xb8;
	[tilespmem:$0x1B580] =	vst v63  }
0x526: {  	v22 =	vld [tilespmem:$0x348];
	_ =	sdelay $0x4  }
0x527: {  	v25 =	vshrl.u32 v22, $0x3  }
0x528: {  	v23 =	vmul.u32 $0x30, v25  }
0x529: {  	v22 =	vand.u32 $0x7, v22  }
0x52a: {  	v22 =	vor.u32 v22, v23  }
0x52b: {  	v23 =	vperm.xlane v22, v19;
	_ =	sdelay $0x1  }
0x52c: {  	v23 =	vadd.s32 v20, v23;
	_ =	sdelay $0x3  }
0x52d: {  	s30 =	simm.s32 $0x16D80;
	v22 =	vperm.xlane v22, v21  }
0x52e: {  	[tilespmem:s30], [sflag:$0x2] =	stream.indirect_vreg.gather [hbm4b:s1+s3], $0x80, v23, vm0, $0xb8;
	[tilespmem:$0x1B580] =	vst v63  }
0x52f: {  	s13 =	simm.s32 $0x17580;
	v22 =	vadd.s32 v20, v22  }
0x530: {  	[tilespmem:s13], [sflag:$0x2] =	stream.indirect_vreg.gather [hbm4b:s4+s3], $0x80, v23, vm0, $0xb8;
	[tilespmem:$0x1B580] =	vst v63  }
0x531: {  	s20 =	simm.s32 $0x17D80  }
0x532: {  	[tilespmem:s20], [sflag:$0x2] =	stream.indirect_vreg.gather [hbm4b:s5+s3], $0x80, v23, vm0, $0xb8;
	[tilespmem:$0x1B580] =	vst v63  }
0x533: {  	s7 =	simm.s32 $0x18580  }
0x534: {  	[tilespmem:s7], [sflag:$0x2] =	stream.indirect_vreg.gather [hbm4b:s1+s3], $0x80, v22, vm0, $0xb8;
	[tilespmem:$0x1B580] =	vst v63  }
0x535: {  	s20 =	simm.s32 $0x18D80  }
0x536: {  	[tilespmem:s20], [sflag:$0x2] =	stream.indirect_vreg.gather [hbm4b:s4+s3], $0x80, v22, vm0, $0xb8;
	[tilespmem:$0x1B580] =	vst v63  }
0x537: {  	s31 =	simm.s32 $0x19580  }
0x538: {  	[tilespmem:s31], [sflag:$0x2] =	stream.indirect_vreg.gather [hbm4b:s5+s3], $0x80, v22, vm0, $0xb8;
	[tilespmem:$0x1B580] =	vst v63  }
0x539: {  	v22 =	vld.msk [tilespmem:$0x358], $0xff;
	_ =	sdelay $0x4  }
0x53a: {  	v26 =	vshrl.u32 v22, $0x3  }
0x53b: {  	v23 =	vmul.u32 $0x30, v26  }
0x53c: {  	v22 =	vand.u32 $0x7, v22  }
0x53d: {  	v22 =	vor.u32 v22, v23  }
0x53e: {  	v22 =	vperm.xlane v22, v19;
	_ =	sdelay $0x1  }
0x53f: {  	v22 =	vadd.s32 v20, v22;
	_ =	sdelay $0x3  }
0x540: {  	s22 =	simm.s32 $0x19D80  }
0x541: {  	[tilespmem:s22], [sflag:$0x2] =	stream.indirect_vreg.gather [hbm4b:s1+s3], $0x80, v22, vm0, $0xb8;
	[tilespmem:$0x1B580] =	vst v63  }
0x542: {  	s8 =	simm.s32 $0x1A580  }
0x543: {  	[tilespmem:s8], [sflag:$0x2] =	stream.indirect_vreg.gather [hbm4b:s4+s3], $0x80, v22, vm0, $0xb8;
	[tilespmem:$0x1B580] =	vst v63  }
0x544: {  	s22 =	simm.s32 $0x1AD80  }
0x545: {  	[tilespmem:s22], [sflag:$0x2] =	stream.indirect_vreg.gather [hbm4b:s5+s3], $0x80, v22, vm0, $0xb8;
	[tilespmem:$0x1B580] =	vst v63  }
0x546: {  	_ =	swait.ge [sflag:s14], $0xD800  }
0x547: {  	[sflag:s14] =	ssyncset.done $0x0  }
0x548: {  	s12 =	simm.s32 $0x580;
	s11 =	rddreg [dreg:$0xf];
	[sflag:s14] =	ssyncadd.s32 $0xFFFF2800  }
0x549: {  	[hbm4b:s11+s3] =	stream.linear.scatter [tilespmem:s12], [sflag:$0x3], $0xD800, $0x38;
	[tilespmem:$0x1B580] =	vst v63  }
0x54a: {  	_ =	swait.ge [sflag:s15], $0xD800  }
0x54b: {  	[sflag:s15] =	ssyncset.done $0x0  }
0x54c: {  	[sflag:s15] =	ssyncadd.s32 $0xFFFF2800  }
0x54d: {  	v24 =	vld [tilespmem:$0x360];
	_ =	sdelay $0x4  }
0x54e: {  	v25 =	vshrl.u32 v24, $0x3  }
0x54f: {  	v23 =	vmul.u32 $0x30, v25  }
0x550: {  	v22 =	vand.u32 $0x7, v24  }
0x551: {  	v22 =	vor.u32 v22, v23  }
0x552: {  	v23 =	vperm.xlane v22, v19;
	_ =	sdelay $0x1  }
0x553: {  	v23 =	vadd.s32 v20, v23;
	_ =	sdelay $0x3  }
0x554: {  	v22 =	vperm.xlane v22, v21  }
0x555: {  	[tilespmem:s12], [sflag:$0x1] =	stream.indirect_vreg.gather [hbm4b:s1+s3], $0x80, v23, vm0, $0xb8;
	[tilespmem:$0x1B580] =	vst v63  }
0x556: {  	v22 =	vadd.s32 v20, v22  }
0x557: {  	[tilespmem:s19], [sflag:$0x1] =	stream.indirect_vreg.gather [hbm4b:s4+s3], $0x80, v23, vm0, $0xb8;
	[tilespmem:$0x1B580] =	vst v63  }
0x558: {  	s9 =	simm.s32 $0x1580  }
0x559: {  	[tilespmem:s9], [sflag:$0x1] =	stream.indirect_vreg.gather [hbm4b:s5+s3], $0x80, v23, vm0, $0xb8;
	[tilespmem:$0x1B580] =	vst v63  }
0x55a: {  	s19 =	simm.s32 $0x1D80  }
0x55b: {  	[tilespmem:s19], [sflag:$0x1] =	stream.indirect_vreg.gather [hbm4b:s1+s3], $0x80, v22, vm0, $0xb8;
	[tilespmem:$0x1B580] =	vst v63  }
0x55c: {  	s25 =	simm.s32 $0x2580  }
0x55d: {  	[tilespmem:s25], [sflag:$0x1] =	stream.indirect_vreg.gather [hbm4b:s4+s3], $0x80, v22, vm0, $0xb8;
	[tilespmem:$0x1B580] =	vst v63  }
0x55e: {  	s17 =	simm.s32 $0x2D80  }
0x55f: {  	[tilespmem:s17], [sflag:$0x1] =	stream.indirect_vreg.gather [hbm4b:s5+s3], $0x80, v22, vm0, $0xb8;
	[tilespmem:$0x1B580] =	vst v63  }
0x560: {  	v22 =	vld [tilespmem:$0x370];
	_ =	sdelay $0x4  }
0x561: {  	v26 =	vshrl.u32 v22, $0x3  }
0x562: {  	v23 =	vmul.u32 $0x30, v26  }
0x563: {  	v22 =	vand.u32 $0x7, v22  }
0x564: {  	v22 =	vor.u32 v22, v23  }
0x565: {  	v23 =	vperm.xlane v22, v19;
	_ =	sdelay $0x1  }
0x566: {  	v23 =	vadd.s32 v20, v23;
	_ =	sdelay $0x3  }
0x567: {  	s11 =	simm.s32 $0x3580;
	v22 =	vperm.xlane v22, v21  }
0x568: {  	[tilespmem:s11], [sflag:$0x1] =	stream.indirect_vreg.gather [hbm4b:s1+s3], $0x80, v23, vm0, $0xb8;
	[tilespmem:$0x1B580] =	vst v63  }
0x569: {  	s12 =	simm.s32 $0x3D80;
	v22 =	vadd.s32 v20, v22  }
0x56a: {  	[tilespmem:s12], [sflag:$0x1] =	stream.indirect_vreg.gather [hbm4b:s4+s3], $0x80, v23, vm0, $0xb8;
	[tilespmem:$0x1B580] =	vst v63  }
0x56b: {  	s17 =	simm.s32 $0x4580  }
0x56c: {  	[tilespmem:s17], [sflag:$0x1] =	stream.indirect_vreg.gather [hbm4b:s5+s3], $0x80, v23, vm0, $0xb8;
	[tilespmem:$0x1B580] =	vst v63  }
0x56d: {  	s11 =	simm.s32 $0x4D80  }
0x56e: {  	[tilespmem:s11], [sflag:$0x1] =	stream.indirect_vreg.gather [hbm4b:s1+s3], $0x80, v22, vm0, $0xb8;
	[tilespmem:$0x1B580] =	vst v63  }
0x56f: {  	s12 =	simm.s32 $0x5580  }
0x570: {  	[tilespmem:s12], [sflag:$0x1] =	stream.indirect_vreg.gather [hbm4b:s4+s3], $0x80, v22, vm0, $0xb8;
	[tilespmem:$0x1B580] =	vst v63  }
0x571: {  	s17 =	simm.s32 $0x5D80  }
0x572: {  	[tilespmem:s17], [sflag:$0x1] =	stream.indirect_vreg.gather [hbm4b:s5+s3], $0x80, v22, vm0, $0xb8;
	[tilespmem:$0x1B580] =	vst v63  }
0x573: {  	v22 =	vld [tilespmem:$0x380];
	_ =	sdelay $0x4  }
0x574: {  	v24 =	vshrl.u32 v22, $0x3  }
0x575: {  	v23 =	vmul.u32 $0x30, v24  }
0x576: {  	v22 =	vand.u32 $0x7, v22  }
0x577: {  	v22 =	vor.u32 v22, v23  }
0x578: {  	v23 =	vperm.xlane v22, v19;
	_ =	sdelay $0x1  }
0x579: {  	v23 =	vadd.s32 v20, v23;
	_ =	sdelay $0x3  }
0x57a: {  	s11 =	simm.s32 $0x6580;
	v22 =	vperm.xlane v22, v21  }
0x57b: {  	[tilespmem:s11], [sflag:$0x1] =	stream.indirect_vreg.gather [hbm4b:s1+s3], $0x80, v23, vm0, $0xb8;
	[tilespmem:$0x1B580] =	vst v63  }
0x57c: {  	s12 =	simm.s32 $0x6D80;
	v22 =	vadd.s32 v20, v22  }
0x57d: {  	[tilespmem:s12], [sflag:$0x1] =	stream.indirect_vreg.gather [hbm4b:s4+s3], $0x80, v23, vm0, $0xb8;
	[tilespmem:$0x1B580] =	vst v63  }
0x57e: {  	s17 =	simm.s32 $0x7580  }
0x57f: {  	[tilespmem:s17], [sflag:$0x1] =	stream.indirect_vreg.gather [hbm4b:s5+s3], $0x80, v23, vm0, $0xb8;
	[tilespmem:$0x1B580] =	vst v63  }
0x580: {  	s11 =	simm.s32 $0x7D80  }
0x581: {  	[tilespmem:s11], [sflag:$0x1] =	stream.indirect_vreg.gather [hbm4b:s1+s3], $0x80, v22, vm0, $0xb8;
	[tilespmem:$0x1B580] =	vst v63  }
0x582: {  	s12 =	simm.s32 $0x8580  }
0x583: {  	[tilespmem:s12], [sflag:$0x1] =	stream.indirect_vreg.gather [hbm4b:s4+s3], $0x80, v22, vm0, $0xb8;
	[tilespmem:$0x1B580] =	vst v63  }
0x584: {  	s17 =	simm.s32 $0x8D80  }
0x585: {  	[tilespmem:s17], [sflag:$0x1] =	stream.indirect_vreg.gather [hbm4b:s5+s3], $0x80, v22, vm0, $0xb8;
	[tilespmem:$0x1B580] =	vst v63  }
0x586: {  	v22 =	vld [tilespmem:$0x390];
	_ =	sdelay $0x4  }
0x587: {  	v25 =	vshrl.u32 v22, $0x3  }
0x588: {  	v23 =	vmul.u32 $0x30, v25  }
0x589: {  	v22 =	vand.u32 $0x7, v22  }
0x58a: {  	v22 =	vor.u32 v22, v23  }
0x58b: {  	v23 =	vperm.xlane v22, v19;
	_ =	sdelay $0x1  }
0x58c: {  	v23 =	vadd.s32 v20, v23;
	_ =	sdelay $0x3  }
0x58d: {  	s11 =	simm.s32 $0x9580;
	v22 =	vperm.xlane v22, v21  }
0x58e: {  	[tilespmem:s11], [sflag:$0x1] =	stream.indirect_vreg.gather [hbm4b:s1+s3], $0x80, v23, vm0, $0xb8;
	[tilespmem:$0x1B580] =	vst v63  }
0x58f: {  	s12 =	simm.s32 $0x9D80;
	v22 =	vadd.s32 v20, v22  }
0x590: {  	[tilespmem:s12], [sflag:$0x1] =	stream.indirect_vreg.gather [hbm4b:s4+s3], $0x80, v23, vm0, $0xb8;
	[tilespmem:$0x1B580] =	vst v63  }
0x591: {  	s17 =	simm.s32 $0xA580  }
0x592: {  	[tilespmem:s17], [sflag:$0x1] =	stream.indirect_vreg.gather [hbm4b:s5+s3], $0x80, v23, vm0, $0xb8;
	[tilespmem:$0x1B580] =	vst v63  }
0x593: {  	s11 =	simm.s32 $0xAD80  }
0x594: {  	[tilespmem:s11], [sflag:$0x1] =	stream.indirect_vreg.gather [hbm4b:s1+s3], $0x80, v22, vm0, $0xb8;
	[tilespmem:$0x1B580] =	vst v63  }
0x595: {  	s12 =	simm.s32 $0xB580  }
0x596: {  	[tilespmem:s12], [sflag:$0x1] =	stream.indirect_vreg.gather [hbm4b:s4+s3], $0x80, v22, vm0, $0xb8;
	[tilespmem:$0x1B580] =	vst v63  }
0x597: {  	s17 =	simm.s32 $0xBD80  }
0x598: {  	[tilespmem:s17], [sflag:$0x1] =	stream.indirect_vreg.gather [hbm4b:s5+s3], $0x80, v22, vm0, $0xb8;
	[tilespmem:$0x1B580] =	vst v63  }
0x599: {  	v22 =	vld.msk [tilespmem:$0x3A0], $0xff;
	_ =	sdelay $0x4  }
0x59a: {  	v26 =	vshrl.u32 v22, $0x3  }
0x59b: {  	v23 =	vmul.u32 $0x30, v26  }
0x59c: {  	v22 =	vand.u32 $0x7, v22  }
0x59d: {  	v22 =	vor.u32 v22, v23  }
0x59e: {  	v22 =	vperm.xlane v22, v19;
	_ =	sdelay $0x1  }
0x59f: {  	v22 =	vadd.s32 v20, v22;
	_ =	sdelay $0x3  }
0x5a0: {  	s11 =	simm.s32 $0xC580  }
0x5a1: {  	[tilespmem:s11], [sflag:$0x1] =	stream.indirect_vreg.gather [hbm4b:s1+s3], $0x80, v22, vm0, $0xb8;
	[tilespmem:$0x1B580] =	vst v63  }
0x5a2: {  	s12 =	simm.s32 $0xCD80  }
0x5a3: {  	[tilespmem:s12], [sflag:$0x1] =	stream.indirect_vreg.gather [hbm4b:s4+s3], $0x80, v22, vm0, $0xb8;
	[tilespmem:$0x1B580] =	vst v63  }
0x5a4: {  	s17 =	simm.s32 $0xD580  }
0x5a5: {  	[tilespmem:s17], [sflag:$0x1] =	stream.indirect_vreg.gather [hbm4b:s5+s3], $0x80, v22, vm0, $0xb8;
	[tilespmem:$0x1B580] =	vst v63  }
0x5a6: {  	_ =	swait.ge [sflag:s16], $0xD800  }
0x5a7: {  	[sflag:s16] =	ssyncset.done $0x0  }
0x5a8: {  	s12 =	simm.s32 $0xDD80;
	s11 =	rddreg [dreg:$0x10];
	[sflag:s16] =	ssyncadd.s32 $0xFFFF2800  }
0x5a9: {  	[hbm4b:s11+s3] =	stream.linear.scatter [tilespmem:s12], [sflag:$0x4], $0xD800, $0x38;
	[tilespmem:$0x1B580] =	vst v63  }
0x5aa: {  	_ =	swait.ge [sflag:s2], $0xD800  }
0x5ab: {  	[sflag:s2] =	ssyncset.done $0x0  }
0x5ac: {  	[sflag:s2] =	ssyncadd.s32 $0xFFFF2800  }
0x5ad: {  	v24 =	vld [tilespmem:$0x3A8];
	_ =	sdelay $0x4  }
0x5ae: {  	v25 =	vshrl.u32 v24, $0x3  }
0x5af: {  	v23 =	vmul.u32 $0x30, v25  }
0x5b0: {  	v22 =	vand.u32 $0x7, v24  }
0x5b1: {  	v22 =	vor.u32 v22, v23  }
0x5b2: {  	v23 =	vperm.xlane v22, v19;
	_ =	sdelay $0x1  }
0x5b3: {  	v23 =	vadd.s32 v20, v23;
	_ =	sdelay $0x3  }
0x5b4: {  	v22 =	vperm.xlane v22, v21  }
0x5b5: {  	[tilespmem:s12], [sflag:$0x2] =	stream.indirect_vreg.gather [hbm4b:s1+s3], $0x80, v23, vm0, $0xb8;
	[tilespmem:$0x1B580] =	vst v63  }
0x5b6: {  	v22 =	vadd.s32 v20, v22  }
0x5b7: {  	[tilespmem:s24], [sflag:$0x2] =	stream.indirect_vreg.gather [hbm4b:s4+s3], $0x80, v23, vm0, $0xb8;
	[tilespmem:$0x1B580] =	vst v63  }
0x5b8: {  	_ = 	snop  }
0x5b9: {  	[tilespmem:s26], [sflag:$0x2] =	stream.indirect_vreg.gather [hbm4b:s5+s3], $0x80, v23, vm0, $0xb8;
	[tilespmem:$0x1B580] =	vst v63  }
0x5ba: {  	_ = 	snop  }
0x5bb: {  	[tilespmem:s23], [sflag:$0x2] =	stream.indirect_vreg.gather [hbm4b:s1+s3], $0x80, v22, vm0, $0xb8;
	[tilespmem:$0x1B580] =	vst v63  }
0x5bc: {  	s17 =	simm.s32 $0xFD80  }
0x5bd: {  	[tilespmem:s17], [sflag:$0x2] =	stream.indirect_vreg.gather [hbm4b:s4+s3], $0x80, v22, vm0, $0xb8;
	[tilespmem:$0x1B580] =	vst v63  }
0x5be: {  	s0 =	simm.s32 $0x10580  }
0x5bf: {  	[tilespmem:s0], [sflag:$0x2] =	stream.indirect_vreg.gather [hbm4b:s5+s3], $0x80, v22, vm0, $0xb8;
	[tilespmem:$0x1B580] =	vst v63  }
0x5c0: {  	v22 =	vld [tilespmem:$0x3B8];
	_ =	sdelay $0x4  }
0x5c1: {  	v26 =	vshrl.u32 v22, $0x3  }
0x5c2: {  	v23 =	vmul.u32 $0x30, v26  }
0x5c3: {  	v22 =	vand.u32 $0x7, v22  }
0x5c4: {  	v22 =	vor.u32 v22, v23  }
0x5c5: {  	v23 =	vperm.xlane v22, v19;
	_ =	sdelay $0x1  }
0x5c6: {  	v23 =	vadd.s32 v20, v23;
	_ =	sdelay $0x3  }
0x5c7: {  	v22 =	vperm.xlane v22, v21  }
0x5c8: {  	[tilespmem:s18], [sflag:$0x2] =	stream.indirect_vreg.gather [hbm4b:s1+s3], $0x80, v23, vm0, $0xb8;
	[tilespmem:$0x1B580] =	vst v63  }
0x5c9: {  	v22 =	vadd.s32 v20, v22  }
0x5ca: {  	[tilespmem:s21], [sflag:$0x2] =	stream.indirect_vreg.gather [hbm4b:s4+s3], $0x80, v23, vm0, $0xb8;
	[tilespmem:$0x1B580] =	vst v63  }
0x5cb: {  	s11 =	simm.s32 $0x11D80  }
0x5cc: {  	[tilespmem:s11], [sflag:$0x2] =	stream.indirect_vreg.gather [hbm4b:s5+s3], $0x80, v23, vm0, $0xb8;
	[tilespmem:$0x1B580] =	vst v63  }
0x5cd: {  	_ = 	snop  }
0x5ce: {  	[tilespmem:s10], [sflag:$0x2] =	stream.indirect_vreg.gather [hbm4b:s1+s3], $0x80, v22, vm0, $0xb8;
	[tilespmem:$0x1B580] =	vst v63  }
0x5cf: {  	s18 =	simm.s32 $0x12D80  }
0x5d0: {  	[tilespmem:s18], [sflag:$0x2] =	stream.indirect_vreg.gather [hbm4b:s4+s3], $0x80, v22, vm0, $0xb8;
	[tilespmem:$0x1B580] =	vst v63  }
0x5d1: {  	s12 =	simm.s32 $0x13580  }
0x5d2: {  	[tilespmem:s12], [sflag:$0x2] =	stream.indirect_vreg.gather [hbm4b:s5+s3], $0x80, v22, vm0, $0xb8;
	[tilespmem:$0x1B580] =	vst v63  }
0x5d3: {  	v22 =	vld [tilespmem:$0x3C8];
	_ =	sdelay $0x4  }
0x5d4: {  	v24 =	vshrl.u32 v22, $0x3  }
0x5d5: {  	v23 =	vmul.u32 $0x30, v24  }
0x5d6: {  	v22 =	vand.u32 $0x7, v22  }
0x5d7: {  	v22 =	vor.u32 v22, v23  }
0x5d8: {  	v23 =	vperm.xlane v22, v19;
	_ =	sdelay $0x1  }
0x5d9: {  	v23 =	vadd.s32 v20, v23;
	_ =	sdelay $0x3  }
0x5da: {  	v22 =	vperm.xlane v22, v21  }
0x5db: {  	[tilespmem:s28], [sflag:$0x2] =	stream.indirect_vreg.gather [hbm4b:s1+s3], $0x80, v23, vm0, $0xb8;
	[tilespmem:$0x1B580] =	vst v63  }
0x5dc: {  	s18 =	simm.s32 $0x14580;
	v22 =	vadd.s32 v20, v22  }
0x5dd: {  	[tilespmem:s18], [sflag:$0x2] =	stream.indirect_vreg.gather [hbm4b:s4+s3], $0x80, v23, vm0, $0xb8;
	[tilespmem:$0x1B580] =	vst v63  }
0x5de: {  	_ = 	snop  }
0x5df: {  	[tilespmem:s6], [sflag:$0x2] =	stream.indirect_vreg.gather [hbm4b:s5+s3], $0x80, v23, vm0, $0xb8;
	[tilespmem:$0x1B580] =	vst v63  }
0x5e0: {  	s21 =	simm.s32 $0x15580  }
0x5e1: {  	[tilespmem:s21], [sflag:$0x2] =	stream.indirect_vreg.gather [hbm4b:s1+s3], $0x80, v22, vm0, $0xb8;
	[tilespmem:$0x1B580] =	vst v63  }
0x5e2: {  	s6 =	simm.s32 $0x15D80  }
0x5e3: {  	[tilespmem:s6], [sflag:$0x2] =	stream.indirect_vreg.gather [hbm4b:s4+s3], $0x80, v22, vm0, $0xb8;
	[tilespmem:$0x1B580] =	vst v63  }
0x5e4: {  	_ = 	snop  }
0x5e5: {  	[tilespmem:s29], [sflag:$0x2] =	stream.indirect_vreg.gather [hbm4b:s5+s3], $0x80, v22, vm0, $0xb8;
	[tilespmem:$0x1B580] =	vst v63  }
0x5e6: {  	v22 =	vld [tilespmem:$0x3D8];
	_ =	sdelay $0x4  }
0x5e7: {  	v25 =	vshrl.u32 v22, $0x3  }
0x5e8: {  	v23 =	vmul.u32 $0x30, v25  }
0x5e9: {  	v22 =	vand.u32 $0x7, v22  }
0x5ea: {  	v22 =	vor.u32 v22, v23  }
0x5eb: {  	v23 =	vperm.xlane v22, v19;
	_ =	sdelay $0x1  }
0x5ec: {  	v23 =	vadd.s32 v20, v23;
	_ =	sdelay $0x3  }
0x5ed: {  	v22 =	vperm.xlane v22, v21  }
0x5ee: {  	[tilespmem:s30], [sflag:$0x2] =	stream.indirect_vreg.gather [hbm4b:s1+s3], $0x80, v23, vm0, $0xb8;
	[tilespmem:$0x1B580] =	vst v63  }
0x5ef: {  	v22 =	vadd.s32 v20, v22  }
0x5f0: {  	[tilespmem:s13], [sflag:$0x2] =	stream.indirect_vreg.gather [hbm4b:s4+s3], $0x80, v23, vm0, $0xb8;
	[tilespmem:$0x1B580] =	vst v63  }
0x5f1: {  	s10 =	simm.s32 $0x17D80  }
0x5f2: {  	[tilespmem:s10], [sflag:$0x2] =	stream.indirect_vreg.gather [hbm4b:s5+s3], $0x80, v23, vm0, $0xb8;
	[tilespmem:$0x1B580] =	vst v63  }
0x5f3: {  	_ = 	snop  }
0x5f4: {  	[tilespmem:s7], [sflag:$0x2] =	stream.indirect_vreg.gather [hbm4b:s1+s3], $0x80, v22, vm0, $0xb8;
	[tilespmem:$0x1B580] =	vst v63  }
0x5f5: {  	_ = 	snop  }
0x5f6: {  	[tilespmem:s20], [sflag:$0x2] =	stream.indirect_vreg.gather [hbm4b:s4+s3], $0x80, v22, vm0, $0xb8;
	[tilespmem:$0x1B580] =	vst v63  }
0x5f7: {  	_ = 	snop  }
0x5f8: {  	[tilespmem:s31], [sflag:$0x2] =	stream.indirect_vreg.gather [hbm4b:s5+s3], $0x80, v22, vm0, $0xb8;
	[tilespmem:$0x1B580] =	vst v63  }
0x5f9: {  	v22 =	vld.msk [tilespmem:$0x3E8], $0xff;
	_ =	sdelay $0x4  }
0x5fa: {  	v26 =	vshrl.u32 v22, $0x3  }
0x5fb: {  	v23 =	vmul.u32 $0x30, v26  }
0x5fc: {  	v22 =	vand.u32 $0x7, v22  }
0x5fd: {  	v22 =	vor.u32 v22, v23  }
0x5fe: {  	v22 =	vperm.xlane v22, v19;
	_ =	sdelay $0x1  }
0x5ff: {  	v22 =	vadd.s32 v20, v22;
	_ =	sdelay $0x3  }
0x600: {  	s7 =	simm.s32 $0x19D80  }
0x601: {  	[tilespmem:s7], [sflag:$0x2] =	stream.indirect_vreg.gather [hbm4b:s1+s3], $0x80, v22, vm0, $0xb8;
	[tilespmem:$0x1B580] =	vst v63  }
0x602: {  	_ = 	snop  }
0x603: {  	[tilespmem:s8], [sflag:$0x2] =	stream.indirect_vreg.gather [hbm4b:s4+s3], $0x80, v22, vm0, $0xb8;
	[tilespmem:$0x1B580] =	vst v63  }
0x604: {  	_ = 	snop  }
0x605: {  	[tilespmem:s22], [sflag:$0x2] =	stream.indirect_vreg.gather [hbm4b:s5+s3], $0x80, v22, vm0, $0xb8;
	[tilespmem:$0x1B580] =	vst v63  }
0x606: {  	_ =	swait.ge [sflag:s14], $0xD800  }
0x607: {  	[sflag:s14] =	ssyncset.done $0x0  }
0x608: {  	s23 =	simm.s32 $0x580;
	s22 =	rddreg [dreg:$0x11];
	[sflag:s14] =	ssyncadd.s32 $0xFFFF2800  }
0x609: {  	[hbm4b:s22+s3] =	stream.linear.scatter [tilespmem:s23], [sflag:$0x3], $0xD800, $0x38;
	[tilespmem:$0x1B580] =	vst v63  }
0x60a: {  	_ =	swait.ge [sflag:s15], $0xD800  }
0x60b: {  	[sflag:s15] =	ssyncset.done $0x0  }
0x60c: {  	[sflag:s15] =	ssyncadd.s32 $0xFFFF2800  }
0x60d: {  	v24 =	vld [tilespmem:$0x3F0];
	_ =	sdelay $0x4  }
0x60e: {  	v25 =	vshrl.u32 v24, $0x3  }
0x60f: {  	v23 =	vmul.u32 $0x30, v25  }
0x610: {  	v22 =	vand.u32 $0x7, v24  }
0x611: {  	v22 =	vor.u32 v22, v23  }
0x612: {  	v23 =	vperm.xlane v22, v19;
	_ =	sdelay $0x1  }
0x613: {  	v23 =	vadd.s32 v20, v23;
	_ =	sdelay $0x3  }
0x614: {  	v22 =	vperm.xlane v22, v21  }
0x615: {  	[tilespmem:s23], [sflag:$0x1] =	stream.indirect_vreg.gather [hbm4b:s1+s3], $0x80, v23, vm0, $0xb8;
	[tilespmem:$0x1B580] =	vst v63  }
0x616: {  	s24 =	simm.s32 $0xD80;
	v22 =	vadd.s32 v20, v22  }
0x617: {  	[tilespmem:s24], [sflag:$0x1] =	stream.indirect_vreg.gather [hbm4b:s4+s3], $0x80, v23, vm0, $0xb8;
	[tilespmem:$0x1B580] =	vst v63  }
0x618: {  	_ = 	snop  }
0x619: {  	[tilespmem:s9], [sflag:$0x1] =	stream.indirect_vreg.gather [hbm4b:s5+s3], $0x80, v23, vm0, $0xb8;
	[tilespmem:$0x1B580] =	vst v63  }
0x61a: {  	_ = 	snop  }
0x61b: {  	[tilespmem:s19], [sflag:$0x1] =	stream.indirect_vreg.gather [hbm4b:s1+s3], $0x80, v22, vm0, $0xb8;
	[tilespmem:$0x1B580] =	vst v63  }
0x61c: {  	_ = 	snop  }
0x61d: {  	[tilespmem:s25], [sflag:$0x1] =	stream.indirect_vreg.gather [hbm4b:s4+s3], $0x80, v22, vm0, $0xb8;
	[tilespmem:$0x1B580] =	vst v63  }
0x61e: {  	s26 =	simm.s32 $0x2D80  }
0x61f: {  	[tilespmem:s26], [sflag:$0x1] =	stream.indirect_vreg.gather [hbm4b:s5+s3], $0x80, v22, vm0, $0xb8;
	[tilespmem:$0x1B580] =	vst v63  }
0x620: {  	v22 =	vld [tilespmem:$0x400];
	_ =	sdelay $0x4  }
0x621: {  	v26 =	vshrl.u32 v22, $0x3  }
0x622: {  	v23 =	vmul.u32 $0x30, v26  }
0x623: {  	v22 =	vand.u32 $0x7, v22  }
0x624: {  	v22 =	vor.u32 v22, v23  }
0x625: {  	v23 =	vperm.xlane v22, v19;
	_ =	sdelay $0x1  }
0x626: {  	v23 =	vadd.s32 v20, v23;
	_ =	sdelay $0x3  }
0x627: {  	s28 =	simm.s32 $0x3580;
	v22 =	vperm.xlane v22, v21  }
0x628: {  	[tilespmem:s28], [sflag:$0x1] =	stream.indirect_vreg.gather [hbm4b:s1+s3], $0x80, v23, vm0, $0xb8;
	[tilespmem:$0x1B580] =	vst v63  }
0x629: {  	s29 =	simm.s32 $0x3D80;
	v22 =	vadd.s32 v20, v22  }
0x62a: {  	[tilespmem:s29], [sflag:$0x1] =	stream.indirect_vreg.gather [hbm4b:s4+s3], $0x80, v23, vm0, $0xb8;
	[tilespmem:$0x1B580] =	vst v63  }
0x62b: {  	s30 =	simm.s32 $0x4580  }
0x62c: {  	[tilespmem:s30], [sflag:$0x1] =	stream.indirect_vreg.gather [hbm4b:s5+s3], $0x80, v23, vm0, $0xb8;
	[tilespmem:$0x1B580] =	vst v63  }
0x62d: {  	s31 =	simm.s32 $0x4D80  }
0x62e: {  	[tilespmem:s31], [sflag:$0x1] =	stream.indirect_vreg.gather [hbm4b:s1+s3], $0x80, v22, vm0, $0xb8;
	[tilespmem:$0x1B580] =	vst v63  }
0x62f: {  	s17 =	simm.s32 $0x5580  }
0x630: {  	[tilespmem:s17], [sflag:$0x1] =	stream.indirect_vreg.gather [hbm4b:s4+s3], $0x80, v22, vm0, $0xb8;
	[tilespmem:$0x1B580] =	vst v63  }
0x631: {  	s20 =	simm.s32 $0x5D80  }
0x632: {  	[tilespmem:s20], [sflag:$0x1] =	stream.indirect_vreg.gather [hbm4b:s5+s3], $0x80, v22, vm0, $0xb8;
	[tilespmem:$0x1B580] =	vst v63  }
0x633: {  	v22 =	vld [tilespmem:$0x410];
	_ =	sdelay $0x4  }
0x634: {  	v24 =	vshrl.u32 v22, $0x3  }
0x635: {  	v23 =	vmul.u32 $0x30, v24  }
0x636: {  	v22 =	vand.u32 $0x7, v22  }
0x637: {  	v22 =	vor.u32 v22, v23  }
0x638: {  	v23 =	vperm.xlane v22, v19;
	_ =	sdelay $0x1  }
0x639: {  	v23 =	vadd.s32 v20, v23;
	_ =	sdelay $0x3  }
0x63a: {  	s21 =	simm.s32 $0x6580;
	v22 =	vperm.xlane v22, v21  }
0x63b: {  	[tilespmem:s21], [sflag:$0x1] =	stream.indirect_vreg.gather [hbm4b:s1+s3], $0x80, v23, vm0, $0xb8;
	[tilespmem:$0x1B580] =	vst v63  }
0x63c: {  	s24 =	simm.s32 $0x6D80;
	v22 =	vadd.s32 v20, v22  }
0x63d: {  	[tilespmem:s24], [sflag:$0x1] =	stream.indirect_vreg.gather [hbm4b:s4+s3], $0x80, v23, vm0, $0xb8;
	[tilespmem:$0x1B580] =	vst v63  }
0x63e: {  	s31 =	simm.s32 $0x7580  }
0x63f: {  	[tilespmem:s31], [sflag:$0x1] =	stream.indirect_vreg.gather [hbm4b:s5+s3], $0x80, v23, vm0, $0xb8;
	[tilespmem:$0x1B580] =	vst v63  }
0x640: {  	s17 =	simm.s32 $0x7D80  }
0x641: {  	[tilespmem:s17], [sflag:$0x1] =	stream.indirect_vreg.gather [hbm4b:s1+s3], $0x80, v22, vm0, $0xb8;
	[tilespmem:$0x1B580] =	vst v63  }
0x642: {  	s20 =	simm.s32 $0x8580  }
0x643: {  	[tilespmem:s20], [sflag:$0x1] =	stream.indirect_vreg.gather [hbm4b:s4+s3], $0x80, v22, vm0, $0xb8;
	[tilespmem:$0x1B580] =	vst v63  }
0x644: {  	s21 =	simm.s32 $0x8D80  }
0x645: {  	[tilespmem:s21], [sflag:$0x1] =	stream.indirect_vreg.gather [hbm4b:s5+s3], $0x80, v22, vm0, $0xb8;
	[tilespmem:$0x1B580] =	vst v63  }
0x646: {  	v22 =	vld [tilespmem:$0x420];
	_ =	sdelay $0x4  }
0x647: {  	v25 =	vshrl.u32 v22, $0x3  }
0x648: {  	v23 =	vmul.u32 $0x30, v25  }
0x649: {  	v22 =	vand.u32 $0x7, v22  }
0x64a: {  	v22 =	vor.u32 v22, v23  }
0x64b: {  	v23 =	vperm.xlane v22, v19;
	_ =	sdelay $0x1  }
0x64c: {  	v23 =	vadd.s32 v20, v23;
	_ =	sdelay $0x3  }
0x64d: {  	s24 =	simm.s32 $0x9580;
	v22 =	vperm.xlane v22, v21  }
0x64e: {  	[tilespmem:s24], [sflag:$0x1] =	stream.indirect_vreg.gather [hbm4b:s1+s3], $0x80, v23, vm0, $0xb8;
	[tilespmem:$0x1B580] =	vst v63  }
0x64f: {  	s17 =	simm.s32 $0x9D80;
	v22 =	vadd.s32 v20, v22  }
0x650: {  	[tilespmem:s17], [sflag:$0x1] =	stream.indirect_vreg.gather [hbm4b:s4+s3], $0x80, v23, vm0, $0xb8;
	[tilespmem:$0x1B580] =	vst v63  }
0x651: {  	s20 =	simm.s32 $0xA580  }
0x652: {  	[tilespmem:s20], [sflag:$0x1] =	stream.indirect_vreg.gather [hbm4b:s5+s3], $0x80, v23, vm0, $0xb8;
	[tilespmem:$0x1B580] =	vst v63  }
0x653: {  	s21 =	simm.s32 $0xAD80  }
0x654: {  	[tilespmem:s21], [sflag:$0x1] =	stream.indirect_vreg.gather [hbm4b:s1+s3], $0x80, v22, vm0, $0xb8;
	[tilespmem:$0x1B580] =	vst v63  }
0x655: {  	s24 =	simm.s32 $0xB580  }
0x656: {  	[tilespmem:s24], [sflag:$0x1] =	stream.indirect_vreg.gather [hbm4b:s4+s3], $0x80, v22, vm0, $0xb8;
	[tilespmem:$0x1B580] =	vst v63  }
0x657: {  	s17 =	simm.s32 $0xBD80  }
0x658: {  	[tilespmem:s17], [sflag:$0x1] =	stream.indirect_vreg.gather [hbm4b:s5+s3], $0x80, v22, vm0, $0xb8;
	[tilespmem:$0x1B580] =	vst v63  }
0x659: {  	v22 =	vld.msk [tilespmem:$0x430], $0xff;
	_ =	sdelay $0x4  }
0x65a: {  	v26 =	vshrl.u32 v22, $0x3  }
0x65b: {  	v23 =	vmul.u32 $0x30, v26  }
0x65c: {  	v22 =	vand.u32 $0x7, v22  }
0x65d: {  	v22 =	vor.u32 v22, v23  }
0x65e: {  	v22 =	vperm.xlane v22, v19;
	_ =	sdelay $0x1  }
0x65f: {  	v22 =	vadd.s32 v20, v22;
	_ =	sdelay $0x3  }
0x660: {  	s21 =	simm.s32 $0xC580  }
0x661: {  	[tilespmem:s21], [sflag:$0x1] =	stream.indirect_vreg.gather [hbm4b:s1+s3], $0x80, v22, vm0, $0xb8;
	[tilespmem:$0x1B580] =	vst v63  }
0x662: {  	s24 =	simm.s32 $0xCD80  }
0x663: {  	[tilespmem:s24], [sflag:$0x1] =	stream.indirect_vreg.gather [hbm4b:s4+s3], $0x80, v22, vm0, $0xb8;
	[tilespmem:$0x1B580] =	vst v63  }
0x664: {  	s17 =	simm.s32 $0xD580  }
0x665: {  	[tilespmem:s17], [sflag:$0x1] =	stream.indirect_vreg.gather [hbm4b:s5+s3], $0x80, v22, vm0, $0xb8;
	[tilespmem:$0x1B580] =	vst v63  }
0x666: {  	_ =	swait.ge [sflag:s16], $0xD800  }
0x667: {  	[sflag:s16] =	ssyncset.done $0x0  }
0x668: {  	s8 =	simm.s32 $0xDD80;
	s17 =	rddreg [dreg:$0x12];
	[sflag:s16] =	ssyncadd.s32 $0xFFFF2800  }
0x669: {  	[hbm4b:s17+s3] =	stream.linear.scatter [tilespmem:s8], [sflag:$0x4], $0xD800, $0x38;
	[tilespmem:$0x1B580] =	vst v63  }
0x66a: {  	_ =	swait.ge [sflag:s2], $0xD800  }
0x66b: {  	[sflag:s2] =	ssyncset.done $0x0  }
0x66c: {  	[sflag:s2] =	ssyncadd.s32 $0xFFFF2800  }
0x66d: {  	v24 =	vld [tilespmem:$0x438];
	_ =	sdelay $0x4  }
0x66e: {  	v25 =	vshrl.u32 v24, $0x3  }
0x66f: {  	v23 =	vmul.u32 $0x30, v25  }
0x670: {  	v22 =	vand.u32 $0x7, v24  }
0x671: {  	v22 =	vor.u32 v22, v23  }
0x672: {  	v23 =	vperm.xlane v22, v19;
	_ =	sdelay $0x1  }
0x673: {  	v23 =	vadd.s32 v20, v23;
	_ =	sdelay $0x3  }
0x674: {  	v22 =	vperm.xlane v22, v21  }
0x675: {  	[tilespmem:s8], [sflag:$0x2] =	stream.indirect_vreg.gather [hbm4b:s1+s3], $0x80, v23, vm0, $0xb8;
	[tilespmem:$0x1B580] =	vst v63  }
0x676: {  	s17 =	simm.s32 $0xE580;
	v22 =	vadd.s32 v20, v22  }
0x677: {  	[tilespmem:s17], [sflag:$0x2] =	stream.indirect_vreg.gather [hbm4b:s4+s3], $0x80, v23, vm0, $0xb8;
	[tilespmem:$0x1B580] =	vst v63  }
0x678: {  	s17 =	simm.s32 $0xED80  }
0x679: {  	[tilespmem:s17], [sflag:$0x2] =	stream.indirect_vreg.gather [hbm4b:s5+s3], $0x80, v23, vm0, $0xb8;
	[tilespmem:$0x1B580] =	vst v63  }
0x67a: {  	s17 =	simm.s32 $0xF580  }
0x67b: {  	[tilespmem:s17], [sflag:$0x2] =	stream.indirect_vreg.gather [hbm4b:s1+s3], $0x80, v22, vm0, $0xb8;
	[tilespmem:$0x1B580] =	vst v63  }
0x67c: {  	s17 =	simm.s32 $0xFD80  }
0x67d: {  	[tilespmem:s17], [sflag:$0x2] =	stream.indirect_vreg.gather [hbm4b:s4+s3], $0x80, v22, vm0, $0xb8;
	[tilespmem:$0x1B580] =	vst v63  }
0x67e: {  	_ = 	snop  }
0x67f: {  	[tilespmem:s0], [sflag:$0x2] =	stream.indirect_vreg.gather [hbm4b:s5+s3], $0x80, v22, vm0, $0xb8;
	[tilespmem:$0x1B580] =	vst v63  }
0x680: {  	v22 =	vld [tilespmem:$0x448];
	_ =	sdelay $0x4  }
0x681: {  	v26 =	vshrl.u32 v22, $0x3  }
0x682: {  	v23 =	vmul.u32 $0x30, v26  }
0x683: {  	v22 =	vand.u32 $0x7, v22  }
0x684: {  	v22 =	vor.u32 v22, v23  }
0x685: {  	v23 =	vperm.xlane v22, v19;
	_ =	sdelay $0x1  }
0x686: {  	v23 =	vadd.s32 v20, v23;
	_ =	sdelay $0x3  }
0x687: {  	s17 =	simm.s32 $0x10D80;
	v22 =	vperm.xlane v22, v21  }
0x688: {  	[tilespmem:s17], [sflag:$0x2] =	stream.indirect_vreg.gather [hbm4b:s1+s3], $0x80, v23, vm0, $0xb8;
	[tilespmem:$0x1B580] =	vst v63  }
0x689: {  	v22 =	vadd.s32 v20, v22;
	s17 =	simm.s32 $0x11580  }
0x68a: {  	[tilespmem:s17], [sflag:$0x2] =	stream.indirect_vreg.gather [hbm4b:s4+s3], $0x80, v23, vm0, $0xb8;
	[tilespmem:$0x1B580] =	vst v63  }
0x68b: {  	_ = 	snop  }
0x68c: {  	[tilespmem:s11], [sflag:$0x2] =	stream.indirect_vreg.gather [hbm4b:s5+s3], $0x80, v23, vm0, $0xb8;
	[tilespmem:$0x1B580] =	vst v63  }
0x68d: {  	s17 =	simm.s32 $0x12580  }
0x68e: {  	[tilespmem:s17], [sflag:$0x2] =	stream.indirect_vreg.gather [hbm4b:s1+s3], $0x80, v22, vm0, $0xb8;
	[tilespmem:$0x1B580] =	vst v63  }
0x68f: {  	s17 =	simm.s32 $0x12D80  }
0x690: {  	[tilespmem:s17], [sflag:$0x2] =	stream.indirect_vreg.gather [hbm4b:s4+s3], $0x80, v22, vm0, $0xb8;
	[tilespmem:$0x1B580] =	vst v63  }
0x691: {  	_ = 	snop  }
0x692: {  	[tilespmem:s12], [sflag:$0x2] =	stream.indirect_vreg.gather [hbm4b:s5+s3], $0x80, v22, vm0, $0xb8;
	[tilespmem:$0x1B580] =	vst v63  }
0x693: {  	v22 =	vld [tilespmem:$0x458];
	_ =	sdelay $0x4  }
0x694: {  	v24 =	vshrl.u32 v22, $0x3  }
0x695: {  	v23 =	vmul.u32 $0x30, v24  }
0x696: {  	v22 =	vand.u32 $0x7, v22  }
0x697: {  	v22 =	vor.u32 v22, v23  }
0x698: {  	v23 =	vperm.xlane v22, v19;
	_ =	sdelay $0x1  }
0x699: {  	v23 =	vadd.s32 v20, v23;
	_ =	sdelay $0x3  }
0x69a: {  	s17 =	simm.s32 $0x13D80;
	v22 =	vperm.xlane v22, v21  }
0x69b: {  	[tilespmem:s17], [sflag:$0x2] =	stream.indirect_vreg.gather [hbm4b:s1+s3], $0x80, v23, vm0, $0xb8;
	[tilespmem:$0x1B580] =	vst v63  }
0x69c: {  	v22 =	vadd.s32 v20, v22  }
0x69d: {  	[tilespmem:s18], [sflag:$0x2] =	stream.indirect_vreg.gather [hbm4b:s4+s3], $0x80, v23, vm0, $0xb8;
	[tilespmem:$0x1B580] =	vst v63  }
0x69e: {  	s17 =	simm.s32 $0x14D80  }
0x69f: {  	[tilespmem:s17], [sflag:$0x2] =	stream.indirect_vreg.gather [hbm4b:s5+s3], $0x80, v23, vm0, $0xb8;
	[tilespmem:$0x1B580] =	vst v63  }
0x6a0: {  	s17 =	simm.s32 $0x15580  }
0x6a1: {  	[tilespmem:s17], [sflag:$0x2] =	stream.indirect_vreg.gather [hbm4b:s1+s3], $0x80, v22, vm0, $0xb8;
	[tilespmem:$0x1B580] =	vst v63  }
0x6a2: {  	_ = 	snop  }
0x6a3: {  	[tilespmem:s6], [sflag:$0x2] =	stream.indirect_vreg.gather [hbm4b:s4+s3], $0x80, v22, vm0, $0xb8;
	[tilespmem:$0x1B580] =	vst v63  }
0x6a4: {  	s17 =	simm.s32 $0x16580  }
0x6a5: {  	[tilespmem:s17], [sflag:$0x2] =	stream.indirect_vreg.gather [hbm4b:s5+s3], $0x80, v22, vm0, $0xb8;
	[tilespmem:$0x1B580] =	vst v63  }
0x6a6: {  	v22 =	vld [tilespmem:$0x468];
	_ =	sdelay $0x4  }
0x6a7: {  	v25 =	vshrl.u32 v22, $0x3  }
0x6a8: {  	v23 =	vmul.u32 $0x30, v25  }
0x6a9: {  	v22 =	vand.u32 $0x7, v22  }
0x6aa: {  	v22 =	vor.u32 v22, v23  }
0x6ab: {  	v23 =	vperm.xlane v22, v19;
	_ =	sdelay $0x1  }
0x6ac: {  	v23 =	vadd.s32 v20, v23;
	_ =	sdelay $0x3  }
0x6ad: {  	s17 =	simm.s32 $0x16D80;
	v22 =	vperm.xlane v22, v21  }
0x6ae: {  	[tilespmem:s17], [sflag:$0x2] =	stream.indirect_vreg.gather [hbm4b:s1+s3], $0x80, v23, vm0, $0xb8;
	[tilespmem:$0x1B580] =	vst v63  }
0x6af: {  	v22 =	vadd.s32 v20, v22;
	s17 =	simm.s32 $0x17580  }
0x6b0: {  	[tilespmem:s17], [sflag:$0x2] =	stream.indirect_vreg.gather [hbm4b:s4+s3], $0x80, v23, vm0, $0xb8;
	[tilespmem:$0x1B580] =	vst v63  }
0x6b1: {  	_ = 	snop  }
0x6b2: {  	[tilespmem:s10], [sflag:$0x2] =	stream.indirect_vreg.gather [hbm4b:s5+s3], $0x80, v23, vm0, $0xb8;
	[tilespmem:$0x1B580] =	vst v63  }
0x6b3: {  	s17 =	simm.s32 $0x18580  }
0x6b4: {  	[tilespmem:s17], [sflag:$0x2] =	stream.indirect_vreg.gather [hbm4b:s1+s3], $0x80, v22, vm0, $0xb8;
	[tilespmem:$0x1B580] =	vst v63  }
0x6b5: {  	s17 =	simm.s32 $0x18D80  }
0x6b6: {  	[tilespmem:s17], [sflag:$0x2] =	stream.indirect_vreg.gather [hbm4b:s4+s3], $0x80, v22, vm0, $0xb8;
	[tilespmem:$0x1B580] =	vst v63  }
0x6b7: {  	s17 =	simm.s32 $0x19580  }
0x6b8: {  	[tilespmem:s17], [sflag:$0x2] =	stream.indirect_vreg.gather [hbm4b:s5+s3], $0x80, v22, vm0, $0xb8;
	[tilespmem:$0x1B580] =	vst v63  }
0x6b9: {  	v22 =	vld.msk [tilespmem:$0x478], $0xff;
	_ =	sdelay $0x4  }
0x6ba: {  	v26 =	vshrl.u32 v22, $0x3  }
0x6bb: {  	v23 =	vmul.u32 $0x30, v26  }
0x6bc: {  	v22 =	vand.u32 $0x7, v22  }
0x6bd: {  	v22 =	vor.u32 v22, v23  }
0x6be: {  	v22 =	vperm.xlane v22, v19;
	_ =	sdelay $0x1  }
0x6bf: {  	v22 =	vadd.s32 v20, v22;
	_ =	sdelay $0x4  }
0x6c0: {  	[tilespmem:s7], [sflag:$0x2] =	stream.indirect_vreg.gather [hbm4b:s1+s3], $0x80, v22, vm0, $0xb8;
	[tilespmem:$0x1B580] =	vst v63  }
0x6c1: {  	s17 =	simm.s32 $0x1A580  }
0x6c2: {  	[tilespmem:s17], [sflag:$0x2] =	stream.indirect_vreg.gather [hbm4b:s4+s3], $0x80, v22, vm0, $0xb8;
	[tilespmem:$0x1B580] =	vst v63  }
0x6c3: {  	s17 =	simm.s32 $0x1AD80  }
0x6c4: {  	[tilespmem:s17], [sflag:$0x2] =	stream.indirect_vreg.gather [hbm4b:s5+s3], $0x80, v22, vm0, $0xb8;
	[tilespmem:$0x1B580] =	vst v63  }
0x6c5: {  	_ =	swait.ge [sflag:s14], $0xD800  }
0x6c6: {  	[sflag:s14] =	ssyncset.done $0x0  }
0x6c7: {  	s13 =	simm.s32 $0x580;
	s17 =	rddreg [dreg:$0x13];
	[sflag:s14] =	ssyncadd.s32 $0xFFFF2800  }
0x6c8: {  	[hbm4b:s17+s3] =	stream.linear.scatter [tilespmem:s13], [sflag:$0x3], $0xD800, $0x38;
	[tilespmem:$0x1B580] =	vst v63  }
0x6c9: {  	_ =	swait.ge [sflag:s15], $0xD800  }
0x6ca: {  	[sflag:s15] =	ssyncset.done $0x0  }
0x6cb: {  	[sflag:s15] =	ssyncadd.s32 $0xFFFF2800  }
0x6cc: {  	v24 =	vld [tilespmem:$0x480];
	_ =	sdelay $0x4  }
0x6cd: {  	v25 =	vshrl.u32 v24, $0x3  }
0x6ce: {  	v23 =	vmul.u32 $0x30, v25  }
0x6cf: {  	v22 =	vand.u32 $0x7, v24  }
0x6d0: {  	v22 =	vor.u32 v22, v23  }
0x6d1: {  	v23 =	vperm.xlane v22, v19;
	_ =	sdelay $0x1  }
0x6d2: {  	v23 =	vadd.s32 v20, v23;
	_ =	sdelay $0x3  }
0x6d3: {  	v22 =	vperm.xlane v22, v21  }
0x6d4: {  	[tilespmem:s13], [sflag:$0x1] =	stream.indirect_vreg.gather [hbm4b:s1+s3], $0x80, v23, vm0, $0xb8;
	[tilespmem:$0x1B580] =	vst v63  }
0x6d5: {  	s17 =	simm.s32 $0xD80;
	v22 =	vadd.s32 v20, v22  }
0x6d6: {  	[tilespmem:s17], [sflag:$0x1] =	stream.indirect_vreg.gather [hbm4b:s4+s3], $0x80, v23, vm0, $0xb8;
	[tilespmem:$0x1B580] =	vst v63  }
0x6d7: {  	s9 =	simm.s32 $0x1580  }
0x6d8: {  	[tilespmem:s9], [sflag:$0x1] =	stream.indirect_vreg.gather [hbm4b:s5+s3], $0x80, v23, vm0, $0xb8;
	[tilespmem:$0x1B580] =	vst v63  }
0x6d9: {  	s19 =	simm.s32 $0x1D80  }
0x6da: {  	[tilespmem:s19], [sflag:$0x1] =	stream.indirect_vreg.gather [hbm4b:s1+s3], $0x80, v22, vm0, $0xb8;
	[tilespmem:$0x1B580] =	vst v63  }
0x6db: {  	s22 =	simm.s32 $0x2580  }
0x6dc: {  	[tilespmem:s22], [sflag:$0x1] =	stream.indirect_vreg.gather [hbm4b:s4+s3], $0x80, v22, vm0, $0xb8;
	[tilespmem:$0x1B580] =	vst v63  }
0x6dd: {  	s26 =	simm.s32 $0x2D80  }
0x6de: {  	[tilespmem:s26], [sflag:$0x1] =	stream.indirect_vreg.gather [hbm4b:s5+s3], $0x80, v22, vm0, $0xb8;
	[tilespmem:$0x1B580] =	vst v63  }
0x6df: {  	v22 =	vld [tilespmem:$0x490];
	_ =	sdelay $0x4  }
0x6e0: {  	v26 =	vshrl.u32 v22, $0x3  }
0x6e1: {  	v23 =	vmul.u32 $0x30, v26  }
0x6e2: {  	v22 =	vand.u32 $0x7, v22  }
0x6e3: {  	v22 =	vor.u32 v22, v23  }
0x6e4: {  	v23 =	vperm.xlane v22, v19;
	_ =	sdelay $0x1  }
0x6e5: {  	v23 =	vadd.s32 v20, v23;
	_ =	sdelay $0x3  }
0x6e6: {  	s28 =	simm.s32 $0x3580;
	v22 =	vperm.xlane v22, v21  }
0x6e7: {  	[tilespmem:s28], [sflag:$0x1] =	stream.indirect_vreg.gather [hbm4b:s1+s3], $0x80, v23, vm0, $0xb8;
	[tilespmem:$0x1B580] =	vst v63  }
0x6e8: {  	s23 =	simm.s32 $0x3D80;
	v22 =	vadd.s32 v20, v22  }
0x6e9: {  	[tilespmem:s23], [sflag:$0x1] =	stream.indirect_vreg.gather [hbm4b:s4+s3], $0x80, v23, vm0, $0xb8;
	[tilespmem:$0x1B580] =	vst v63  }
0x6ea: {  	s25 =	simm.s32 $0x4580  }
0x6eb: {  	[tilespmem:s25], [sflag:$0x1] =	stream.indirect_vreg.gather [hbm4b:s5+s3], $0x80, v23, vm0, $0xb8;
	[tilespmem:$0x1B580] =	vst v63  }
0x6ec: {  	s22 =	simm.s32 $0x4D80  }
0x6ed: {  	[tilespmem:s22], [sflag:$0x1] =	stream.indirect_vreg.gather [hbm4b:s1+s3], $0x80, v22, vm0, $0xb8;
	[tilespmem:$0x1B580] =	vst v63  }
0x6ee: {  	s23 =	simm.s32 $0x5580  }
0x6ef: {  	[tilespmem:s23], [sflag:$0x1] =	stream.indirect_vreg.gather [hbm4b:s4+s3], $0x80, v22, vm0, $0xb8;
	[tilespmem:$0x1B580] =	vst v63  }
0x6f0: {  	s29 =	simm.s32 $0x5D80  }
0x6f1: {  	[tilespmem:s29], [sflag:$0x1] =	stream.indirect_vreg.gather [hbm4b:s5+s3], $0x80, v22, vm0, $0xb8;
	[tilespmem:$0x1B580] =	vst v63  }
0x6f2: {  	v22 =	vld [tilespmem:$0x4A0];
	_ =	sdelay $0x4  }
0x6f3: {  	v24 =	vshrl.u32 v22, $0x3  }
0x6f4: {  	v23 =	vmul.u32 $0x30, v24  }
0x6f5: {  	v22 =	vand.u32 $0x7, v22  }
0x6f6: {  	v22 =	vor.u32 v22, v23  }
0x6f7: {  	v23 =	vperm.xlane v22, v19;
	_ =	sdelay $0x1  }
0x6f8: {  	v23 =	vadd.s32 v20, v23;
	_ =	sdelay $0x3  }
0x6f9: {  	s30 =	simm.s32 $0x6580;
	v22 =	vperm.xlane v22, v21  }
0x6fa: {  	[tilespmem:s30], [sflag:$0x1] =	stream.indirect_vreg.gather [hbm4b:s1+s3], $0x80, v23, vm0, $0xb8;
	[tilespmem:$0x1B580] =	vst v63  }
0x6fb: {  	s25 =	simm.s32 $0x6D80;
	v22 =	vadd.s32 v20, v22  }
0x6fc: {  	[tilespmem:s25], [sflag:$0x1] =	stream.indirect_vreg.gather [hbm4b:s4+s3], $0x80, v23, vm0, $0xb8;
	[tilespmem:$0x1B580] =	vst v63  }
0x6fd: {  	s26 =	simm.s32 $0x7580  }
0x6fe: {  	[tilespmem:s26], [sflag:$0x1] =	stream.indirect_vreg.gather [hbm4b:s5+s3], $0x80, v23, vm0, $0xb8;
	[tilespmem:$0x1B580] =	vst v63  }
0x6ff: {  	s28 =	simm.s32 $0x7D80  }
0x700: {  	[tilespmem:s28], [sflag:$0x1] =	stream.indirect_vreg.gather [hbm4b:s1+s3], $0x80, v22, vm0, $0xb8;
	[tilespmem:$0x1B580] =	vst v63  }
0x701: {  	s29 =	simm.s32 $0x8580  }
0x702: {  	[tilespmem:s29], [sflag:$0x1] =	stream.indirect_vreg.gather [hbm4b:s4+s3], $0x80, v22, vm0, $0xb8;
	[tilespmem:$0x1B580] =	vst v63  }
0x703: {  	s31 =	simm.s32 $0x8D80  }
0x704: {  	[tilespmem:s31], [sflag:$0x1] =	stream.indirect_vreg.gather [hbm4b:s5+s3], $0x80, v22, vm0, $0xb8;
	[tilespmem:$0x1B580] =	vst v63  }
0x705: {  	v22 =	vld [tilespmem:$0x4B0];
	_ =	sdelay $0x4  }
0x706: {  	v25 =	vshrl.u32 v22, $0x3  }
0x707: {  	v23 =	vmul.u32 $0x30, v25  }
0x708: {  	v22 =	vand.u32 $0x7, v22  }
0x709: {  	v22 =	vor.u32 v22, v23  }
0x70a: {  	v23 =	vperm.xlane v22, v19;
	_ =	sdelay $0x1  }
0x70b: {  	v23 =	vadd.s32 v20, v23;
	_ =	sdelay $0x3  }
0x70c: {  	s30 =	simm.s32 $0x9580;
	v22 =	vperm.xlane v22, v21  }
0x70d: {  	[tilespmem:s30], [sflag:$0x1] =	stream.indirect_vreg.gather [hbm4b:s1+s3], $0x80, v23, vm0, $0xb8;
	[tilespmem:$0x1B580] =	vst v63  }
0x70e: {  	s31 =	simm.s32 $0x9D80;
	v22 =	vadd.s32 v20, v22  }
0x70f: {  	[tilespmem:s31], [sflag:$0x1] =	stream.indirect_vreg.gather [hbm4b:s4+s3], $0x80, v23, vm0, $0xb8;
	[tilespmem:$0x1B580] =	vst v63  }
0x710: {  	s17 =	simm.s32 $0xA580  }
0x711: {  	[tilespmem:s17], [sflag:$0x1] =	stream.indirect_vreg.gather [hbm4b:s5+s3], $0x80, v23, vm0, $0xb8;
	[tilespmem:$0x1B580] =	vst v63  }
0x712: {  	s19 =	simm.s32 $0xAD80  }
0x713: {  	[tilespmem:s19], [sflag:$0x1] =	stream.indirect_vreg.gather [hbm4b:s1+s3], $0x80, v22, vm0, $0xb8;
	[tilespmem:$0x1B580] =	vst v63  }
0x714: {  	s20 =	simm.s32 $0xB580  }
0x715: {  	[tilespmem:s20], [sflag:$0x1] =	stream.indirect_vreg.gather [hbm4b:s4+s3], $0x80, v22, vm0, $0xb8;
	[tilespmem:$0x1B580] =	vst v63  }
0x716: {  	s22 =	simm.s32 $0xBD80  }
0x717: {  	[tilespmem:s22], [sflag:$0x1] =	stream.indirect_vreg.gather [hbm4b:s5+s3], $0x80, v22, vm0, $0xb8;
	[tilespmem:$0x1B580] =	vst v63  }
0x718: {  	v22 =	vld.msk [tilespmem:$0x4C0], $0xff;
	_ =	sdelay $0x4  }
0x719: {  	v26 =	vshrl.u32 v22, $0x3  }
0x71a: {  	v23 =	vmul.u32 $0x30, v26  }
0x71b: {  	v22 =	vand.u32 $0x7, v22  }
0x71c: {  	v22 =	vor.u32 v22, v23  }
0x71d: {  	v22 =	vperm.xlane v22, v19;
	_ =	sdelay $0x1  }
0x71e: {  	v22 =	vadd.s32 v20, v22;
	_ =	sdelay $0x3  }
0x71f: {  	s21 =	simm.s32 $0xC580  }
0x720: {  	[tilespmem:s21], [sflag:$0x1] =	stream.indirect_vreg.gather [hbm4b:s1+s3], $0x80, v22, vm0, $0xb8;
	[tilespmem:$0x1B580] =	vst v63  }
0x721: {  	s24 =	simm.s32 $0xCD80  }
0x722: {  	[tilespmem:s24], [sflag:$0x1] =	stream.indirect_vreg.gather [hbm4b:s4+s3], $0x80, v22, vm0, $0xb8;
	[tilespmem:$0x1B580] =	vst v63  }
0x723: {  	s23 =	simm.s32 $0xD580  }
0x724: {  	[tilespmem:s23], [sflag:$0x1] =	stream.indirect_vreg.gather [hbm4b:s5+s3], $0x80, v22, vm0, $0xb8;
	[tilespmem:$0x1B580] =	vst v63  }
0x725: {  	_ =	swait.ge [sflag:s16], $0xD800  }
0x726: {  	[sflag:s16] =	ssyncset.done $0x0  }
0x727: {  	s8 =	simm.s32 $0xDD80;
	s24 =	rddreg [dreg:$0x14];
	[sflag:s16] =	ssyncadd.s32 $0xFFFF2800  }
0x728: {  	[hbm4b:s24+s3] =	stream.linear.scatter [tilespmem:s8], [sflag:$0x4], $0xD800, $0x38;
	[tilespmem:$0x1B580] =	vst v63  }
0x729: {  	_ =	swait.ge [sflag:s2], $0xD800  }
0x72a: {  	[sflag:s2] =	ssyncset.done $0x0  }
0x72b: {  	[sflag:s2] =	ssyncadd.s32 $0xFFFF2800  }
0x72c: {  	v24 =	vld [tilespmem:$0x4C8];
	_ =	sdelay $0x4  }
0x72d: {  	v25 =	vshrl.u32 v24, $0x3  }
0x72e: {  	v23 =	vmul.u32 $0x30, v25  }
0x72f: {  	v22 =	vand.u32 $0x7, v24  }
0x730: {  	v22 =	vor.u32 v22, v23  }
0x731: {  	v23 =	vperm.xlane v22, v19;
	_ =	sdelay $0x1  }
0x732: {  	v23 =	vadd.s32 v20, v23;
	_ =	sdelay $0x3  }
0x733: {  	v22 =	vperm.xlane v22, v21  }
0x734: {  	[tilespmem:s8], [sflag:$0x2] =	stream.indirect_vreg.gather [hbm4b:s1+s3], $0x80, v23, vm0, $0xb8;
	[tilespmem:$0x1B580] =	vst v63  }
0x735: {  	s25 =	simm.s32 $0xE580;
	v22 =	vadd.s32 v20, v22  }
0x736: {  	[tilespmem:s25], [sflag:$0x2] =	stream.indirect_vreg.gather [hbm4b:s4+s3], $0x80, v23, vm0, $0xb8;
	[tilespmem:$0x1B580] =	vst v63  }
0x737: {  	s26 =	simm.s32 $0xED80  }
0x738: {  	[tilespmem:s26], [sflag:$0x2] =	stream.indirect_vreg.gather [hbm4b:s5+s3], $0x80, v23, vm0, $0xb8;
	[tilespmem:$0x1B580] =	vst v63  }
0x739: {  	s28 =	simm.s32 $0xF580  }
0x73a: {  	[tilespmem:s28], [sflag:$0x2] =	stream.indirect_vreg.gather [hbm4b:s1+s3], $0x80, v22, vm0, $0xb8;
	[tilespmem:$0x1B580] =	vst v63  }
0x73b: {  	s29 =	simm.s32 $0xFD80  }
0x73c: {  	[tilespmem:s29], [sflag:$0x2] =	stream.indirect_vreg.gather [hbm4b:s4+s3], $0x80, v22, vm0, $0xb8;
	[tilespmem:$0x1B580] =	vst v63  }
0x73d: {  	s0 =	simm.s32 $0x10580  }
0x73e: {  	[tilespmem:s0], [sflag:$0x2] =	stream.indirect_vreg.gather [hbm4b:s5+s3], $0x80, v22, vm0, $0xb8;
	[tilespmem:$0x1B580] =	vst v63  }
0x73f: {  	v22 =	vld [tilespmem:$0x4D8];
	_ =	sdelay $0x4  }
0x740: {  	v26 =	vshrl.u32 v22, $0x3  }
0x741: {  	v23 =	vmul.u32 $0x30, v26  }
0x742: {  	v22 =	vand.u32 $0x7, v22  }
0x743: {  	v22 =	vor.u32 v22, v23  }
0x744: {  	v23 =	vperm.xlane v22, v19;
	_ =	sdelay $0x1  }
0x745: {  	v23 =	vadd.s32 v20, v23;
	_ =	sdelay $0x3  }
0x746: {  	s30 =	simm.s32 $0x10D80;
	v22 =	vperm.xlane v22, v21  }
0x747: {  	[tilespmem:s30], [sflag:$0x2] =	stream.indirect_vreg.gather [hbm4b:s1+s3], $0x80, v23, vm0, $0xb8;
	[tilespmem:$0x1B580] =	vst v63  }
0x748: {  	s31 =	simm.s32 $0x11580;
	v22 =	vadd.s32 v20, v22  }
0x749: {  	[tilespmem:s31], [sflag:$0x2] =	stream.indirect_vreg.gather [hbm4b:s4+s3], $0x80, v23, vm0, $0xb8;
	[tilespmem:$0x1B580] =	vst v63  }
0x74a: {  	s11 =	simm.s32 $0x11D80  }
0x74b: {  	[tilespmem:s11], [sflag:$0x2] =	stream.indirect_vreg.gather [hbm4b:s5+s3], $0x80, v23, vm0, $0xb8;
	[tilespmem:$0x1B580] =	vst v63  }
0x74c: {  	s9 =	simm.s32 $0x12580  }
0x74d: {  	[tilespmem:s9], [sflag:$0x2] =	stream.indirect_vreg.gather [hbm4b:s1+s3], $0x80, v22, vm0, $0xb8;
	[tilespmem:$0x1B580] =	vst v63  }
0x74e: {  	s11 =	simm.s32 $0x12D80  }
0x74f: {  	[tilespmem:s11], [sflag:$0x2] =	stream.indirect_vreg.gather [hbm4b:s4+s3], $0x80, v22, vm0, $0xb8;
	[tilespmem:$0x1B580] =	vst v63  }
0x750: {  	s12 =	simm.s32 $0x13580  }
0x751: {  	[tilespmem:s12], [sflag:$0x2] =	stream.indirect_vreg.gather [hbm4b:s5+s3], $0x80, v22, vm0, $0xb8;
	[tilespmem:$0x1B580] =	vst v63  }
0x752: {  	v22 =	vld [tilespmem:$0x4E8];
	_ =	sdelay $0x4  }
0x753: {  	v24 =	vshrl.u32 v22, $0x3  }
0x754: {  	v23 =	vmul.u32 $0x30, v24  }
0x755: {  	v22 =	vand.u32 $0x7, v22  }
0x756: {  	v22 =	vor.u32 v22, v23  }
0x757: {  	v23 =	vperm.xlane v22, v19;
	_ =	sdelay $0x1  }
0x758: {  	v23 =	vadd.s32 v20, v23;
	_ =	sdelay $0x3  }
0x759: {  	s17 =	simm.s32 $0x13D80;
	v22 =	vperm.xlane v22, v21  }
0x75a: {  	[tilespmem:s17], [sflag:$0x2] =	stream.indirect_vreg.gather [hbm4b:s1+s3], $0x80, v23, vm0, $0xb8;
	[tilespmem:$0x1B580] =	vst v63  }
0x75b: {  	s18 =	simm.s32 $0x14580;
	v22 =	vadd.s32 v20, v22  }
0x75c: {  	[tilespmem:s18], [sflag:$0x2] =	stream.indirect_vreg.gather [hbm4b:s4+s3], $0x80, v23, vm0, $0xb8;
	[tilespmem:$0x1B580] =	vst v63  }
0x75d: {  	s18 =	simm.s32 $0x14D80  }
0x75e: {  	[tilespmem:s18], [sflag:$0x2] =	stream.indirect_vreg.gather [hbm4b:s5+s3], $0x80, v23, vm0, $0xb8;
	[tilespmem:$0x1B580] =	vst v63  }
0x75f: {  	s19 =	simm.s32 $0x15580  }
0x760: {  	[tilespmem:s19], [sflag:$0x2] =	stream.indirect_vreg.gather [hbm4b:s1+s3], $0x80, v22, vm0, $0xb8;
	[tilespmem:$0x1B580] =	vst v63  }
0x761: {  	s6 =	simm.s32 $0x15D80  }
0x762: {  	[tilespmem:s6], [sflag:$0x2] =	stream.indirect_vreg.gather [hbm4b:s4+s3], $0x80, v22, vm0, $0xb8;
	[tilespmem:$0x1B580] =	vst v63  }
0x763: {  	s20 =	simm.s32 $0x16580  }
0x764: {  	[tilespmem:s20], [sflag:$0x2] =	stream.indirect_vreg.gather [hbm4b:s5+s3], $0x80, v22, vm0, $0xb8;
	[tilespmem:$0x1B580] =	vst v63  }
0x765: {  	v22 =	vld [tilespmem:$0x4F8];
	_ =	sdelay $0x4  }
0x766: {  	v25 =	vshrl.u32 v22, $0x3  }
0x767: {  	v23 =	vmul.u32 $0x30, v25  }
0x768: {  	v22 =	vand.u32 $0x7, v22  }
0x769: {  	v22 =	vor.u32 v22, v23  }
0x76a: {  	v23 =	vperm.xlane v22, v19;
	_ =	sdelay $0x1  }
0x76b: {  	v23 =	vadd.s32 v20, v23;
	_ =	sdelay $0x3  }
0x76c: {  	s21 =	simm.s32 $0x16D80;
	v21 =	vperm.xlane v22, v21  }
0x76d: {  	[tilespmem:s21], [sflag:$0x2] =	stream.indirect_vreg.gather [hbm4b:s1+s3], $0x80, v23, vm0, $0xb8;
	[tilespmem:$0x1B580] =	vst v63  }
0x76e: {  	s22 =	simm.s32 $0x17580;
	v21 =	vadd.s32 v20, v21  }
0x76f: {  	[tilespmem:s22], [sflag:$0x2] =	stream.indirect_vreg.gather [hbm4b:s4+s3], $0x80, v23, vm0, $0xb8;
	[tilespmem:$0x1B580] =	vst v63  }
0x770: {  	s10 =	simm.s32 $0x17D80  }
0x771: {  	[tilespmem:s10], [sflag:$0x2] =	stream.indirect_vreg.gather [hbm4b:s5+s3], $0x80, v23, vm0, $0xb8;
	[tilespmem:$0x1B580] =	vst v63  }
0x772: {  	s23 =	simm.s32 $0x18580  }
0x773: {  	[tilespmem:s23], [sflag:$0x2] =	stream.indirect_vreg.gather [hbm4b:s1+s3], $0x80, v21, vm0, $0xb8;
	[tilespmem:$0x1B580] =	vst v63  }
0x774: {  	s24 =	simm.s32 $0x18D80  }
0x775: {  	[tilespmem:s24], [sflag:$0x2] =	stream.indirect_vreg.gather [hbm4b:s4+s3], $0x80, v21, vm0, $0xb8;
	[tilespmem:$0x1B580] =	vst v63  }
0x776: {  	s25 =	simm.s32 $0x19580  }
0x777: {  	[tilespmem:s25], [sflag:$0x2] =	stream.indirect_vreg.gather [hbm4b:s5+s3], $0x80, v21, vm0, $0xb8;
	[tilespmem:$0x1B580] =	vst v63  }
0x778: {  	v21 =	vld.msk [tilespmem:$0x508], $0xff;
	_ =	sdelay $0x4  }
0x779: {  	v26 =	vshrl.u32 v21, $0x3  }
0x77a: {  	v22 =	vmul.u32 $0x30, v26  }
0x77b: {  	v21 =	vand.u32 $0x7, v21  }
0x77c: {  	v21 =	vor.u32 v21, v22  }
0x77d: {  	v19 =	vperm.xlane v21, v19;
	_ =	sdelay $0x1  }
0x77e: {  	v19 =	vadd.s32 v20, v19;
	_ =	sdelay $0x3  }
0x77f: {  	s7 =	simm.s32 $0x19D80  }
0x780: {  	[tilespmem:s7], [sflag:$0x2] =	stream.indirect_vreg.gather [hbm4b:s1+s3], $0x80, v19, vm0, $0xb8;
	[tilespmem:$0x1B580] =	vst v63  }
0x781: {  	s26 =	simm.s32 $0x1A580  }
0x782: {  	[tilespmem:s26], [sflag:$0x2] =	stream.indirect_vreg.gather [hbm4b:s4+s3], $0x80, v19, vm0, $0xb8;
	[tilespmem:$0x1B580] =	vst v63  }
0x783: {  	s28 =	simm.s32 $0x1AD80  }
0x784: {  	[tilespmem:s28], [sflag:$0x2] =	stream.indirect_vreg.gather [hbm4b:s5+s3], $0x80, v19, vm0, $0xb8;
	[tilespmem:$0x1B580] =	vst v63  }
0x785: {  	_ =	swait.ge [sflag:s14], $0xD800  }
0x786: {  	[sflag:s14] =	ssyncset.done $0x0  }
0x787: {  	s29 =	rddreg [dreg:$0x15];
	[sflag:s14] =	ssyncadd.s32 $0xFFFF2800  }
0x788: {  	[hbm4b:s29+s3] =	stream.linear.scatter [tilespmem:s13], [sflag:$0x3], $0xD800, $0x38;
	[tilespmem:$0x1B580] =	vst v63  }
0x789: {  	_ =	swait.ge [sflag:s16], $0xD800  }
0x78a: {  	[sflag:s16] =	ssyncset.done $0x0  }
0x78b: {  	s30 =	rddreg [dreg:$0x16];
	[sflag:s16] =	ssyncadd.s32 $0xFFFF2800  }
0x78c: {  	[hbm4b:s30+s3] =	stream.linear.scatter [tilespmem:s8], [sflag:$0x4], $0xD800, $0x38;
	[tilespmem:$0x1B580] =	vst v63  }
0x78d: {  	_ =	swait.ge [sflag:s15], $0xD800  }
0x78e: {  	[sflag:s15] =	ssyncset.done $0x0  }
0x78f: {  	[sflag:s15] =	ssyncadd.s32 $0xFFFF2800  }
0x790: {  	_ =	swait.ge [sflag:s2], $0xD800  }
0x791: {  	s31 =	rddreg [dreg:$0x17]  }
0x792: {  	p0 =	sne.s32 s31, $0x1  }
.Ltmp0:
0x793: {  	_ = 	snop;
	(pc) =	sbr.rel @p0 .LBB2_1-.Ltmp0, $3  }
0x794: {  	_ =	sdelay $0x1  }
0x795: {  	[sflag:s2] =	ssyncset.done $0x0  }
0x796: {  	[sflag:s2] =	ssyncadd.s32 $0xFFFF2800;
	s6 =	sadd.s32 $0xFFFFFFFF, s31  }
0x797: {  	_ =	sfence.sel $0x180000  }
0x798: {  	[bflag:$0x0] =	sbarrier.arrive $0xFFFF  }
0x799: {  	_ =	strace $0x90000047  }
0x79a: {  	s0 =	stileid.u32;
	[bflag:$0x2] =	sbarrier.arrive $0xFFFF  }
0x79b: {  	p0 =	sne.s32 s0, $0x0;
	s0 =	rddreg [dreg:$0x3]  }
0x79c: {  	s0 =	sadd.s32 @!p0 $0x100000, s0  }
0x79d: {  	[sflag:s0] =	ssyncadd.tile.s32 @!p0 $0x1;
	_ =	shalt  }
.Lfunc_end2:
_tile_overlayer_lowered:
.L_overlay_start_2:
0x79e: {  	(tag) =	ssettag $0x2  }
0x79f: {  	s0 =	rddreg [dreg:$0x0];
	s2 =	stileid.u32  }
0x7a0: {  	s1 =	rddreg [dreg:$0x1];
	p0 =	sne.s32 s2, $0x0  }
0x7a1: {  	s3 =	rddreg [dreg:$0x2];
	[bflag:$0x3] =	sbarrier.arrive $0xFFFF;
	s2 =	simm.s32 @!p0 $0x1C05  }
0x7a2: {  	[timem:s3], [sflag:s2] =	dma.local @!p0 [hbm:s0], s1  }
0x7a3: {  	s0 =	simm.s32 @!p0 $0x5  }
0x7a4: {  	_ =	swait.ge @!p0 [sflag:s0], s1  }
0x7a5: {  	s1 =	ssub.s32 @!p0 $0x0, s1;
	[sflag:s0] =	ssyncset.done @!p0 $0x0  }
0x7a6: {  	[sflag:s0] =	ssyncadd.s32 @!p0 s1  }
0x7a7: {  	[bflag:$0x3] =	sbarrier.arrive $0xFFFF  }
0x7a8: {  	_ =	shalt  }

</sc_bundles>
